<compile_context>
chip_gen: v7x
topology: tpu7x:2x2x1
jax: 0.10.2.dev20260603
libtpu: 0.0.44.dev20260713+nightly
codegen_flags: <defaults>
</compile_context>

<pallas_src>
import jax
import jax.numpy as jnp
from jax import lax
from jax.experimental import pallas as pl
from jax.experimental.pallas import tpu as pltpu
from jax.experimental.pallas import tpu_sc as plsc

B = 1024
K1 = 256
D = 128
NROWS = 100000
MOM = 0.5

NC = 2
NS = 16
NW = NC * NS
GB = B * K1
GPW = GB // NW
CH = 64
NBUF = 8
LAG = 4
NCHUNK = GPW // CH
NGRP = NCHUNK // NBUF
assert NCHUNK % NBUF == 0 and GPW % CH == 0 and 0 < LAG < NBUF
UPW = B // NW
LANES = 16
DV = D // LANES

_mesh = plsc.VectorSubcoreMesh(core_axis_name="c", subcore_axis_name="s")


def _update_body(mem1, mem2, v1, v2, y, perm, w1dep, nm1, nm2,
                 yv, pv, mrow1, vrow1, urow1, mrow2, vrow2, urow2, usem):
  del w1dep
  wid = lax.axis_index("s") * NC + lax.axis_index("c")

  u0 = wid * UPW
  pltpu.sync_copy(y.at[pl.ds(u0, UPW)], yv)
  pltpu.sync_copy(perm.at[pl.ds(u0, UPW)], pv)

  cps = [pltpu.make_async_copy(mem1.at[yv], mrow1, usem),
         pltpu.make_async_copy(v1.at[pv], vrow1, usem),
         pltpu.make_async_copy(mem2.at[yv], mrow2, usem),
         pltpu.make_async_copy(v2.at[pv], vrow2, usem)]
  for cp in cps:
    cp.start()
  for cp in cps:
    cp.wait()

  def compute(mrow, vrow, urow):
    @pl.loop(0, UPW)
    def _row(r):
      ss = jnp.zeros((LANES,), jnp.float32)
      for j in range(DV):
        sl = pl.ds(j * LANES, LANES)
        lp = mrow[r, sl] * MOM + vrow[r, sl] * (1.0 - MOM)
        urow[r, sl] = lp
        ss = ss + lp * lp
      s = jnp.sum(ss)
      sv = jnp.full((LANES,), s, jnp.float32)
      iv = plsc.bitcast(sv, jnp.int32)
      iv = jnp.int32(0x5F3759DF) - (iv >> 1)
      inv = plsc.bitcast(iv, jnp.float32)
      for _ in range(3):
        inv = inv * (1.5 - 0.5 * sv * inv * inv)
      for j in range(DV):
        sl = pl.ds(j * LANES, LANES)
        urow[r, sl] = urow[r, sl] * inv

  compute(mrow1, vrow1, urow1)
  compute(mrow2, vrow2, urow2)
  sc1 = pltpu.make_async_copy(urow1, nm1.at[yv], usem)
  sc2 = pltpu.make_async_copy(urow2, nm2.at[yv], usem)
  sc1.start()
  sc2.start()
  sc1.wait()
  sc2.wait()


def _gather_body(mem1, mem2, fidx, w1, w2, idxv, rbuf, gsem, osem):
  wid = lax.axis_index("s") * NC + lax.axis_index("c")

  base = wid * GPW
  pltpu.sync_copy(fidx.at[pl.ds(base, GPW)], idxv)

  def big_gather(mem, wout):
    def gth(c, b):
      return pltpu.make_async_copy(
          mem.at[idxv.at[pl.ds(c * CH, CH)]], rbuf.at[b], gsem.at[b])

    def out(c, b):
      return pltpu.make_async_copy(
          rbuf.at[b], wout.at[pl.ds(base + c * CH, CH)], osem.at[b])

    for b in range(NBUF):
      gth(b, b).start()

    @pl.loop(0, NGRP)
    def _grp(g):
      c0 = g * NBUF
      for b in range(NBUF):
        c = c0 + b
        gth(c, b).wait()
        out(c, b).start()
        bl = (b - LAG) % NBUF
        cl = c - LAG

        @pl.when(cl >= 0)
        def _():
          out(cl, bl).wait()

          @pl.when(cl + NBUF < NCHUNK)
          def _():
            gth(cl + NBUF, bl).start()

    for t in range(LAG):
      c = NCHUNK - LAG + t
      out(c, c % NBUF).wait()

  big_gather(mem1, w1)
  big_gather(mem2, w2)


_gather_call = pl.kernel(
    _gather_body,
    out_type=[
        jax.ShapeDtypeStruct((GB, D), jnp.float32),
        jax.ShapeDtypeStruct((GB, D), jnp.float32),
    ],
    mesh=_mesh,
    compiler_params=pltpu.CompilerParams(needs_layout_passes=False),
    scratch_types=[
        pltpu.VMEM((GPW,), jnp.int32),
        pltpu.VMEM((NBUF, CH, D), jnp.float32),
        pltpu.SemaphoreType.DMA((NBUF,)),
        pltpu.SemaphoreType.DMA((NBUF,)),
    ],
)

_update_call = pl.kernel(
    _update_body,
    out_type=(),
    mesh=_mesh,
    compiler_params=pltpu.CompilerParams(needs_layout_passes=False),
    scratch_types=[
        pltpu.VMEM((UPW,), jnp.int32),
        pltpu.VMEM((UPW,), jnp.int32),
        pltpu.VMEM((UPW, D), jnp.float32),
        pltpu.VMEM((UPW, D), jnp.float32),
        pltpu.VMEM((UPW, D), jnp.float32),
        pltpu.VMEM((UPW, D), jnp.float32),
        pltpu.VMEM((UPW, D), jnp.float32),
        pltpu.VMEM((UPW, D), jnp.float32),
        pltpu.SemaphoreType.DMA,
    ],
)


def kernel(v1, v2, memory_v1, memory_v2, y, idx):
  fidx = idx.reshape(-1)
  jj = jnp.arange(B, dtype=jnp.int32)
  eq = y[:, None] == y[None, :]
  perm = jnp.max(jnp.where(eq, jj[None, :], jnp.int32(-1)), axis=1)
  nm1 = jax.new_ref(memory_v1)
  nm2 = jax.new_ref(memory_v2)
  w1, w2 = _gather_call(memory_v1, memory_v2, fidx)
  _update_call(memory_v1, memory_v2, v1, v2, y, perm, w1, nm1, nm2)
  return (w1.reshape(B, K1, D), w2.reshape(B, K1, D),
          jax.freeze(nm1), jax.freeze(nm2))

# --- scband reference (transcript-rebuilt; emitter-appended) ---
"""Pipeline reference for scband-memory-21801253995014 (READ-ONLY COPY).

The authoritative reference and input builder live on the scoring server;
editing this copy changes nothing except your own understanding.
"""

import jax, jax.numpy as jnp
import numpy as np
import math

B = 1024
K = 255
OUTPUT_SIZE = 100000
INPUT_SIZE = 128
MOMENTUM = 0.5


def setup_inputs(seed: int = 0):
    key = jax.random.key(seed)
    k1, k2, k3, k4, k5, k6 = jax.random.split(key, 6)
    stdv = 1.0 / math.sqrt(INPUT_SIZE / 3)
    v1 = jax.random.normal(k1, (B, INPUT_SIZE), dtype=jnp.float32)
    v2 = jax.random.normal(k2, (B, INPUT_SIZE), dtype=jnp.float32)
    y = jax.random.randint(k3, (B,), 0, OUTPUT_SIZE, dtype=jnp.int32)
    idx = jax.random.randint(k4, (B, K + 1), 0, OUTPUT_SIZE, dtype=jnp.int32)
    memory_v1 = jax.random.uniform(k5, (OUTPUT_SIZE, INPUT_SIZE), dtype=jnp.float32) * 2.0 * stdv - stdv
    memory_v2 = jax.random.uniform(k6, (OUTPUT_SIZE, INPUT_SIZE), dtype=jnp.float32) * 2.0 * stdv - stdv
    return {"v1": v1, "v2": v2, "memory_v1": memory_v1, "memory_v2": memory_v2, "y": y, "idx": idx}


def reference(v1, v2, memory_v1, memory_v2, y, idx):
    batchSize = v1.shape[0]
    inputSize = memory_v1.shape[1]
    flat_idx = idx.reshape(-1)
    # negative/positive sample gathers (torch: index_select + view)
    weight_v1 = jnp.take(memory_v1, flat_idx, axis=0).reshape(batchSize, K + 1, inputSize)
    weight_v2 = jnp.take(memory_v2, flat_idx, axis=0).reshape(batchSize, K + 1, inputSize)
    # memory bank momentum update (torch: in-place no_grad index_copy_; here functional)
    l_pos = jnp.take(memory_v1, y, axis=0) * MOMENTUM + v1 * (1.0 - MOMENTUM)
    l_norm = jnp.sqrt(jnp.sum(l_pos ** 2, axis=1, keepdims=True))
    updated_v1 = l_pos / l_norm
    new_memory_v1 = memory_v1.at[y].set(updated_v1)
    ab_pos = jnp.take(memory_v2, y, axis=0) * MOMENTUM + v2 * (1.0 - MOMENTUM)
    ab_norm = jnp.sqrt(jnp.sum(ab_pos ** 2, axis=1, keepdims=True))
    updated_v2 = ab_pos / ab_norm
    new_memory_v2 = memory_v2.at[y].set(updated_v2)
    return (weight_v1, weight_v2, new_memory_v1, new_memory_v2)

if __name__ == "__main__":
    import jax
    _d = setup_inputs()
    print(jax.jit(kernel)(*tuple(_d.values())))

</pallas_src>

<mosaic_0001>
#map = affine_map<(d0, d1) -> (0, 0)>
#map1 = affine_map<(d0, d1) -> (0)>
module attributes {stable_mosaic.version = 14 : i64} {
  func.func @_gather_body(%arg0: i32, %arg1: i32, %arg2: memref<100000x128xf32, #tpu.memory_space<hbm>>, %arg3: memref<100000x128xf32, #tpu.memory_space<hbm>>, %arg4: memref<262144xi32, #tpu.memory_space<hbm>>, %arg5: memref<262144x128xf32, #tpu.memory_space<hbm>>, %arg6: memref<262144x128xf32, #tpu.memory_space<hbm>>, %arg7: memref<8192xi32, #tpu.memory_space<vmem>>, %arg8: memref<8x64x128xf32, #tpu.memory_space<vmem>>, %arg9: memref<8x!tpu.dma_semaphore, #tpu.memory_space<semaphore_mem>>, %arg10: memref<8x!tpu.dma_semaphore, #tpu.memory_space<semaphore_mem>>) attributes {dimension_semantics = [#tpu.dimension_semantics<core_parallel>, #tpu.dimension_semantics<subcore_parallel>], iteration_bounds = array<i64: 2, 16>, scalar_prefetch = 0 : i64, scratch_operands = 4 : i64, tpu.core_type = #tpu.core_type<sc_vector_subcore>, window_params = [{transform_indices = #map}, {transform_indices = #map}, {transform_indices = #map1}, {transform_indices = #map}, {transform_indices = #map}]} {
    %mul3A = arith.constant 2 : i32
    %mul3A_0 = arith.muli %arg1, %mul3A : i32
    %add3A = arith.addi %mul3A_0, %arg0 : i32
    %mul3A_1 = arith.constant 8192 : i32
    %mul3A_2 = arith.muli %add3A, %mul3A_1 : i32
    "tpu.region"() ({
      %run_scoped3A = tpu.sem_alloc : memref<!tpu.dma_semaphore, #tpu.memory_space<semaphore_mem>>
      %dma_start3A_362 = tpu.memref_slice %arg4[%mul3A_2] : memref<262144xi32, #tpu.memory_space<hbm>> -> memref<8192xi32, #tpu.memory_space<hbm>>
      %dma_start3A_363 = tpu.memref_slice %arg4[%mul3A_2] : memref<262144xi32, #tpu.memory_space<hbm>> -> memref<8192xi32, #tpu.memory_space<hbm>>
      tpu.enqueue_dma source(%dma_start3A_363 : memref<8192xi32, #tpu.memory_space<hbm>>) target(%arg7 : memref<8192xi32, #tpu.memory_space<vmem>>) target_semaphore(%run_scoped3A : memref<!tpu.dma_semaphore, #tpu.memory_space<semaphore_mem>>)
      %dma_wait3A_364 = tpu.memref_slice %arg4[%mul3A_2] : memref<262144xi32, #tpu.memory_space<hbm>> -> memref<8192xi32, #tpu.memory_space<hbm>>
      %dma_wait3A_365 = tpu.memref_slice %arg4[%mul3A_2] : memref<262144xi32, #tpu.memory_space<hbm>> -> memref<8192xi32, #tpu.memory_space<hbm>>
      tpu.wait_dma2 semaphore(%run_scoped3A : memref<!tpu.dma_semaphore, #tpu.memory_space<semaphore_mem>>) src(%dma_wait3A_365 : memref<8192xi32, #tpu.memory_space<hbm>>) dst(%arg7 : memref<8192xi32, #tpu.memory_space<vmem>>)
      tpu.yield
    }) : () -> ()
    %dma_start3A = arith.constant 0 : i32
    %dma_start3A_3 = arith.constant 0 : i32
    %dma_start3A_4 = arith.constant 0 : i32
    %dma_start3A_5 = arith.constant 0 : i32
    %dma_start3A_6 = tpu.memref_slice %arg8[%dma_start3A, %dma_start3A_4, %dma_start3A_5] : memref<8x64x128xf32, #tpu.memory_space<vmem>> -> memref<1x64x128xf32, #tpu.memory_space<vmem>>
    %dma_start3A_7 = tpu.memref_squeeze %dma_start3A_6 : memref<1x64x128xf32, #tpu.memory_space<vmem>> -> memref<64x128xf32, #tpu.memory_space<vmem>>
    %dma_start3A_8 = arith.constant 0 : i32
    %dma_start3A_9 = tpu.memref_slice %arg7[%dma_start3A_8] : memref<8192xi32, #tpu.memory_space<vmem>> -> memref<64xi32, #tpu.memory_space<vmem>>
    %dma_start3A_10 = arith.constant 0 : i32
    %dma_start3A_11 = arith.constant 0 : i32
    %dma_start3A_12 = tpu.memref_slice %arg2[%dma_start3A_10, %dma_start3A_11] : memref<100000x128xf32, #tpu.memory_space<hbm>> -> memref<100000x128xf32, #tpu.memory_space<hbm>>
    %dma_start3A_13 = tpu.memref_slice %arg9[%dma_start3A_3] : memref<8x!tpu.dma_semaphore, #tpu.memory_space<semaphore_mem>> -> memref<1x!tpu.dma_semaphore, #tpu.memory_space<semaphore_mem>>
    %dma_start3A_14 = tpu.memref_squeeze %dma_start3A_13 : memref<1x!tpu.dma_semaphore, #tpu.memory_space<semaphore_mem>> -> memref<!tpu.dma_semaphore, #tpu.memory_space<semaphore_mem>>
    tpu.enqueue_indirect_dma source(%dma_start3A_12 : memref<100000x128xf32, #tpu.memory_space<hbm>>) target(%dma_start3A_7 : memref<64x128xf32, #tpu.memory_space<vmem>>) offsets(%dma_start3A_9 : memref<64xi32, #tpu.memory_space<vmem>>) semaphore(%dma_start3A_14 : memref<!tpu.dma_semaphore, #tpu.memory_space<semaphore_mem>>)
    %dma_start3A_15 = arith.constant 1 : i32
    %dma_start3A_16 = arith.constant 1 : i32
    %dma_start3A_17 = arith.constant 0 : i32
    %dma_start3A_18 = arith.constant 0 : i32
    %dma_start3A_19 = tpu.memref_slice %arg8[%dma_start3A_15, %dma_start3A_17, %dma_start3A_18] : memref<8x64x128xf32, #tpu.memory_space<vmem>> -> memref<1x64x128xf32, #tpu.memory_space<vmem>>
    %dma_start3A_20 = tpu.memref_squeeze %dma_start3A_19 : memref<1x64x128xf32, #tpu.memory_space<vmem>> -> memref<64x128xf32, #tpu.memory_space<vmem>>
    %dma_start3A_21 = arith.constant 64 : i32
    %dma_start3A_22 = tpu.memref_slice %arg7[%dma_start3A_21] : memref<8192xi32, #tpu.memory_space<vmem>> -> memref<64xi32, #tpu.memory_space<vmem>>
    %dma_start3A_23 = arith.constant 0 : i32
    %dma_start3A_24 = arith.constant 0 : i32
    %dma_start3A_25 = tpu.memref_slice %arg2[%dma_start3A_23, %dma_start3A_24] : memref<100000x128xf32, #tpu.memory_space<hbm>> -> memref<100000x128xf32, #tpu.memory_space<hbm>>
    %dma_start3A_26 = tpu.memref_slice %arg9[%dma_start3A_16] : memref<8x!tpu.dma_semaphore, #tpu.memory_space<semaphore_mem>> -> memref<1x!tpu.dma_semaphore, #tpu.memory_space<semaphore_mem>>
    %dma_start3A_27 = tpu.memref_squeeze %dma_start3A_26 : memref<1x!tpu.dma_semaphore, #tpu.memory_space<semaphore_mem>> -> memref<!tpu.dma_semaphore, #tpu.memory_space<semaphore_mem>>
    tpu.enqueue_indirect_dma source(%dma_start3A_25 : memref<100000x128xf32, #tpu.memory_space<hbm>>) target(%dma_start3A_20 : memref<64x128xf32, #tpu.memory_space<vmem>>) offsets(%dma_start3A_22 : memref<64xi32, #tpu.memory_space<vmem>>) semaphore(%dma_start3A_27 : memref<!tpu.dma_semaphore, #tpu.memory_space<semaphore_mem>>)
    %dma_start3A_28 = arith.constant 2 : i32
    %dma_start3A_29 = arith.constant 2 : i32
    %dma_start3A_30 = arith.constant 0 : i32
    %dma_start3A_31 = arith.constant 0 : i32
    %dma_start3A_32 = tpu.memref_slice %arg8[%dma_start3A_28, %dma_start3A_30, %dma_start3A_31] : memref<8x64x128xf32, #tpu.memory_space<vmem>> -> memref<1x64x128xf32, #tpu.memory_space<vmem>>
    %dma_start3A_33 = tpu.memref_squeeze %dma_start3A_32 : memref<1x64x128xf32, #tpu.memory_space<vmem>> -> memref<64x128xf32, #tpu.memory_space<vmem>>
    %dma_start3A_34 = arith.constant 128 : i32
    %dma_start3A_35 = tpu.memref_slice %arg7[%dma_start3A_34] : memref<8192xi32, #tpu.memory_space<vmem>> -> memref<64xi32, #tpu.memory_space<vmem>>
    %dma_start3A_36 = arith.constant 0 : i32
    %dma_start3A_37 = arith.constant 0 : i32
    %dma_start3A_38 = tpu.memref_slice %arg2[%dma_start3A_36, %dma_start3A_37] : memref<100000x128xf32, #tpu.memory_space<hbm>> -> memref<100000x128xf32, #tpu.memory_space<hbm>>
    %dma_start3A_39 = tpu.memref_slice %arg9[%dma_start3A_29] : memref<8x!tpu.dma_semaphore, #tpu.memory_space<semaphore_mem>> -> memref<1x!tpu.dma_semaphore, #tpu.memory_space<semaphore_mem>>
    %dma_start3A_40 = tpu.memref_squeeze %dma_start3A_39 : memref<1x!tpu.dma_semaphore, #tpu.memory_space<semaphore_mem>> -> memref<!tpu.dma_semaphore, #tpu.memory_space<semaphore_mem>>
    tpu.enqueue_indirect_dma source(%dma_start3A_38 : memref<100000x128xf32, #tpu.memory_space<hbm>>) target(%dma_start3A_33 : memref<64x128xf32, #tpu.memory_space<vmem>>) offsets(%dma_start3A_35 : memref<64xi32, #tpu.memory_space<vmem>>) semaphore(%dma_start3A_40 : memref<!tpu.dma_semaphore, #tpu.memory_space<semaphore_mem>>)
    %dma_start3A_41 = arith.constant 3 : i32
    %dma_start3A_42 = arith.constant 3 : i32
    %dma_start3A_43 = arith.constant 0 : i32
    %dma_start3A_44 = arith.constant 0 : i32
    %dma_start3A_45 = tpu.memref_slice %arg8[%dma_start3A_41, %dma_start3A_43, %dma_start3A_44] : memref<8x64x128xf32, #tpu.memory_space<vmem>> -> memref<1x64x128xf32, #tpu.memory_space<vmem>>
    %dma_start3A_46 = tpu.memref_squeeze %dma_start3A_45 : memref<1x64x128xf32, #tpu.memory_space<vmem>> -> memref<64x128xf32, #tpu.memory_space<vmem>>
    %dma_start3A_47 = arith.constant 192 : i32
    %dma_start3A_48 = tpu.memref_slice %arg7[%dma_start3A_47] : memref<8192xi32, #tpu.memory_space<vmem>> -> memref<64xi32, #tpu.memory_space<vmem>>
    %dma_start3A_49 = arith.constant 0 : i32
    %dma_start3A_50 = arith.constant 0 : i32
    %dma_start3A_51 = tpu.memref_slice %arg2[%dma_start3A_49, %dma_start3A_50] : memref<100000x128xf32, #tpu.memory_space<hbm>> -> memref<100000x128xf32, #tpu.memory_space<hbm>>
    %dma_start3A_52 = tpu.memref_slice %arg9[%dma_start3A_42] : memref<8x!tpu.dma_semaphore, #tpu.memory_space<semaphore_mem>> -> memref<1x!tpu.dma_semaphore, #tpu.memory_space<semaphore_mem>>
    %dma_start3A_53 = tpu.memref_squeeze %dma_start3A_52 : memref<1x!tpu.dma_semaphore, #tpu.memory_space<semaphore_mem>> -> memref<!tpu.dma_semaphore, #tpu.memory_space<semaphore_mem>>
    tpu.enqueue_indirect_dma source(%dma_start3A_51 : memref<100000x128xf32, #tpu.memory_space<hbm>>) target(%dma_start3A_46 : memref<64x128xf32, #tpu.memory_space<vmem>>) offsets(%dma_start3A_48 : memref<64xi32, #tpu.memory_space<vmem>>) semaphore(%dma_start3A_53 : memref<!tpu.dma_semaphore, #tpu.memory_space<semaphore_mem>>)
    %dma_start3A_54 = arith.constant 4 : i32
    %dma_start3A_55 = arith.constant 4 : i32
    %dma_start3A_56 = arith.constant 0 : i32
    %dma_start3A_57 = arith.constant 0 : i32
    %dma_start3A_58 = tpu.memref_slice %arg8[%dma_start3A_54, %dma_start3A_56, %dma_start3A_57] : memref<8x64x128xf32, #tpu.memory_space<vmem>> -> memref<1x64x128xf32, #tpu.memory_space<vmem>>
    %dma_start3A_59 = tpu.memref_squeeze %dma_start3A_58 : memref<1x64x128xf32, #tpu.memory_space<vmem>> -> memref<64x128xf32, #tpu.memory_space<vmem>>
    %dma_start3A_60 = arith.constant 256 : i32
    %dma_start3A_61 = tpu.memref_slice %arg7[%dma_start3A_60] : memref<8192xi32, #tpu.memory_space<vmem>> -> memref<64xi32, #tpu.memory_space<vmem>>
    %dma_start3A_62 = arith.constant 0 : i32
    %dma_start3A_63 = arith.constant 0 : i32
    %dma_start3A_64 = tpu.memref_slice %arg2[%dma_start3A_62, %dma_start3A_63] : memref<100000x128xf32, #tpu.memory_space<hbm>> -> memref<100000x128xf32, #tpu.memory_space<hbm>>
    %dma_start3A_65 = tpu.memref_slice %arg9[%dma_start3A_55] : memref<8x!tpu.dma_semaphore, #tpu.memory_space<semaphore_mem>> -> memref<1x!tpu.dma_semaphore, #tpu.memory_space<semaphore_mem>>
    %dma_start3A_66 = tpu.memref_squeeze %dma_start3A_65 : memref<1x!tpu.dma_semaphore, #tpu.memory_space<semaphore_mem>> -> memref<!tpu.dma_semaphore, #tpu.memory_space<semaphore_mem>>
    tpu.enqueue_indirect_dma source(%dma_start3A_64 : memref<100000x128xf32, #tpu.memory_space<hbm>>) target(%dma_start3A_59 : memref<64x128xf32, #tpu.memory_space<vmem>>) offsets(%dma_start3A_61 : memref<64xi32, #tpu.memory_space<vmem>>) semaphore(%dma_start3A_66 : memref<!tpu.dma_semaphore, #tpu.memory_space<semaphore_mem>>)
    %dma_start3A_67 = arith.constant 5 : i32
    %dma_start3A_68 = arith.constant 5 : i32
    %dma_start3A_69 = arith.constant 0 : i32
    %dma_start3A_70 = arith.constant 0 : i32
    %dma_start3A_71 = tpu.memref_slice %arg8[%dma_start3A_67, %dma_start3A_69, %dma_start3A_70] : memref<8x64x128xf32, #tpu.memory_space<vmem>> -> memref<1x64x128xf32, #tpu.memory_space<vmem>>
    %dma_start3A_72 = tpu.memref_squeeze %dma_start3A_71 : memref<1x64x128xf32, #tpu.memory_space<vmem>> -> memref<64x128xf32, #tpu.memory_space<vmem>>
    %dma_start3A_73 = arith.constant 320 : i32
    %dma_start3A_74 = tpu.memref_slice %arg7[%dma_start3A_73] : memref<8192xi32, #tpu.memory_space<vmem>> -> memref<64xi32, #tpu.memory_space<vmem>>
    %dma_start3A_75 = arith.constant 0 : i32
    %dma_start3A_76 = arith.constant 0 : i32
    %dma_start3A_77 = tpu.memref_slice %arg2[%dma_start3A_75, %dma_start3A_76] : memref<100000x128xf32, #tpu.memory_space<hbm>> -> memref<100000x128xf32, #tpu.memory_space<hbm>>
    %dma_start3A_78 = tpu.memref_slice %arg9[%dma_start3A_68] : memref<8x!tpu.dma_semaphore, #tpu.memory_space<semaphore_mem>> -> memref<1x!tpu.dma_semaphore, #tpu.memory_space<semaphore_mem>>
    %dma_start3A_79 = tpu.memref_squeeze %dma_start3A_78 : memref<1x!tpu.dma_semaphore, #tpu.memory_space<semaphore_mem>> -> memref<!tpu.dma_semaphore, #tpu.memory_space<semaphore_mem>>
    tpu.enqueue_indirect_dma source(%dma_start3A_77 : memref<100000x128xf32, #tpu.memory_space<hbm>>) target(%dma_start3A_72 : memref<64x128xf32, #tpu.memory_space<vmem>>) offsets(%dma_start3A_74 : memref<64xi32, #tpu.memory_space<vmem>>) semaphore(%dma_start3A_79 : memref<!tpu.dma_semaphore, #tpu.memory_space<semaphore_mem>>)
    %dma_start3A_80 = arith.constant 6 : i32
    %dma_start3A_81 = arith.constant 6 : i32
    %dma_start3A_82 = arith.constant 0 : i32
    %dma_start3A_83 = arith.constant 0 : i32
    %dma_start3A_84 = tpu.memref_slice %arg8[%dma_start3A_80, %dma_start3A_82, %dma_start3A_83] : memref<8x64x128xf32, #tpu.memory_space<vmem>> -> memref<1x64x128xf32, #tpu.memory_space<vmem>>
    %dma_start3A_85 = tpu.memref_squeeze %dma_start3A_84 : memref<1x64x128xf32, #tpu.memory_space<vmem>> -> memref<64x128xf32, #tpu.memory_space<vmem>>
    %dma_start3A_86 = arith.constant 384 : i32
    %dma_start3A_87 = tpu.memref_slice %arg7[%dma_start3A_86] : memref<8192xi32, #tpu.memory_space<vmem>> -> memref<64xi32, #tpu.memory_space<vmem>>
    %dma_start3A_88 = arith.constant 0 : i32
    %dma_start3A_89 = arith.constant 0 : i32
    %dma_start3A_90 = tpu.memref_slice %arg2[%dma_start3A_88, %dma_start3A_89] : memref<100000x128xf32, #tpu.memory_space<hbm>> -> memref<100000x128xf32, #tpu.memory_space<hbm>>
    %dma_start3A_91 = tpu.memref_slice %arg9[%dma_start3A_81] : memref<8x!tpu.dma_semaphore, #tpu.memory_space<semaphore_mem>> -> memref<1x!tpu.dma_semaphore, #tpu.memory_space<semaphore_mem>>
    %dma_start3A_92 = tpu.memref_squeeze %dma_start3A_91 : memref<1x!tpu.dma_semaphore, #tpu.memory_space<semaphore_mem>> -> memref<!tpu.dma_semaphore, #tpu.memory_space<semaphore_mem>>
    tpu.enqueue_indirect_dma source(%dma_start3A_90 : memref<100000x128xf32, #tpu.memory_space<hbm>>) target(%dma_start3A_85 : memref<64x128xf32, #tpu.memory_space<vmem>>) offsets(%dma_start3A_87 : memref<64xi32, #tpu.memory_space<vmem>>) semaphore(%dma_start3A_92 : memref<!tpu.dma_semaphore, #tpu.memory_space<semaphore_mem>>)
    %dma_start3A_93 = arith.constant 7 : i32
    %dma_start3A_94 = arith.constant 7 : i32
    %dma_start3A_95 = arith.constant 0 : i32
    %dma_start3A_96 = arith.constant 0 : i32
    %dma_start3A_97 = tpu.memref_slice %arg8[%dma_start3A_93, %dma_start3A_95, %dma_start3A_96] : memref<8x64x128xf32, #tpu.memory_space<vmem>> -> memref<1x64x128xf32, #tpu.memory_space<vmem>>
    %dma_start3A_98 = tpu.memref_squeeze %dma_start3A_97 : memref<1x64x128xf32, #tpu.memory_space<vmem>> -> memref<64x128xf32, #tpu.memory_space<vmem>>
    %dma_start3A_99 = arith.constant 448 : i32
    %dma_start3A_100 = tpu.memref_slice %arg7[%dma_start3A_99] : memref<8192xi32, #tpu.memory_space<vmem>> -> memref<64xi32, #tpu.memory_space<vmem>>
    %dma_start3A_101 = arith.constant 0 : i32
    %dma_start3A_102 = arith.constant 0 : i32
    %dma_start3A_103 = tpu.memref_slice %arg2[%dma_start3A_101, %dma_start3A_102] : memref<100000x128xf32, #tpu.memory_space<hbm>> -> memref<100000x128xf32, #tpu.memory_space<hbm>>
    %dma_start3A_104 = tpu.memref_slice %arg9[%dma_start3A_94] : memref<8x!tpu.dma_semaphore, #tpu.memory_space<semaphore_mem>> -> memref<1x!tpu.dma_semaphore, #tpu.memory_space<semaphore_mem>>
    %dma_start3A_105 = tpu.memref_squeeze %dma_start3A_104 : memref<1x!tpu.dma_semaphore, #tpu.memory_space<semaphore_mem>> -> memref<!tpu.dma_semaphore, #tpu.memory_space<semaphore_mem>>
    tpu.enqueue_indirect_dma source(%dma_start3A_103 : memref<100000x128xf32, #tpu.memory_space<hbm>>) target(%dma_start3A_98 : memref<64x128xf32, #tpu.memory_space<vmem>>) offsets(%dma_start3A_100 : memref<64xi32, #tpu.memory_space<vmem>>) semaphore(%dma_start3A_105 : memref<!tpu.dma_semaphore, #tpu.memory_space<semaphore_mem>>)
    %scan3A = arith.constant 0 : i32
    %scan3A_106 = arith.constant 16 : i32
    %scan3A_107 = arith.addi %scan3A, %scan3A_106 : i32
    %scan3A_108 = arith.constant 1 : i32
    scf.for %scan3A_362 = %scan3A to %scan3A_107 step %scan3A_108  : i32 {
      %mul3A_363 = arith.constant 1 : i32
      %mul3A_364 = arith.muli %scan3A_362, %mul3A_363 : i32
      %add3A_365 = arith.constant 0 : i32
      %add3A_366 = arith.addi %add3A_365, %mul3A_364 : i32
      %mul3A_367 = arith.constant 8 : i32
      %mul3A_368 = arith.muli %add3A_366, %mul3A_367 : i32
      %add3A_369 = arith.constant 0 : i32
      %add3A_370 = arith.addi %mul3A_368, %add3A_369 : i32
      %mul3A_371 = arith.constant 64 : i32
      %mul3A_372 = arith.muli %add3A_370, %mul3A_371 : i32
      %dma_wait3A_373 = arith.constant 0 : i32
      %dma_wait3A_374 = arith.constant 0 : i32
      %dma_wait3A_375 = arith.constant 0 : i32
      %dma_wait3A_376 = arith.constant 0 : i32
      %dma_wait3A_377 = tpu.memref_slice %arg8[%dma_wait3A_373, %dma_wait3A_375, %dma_wait3A_376] : memref<8x64x128xf32, #tpu.memory_space<vmem>> -> memref<1x64x128xf32, #tpu.memory_space<vmem>>
      %dma_wait3A_378 = tpu.memref_squeeze %dma_wait3A_377 : memref<1x64x128xf32, #tpu.memory_space<vmem>> -> memref<64x128xf32, #tpu.memory_space<vmem>>
      %dma_wait3A_379 = tpu.memref_slice %arg7[%mul3A_372] : memref<8192xi32, #tpu.memory_space<vmem>> -> memref<64xi32, #tpu.memory_space<vmem>>
      %dma_wait3A_380 = arith.constant 0 : i32
      %dma_wait3A_381 = arith.constant 0 : i32
      %dma_wait3A_382 = tpu.memref_slice %arg2[%dma_wait3A_380, %dma_wait3A_381] : memref<100000x128xf32, #tpu.memory_space<hbm>> -> memref<100000x128xf32, #tpu.memory_space<hbm>>
      %dma_wait3A_383 = tpu.memref_slice %arg9[%dma_wait3A_374] : memref<8x!tpu.dma_semaphore, #tpu.memory_space<semaphore_mem>> -> memref<1x!tpu.dma_semaphore, #tpu.memory_space<semaphore_mem>>
      %dma_wait3A_384 = tpu.memref_squeeze %dma_wait3A_383 : memref<1x!tpu.dma_semaphore, #tpu.memory_space<semaphore_mem>> -> memref<!tpu.dma_semaphore, #tpu.memory_space<semaphore_mem>>
      tpu.wait_indirect_dma semaphore(%dma_wait3A_384 : memref<!tpu.dma_semaphore, #tpu.memory_space<semaphore_mem>>) src(%dma_wait3A_382 : memref<100000x128xf32, #tpu.memory_space<hbm>>) dst(%dma_wait3A_378 : memref<64x128xf32, #tpu.memory_space<vmem>>)
      %mul3A_385 = arith.constant 64 : i32
      %mul3A_386 = arith.muli %add3A_370, %mul3A_385 : i32
      %add3A_387 = arith.addi %mul3A_2, %mul3A_386 : i32
      %dma_start3A_388 = arith.constant 0 : i32
      %dma_start3A_389 = arith.constant 0 : i32
      %dma_start3A_390 = arith.constant 0 : i32
      %dma_start3A_391 = arith.constant 0 : i32
      %dma_start3A_392 = tpu.memref_slice %arg8[%dma_start3A_388, %dma_start3A_390, %dma_start3A_391] : memref<8x64x128xf32, #tpu.memory_space<vmem>> -> memref<1x64x128xf32, #tpu.memory_space<vmem>>
      %dma_start3A_393 = tpu.memref_squeeze %dma_start3A_392 : memref<1x64x128xf32, #tpu.memory_space<vmem>> -> memref<64x128xf32, #tpu.memory_space<vmem>>
      %dma_start3A_394 = arith.constant 0 : i32
      %dma_start3A_395 = tpu.memref_slice %arg5[%add3A_387, %dma_start3A_394] : memref<262144x128xf32, #tpu.memory_space<hbm>> -> memref<64x128xf32, #tpu.memory_space<hbm>>
      %dma_start3A_396 = tpu.memref_slice %arg10[%dma_start3A_389] : memref<8x!tpu.dma_semaphore, #tpu.memory_space<semaphore_mem>> -> memref<1x!tpu.dma_semaphore, #tpu.memory_space<semaphore_mem>>
      %dma_start3A_397 = tpu.memref_squeeze %dma_start3A_396 : memref<1x!tpu.dma_semaphore, #tpu.memory_space<semaphore_mem>> -> memref<!tpu.dma_semaphore, #tpu.memory_space<semaphore_mem>>
      %dma_start3A_398 = arith.constant 0 : i32
      %dma_start3A_399 = tpu.memref_slice %arg5[%add3A_387, %dma_start3A_398] : memref<262144x128xf32, #tpu.memory_space<hbm>> -> memref<64x128xf32, #tpu.memory_space<hbm>>
      %dma_start3A_400 = arith.constant 0 : i32
      %dma_start3A_401 = arith.constant 0 : i32
      %dma_start3A_402 = tpu.memref_slice %arg8[%dma_start3A_388, %dma_start3A_400, %dma_start3A_401] : memref<8x64x128xf32, #tpu.memory_space<vmem>> -> memref<1x64x128xf32, #tpu.memory_space<vmem>>
      %dma_start3A_403 = tpu.memref_squeeze %dma_start3A_402 : memref<1x64x128xf32, #tpu.memory_space<vmem>> -> memref<64x128xf32, #tpu.memory_space<vmem>>
      tpu.enqueue_dma source(%dma_start3A_403 : memref<64x128xf32, #tpu.memory_space<vmem>>) target(%dma_start3A_399 : memref<64x128xf32, #tpu.memory_space<hbm>>) target_semaphore(%dma_start3A_397 : memref<!tpu.dma_semaphore, #tpu.memory_space<semaphore_mem>>)
      %sub3A = arith.constant 4 : i32
      %sub3A_404 = arith.subi %add3A_370, %sub3A : i32
      %ge3A = arith.constant 0 : i32
      %ge3A_405 = arith.cmpi sge, %sub3A_404, %ge3A : i32
      %convert_element_type3A = arith.extui %ge3A_405 : i1 to i32
      %cond3A = arith.constant 0 : i32
      %cond3A_406 = arith.cmpi ne, %convert_element_type3A, %cond3A : i32
      scf.if %cond3A_406 {
        %mul3A_701 = arith.constant 64 : i32
        %mul3A_702 = arith.muli %sub3A_404, %mul3A_701 : i32
        %add3A_703 = arith.addi %mul3A_2, %mul3A_702 : i32
        %dma_wait3A_704 = arith.constant 4 : i32
        %dma_wait3A_705 = arith.constant 4 : i32
        %dma_wait3A_706 = arith.constant 0 : i32
        %dma_wait3A_707 = arith.constant 0 : i32
        %dma_wait3A_708 = tpu.memref_slice %arg8[%dma_wait3A_704, %dma_wait3A_706, %dma_wait3A_707] : memref<8x64x128xf32, #tpu.memory_space<vmem>> -> memref<1x64x128xf32, #tpu.memory_space<vmem>>
        %dma_wait3A_709 = tpu.memref_squeeze %dma_wait3A_708 : memref<1x64x128xf32, #tpu.memory_space<vmem>> -> memref<64x128xf32, #tpu.memory_space<vmem>>
        %dma_wait3A_710 = arith.constant 0 : i32
        %dma_wait3A_711 = tpu.memref_slice %arg5[%add3A_703, %dma_wait3A_710] : memref<262144x128xf32, #tpu.memory_space<hbm>> -> memref<64x128xf32, #tpu.memory_space<hbm>>
        %dma_wait3A_712 = tpu.memref_slice %arg10[%dma_wait3A_705] : memref<8x!tpu.dma_semaphore, #tpu.memory_space<semaphore_mem>> -> memref<1x!tpu.dma_semaphore, #tpu.memory_space<semaphore_mem>>
        %dma_wait3A_713 = tpu.memref_squeeze %dma_wait3A_712 : memref<1x!tpu.dma_semaphore, #tpu.memory_space<semaphore_mem>> -> memref<!tpu.dma_semaphore, #tpu.memory_space<semaphore_mem>>
        %dma_wait3A_714 = arith.constant 0 : i32
        %dma_wait3A_715 = tpu.memref_slice %arg5[%add3A_703, %dma_wait3A_714] : memref<262144x128xf32, #tpu.memory_space<hbm>> -> memref<64x128xf32, #tpu.memory_space<hbm>>
        %dma_wait3A_716 = arith.constant 0 : i32
        %dma_wait3A_717 = arith.constant 0 : i32
        %dma_wait3A_718 = tpu.memref_slice %arg8[%dma_wait3A_704, %dma_wait3A_716, %dma_wait3A_717] : memref<8x64x128xf32, #tpu.memory_space<vmem>> -> memref<1x64x128xf32, #tpu.memory_space<vmem>>
        %dma_wait3A_719 = tpu.memref_squeeze %dma_wait3A_718 : memref<1x64x128xf32, #tpu.memory_space<vmem>> -> memref<64x128xf32, #tpu.memory_space<vmem>>
        tpu.wait_dma2 semaphore(%dma_wait3A_713 : memref<!tpu.dma_semaphore, #tpu.memory_space<semaphore_mem>>) src(%dma_wait3A_719 : memref<64x128xf32, #tpu.memory_space<vmem>>) dst(%dma_wait3A_715 : memref<64x128xf32, #tpu.memory_space<hbm>>)
        %add3A_720 = arith.constant 8 : i32
        %add3A_721 = arith.addi %sub3A_404, %add3A_720 : i32
        %lt3A = arith.constant 128 : i32
        %lt3A_722 = arith.cmpi slt, %add3A_721, %lt3A : i32
        %convert_element_type3A_723 = arith.extui %lt3A_722 : i1 to i32
        %cond3A_724 = arith.constant 0 : i32
        %cond3A_725 = arith.cmpi ne, %convert_element_type3A_723, %cond3A_724 : i32
        scf.if %cond3A_725 {
          %add3A_726 = arith.constant 8 : i32
          %add3A_727 = arith.addi %sub3A_404, %add3A_726 : i32
          %mul3A_728 = arith.constant 64 : i32
          %mul3A_729 = arith.muli %add3A_727, %mul3A_728 : i32
          %dma_start3A_730 = arith.constant 4 : i32
          %dma_start3A_731 = arith.constant 4 : i32
          %dma_start3A_732 = arith.constant 0 : i32
          %dma_start3A_733 = arith.constant 0 : i32
          %dma_start3A_734 = tpu.memref_slice %arg8[%dma_start3A_730, %dma_start3A_732, %dma_start3A_733] : memref<8x64x128xf32, #tpu.memory_space<vmem>> -> memref<1x64x128xf32, #tpu.memory_space<vmem>>
          %dma_start3A_735 = tpu.memref_squeeze %dma_start3A_734 : memref<1x64x128xf32, #tpu.memory_space<vmem>> -> memref<64x128xf32, #tpu.memory_space<vmem>>
          %dma_start3A_736 = tpu.memref_slice %arg7[%mul3A_729] : memref<8192xi32, #tpu.memory_space<vmem>> -> memref<64xi32, #tpu.memory_space<vmem>>
          %dma_start3A_737 = arith.constant 0 : i32
          %dma_start3A_738 = arith.constant 0 : i32
          %dma_start3A_739 = tpu.memref_slice %arg2[%dma_start3A_737, %dma_start3A_738] : memref<100000x128xf32, #tpu.memory_space<hbm>> -> memref<100000x128xf32, #tpu.memory_space<hbm>>
          %dma_start3A_740 = tpu.memref_slice %arg9[%dma_start3A_731] : memref<8x!tpu.dma_semaphore, #tpu.memory_space<semaphore_mem>> -> memref<1x!tpu.dma_semaphore, #tpu.memory_space<semaphore_mem>>
          %dma_start3A_741 = tpu.memref_squeeze %dma_start3A_740 : memref<1x!tpu.dma_semaphore, #tpu.memory_space<semaphore_mem>> -> memref<!tpu.dma_semaphore, #tpu.memory_space<semaphore_mem>>
          tpu.enqueue_indirect_dma source(%dma_start3A_739 : memref<100000x128xf32, #tpu.memory_space<hbm>>) target(%dma_start3A_735 : memref<64x128xf32, #tpu.memory_space<vmem>>) offsets(%dma_start3A_736 : memref<64xi32, #tpu.memory_space<vmem>>) semaphore(%dma_start3A_741 : memref<!tpu.dma_semaphore, #tpu.memory_space<semaphore_mem>>)
        } else {
        }
      } else {
      }
      %add3A_407 = arith.constant 1 : i32
      %add3A_408 = arith.addi %mul3A_368, %add3A_407 : i32
      %mul3A_409 = arith.constant 64 : i32
      %mul3A_410 = arith.muli %add3A_408, %mul3A_409 : i32
      %dma_wait3A_411 = arith.constant 1 : i32
      %dma_wait3A_412 = arith.constant 1 : i32
      %dma_wait3A_413 = arith.constant 0 : i32
      %dma_wait3A_414 = arith.constant 0 : i32
      %dma_wait3A_415 = tpu.memref_slice %arg8[%dma_wait3A_411, %dma_wait3A_413, %dma_wait3A_414] : memref<8x64x128xf32, #tpu.memory_space<vmem>> -> memref<1x64x128xf32, #tpu.memory_space<vmem>>
      %dma_wait3A_416 = tpu.memref_squeeze %dma_wait3A_415 : memref<1x64x128xf32, #tpu.memory_space<vmem>> -> memref<64x128xf32, #tpu.memory_space<vmem>>
      %dma_wait3A_417 = tpu.memref_slice %arg7[%mul3A_410] : memref<8192xi32, #tpu.memory_space<vmem>> -> memref<64xi32, #tpu.memory_space<vmem>>
      %dma_wait3A_418 = arith.constant 0 : i32
      %dma_wait3A_419 = arith.constant 0 : i32
      %dma_wait3A_420 = tpu.memref_slice %arg2[%dma_wait3A_418, %dma_wait3A_419] : memref<100000x128xf32, #tpu.memory_space<hbm>> -> memref<100000x128xf32, #tpu.memory_space<hbm>>
      %dma_wait3A_421 = tpu.memref_slice %arg9[%dma_wait3A_412] : memref<8x!tpu.dma_semaphore, #tpu.memory_space<semaphore_mem>> -> memref<1x!tpu.dma_semaphore, #tpu.memory_space<semaphore_mem>>
      %dma_wait3A_422 = tpu.memref_squeeze %dma_wait3A_421 : memref<1x!tpu.dma_semaphore, #tpu.memory_space<semaphore_mem>> -> memref<!tpu.dma_semaphore, #tpu.memory_space<semaphore_mem>>
      tpu.wait_indirect_dma semaphore(%dma_wait3A_422 : memref<!tpu.dma_semaphore, #tpu.memory_space<semaphore_mem>>) src(%dma_wait3A_420 : memref<100000x128xf32, #tpu.memory_space<hbm>>) dst(%dma_wait3A_416 : memref<64x128xf32, #tpu.memory_space<vmem>>)
      %mul3A_423 = arith.constant 64 : i32
      %mul3A_424 = arith.muli %add3A_408, %mul3A_423 : i32
      %add3A_425 = arith.addi %mul3A_2, %mul3A_424 : i32
      %dma_start3A_426 = arith.constant 1 : i32
      %dma_start3A_427 = arith.constant 1 : i32
      %dma_start3A_428 = arith.constant 0 : i32
      %dma_start3A_429 = arith.constant 0 : i32
      %dma_start3A_430 = tpu.memref_slice %arg8[%dma_start3A_426, %dma_start3A_428, %dma_start3A_429] : memref<8x64x128xf32, #tpu.memory_space<vmem>> -> memref<1x64x128xf32, #tpu.memory_space<vmem>>
      %dma_start3A_431 = tpu.memref_squeeze %dma_start3A_430 : memref<1x64x128xf32, #tpu.memory_space<vmem>> -> memref<64x128xf32, #tpu.memory_space<vmem>>
      %dma_start3A_432 = arith.constant 0 : i32
      %dma_start3A_433 = tpu.memref_slice %arg5[%add3A_425, %dma_start3A_432] : memref<262144x128xf32, #tpu.memory_space<hbm>> -> memref<64x128xf32, #tpu.memory_space<hbm>>
      %dma_start3A_434 = tpu.memref_slice %arg10[%dma_start3A_427] : memref<8x!tpu.dma_semaphore, #tpu.memory_space<semaphore_mem>> -> memref<1x!tpu.dma_semaphore, #tpu.memory_space<semaphore_mem>>
      %dma_start3A_435 = tpu.memref_squeeze %dma_start3A_434 : memref<1x!tpu.dma_semaphore, #tpu.memory_space<semaphore_mem>> -> memref<!tpu.dma_semaphore, #tpu.memory_space<semaphore_mem>>
      %dma_start3A_436 = arith.constant 0 : i32
      %dma_start3A_437 = tpu.memref_slice %arg5[%add3A_425, %dma_start3A_436] : memref<262144x128xf32, #tpu.memory_space<hbm>> -> memref<64x128xf32, #tpu.memory_space<hbm>>
      %dma_start3A_438 = arith.constant 0 : i32
      %dma_start3A_439 = arith.constant 0 : i32
      %dma_start3A_440 = tpu.memref_slice %arg8[%dma_start3A_426, %dma_start3A_438, %dma_start3A_439] : memref<8x64x128xf32, #tpu.memory_space<vmem>> -> memref<1x64x128xf32, #tpu.memory_space<vmem>>
      %dma_start3A_441 = tpu.memref_squeeze %dma_start3A_440 : memref<1x64x128xf32, #tpu.memory_space<vmem>> -> memref<64x128xf32, #tpu.memory_space<vmem>>
      tpu.enqueue_dma source(%dma_start3A_441 : memref<64x128xf32, #tpu.memory_space<vmem>>) target(%dma_start3A_437 : memref<64x128xf32, #tpu.memory_space<hbm>>) target_semaphore(%dma_start3A_435 : memref<!tpu.dma_semaphore, #tpu.memory_space<semaphore_mem>>)
      %sub3A_442 = arith.constant 4 : i32
      %sub3A_443 = arith.subi %add3A_408, %sub3A_442 : i32
      %ge3A_444 = arith.constant 0 : i32
      %ge3A_445 = arith.cmpi sge, %sub3A_443, %ge3A_444 : i32
      %convert_element_type3A_446 = arith.extui %ge3A_445 : i1 to i32
      %cond3A_447 = arith.constant 0 : i32
      %cond3A_448 = arith.cmpi ne, %convert_element_type3A_446, %cond3A_447 : i32
      scf.if %cond3A_448 {
        %mul3A_701 = arith.constant 64 : i32
        %mul3A_702 = arith.muli %sub3A_443, %mul3A_701 : i32
        %add3A_703 = arith.addi %mul3A_2, %mul3A_702 : i32
        %dma_wait3A_704 = arith.constant 5 : i32
        %dma_wait3A_705 = arith.constant 5 : i32
        %dma_wait3A_706 = arith.constant 0 : i32
        %dma_wait3A_707 = arith.constant 0 : i32
        %dma_wait3A_708 = tpu.memref_slice %arg8[%dma_wait3A_704, %dma_wait3A_706, %dma_wait3A_707] : memref<8x64x128xf32, #tpu.memory_space<vmem>> -> memref<1x64x128xf32, #tpu.memory_space<vmem>>
        %dma_wait3A_709 = tpu.memref_squeeze %dma_wait3A_708 : memref<1x64x128xf32, #tpu.memory_space<vmem>> -> memref<64x128xf32, #tpu.memory_space<vmem>>
        %dma_wait3A_710 = arith.constant 0 : i32
        %dma_wait3A_711 = tpu.memref_slice %arg5[%add3A_703, %dma_wait3A_710] : memref<262144x128xf32, #tpu.memory_space<hbm>> -> memref<64x128xf32, #tpu.memory_space<hbm>>
        %dma_wait3A_712 = tpu.memref_slice %arg10[%dma_wait3A_705] : memref<8x!tpu.dma_semaphore, #tpu.memory_space<semaphore_mem>> -> memref<1x!tpu.dma_semaphore, #tpu.memory_space<semaphore_mem>>
        %dma_wait3A_713 = tpu.memref_squeeze %dma_wait3A_712 : memref<1x!tpu.dma_semaphore, #tpu.memory_space<semaphore_mem>> -> memref<!tpu.dma_semaphore, #tpu.memory_space<semaphore_mem>>
        %dma_wait3A_714 = arith.constant 0 : i32
        %dma_wait3A_715 = tpu.memref_slice %arg5[%add3A_703, %dma_wait3A_714] : memref<262144x128xf32, #tpu.memory_space<hbm>> -> memref<64x128xf32, #tpu.memory_space<hbm>>
        %dma_wait3A_716 = arith.constant 0 : i32
        %dma_wait3A_717 = arith.constant 0 : i32
        %dma_wait3A_718 = tpu.memref_slice %arg8[%dma_wait3A_704, %dma_wait3A_716, %dma_wait3A_717] : memref<8x64x128xf32, #tpu.memory_space<vmem>> -> memref<1x64x128xf32, #tpu.memory_space<vmem>>
        %dma_wait3A_719 = tpu.memref_squeeze %dma_wait3A_718 : memref<1x64x128xf32, #tpu.memory_space<vmem>> -> memref<64x128xf32, #tpu.memory_space<vmem>>
        tpu.wait_dma2 semaphore(%dma_wait3A_713 : memref<!tpu.dma_semaphore, #tpu.memory_space<semaphore_mem>>) src(%dma_wait3A_719 : memref<64x128xf32, #tpu.memory_space<vmem>>) dst(%dma_wait3A_715 : memref<64x128xf32, #tpu.memory_space<hbm>>)
        %add3A_720 = arith.constant 8 : i32
        %add3A_721 = arith.addi %sub3A_443, %add3A_720 : i32
        %lt3A = arith.constant 128 : i32
        %lt3A_722 = arith.cmpi slt, %add3A_721, %lt3A : i32
        %convert_element_type3A_723 = arith.extui %lt3A_722 : i1 to i32
        %cond3A_724 = arith.constant 0 : i32
        %cond3A_725 = arith.cmpi ne, %convert_element_type3A_723, %cond3A_724 : i32
        scf.if %cond3A_725 {
          %add3A_726 = arith.constant 8 : i32
          %add3A_727 = arith.addi %sub3A_443, %add3A_726 : i32
          %mul3A_728 = arith.constant 64 : i32
          %mul3A_729 = arith.muli %add3A_727, %mul3A_728 : i32
          %dma_start3A_730 = arith.constant 5 : i32
          %dma_start3A_731 = arith.constant 5 : i32
          %dma_start3A_732 = arith.constant 0 : i32
          %dma_start3A_733 = arith.constant 0 : i32
          %dma_start3A_734 = tpu.memref_slice %arg8[%dma_start3A_730, %dma_start3A_732, %dma_start3A_733] : memref<8x64x128xf32, #tpu.memory_space<vmem>> -> memref<1x64x128xf32, #tpu.memory_space<vmem>>
          %dma_start3A_735 = tpu.memref_squeeze %dma_start3A_734 : memref<1x64x128xf32, #tpu.memory_space<vmem>> -> memref<64x128xf32, #tpu.memory_space<vmem>>
          %dma_start3A_736 = tpu.memref_slice %arg7[%mul3A_729] : memref<8192xi32, #tpu.memory_space<vmem>> -> memref<64xi32, #tpu.memory_space<vmem>>
          %dma_start3A_737 = arith.constant 0 : i32
          %dma_start3A_738 = arith.constant 0 : i32
          %dma_start3A_739 = tpu.memref_slice %arg2[%dma_start3A_737, %dma_start3A_738] : memref<100000x128xf32, #tpu.memory_space<hbm>> -> memref<100000x128xf32, #tpu.memory_space<hbm>>
          %dma_start3A_740 = tpu.memref_slice %arg9[%dma_start3A_731] : memref<8x!tpu.dma_semaphore, #tpu.memory_space<semaphore_mem>> -> memref<1x!tpu.dma_semaphore, #tpu.memory_space<semaphore_mem>>
          %dma_start3A_741 = tpu.memref_squeeze %dma_start3A_740 : memref<1x!tpu.dma_semaphore, #tpu.memory_space<semaphore_mem>> -> memref<!tpu.dma_semaphore, #tpu.memory_space<semaphore_mem>>
          tpu.enqueue_indirect_dma source(%dma_start3A_739 : memref<100000x128xf32, #tpu.memory_space<hbm>>) target(%dma_start3A_735 : memref<64x128xf32, #tpu.memory_space<vmem>>) offsets(%dma_start3A_736 : memref<64xi32, #tpu.memory_space<vmem>>) semaphore(%dma_start3A_741 : memref<!tpu.dma_semaphore, #tpu.memory_space<semaphore_mem>>)
        } else {
        }
      } else {
      }
      %add3A_449 = arith.constant 2 : i32
      %add3A_450 = arith.addi %mul3A_368, %add3A_449 : i32
      %mul3A_451 = arith.constant 64 : i32
      %mul3A_452 = arith.muli %add3A_450, %mul3A_451 : i32
      %dma_wait3A_453 = arith.constant 2 : i32
      %dma_wait3A_454 = arith.constant 2 : i32
      %dma_wait3A_455 = arith.constant 0 : i32
      %dma_wait3A_456 = arith.constant 0 : i32
      %dma_wait3A_457 = tpu.memref_slice %arg8[%dma_wait3A_453, %dma_wait3A_455, %dma_wait3A_456] : memref<8x64x128xf32, #tpu.memory_space<vmem>> -> memref<1x64x128xf32, #tpu.memory_space<vmem>>
      %dma_wait3A_458 = tpu.memref_squeeze %dma_wait3A_457 : memref<1x64x128xf32, #tpu.memory_space<vmem>> -> memref<64x128xf32, #tpu.memory_space<vmem>>
      %dma_wait3A_459 = tpu.memref_slice %arg7[%mul3A_452] : memref<8192xi32, #tpu.memory_space<vmem>> -> memref<64xi32, #tpu.memory_space<vmem>>
      %dma_wait3A_460 = arith.constant 0 : i32
      %dma_wait3A_461 = arith.constant 0 : i32
      %dma_wait3A_462 = tpu.memref_slice %arg2[%dma_wait3A_460, %dma_wait3A_461] : memref<100000x128xf32, #tpu.memory_space<hbm>> -> memref<100000x128xf32, #tpu.memory_space<hbm>>
      %dma_wait3A_463 = tpu.memref_slice %arg9[%dma_wait3A_454] : memref<8x!tpu.dma_semaphore, #tpu.memory_space<semaphore_mem>> -> memref<1x!tpu.dma_semaphore, #tpu.memory_space<semaphore_mem>>
      %dma_wait3A_464 = tpu.memref_squeeze %dma_wait3A_463 : memref<1x!tpu.dma_semaphore, #tpu.memory_space<semaphore_mem>> -> memref<!tpu.dma_semaphore, #tpu.memory_space<semaphore_mem>>
      tpu.wait_indirect_dma semaphore(%dma_wait3A_464 : memref<!tpu.dma_semaphore, #tpu.memory_space<semaphore_mem>>) src(%dma_wait3A_462 : memref<100000x128xf32, #tpu.memory_space<hbm>>) dst(%dma_wait3A_458 : memref<64x128xf32, #tpu.memory_space<vmem>>)
      %mul3A_465 = arith.constant 64 : i32
      %mul3A_466 = arith.muli %add3A_450, %mul3A_465 : i32
      %add3A_467 = arith.addi %mul3A_2, %mul3A_466 : i32
      %dma_start3A_468 = arith.constant 2 : i32
      %dma_start3A_469 = arith.constant 2 : i32
      %dma_start3A_470 = arith.constant 0 : i32
      %dma_start3A_471 = arith.constant 0 : i32
      %dma_start3A_472 = tpu.memref_slice %arg8[%dma_start3A_468, %dma_start3A_470, %dma_start3A_471] : memref<8x64x128xf32, #tpu.memory_space<vmem>> -> memref<1x64x128xf32, #tpu.memory_space<vmem>>
      %dma_start3A_473 = tpu.memref_squeeze %dma_start3A_472 : memref<1x64x128xf32, #tpu.memory_space<vmem>> -> memref<64x128xf32, #tpu.memory_space<vmem>>
      %dma_start3A_474 = arith.constant 0 : i32
      %dma_start3A_475 = tpu.memref_slice %arg5[%add3A_467, %dma_start3A_474] : memref<262144x128xf32, #tpu.memory_space<hbm>> -> memref<64x128xf32, #tpu.memory_space<hbm>>
      %dma_start3A_476 = tpu.memref_slice %arg10[%dma_start3A_469] : memref<8x!tpu.dma_semaphore, #tpu.memory_space<semaphore_mem>> -> memref<1x!tpu.dma_semaphore, #tpu.memory_space<semaphore_mem>>
      %dma_start3A_477 = tpu.memref_squeeze %dma_start3A_476 : memref<1x!tpu.dma_semaphore, #tpu.memory_space<semaphore_mem>> -> memref<!tpu.dma_semaphore, #tpu.memory_space<semaphore_mem>>
      %dma_start3A_478 = arith.constant 0 : i32
      %dma_start3A_479 = tpu.memref_slice %arg5[%add3A_467, %dma_start3A_478] : memref<262144x128xf32, #tpu.memory_space<hbm>> -> memref<64x128xf32, #tpu.memory_space<hbm>>
      %dma_start3A_480 = arith.constant 0 : i32
      %dma_start3A_481 = arith.constant 0 : i32
      %dma_start3A_482 = tpu.memref_slice %arg8[%dma_start3A_468, %dma_start3A_480, %dma_start3A_481] : memref<8x64x128xf32, #tpu.memory_space<vmem>> -> memref<1x64x128xf32, #tpu.memory_space<vmem>>
      %dma_start3A_483 = tpu.memref_squeeze %dma_start3A_482 : memref<1x64x128xf32, #tpu.memory_space<vmem>> -> memref<64x128xf32, #tpu.memory_space<vmem>>
      tpu.enqueue_dma source(%dma_start3A_483 : memref<64x128xf32, #tpu.memory_space<vmem>>) target(%dma_start3A_479 : memref<64x128xf32, #tpu.memory_space<hbm>>) target_semaphore(%dma_start3A_477 : memref<!tpu.dma_semaphore, #tpu.memory_space<semaphore_mem>>)
      %sub3A_484 = arith.constant 4 : i32
      %sub3A_485 = arith.subi %add3A_450, %sub3A_484 : i32
      %ge3A_486 = arith.constant 0 : i32
      %ge3A_487 = arith.cmpi sge, %sub3A_485, %ge3A_486 : i32
      %convert_element_type3A_488 = arith.extui %ge3A_487 : i1 to i32
      %cond3A_489 = arith.constant 0 : i32
      %cond3A_490 = arith.cmpi ne, %convert_element_type3A_488, %cond3A_489 : i32
      scf.if %cond3A_490 {
        %mul3A_701 = arith.constant 64 : i32
        %mul3A_702 = arith.muli %sub3A_485, %mul3A_701 : i32
        %add3A_703 = arith.addi %mul3A_2, %mul3A_702 : i32
        %dma_wait3A_704 = arith.constant 6 : i32
        %dma_wait3A_705 = arith.constant 6 : i32
        %dma_wait3A_706 = arith.constant 0 : i32
        %dma_wait3A_707 = arith.constant 0 : i32
        %dma_wait3A_708 = tpu.memref_slice %arg8[%dma_wait3A_704, %dma_wait3A_706, %dma_wait3A_707] : memref<8x64x128xf32, #tpu.memory_space<vmem>> -> memref<1x64x128xf32, #tpu.memory_space<vmem>>
        %dma_wait3A_709 = tpu.memref_squeeze %dma_wait3A_708 : memref<1x64x128xf32, #tpu.memory_space<vmem>> -> memref<64x128xf32, #tpu.memory_space<vmem>>
        %dma_wait3A_710 = arith.constant 0 : i32
        %dma_wait3A_711 = tpu.memref_slice %arg5[%add3A_703, %dma_wait3A_710] : memref<262144x128xf32, #tpu.memory_space<hbm>> -> memref<64x128xf32, #tpu.memory_space<hbm>>
        %dma_wait3A_712 = tpu.memref_slice %arg10[%dma_wait3A_705] : memref<8x!tpu.dma_semaphore, #tpu.memory_space<semaphore_mem>> -> memref<1x!tpu.dma_semaphore, #tpu.memory_space<semaphore_mem>>
        %dma_wait3A_713 = tpu.memref_squeeze %dma_wait3A_712 : memref<1x!tpu.dma_semaphore, #tpu.memory_space<semaphore_mem>> -> memref<!tpu.dma_semaphore, #tpu.memory_space<semaphore_mem>>
        %dma_wait3A_714 = arith.constant 0 : i32
        %dma_wait3A_715 = tpu.memref_slice %arg5[%add3A_703, %dma_wait3A_714] : memref<262144x128xf32, #tpu.memory_space<hbm>> -> memref<64x128xf32, #tpu.memory_space<hbm>>
        %dma_wait3A_716 = arith.constant 0 : i32
        %dma_wait3A_717 = arith.constant 0 : i32
        %dma_wait3A_718 = tpu.memref_slice %arg8[%dma_wait3A_704, %dma_wait3A_716, %dma_wait3A_717] : memref<8x64x128xf32, #tpu.memory_space<vmem>> -> memref<1x64x128xf32, #tpu.memory_space<vmem>>
        %dma_wait3A_719 = tpu.memref_squeeze %dma_wait3A_718 : memref<1x64x128xf32, #tpu.memory_space<vmem>> -> memref<64x128xf32, #tpu.memory_space<vmem>>
        tpu.wait_dma2 semaphore(%dma_wait3A_713 : memref<!tpu.dma_semaphore, #tpu.memory_space<semaphore_mem>>) src(%dma_wait3A_719 : memref<64x128xf32, #tpu.memory_space<vmem>>) dst(%dma_wait3A_715 : memref<64x128xf32, #tpu.memory_space<hbm>>)
        %add3A_720 = arith.constant 8 : i32
        %add3A_721 = arith.addi %sub3A_485, %add3A_720 : i32
        %lt3A = arith.constant 128 : i32
        %lt3A_722 = arith.cmpi slt, %add3A_721, %lt3A : i32
        %convert_element_type3A_723 = arith.extui %lt3A_722 : i1 to i32
        %cond3A_724 = arith.constant 0 : i32
        %cond3A_725 = arith.cmpi ne, %convert_element_type3A_723, %cond3A_724 : i32
        scf.if %cond3A_725 {
          %add3A_726 = arith.constant 8 : i32
          %add3A_727 = arith.addi %sub3A_485, %add3A_726 : i32
          %mul3A_728 = arith.constant 64 : i32
          %mul3A_729 = arith.muli %add3A_727, %mul3A_728 : i32
          %dma_start3A_730 = arith.constant 6 : i32
          %dma_start3A_731 = arith.constant 6 : i32
          %dma_start3A_732 = arith.constant 0 : i32
          %dma_start3A_733 = arith.constant 0 : i32
          %dma_start3A_734 = tpu.memref_slice %arg8[%dma_start3A_730, %dma_start3A_732, %dma_start3A_733] : memref<8x64x128xf32, #tpu.memory_space<vmem>> -> memref<1x64x128xf32, #tpu.memory_space<vmem>>
          %dma_start3A_735 = tpu.memref_squeeze %dma_start3A_734 : memref<1x64x128xf32, #tpu.memory_space<vmem>> -> memref<64x128xf32, #tpu.memory_space<vmem>>
          %dma_start3A_736 = tpu.memref_slice %arg7[%mul3A_729] : memref<8192xi32, #tpu.memory_space<vmem>> -> memref<64xi32, #tpu.memory_space<vmem>>
          %dma_start3A_737 = arith.constant 0 : i32
          %dma_start3A_738 = arith.constant 0 : i32
          %dma_start3A_739 = tpu.memref_slice %arg2[%dma_start3A_737, %dma_start3A_738] : memref<100000x128xf32, #tpu.memory_space<hbm>> -> memref<100000x128xf32, #tpu.memory_space<hbm>>
          %dma_start3A_740 = tpu.memref_slice %arg9[%dma_start3A_731] : memref<8x!tpu.dma_semaphore, #tpu.memory_space<semaphore_mem>> -> memref<1x!tpu.dma_semaphore, #tpu.memory_space<semaphore_mem>>
          %dma_start3A_741 = tpu.memref_squeeze %dma_start3A_740 : memref<1x!tpu.dma_semaphore, #tpu.memory_space<semaphore_mem>> -> memref<!tpu.dma_semaphore, #tpu.memory_space<semaphore_mem>>
          tpu.enqueue_indirect_dma source(%dma_start3A_739 : memref<100000x128xf32, #tpu.memory_space<hbm>>) target(%dma_start3A_735 : memref<64x128xf32, #tpu.memory_space<vmem>>) offsets(%dma_start3A_736 : memref<64xi32, #tpu.memory_space<vmem>>) semaphore(%dma_start3A_741 : memref<!tpu.dma_semaphore, #tpu.memory_space<semaphore_mem>>)
        } else {
        }
      } else {
      }
      %add3A_491 = arith.constant 3 : i32
      %add3A_492 = arith.addi %mul3A_368, %add3A_491 : i32
      %mul3A_493 = arith.constant 64 : i32
      %mul3A_494 = arith.muli %add3A_492, %mul3A_493 : i32
      %dma_wait3A_495 = arith.constant 3 : i32
      %dma_wait3A_496 = arith.constant 3 : i32
      %dma_wait3A_497 = arith.constant 0 : i32
      %dma_wait3A_498 = arith.constant 0 : i32
      %dma_wait3A_499 = tpu.memref_slice %arg8[%dma_wait3A_495, %dma_wait3A_497, %dma_wait3A_498] : memref<8x64x128xf32, #tpu.memory_space<vmem>> -> memref<1x64x128xf32, #tpu.memory_space<vmem>>
      %dma_wait3A_500 = tpu.memref_squeeze %dma_wait3A_499 : memref<1x64x128xf32, #tpu.memory_space<vmem>> -> memref<64x128xf32, #tpu.memory_space<vmem>>
      %dma_wait3A_501 = tpu.memref_slice %arg7[%mul3A_494] : memref<8192xi32, #tpu.memory_space<vmem>> -> memref<64xi32, #tpu.memory_space<vmem>>
      %dma_wait3A_502 = arith.constant 0 : i32
      %dma_wait3A_503 = arith.constant 0 : i32
      %dma_wait3A_504 = tpu.memref_slice %arg2[%dma_wait3A_502, %dma_wait3A_503] : memref<100000x128xf32, #tpu.memory_space<hbm>> -> memref<100000x128xf32, #tpu.memory_space<hbm>>
      %dma_wait3A_505 = tpu.memref_slice %arg9[%dma_wait3A_496] : memref<8x!tpu.dma_semaphore, #tpu.memory_space<semaphore_mem>> -> memref<1x!tpu.dma_semaphore, #tpu.memory_space<semaphore_mem>>
      %dma_wait3A_506 = tpu.memref_squeeze %dma_wait3A_505 : memref<1x!tpu.dma_semaphore, #tpu.memory_space<semaphore_mem>> -> memref<!tpu.dma_semaphore, #tpu.memory_space<semaphore_mem>>
      tpu.wait_indirect_dma semaphore(%dma_wait3A_506 : memref<!tpu.dma_semaphore, #tpu.memory_space<semaphore_mem>>) src(%dma_wait3A_504 : memref<100000x128xf32, #tpu.memory_space<hbm>>) dst(%dma_wait3A_500 : memref<64x128xf32, #tpu.memory_space<vmem>>)
      %mul3A_507 = arith.constant 64 : i32
      %mul3A_508 = arith.muli %add3A_492, %mul3A_507 : i32
      %add3A_509 = arith.addi %mul3A_2, %mul3A_508 : i32
      %dma_start3A_510 = arith.constant 3 : i32
      %dma_start3A_511 = arith.constant 3 : i32
      %dma_start3A_512 = arith.constant 0 : i32
      %dma_start3A_513 = arith.constant 0 : i32
      %dma_start3A_514 = tpu.memref_slice %arg8[%dma_start3A_510, %dma_start3A_512, %dma_start3A_513] : memref<8x64x128xf32, #tpu.memory_space<vmem>> -> memref<1x64x128xf32, #tpu.memory_space<vmem>>
      %dma_start3A_515 = tpu.memref_squeeze %dma_start3A_514 : memref<1x64x128xf32, #tpu.memory_space<vmem>> -> memref<64x128xf32, #tpu.memory_space<vmem>>
      %dma_start3A_516 = arith.constant 0 : i32
      %dma_start3A_517 = tpu.memref_slice %arg5[%add3A_509, %dma_start3A_516] : memref<262144x128xf32, #tpu.memory_space<hbm>> -> memref<64x128xf32, #tpu.memory_space<hbm>>
      %dma_start3A_518 = tpu.memref_slice %arg10[%dma_start3A_511] : memref<8x!tpu.dma_semaphore, #tpu.memory_space<semaphore_mem>> -> memref<1x!tpu.dma_semaphore, #tpu.memory_space<semaphore_mem>>
      %dma_start3A_519 = tpu.memref_squeeze %dma_start3A_518 : memref<1x!tpu.dma_semaphore, #tpu.memory_space<semaphore_mem>> -> memref<!tpu.dma_semaphore, #tpu.memory_space<semaphore_mem>>
      %dma_start3A_520 = arith.constant 0 : i32
      %dma_start3A_521 = tpu.memref_slice %arg5[%add3A_509, %dma_start3A_520] : memref<262144x128xf32, #tpu.memory_space<hbm>> -> memref<64x128xf32, #tpu.memory_space<hbm>>
      %dma_start3A_522 = arith.constant 0 : i32
      %dma_start3A_523 = arith.constant 0 : i32
      %dma_start3A_524 = tpu.memref_slice %arg8[%dma_start3A_510, %dma_start3A_522, %dma_start3A_523] : memref<8x64x128xf32, #tpu.memory_space<vmem>> -> memref<1x64x128xf32, #tpu.memory_space<vmem>>
      %dma_start3A_525 = tpu.memref_squeeze %dma_start3A_524 : memref<1x64x128xf32, #tpu.memory_space<vmem>> -> memref<64x128xf32, #tpu.memory_space<vmem>>
      tpu.enqueue_dma source(%dma_start3A_525 : memref<64x128xf32, #tpu.memory_space<vmem>>) target(%dma_start3A_521 : memref<64x128xf32, #tpu.memory_space<hbm>>) target_semaphore(%dma_start3A_519 : memref<!tpu.dma_semaphore, #tpu.memory_space<semaphore_mem>>)
      %sub3A_526 = arith.constant 4 : i32
      %sub3A_527 = arith.subi %add3A_492, %sub3A_526 : i32
      %ge3A_528 = arith.constant 0 : i32
      %ge3A_529 = arith.cmpi sge, %sub3A_527, %ge3A_528 : i32
      %convert_element_type3A_530 = arith.extui %ge3A_529 : i1 to i32
      %cond3A_531 = arith.constant 0 : i32
      %cond3A_532 = arith.cmpi ne, %convert_element_type3A_530, %cond3A_531 : i32
      scf.if %cond3A_532 {
        %mul3A_701 = arith.constant 64 : i32
        %mul3A_702 = arith.muli %sub3A_527, %mul3A_701 : i32
        %add3A_703 = arith.addi %mul3A_2, %mul3A_702 : i32
        %dma_wait3A_704 = arith.constant 7 : i32
        %dma_wait3A_705 = arith.constant 7 : i32
        %dma_wait3A_706 = arith.constant 0 : i32
        %dma_wait3A_707 = arith.constant 0 : i32
        %dma_wait3A_708 = tpu.memref_slice %arg8[%dma_wait3A_704, %dma_wait3A_706, %dma_wait3A_707] : memref<8x64x128xf32, #tpu.memory_space<vmem>> -> memref<1x64x128xf32, #tpu.memory_space<vmem>>
        %dma_wait3A_709 = tpu.memref_squeeze %dma_wait3A_708 : memref<1x64x128xf32, #tpu.memory_space<vmem>> -> memref<64x128xf32, #tpu.memory_space<vmem>>
        %dma_wait3A_710 = arith.constant 0 : i32
        %dma_wait3A_711 = tpu.memref_slice %arg5[%add3A_703, %dma_wait3A_710] : memref<262144x128xf32, #tpu.memory_space<hbm>> -> memref<64x128xf32, #tpu.memory_space<hbm>>
        %dma_wait3A_712 = tpu.memref_slice %arg10[%dma_wait3A_705] : memref<8x!tpu.dma_semaphore, #tpu.memory_space<semaphore_mem>> -> memref<1x!tpu.dma_semaphore, #tpu.memory_space<semaphore_mem>>
        %dma_wait3A_713 = tpu.memref_squeeze %dma_wait3A_712 : memref<1x!tpu.dma_semaphore, #tpu.memory_space<semaphore_mem>> -> memref<!tpu.dma_semaphore, #tpu.memory_space<semaphore_mem>>
        %dma_wait3A_714 = arith.constant 0 : i32
        %dma_wait3A_715 = tpu.memref_slice %arg5[%add3A_703, %dma_wait3A_714] : memref<262144x128xf32, #tpu.memory_space<hbm>> -> memref<64x128xf32, #tpu.memory_space<hbm>>
        %dma_wait3A_716 = arith.constant 0 : i32
        %dma_wait3A_717 = arith.constant 0 : i32
        %dma_wait3A_718 = tpu.memref_slice %arg8[%dma_wait3A_704, %dma_wait3A_716, %dma_wait3A_717] : memref<8x64x128xf32, #tpu.memory_space<vmem>> -> memref<1x64x128xf32, #tpu.memory_space<vmem>>
        %dma_wait3A_719 = tpu.memref_squeeze %dma_wait3A_718 : memref<1x64x128xf32, #tpu.memory_space<vmem>> -> memref<64x128xf32, #tpu.memory_space<vmem>>
        tpu.wait_dma2 semaphore(%dma_wait3A_713 : memref<!tpu.dma_semaphore, #tpu.memory_space<semaphore_mem>>) src(%dma_wait3A_719 : memref<64x128xf32, #tpu.memory_space<vmem>>) dst(%dma_wait3A_715 : memref<64x128xf32, #tpu.memory_space<hbm>>)
        %add3A_720 = arith.constant 8 : i32
        %add3A_721 = arith.addi %sub3A_527, %add3A_720 : i32
        %lt3A = arith.constant 128 : i32
        %lt3A_722 = arith.cmpi slt, %add3A_721, %lt3A : i32
        %convert_element_type3A_723 = arith.extui %lt3A_722 : i1 to i32
        %cond3A_724 = arith.constant 0 : i32
        %cond3A_725 = arith.cmpi ne, %convert_element_type3A_723, %cond3A_724 : i32
        scf.if %cond3A_725 {
          %add3A_726 = arith.constant 8 : i32
          %add3A_727 = arith.addi %sub3A_527, %add3A_726 : i32
          %mul3A_728 = arith.constant 64 : i32
          %mul3A_729 = arith.muli %add3A_727, %mul3A_728 : i32
          %dma_start3A_730 = arith.constant 7 : i32
          %dma_start3A_731 = arith.constant 7 : i32
          %dma_start3A_732 = arith.constant 0 : i32
          %dma_start3A_733 = arith.constant 0 : i32
          %dma_start3A_734 = tpu.memref_slice %arg8[%dma_start3A_730, %dma_start3A_732, %dma_start3A_733] : memref<8x64x128xf32, #tpu.memory_space<vmem>> -> memref<1x64x128xf32, #tpu.memory_space<vmem>>
          %dma_start3A_735 = tpu.memref_squeeze %dma_start3A_734 : memref<1x64x128xf32, #tpu.memory_space<vmem>> -> memref<64x128xf32, #tpu.memory_space<vmem>>
          %dma_start3A_736 = tpu.memref_slice %arg7[%mul3A_729] : memref<8192xi32, #tpu.memory_space<vmem>> -> memref<64xi32, #tpu.memory_space<vmem>>
          %dma_start3A_737 = arith.constant 0 : i32
          %dma_start3A_738 = arith.constant 0 : i32
          %dma_start3A_739 = tpu.memref_slice %arg2[%dma_start3A_737, %dma_start3A_738] : memref<100000x128xf32, #tpu.memory_space<hbm>> -> memref<100000x128xf32, #tpu.memory_space<hbm>>
          %dma_start3A_740 = tpu.memref_slice %arg9[%dma_start3A_731] : memref<8x!tpu.dma_semaphore, #tpu.memory_space<semaphore_mem>> -> memref<1x!tpu.dma_semaphore, #tpu.memory_space<semaphore_mem>>
          %dma_start3A_741 = tpu.memref_squeeze %dma_start3A_740 : memref<1x!tpu.dma_semaphore, #tpu.memory_space<semaphore_mem>> -> memref<!tpu.dma_semaphore, #tpu.memory_space<semaphore_mem>>
          tpu.enqueue_indirect_dma source(%dma_start3A_739 : memref<100000x128xf32, #tpu.memory_space<hbm>>) target(%dma_start3A_735 : memref<64x128xf32, #tpu.memory_space<vmem>>) offsets(%dma_start3A_736 : memref<64xi32, #tpu.memory_space<vmem>>) semaphore(%dma_start3A_741 : memref<!tpu.dma_semaphore, #tpu.memory_space<semaphore_mem>>)
        } else {
        }
      } else {
      }
      %add3A_533 = arith.constant 4 : i32
      %add3A_534 = arith.addi %mul3A_368, %add3A_533 : i32
      %mul3A_535 = arith.constant 64 : i32
      %mul3A_536 = arith.muli %add3A_534, %mul3A_535 : i32
      %dma_wait3A_537 = arith.constant 4 : i32
      %dma_wait3A_538 = arith.constant 4 : i32
      %dma_wait3A_539 = arith.constant 0 : i32
      %dma_wait3A_540 = arith.constant 0 : i32
      %dma_wait3A_541 = tpu.memref_slice %arg8[%dma_wait3A_537, %dma_wait3A_539, %dma_wait3A_540] : memref<8x64x128xf32, #tpu.memory_space<vmem>> -> memref<1x64x128xf32, #tpu.memory_space<vmem>>
      %dma_wait3A_542 = tpu.memref_squeeze %dma_wait3A_541 : memref<1x64x128xf32, #tpu.memory_space<vmem>> -> memref<64x128xf32, #tpu.memory_space<vmem>>
      %dma_wait3A_543 = tpu.memref_slice %arg7[%mul3A_536] : memref<8192xi32, #tpu.memory_space<vmem>> -> memref<64xi32, #tpu.memory_space<vmem>>
      %dma_wait3A_544 = arith.constant 0 : i32
      %dma_wait3A_545 = arith.constant 0 : i32
      %dma_wait3A_546 = tpu.memref_slice %arg2[%dma_wait3A_544, %dma_wait3A_545] : memref<100000x128xf32, #tpu.memory_space<hbm>> -> memref<100000x128xf32, #tpu.memory_space<hbm>>
      %dma_wait3A_547 = tpu.memref_slice %arg9[%dma_wait3A_538] : memref<8x!tpu.dma_semaphore, #tpu.memory_space<semaphore_mem>> -> memref<1x!tpu.dma_semaphore, #tpu.memory_space<semaphore_mem>>
      %dma_wait3A_548 = tpu.memref_squeeze %dma_wait3A_547 : memref<1x!tpu.dma_semaphore, #tpu.memory_space<semaphore_mem>> -> memref<!tpu.dma_semaphore, #tpu.memory_space<semaphore_mem>>
      tpu.wait_indirect_dma semaphore(%dma_wait3A_548 : memref<!tpu.dma_semaphore, #tpu.memory_space<semaphore_mem>>) src(%dma_wait3A_546 : memref<100000x128xf32, #tpu.memory_space<hbm>>) dst(%dma_wait3A_542 : memref<64x128xf32, #tpu.memory_space<vmem>>)
      %mul3A_549 = arith.constant 64 : i32
      %mul3A_550 = arith.muli %add3A_534, %mul3A_549 : i32
      %add3A_551 = arith.addi %mul3A_2, %mul3A_550 : i32
      %dma_start3A_552 = arith.constant 4 : i32
      %dma_start3A_553 = arith.constant 4 : i32
      %dma_start3A_554 = arith.constant 0 : i32
      %dma_start3A_555 = arith.constant 0 : i32
      %dma_start3A_556 = tpu.memref_slice %arg8[%dma_start3A_552, %dma_start3A_554, %dma_start3A_555] : memref<8x64x128xf32, #tpu.memory_space<vmem>> -> memref<1x64x128xf32, #tpu.memory_space<vmem>>
      %dma_start3A_557 = tpu.memref_squeeze %dma_start3A_556 : memref<1x64x128xf32, #tpu.memory_space<vmem>> -> memref<64x128xf32, #tpu.memory_space<vmem>>
      %dma_start3A_558 = arith.constant 0 : i32
      %dma_start3A_559 = tpu.memref_slice %arg5[%add3A_551, %dma_start3A_558] : memref<262144x128xf32, #tpu.memory_space<hbm>> -> memref<64x128xf32, #tpu.memory_space<hbm>>
      %dma_start3A_560 = tpu.memref_slice %arg10[%dma_start3A_553] : memref<8x!tpu.dma_semaphore, #tpu.memory_space<semaphore_mem>> -> memref<1x!tpu.dma_semaphore, #tpu.memory_space<semaphore_mem>>
      %dma_start3A_561 = tpu.memref_squeeze %dma_start3A_560 : memref<1x!tpu.dma_semaphore, #tpu.memory_space<semaphore_mem>> -> memref<!tpu.dma_semaphore, #tpu.memory_space<semaphore_mem>>
      %dma_start3A_562 = arith.constant 0 : i32
      %dma_start3A_563 = tpu.memref_slice %arg5[%add3A_551, %dma_start3A_562] : memref<262144x128xf32, #tpu.memory_space<hbm>> -> memref<64x128xf32, #tpu.memory_space<hbm>>
      %dma_start3A_564 = arith.constant 0 : i32
      %dma_start3A_565 = arith.constant 0 : i32
      %dma_start3A_566 = tpu.memref_slice %arg8[%dma_start3A_552, %dma_start3A_564, %dma_start3A_565] : memref<8x64x128xf32, #tpu.memory_space<vmem>> -> memref<1x64x128xf32, #tpu.memory_space<vmem>>
      %dma_start3A_567 = tpu.memref_squeeze %dma_start3A_566 : memref<1x64x128xf32, #tpu.memory_space<vmem>> -> memref<64x128xf32, #tpu.memory_space<vmem>>
      tpu.enqueue_dma source(%dma_start3A_567 : memref<64x128xf32, #tpu.memory_space<vmem>>) target(%dma_start3A_563 : memref<64x128xf32, #tpu.memory_space<hbm>>) target_semaphore(%dma_start3A_561 : memref<!tpu.dma_semaphore, #tpu.memory_space<semaphore_mem>>)
      %sub3A_568 = arith.constant 4 : i32
      %sub3A_569 = arith.subi %add3A_534, %sub3A_568 : i32
      %ge3A_570 = arith.constant 0 : i32
      %ge3A_571 = arith.cmpi sge, %sub3A_569, %ge3A_570 : i32
      %convert_element_type3A_572 = arith.extui %ge3A_571 : i1 to i32
      %cond3A_573 = arith.constant 0 : i32
      %cond3A_574 = arith.cmpi ne, %convert_element_type3A_572, %cond3A_573 : i32
      scf.if %cond3A_574 {
        %mul3A_701 = arith.constant 64 : i32
        %mul3A_702 = arith.muli %sub3A_569, %mul3A_701 : i32
        %add3A_703 = arith.addi %mul3A_2, %mul3A_702 : i32
        %dma_wait3A_704 = arith.constant 0 : i32
        %dma_wait3A_705 = arith.constant 0 : i32
        %dma_wait3A_706 = arith.constant 0 : i32
        %dma_wait3A_707 = arith.constant 0 : i32
        %dma_wait3A_708 = tpu.memref_slice %arg8[%dma_wait3A_704, %dma_wait3A_706, %dma_wait3A_707] : memref<8x64x128xf32, #tpu.memory_space<vmem>> -> memref<1x64x128xf32, #tpu.memory_space<vmem>>
        %dma_wait3A_709 = tpu.memref_squeeze %dma_wait3A_708 : memref<1x64x128xf32, #tpu.memory_space<vmem>> -> memref<64x128xf32, #tpu.memory_space<vmem>>
        %dma_wait3A_710 = arith.constant 0 : i32
        %dma_wait3A_711 = tpu.memref_slice %arg5[%add3A_703, %dma_wait3A_710] : memref<262144x128xf32, #tpu.memory_space<hbm>> -> memref<64x128xf32, #tpu.memory_space<hbm>>
        %dma_wait3A_712 = tpu.memref_slice %arg10[%dma_wait3A_705] : memref<8x!tpu.dma_semaphore, #tpu.memory_space<semaphore_mem>> -> memref<1x!tpu.dma_semaphore, #tpu.memory_space<semaphore_mem>>
        %dma_wait3A_713 = tpu.memref_squeeze %dma_wait3A_712 : memref<1x!tpu.dma_semaphore, #tpu.memory_space<semaphore_mem>> -> memref<!tpu.dma_semaphore, #tpu.memory_space<semaphore_mem>>
        %dma_wait3A_714 = arith.constant 0 : i32
        %dma_wait3A_715 = tpu.memref_slice %arg5[%add3A_703, %dma_wait3A_714] : memref<262144x128xf32, #tpu.memory_space<hbm>> -> memref<64x128xf32, #tpu.memory_space<hbm>>
        %dma_wait3A_716 = arith.constant 0 : i32
        %dma_wait3A_717 = arith.constant 0 : i32
        %dma_wait3A_718 = tpu.memref_slice %arg8[%dma_wait3A_704, %dma_wait3A_716, %dma_wait3A_717] : memref<8x64x128xf32, #tpu.memory_space<vmem>> -> memref<1x64x128xf32, #tpu.memory_space<vmem>>
        %dma_wait3A_719 = tpu.memref_squeeze %dma_wait3A_718 : memref<1x64x128xf32, #tpu.memory_space<vmem>> -> memref<64x128xf32, #tpu.memory_space<vmem>>
        tpu.wait_dma2 semaphore(%dma_wait3A_713 : memref<!tpu.dma_semaphore, #tpu.memory_space<semaphore_mem>>) src(%dma_wait3A_719 : memref<64x128xf32, #tpu.memory_space<vmem>>) dst(%dma_wait3A_715 : memref<64x128xf32, #tpu.memory_space<hbm>>)
        %add3A_720 = arith.constant 8 : i32
        %add3A_721 = arith.addi %sub3A_569, %add3A_720 : i32
        %lt3A = arith.constant 128 : i32
        %lt3A_722 = arith.cmpi slt, %add3A_721, %lt3A : i32
        %convert_element_type3A_723 = arith.extui %lt3A_722 : i1 to i32
        %cond3A_724 = arith.constant 0 : i32
        %cond3A_725 = arith.cmpi ne, %convert_element_type3A_723, %cond3A_724 : i32
        scf.if %cond3A_725 {
          %add3A_726 = arith.constant 8 : i32
          %add3A_727 = arith.addi %sub3A_569, %add3A_726 : i32
          %mul3A_728 = arith.constant 64 : i32
          %mul3A_729 = arith.muli %add3A_727, %mul3A_728 : i32
          %dma_start3A_730 = arith.constant 0 : i32
          %dma_start3A_731 = arith.constant 0 : i32
          %dma_start3A_732 = arith.constant 0 : i32
          %dma_start3A_733 = arith.constant 0 : i32
          %dma_start3A_734 = tpu.memref_slice %arg8[%dma_start3A_730, %dma_start3A_732, %dma_start3A_733] : memref<8x64x128xf32, #tpu.memory_space<vmem>> -> memref<1x64x128xf32, #tpu.memory_space<vmem>>
          %dma_start3A_735 = tpu.memref_squeeze %dma_start3A_734 : memref<1x64x128xf32, #tpu.memory_space<vmem>> -> memref<64x128xf32, #tpu.memory_space<vmem>>
          %dma_start3A_736 = tpu.memref_slice %arg7[%mul3A_729] : memref<8192xi32, #tpu.memory_space<vmem>> -> memref<64xi32, #tpu.memory_space<vmem>>
          %dma_start3A_737 = arith.constant 0 : i32
          %dma_start3A_738 = arith.constant 0 : i32
          %dma_start3A_739 = tpu.memref_slice %arg2[%dma_start3A_737, %dma_start3A_738] : memref<100000x128xf32, #tpu.memory_space<hbm>> -> memref<100000x128xf32, #tpu.memory_space<hbm>>
          %dma_start3A_740 = tpu.memref_slice %arg9[%dma_start3A_731] : memref<8x!tpu.dma_semaphore, #tpu.memory_space<semaphore_mem>> -> memref<1x!tpu.dma_semaphore, #tpu.memory_space<semaphore_mem>>
          %dma_start3A_741 = tpu.memref_squeeze %dma_start3A_740 : memref<1x!tpu.dma_semaphore, #tpu.memory_space<semaphore_mem>> -> memref<!tpu.dma_semaphore, #tpu.memory_space<semaphore_mem>>
          tpu.enqueue_indirect_dma source(%dma_start3A_739 : memref<100000x128xf32, #tpu.memory_space<hbm>>) target(%dma_start3A_735 : memref<64x128xf32, #tpu.memory_space<vmem>>) offsets(%dma_start3A_736 : memref<64xi32, #tpu.memory_space<vmem>>) semaphore(%dma_start3A_741 : memref<!tpu.dma_semaphore, #tpu.memory_space<semaphore_mem>>)
        } else {
        }
      } else {
      }
      %add3A_575 = arith.constant 5 : i32
      %add3A_576 = arith.addi %mul3A_368, %add3A_575 : i32
      %mul3A_577 = arith.constant 64 : i32
      %mul3A_578 = arith.muli %add3A_576, %mul3A_577 : i32
      %dma_wait3A_579 = arith.constant 5 : i32
      %dma_wait3A_580 = arith.constant 5 : i32
      %dma_wait3A_581 = arith.constant 0 : i32
      %dma_wait3A_582 = arith.constant 0 : i32
      %dma_wait3A_583 = tpu.memref_slice %arg8[%dma_wait3A_579, %dma_wait3A_581, %dma_wait3A_582] : memref<8x64x128xf32, #tpu.memory_space<vmem>> -> memref<1x64x128xf32, #tpu.memory_space<vmem>>
      %dma_wait3A_584 = tpu.memref_squeeze %dma_wait3A_583 : memref<1x64x128xf32, #tpu.memory_space<vmem>> -> memref<64x128xf32, #tpu.memory_space<vmem>>
      %dma_wait3A_585 = tpu.memref_slice %arg7[%mul3A_578] : memref<8192xi32, #tpu.memory_space<vmem>> -> memref<64xi32, #tpu.memory_space<vmem>>
      %dma_wait3A_586 = arith.constant 0 : i32
      %dma_wait3A_587 = arith.constant 0 : i32
      %dma_wait3A_588 = tpu.memref_slice %arg2[%dma_wait3A_586, %dma_wait3A_587] : memref<100000x128xf32, #tpu.memory_space<hbm>> -> memref<100000x128xf32, #tpu.memory_space<hbm>>
      %dma_wait3A_589 = tpu.memref_slice %arg9[%dma_wait3A_580] : memref<8x!tpu.dma_semaphore, #tpu.memory_space<semaphore_mem>> -> memref<1x!tpu.dma_semaphore, #tpu.memory_space<semaphore_mem>>
      %dma_wait3A_590 = tpu.memref_squeeze %dma_wait3A_589 : memref<1x!tpu.dma_semaphore, #tpu.memory_space<semaphore_mem>> -> memref<!tpu.dma_semaphore, #tpu.memory_space<semaphore_mem>>
      tpu.wait_indirect_dma semaphore(%dma_wait3A_590 : memref<!tpu.dma_semaphore, #tpu.memory_space<semaphore_mem>>) src(%dma_wait3A_588 : memref<100000x128xf32, #tpu.memory_space<hbm>>) dst(%dma_wait3A_584 : memref<64x128xf32, #tpu.memory_space<vmem>>)
      %mul3A_591 = arith.constant 64 : i32
      %mul3A_592 = arith.muli %add3A_576, %mul3A_591 : i32
      %add3A_593 = arith.addi %mul3A_2, %mul3A_592 : i32
      %dma_start3A_594 = arith.constant 5 : i32
      %dma_start3A_595 = arith.constant 5 : i32
      %dma_start3A_596 = arith.constant 0 : i32
      %dma_start3A_597 = arith.constant 0 : i32
      %dma_start3A_598 = tpu.memref_slice %arg8[%dma_start3A_594, %dma_start3A_596, %dma_start3A_597] : memref<8x64x128xf32, #tpu.memory_space<vmem>> -> memref<1x64x128xf32, #tpu.memory_space<vmem>>
      %dma_start3A_599 = tpu.memref_squeeze %dma_start3A_598 : memref<1x64x128xf32, #tpu.memory_space<vmem>> -> memref<64x128xf32, #tpu.memory_space<vmem>>
      %dma_start3A_600 = arith.constant 0 : i32
      %dma_start3A_601 = tpu.memref_slice %arg5[%add3A_593, %dma_start3A_600] : memref<262144x128xf32, #tpu.memory_space<hbm>> -> memref<64x128xf32, #tpu.memory_space<hbm>>
      %dma_start3A_602 = tpu.memref_slice %arg10[%dma_start3A_595] : memref<8x!tpu.dma_semaphore, #tpu.memory_space<semaphore_mem>> -> memref<1x!tpu.dma_semaphore, #tpu.memory_space<semaphore_mem>>
      %dma_start3A_603 = tpu.memref_squeeze %dma_start3A_602 : memref<1x!tpu.dma_semaphore, #tpu.memory_space<semaphore_mem>> -> memref<!tpu.dma_semaphore, #tpu.memory_space<semaphore_mem>>
      %dma_start3A_604 = arith.constant 0 : i32
      %dma_start3A_605 = tpu.memref_slice %arg5[%add3A_593, %dma_start3A_604] : memref<262144x128xf32, #tpu.memory_space<hbm>> -> memref<64x128xf32, #tpu.memory_space<hbm>>
      %dma_start3A_606 = arith.constant 0 : i32
      %dma_start3A_607 = arith.constant 0 : i32
      %dma_start3A_608 = tpu.memref_slice %arg8[%dma_start3A_594, %dma_start3A_606, %dma_start3A_607] : memref<8x64x128xf32, #tpu.memory_space<vmem>> -> memref<1x64x128xf32, #tpu.memory_space<vmem>>
      %dma_start3A_609 = tpu.memref_squeeze %dma_start3A_608 : memref<1x64x128xf32, #tpu.memory_space<vmem>> -> memref<64x128xf32, #tpu.memory_space<vmem>>
      tpu.enqueue_dma source(%dma_start3A_609 : memref<64x128xf32, #tpu.memory_space<vmem>>) target(%dma_start3A_605 : memref<64x128xf32, #tpu.memory_space<hbm>>) target_semaphore(%dma_start3A_603 : memref<!tpu.dma_semaphore, #tpu.memory_space<semaphore_mem>>)
      %sub3A_610 = arith.constant 4 : i32
      %sub3A_611 = arith.subi %add3A_576, %sub3A_610 : i32
      %ge3A_612 = arith.constant 0 : i32
      %ge3A_613 = arith.cmpi sge, %sub3A_611, %ge3A_612 : i32
      %convert_element_type3A_614 = arith.extui %ge3A_613 : i1 to i32
      %cond3A_615 = arith.constant 0 : i32
      %cond3A_616 = arith.cmpi ne, %convert_element_type3A_614, %cond3A_615 : i32
      scf.if %cond3A_616 {
        %mul3A_701 = arith.constant 64 : i32
        %mul3A_702 = arith.muli %sub3A_611, %mul3A_701 : i32
        %add3A_703 = arith.addi %mul3A_2, %mul3A_702 : i32
        %dma_wait3A_704 = arith.constant 1 : i32
        %dma_wait3A_705 = arith.constant 1 : i32
        %dma_wait3A_706 = arith.constant 0 : i32
        %dma_wait3A_707 = arith.constant 0 : i32
        %dma_wait3A_708 = tpu.memref_slice %arg8[%dma_wait3A_704, %dma_wait3A_706, %dma_wait3A_707] : memref<8x64x128xf32, #tpu.memory_space<vmem>> -> memref<1x64x128xf32, #tpu.memory_space<vmem>>
        %dma_wait3A_709 = tpu.memref_squeeze %dma_wait3A_708 : memref<1x64x128xf32, #tpu.memory_space<vmem>> -> memref<64x128xf32, #tpu.memory_space<vmem>>
        %dma_wait3A_710 = arith.constant 0 : i32
        %dma_wait3A_711 = tpu.memref_slice %arg5[%add3A_703, %dma_wait3A_710] : memref<262144x128xf32, #tpu.memory_space<hbm>> -> memref<64x128xf32, #tpu.memory_space<hbm>>
        %dma_wait3A_712 = tpu.memref_slice %arg10[%dma_wait3A_705] : memref<8x!tpu.dma_semaphore, #tpu.memory_space<semaphore_mem>> -> memref<1x!tpu.dma_semaphore, #tpu.memory_space<semaphore_mem>>
        %dma_wait3A_713 = tpu.memref_squeeze %dma_wait3A_712 : memref<1x!tpu.dma_semaphore, #tpu.memory_space<semaphore_mem>> -> memref<!tpu.dma_semaphore, #tpu.memory_space<semaphore_mem>>
        %dma_wait3A_714 = arith.constant 0 : i32
        %dma_wait3A_715 = tpu.memref_slice %arg5[%add3A_703, %dma_wait3A_714] : memref<262144x128xf32, #tpu.memory_space<hbm>> -> memref<64x128xf32, #tpu.memory_space<hbm>>
        %dma_wait3A_716 = arith.constant 0 : i32
        %dma_wait3A_717 = arith.constant 0 : i32
        %dma_wait3A_718 = tpu.memref_slice %arg8[%dma_wait3A_704, %dma_wait3A_716, %dma_wait3A_717] : memref<8x64x128xf32, #tpu.memory_space<vmem>> -> memref<1x64x128xf32, #tpu.memory_space<vmem>>
        %dma_wait3A_719 = tpu.memref_squeeze %dma_wait3A_718 : memref<1x64x128xf32, #tpu.memory_space<vmem>> -> memref<64x128xf32, #tpu.memory_space<vmem>>
        tpu.wait_dma2 semaphore(%dma_wait3A_713 : memref<!tpu.dma_semaphore, #tpu.memory_space<semaphore_mem>>) src(%dma_wait3A_719 : memref<64x128xf32, #tpu.memory_space<vmem>>) dst(%dma_wait3A_715 : memref<64x128xf32, #tpu.memory_space<hbm>>)
        %add3A_720 = arith.constant 8 : i32
        %add3A_721 = arith.addi %sub3A_611, %add3A_720 : i32
        %lt3A = arith.constant 128 : i32
        %lt3A_722 = arith.cmpi slt, %add3A_721, %lt3A : i32
        %convert_element_type3A_723 = arith.extui %lt3A_722 : i1 to i32
        %cond3A_724 = arith.constant 0 : i32
        %cond3A_725 = arith.cmpi ne, %convert_element_type3A_723, %cond3A_724 : i32
        scf.if %cond3A_725 {
          %add3A_726 = arith.constant 8 : i32
          %add3A_727 = arith.addi %sub3A_611, %add3A_726 : i32
          %mul3A_728 = arith.constant 64 : i32
          %mul3A_729 = arith.muli %add3A_727, %mul3A_728 : i32
          %dma_start3A_730 = arith.constant 1 : i32
          %dma_start3A_731 = arith.constant 1 : i32
          %dma_start3A_732 = arith.constant 0 : i32
          %dma_start3A_733 = arith.constant 0 : i32
          %dma_start3A_734 = tpu.memref_slice %arg8[%dma_start3A_730, %dma_start3A_732, %dma_start3A_733] : memref<8x64x128xf32, #tpu.memory_space<vmem>> -> memref<1x64x128xf32, #tpu.memory_space<vmem>>
          %dma_start3A_735 = tpu.memref_squeeze %dma_start3A_734 : memref<1x64x128xf32, #tpu.memory_space<vmem>> -> memref<64x128xf32, #tpu.memory_space<vmem>>
          %dma_start3A_736 = tpu.memref_slice %arg7[%mul3A_729] : memref<8192xi32, #tpu.memory_space<vmem>> -> memref<64xi32, #tpu.memory_space<vmem>>
          %dma_start3A_737 = arith.constant 0 : i32
          %dma_start3A_738 = arith.constant 0 : i32
          %dma_start3A_739 = tpu.memref_slice %arg2[%dma_start3A_737, %dma_start3A_738] : memref<100000x128xf32, #tpu.memory_space<hbm>> -> memref<100000x128xf32, #tpu.memory_space<hbm>>
          %dma_start3A_740 = tpu.memref_slice %arg9[%dma_start3A_731] : memref<8x!tpu.dma_semaphore, #tpu.memory_space<semaphore_mem>> -> memref<1x!tpu.dma_semaphore, #tpu.memory_space<semaphore_mem>>
          %dma_start3A_741 = tpu.memref_squeeze %dma_start3A_740 : memref<1x!tpu.dma_semaphore, #tpu.memory_space<semaphore_mem>> -> memref<!tpu.dma_semaphore, #tpu.memory_space<semaphore_mem>>
          tpu.enqueue_indirect_dma source(%dma_start3A_739 : memref<100000x128xf32, #tpu.memory_space<hbm>>) target(%dma_start3A_735 : memref<64x128xf32, #tpu.memory_space<vmem>>) offsets(%dma_start3A_736 : memref<64xi32, #tpu.memory_space<vmem>>) semaphore(%dma_start3A_741 : memref<!tpu.dma_semaphore, #tpu.memory_space<semaphore_mem>>)
        } else {
        }
      } else {
      }
      %add3A_617 = arith.constant 6 : i32
      %add3A_618 = arith.addi %mul3A_368, %add3A_617 : i32
      %mul3A_619 = arith.constant 64 : i32
      %mul3A_620 = arith.muli %add3A_618, %mul3A_619 : i32
      %dma_wait3A_621 = arith.constant 6 : i32
      %dma_wait3A_622 = arith.constant 6 : i32
      %dma_wait3A_623 = arith.constant 0 : i32
      %dma_wait3A_624 = arith.constant 0 : i32
      %dma_wait3A_625 = tpu.memref_slice %arg8[%dma_wait3A_621, %dma_wait3A_623, %dma_wait3A_624] : memref<8x64x128xf32, #tpu.memory_space<vmem>> -> memref<1x64x128xf32, #tpu.memory_space<vmem>>
      %dma_wait3A_626 = tpu.memref_squeeze %dma_wait3A_625 : memref<1x64x128xf32, #tpu.memory_space<vmem>> -> memref<64x128xf32, #tpu.memory_space<vmem>>
      %dma_wait3A_627 = tpu.memref_slice %arg7[%mul3A_620] : memref<8192xi32, #tpu.memory_space<vmem>> -> memref<64xi32, #tpu.memory_space<vmem>>
      %dma_wait3A_628 = arith.constant 0 : i32
      %dma_wait3A_629 = arith.constant 0 : i32
      %dma_wait3A_630 = tpu.memref_slice %arg2[%dma_wait3A_628, %dma_wait3A_629] : memref<100000x128xf32, #tpu.memory_space<hbm>> -> memref<100000x128xf32, #tpu.memory_space<hbm>>
      %dma_wait3A_631 = tpu.memref_slice %arg9[%dma_wait3A_622] : memref<8x!tpu.dma_semaphore, #tpu.memory_space<semaphore_mem>> -> memref<1x!tpu.dma_semaphore, #tpu.memory_space<semaphore_mem>>
      %dma_wait3A_632 = tpu.memref_squeeze %dma_wait3A_631 : memref<1x!tpu.dma_semaphore, #tpu.memory_space<semaphore_mem>> -> memref<!tpu.dma_semaphore, #tpu.memory_space<semaphore_mem>>
      tpu.wait_indirect_dma semaphore(%dma_wait3A_632 : memref<!tpu.dma_semaphore, #tpu.memory_space<semaphore_mem>>) src(%dma_wait3A_630 : memref<100000x128xf32, #tpu.memory_space<hbm>>) dst(%dma_wait3A_626 : memref<64x128xf32, #tpu.memory_space<vmem>>)
      %mul3A_633 = arith.constant 64 : i32
      %mul3A_634 = arith.muli %add3A_618, %mul3A_633 : i32
      %add3A_635 = arith.addi %mul3A_2, %mul3A_634 : i32
      %dma_start3A_636 = arith.constant 6 : i32
      %dma_start3A_637 = arith.constant 6 : i32
      %dma_start3A_638 = arith.constant 0 : i32
      %dma_start3A_639 = arith.constant 0 : i32
      %dma_start3A_640 = tpu.memref_slice %arg8[%dma_start3A_636, %dma_start3A_638, %dma_start3A_639] : memref<8x64x128xf32, #tpu.memory_space<vmem>> -> memref<1x64x128xf32, #tpu.memory_space<vmem>>
      %dma_start3A_641 = tpu.memref_squeeze %dma_start3A_640 : memref<1x64x128xf32, #tpu.memory_space<vmem>> -> memref<64x128xf32, #tpu.memory_space<vmem>>
      %dma_start3A_642 = arith.constant 0 : i32
      %dma_start3A_643 = tpu.memref_slice %arg5[%add3A_635, %dma_start3A_642] : memref<262144x128xf32, #tpu.memory_space<hbm>> -> memref<64x128xf32, #tpu.memory_space<hbm>>
      %dma_start3A_644 = tpu.memref_slice %arg10[%dma_start3A_637] : memref<8x!tpu.dma_semaphore, #tpu.memory_space<semaphore_mem>> -> memref<1x!tpu.dma_semaphore, #tpu.memory_space<semaphore_mem>>
      %dma_start3A_645 = tpu.memref_squeeze %dma_start3A_644 : memref<1x!tpu.dma_semaphore, #tpu.memory_space<semaphore_mem>> -> memref<!tpu.dma_semaphore, #tpu.memory_space<semaphore_mem>>
      %dma_start3A_646 = arith.constant 0 : i32
      %dma_start3A_647 = tpu.memref_slice %arg5[%add3A_635, %dma_start3A_646] : memref<262144x128xf32, #tpu.memory_space<hbm>> -> memref<64x128xf32, #tpu.memory_space<hbm>>
      %dma_start3A_648 = arith.constant 0 : i32
      %dma_start3A_649 = arith.constant 0 : i32
      %dma_start3A_650 = tpu.memref_slice %arg8[%dma_start3A_636, %dma_start3A_648, %dma_start3A_649] : memref<8x64x128xf32, #tpu.memory_space<vmem>> -> memref<1x64x128xf32, #tpu.memory_space<vmem>>
      %dma_start3A_651 = tpu.memref_squeeze %dma_start3A_650 : memref<1x64x128xf32, #tpu.memory_space<vmem>> -> memref<64x128xf32, #tpu.memory_space<vmem>>
      tpu.enqueue_dma source(%dma_start3A_651 : memref<64x128xf32, #tpu.memory_space<vmem>>) target(%dma_start3A_647 : memref<64x128xf32, #tpu.memory_space<hbm>>) target_semaphore(%dma_start3A_645 : memref<!tpu.dma_semaphore, #tpu.memory_space<semaphore_mem>>)
      %sub3A_652 = arith.constant 4 : i32
      %sub3A_653 = arith.subi %add3A_618, %sub3A_652 : i32
      %ge3A_654 = arith.constant 0 : i32
      %ge3A_655 = arith.cmpi sge, %sub3A_653, %ge3A_654 : i32
      %convert_element_type3A_656 = arith.extui %ge3A_655 : i1 to i32
      %cond3A_657 = arith.constant 0 : i32
      %cond3A_658 = arith.cmpi ne, %convert_element_type3A_656, %cond3A_657 : i32
      scf.if %cond3A_658 {
        %mul3A_701 = arith.constant 64 : i32
        %mul3A_702 = arith.muli %sub3A_653, %mul3A_701 : i32
        %add3A_703 = arith.addi %mul3A_2, %mul3A_702 : i32
        %dma_wait3A_704 = arith.constant 2 : i32
        %dma_wait3A_705 = arith.constant 2 : i32
        %dma_wait3A_706 = arith.constant 0 : i32
        %dma_wait3A_707 = arith.constant 0 : i32
        %dma_wait3A_708 = tpu.memref_slice %arg8[%dma_wait3A_704, %dma_wait3A_706, %dma_wait3A_707] : memref<8x64x128xf32, #tpu.memory_space<vmem>> -> memref<1x64x128xf32, #tpu.memory_space<vmem>>
        %dma_wait3A_709 = tpu.memref_squeeze %dma_wait3A_708 : memref<1x64x128xf32, #tpu.memory_space<vmem>> -> memref<64x128xf32, #tpu.memory_space<vmem>>
        %dma_wait3A_710 = arith.constant 0 : i32
        %dma_wait3A_711 = tpu.memref_slice %arg5[%add3A_703, %dma_wait3A_710] : memref<262144x128xf32, #tpu.memory_space<hbm>> -> memref<64x128xf32, #tpu.memory_space<hbm>>
        %dma_wait3A_712 = tpu.memref_slice %arg10[%dma_wait3A_705] : memref<8x!tpu.dma_semaphore, #tpu.memory_space<semaphore_mem>> -> memref<1x!tpu.dma_semaphore, #tpu.memory_space<semaphore_mem>>
        %dma_wait3A_713 = tpu.memref_squeeze %dma_wait3A_712 : memref<1x!tpu.dma_semaphore, #tpu.memory_space<semaphore_mem>> -> memref<!tpu.dma_semaphore, #tpu.memory_space<semaphore_mem>>
        %dma_wait3A_714 = arith.constant 0 : i32
        %dma_wait3A_715 = tpu.memref_slice %arg5[%add3A_703, %dma_wait3A_714] : memref<262144x128xf32, #tpu.memory_space<hbm>> -> memref<64x128xf32, #tpu.memory_space<hbm>>
        %dma_wait3A_716 = arith.constant 0 : i32
        %dma_wait3A_717 = arith.constant 0 : i32
        %dma_wait3A_718 = tpu.memref_slice %arg8[%dma_wait3A_704, %dma_wait3A_716, %dma_wait3A_717] : memref<8x64x128xf32, #tpu.memory_space<vmem>> -> memref<1x64x128xf32, #tpu.memory_space<vmem>>
        %dma_wait3A_719 = tpu.memref_squeeze %dma_wait3A_718 : memref<1x64x128xf32, #tpu.memory_space<vmem>> -> memref<64x128xf32, #tpu.memory_space<vmem>>
        tpu.wait_dma2 semaphore(%dma_wait3A_713 : memref<!tpu.dma_semaphore, #tpu.memory_space<semaphore_mem>>) src(%dma_wait3A_719 : memref<64x128xf32, #tpu.memory_space<vmem>>) dst(%dma_wait3A_715 : memref<64x128xf32, #tpu.memory_space<hbm>>)
        %add3A_720 = arith.constant 8 : i32
        %add3A_721 = arith.addi %sub3A_653, %add3A_720 : i32
        %lt3A = arith.constant 128 : i32
        %lt3A_722 = arith.cmpi slt, %add3A_721, %lt3A : i32
        %convert_element_type3A_723 = arith.extui %lt3A_722 : i1 to i32
        %cond3A_724 = arith.constant 0 : i32
        %cond3A_725 = arith.cmpi ne, %convert_element_type3A_723, %cond3A_724 : i32
        scf.if %cond3A_725 {
          %add3A_726 = arith.constant 8 : i32
          %add3A_727 = arith.addi %sub3A_653, %add3A_726 : i32
          %mul3A_728 = arith.constant 64 : i32
          %mul3A_729 = arith.muli %add3A_727, %mul3A_728 : i32
          %dma_start3A_730 = arith.constant 2 : i32
          %dma_start3A_731 = arith.constant 2 : i32
          %dma_start3A_732 = arith.constant 0 : i32
          %dma_start3A_733 = arith.constant 0 : i32
          %dma_start3A_734 = tpu.memref_slice %arg8[%dma_start3A_730, %dma_start3A_732, %dma_start3A_733] : memref<8x64x128xf32, #tpu.memory_space<vmem>> -> memref<1x64x128xf32, #tpu.memory_space<vmem>>
          %dma_start3A_735 = tpu.memref_squeeze %dma_start3A_734 : memref<1x64x128xf32, #tpu.memory_space<vmem>> -> memref<64x128xf32, #tpu.memory_space<vmem>>
          %dma_start3A_736 = tpu.memref_slice %arg7[%mul3A_729] : memref<8192xi32, #tpu.memory_space<vmem>> -> memref<64xi32, #tpu.memory_space<vmem>>
          %dma_start3A_737 = arith.constant 0 : i32
          %dma_start3A_738 = arith.constant 0 : i32
          %dma_start3A_739 = tpu.memref_slice %arg2[%dma_start3A_737, %dma_start3A_738] : memref<100000x128xf32, #tpu.memory_space<hbm>> -> memref<100000x128xf32, #tpu.memory_space<hbm>>
          %dma_start3A_740 = tpu.memref_slice %arg9[%dma_start3A_731] : memref<8x!tpu.dma_semaphore, #tpu.memory_space<semaphore_mem>> -> memref<1x!tpu.dma_semaphore, #tpu.memory_space<semaphore_mem>>
          %dma_start3A_741 = tpu.memref_squeeze %dma_start3A_740 : memref<1x!tpu.dma_semaphore, #tpu.memory_space<semaphore_mem>> -> memref<!tpu.dma_semaphore, #tpu.memory_space<semaphore_mem>>
          tpu.enqueue_indirect_dma source(%dma_start3A_739 : memref<100000x128xf32, #tpu.memory_space<hbm>>) target(%dma_start3A_735 : memref<64x128xf32, #tpu.memory_space<vmem>>) offsets(%dma_start3A_736 : memref<64xi32, #tpu.memory_space<vmem>>) semaphore(%dma_start3A_741 : memref<!tpu.dma_semaphore, #tpu.memory_space<semaphore_mem>>)
        } else {
        }
      } else {
      }
      %add3A_659 = arith.constant 7 : i32
      %add3A_660 = arith.addi %mul3A_368, %add3A_659 : i32
      %mul3A_661 = arith.constant 64 : i32
      %mul3A_662 = arith.muli %add3A_660, %mul3A_661 : i32
      %dma_wait3A_663 = arith.constant 7 : i32
      %dma_wait3A_664 = arith.constant 7 : i32
      %dma_wait3A_665 = arith.constant 0 : i32
      %dma_wait3A_666 = arith.constant 0 : i32
      %dma_wait3A_667 = tpu.memref_slice %arg8[%dma_wait3A_663, %dma_wait3A_665, %dma_wait3A_666] : memref<8x64x128xf32, #tpu.memory_space<vmem>> -> memref<1x64x128xf32, #tpu.memory_space<vmem>>
      %dma_wait3A_668 = tpu.memref_squeeze %dma_wait3A_667 : memref<1x64x128xf32, #tpu.memory_space<vmem>> -> memref<64x128xf32, #tpu.memory_space<vmem>>
      %dma_wait3A_669 = tpu.memref_slice %arg7[%mul3A_662] : memref<8192xi32, #tpu.memory_space<vmem>> -> memref<64xi32, #tpu.memory_space<vmem>>
      %dma_wait3A_670 = arith.constant 0 : i32
      %dma_wait3A_671 = arith.constant 0 : i32
      %dma_wait3A_672 = tpu.memref_slice %arg2[%dma_wait3A_670, %dma_wait3A_671] : memref<100000x128xf32, #tpu.memory_space<hbm>> -> memref<100000x128xf32, #tpu.memory_space<hbm>>
      %dma_wait3A_673 = tpu.memref_slice %arg9[%dma_wait3A_664] : memref<8x!tpu.dma_semaphore, #tpu.memory_space<semaphore_mem>> -> memref<1x!tpu.dma_semaphore, #tpu.memory_space<semaphore_mem>>
      %dma_wait3A_674 = tpu.memref_squeeze %dma_wait3A_673 : memref<1x!tpu.dma_semaphore, #tpu.memory_space<semaphore_mem>> -> memref<!tpu.dma_semaphore, #tpu.memory_space<semaphore_mem>>
      tpu.wait_indirect_dma semaphore(%dma_wait3A_674 : memref<!tpu.dma_semaphore, #tpu.memory_space<semaphore_mem>>) src(%dma_wait3A_672 : memref<100000x128xf32, #tpu.memory_space<hbm>>) dst(%dma_wait3A_668 : memref<64x128xf32, #tpu.memory_space<vmem>>)
      %mul3A_675 = arith.constant 64 : i32
      %mul3A_676 = arith.muli %add3A_660, %mul3A_675 : i32
      %add3A_677 = arith.addi %mul3A_2, %mul3A_676 : i32
      %dma_start3A_678 = arith.constant 7 : i32
      %dma_start3A_679 = arith.constant 7 : i32
      %dma_start3A_680 = arith.constant 0 : i32
      %dma_start3A_681 = arith.constant 0 : i32
      %dma_start3A_682 = tpu.memref_slice %arg8[%dma_start3A_678, %dma_start3A_680, %dma_start3A_681] : memref<8x64x128xf32, #tpu.memory_space<vmem>> -> memref<1x64x128xf32, #tpu.memory_space<vmem>>
      %dma_start3A_683 = tpu.memref_squeeze %dma_start3A_682 : memref<1x64x128xf32, #tpu.memory_space<vmem>> -> memref<64x128xf32, #tpu.memory_space<vmem>>
      %dma_start3A_684 = arith.constant 0 : i32
      %dma_start3A_685 = tpu.memref_slice %arg5[%add3A_677, %dma_start3A_684] : memref<262144x128xf32, #tpu.memory_space<hbm>> -> memref<64x128xf32, #tpu.memory_space<hbm>>
      %dma_start3A_686 = tpu.memref_slice %arg10[%dma_start3A_679] : memref<8x!tpu.dma_semaphore, #tpu.memory_space<semaphore_mem>> -> memref<1x!tpu.dma_semaphore, #tpu.memory_space<semaphore_mem>>
      %dma_start3A_687 = tpu.memref_squeeze %dma_start3A_686 : memref<1x!tpu.dma_semaphore, #tpu.memory_space<semaphore_mem>> -> memref<!tpu.dma_semaphore, #tpu.memory_space<semaphore_mem>>
      %dma_start3A_688 = arith.constant 0 : i32
      %dma_start3A_689 = tpu.memref_slice %arg5[%add3A_677, %dma_start3A_688] : memref<262144x128xf32, #tpu.memory_space<hbm>> -> memref<64x128xf32, #tpu.memory_space<hbm>>
      %dma_start3A_690 = arith.constant 0 : i32
      %dma_start3A_691 = arith.constant 0 : i32
      %dma_start3A_692 = tpu.memref_slice %arg8[%dma_start3A_678, %dma_start3A_690, %dma_start3A_691] : memref<8x64x128xf32, #tpu.memory_space<vmem>> -> memref<1x64x128xf32, #tpu.memory_space<vmem>>
      %dma_start3A_693 = tpu.memref_squeeze %dma_start3A_692 : memref<1x64x128xf32, #tpu.memory_space<vmem>> -> memref<64x128xf32, #tpu.memory_space<vmem>>
      tpu.enqueue_dma source(%dma_start3A_693 : memref<64x128xf32, #tpu.memory_space<vmem>>) target(%dma_start3A_689 : memref<64x128xf32, #tpu.memory_space<hbm>>) target_semaphore(%dma_start3A_687 : memref<!tpu.dma_semaphore, #tpu.memory_space<semaphore_mem>>)
      %sub3A_694 = arith.constant 4 : i32
      %sub3A_695 = arith.subi %add3A_660, %sub3A_694 : i32
      %ge3A_696 = arith.constant 0 : i32
      %ge3A_697 = arith.cmpi sge, %sub3A_695, %ge3A_696 : i32
      %convert_element_type3A_698 = arith.extui %ge3A_697 : i1 to i32
      %cond3A_699 = arith.constant 0 : i32
      %cond3A_700 = arith.cmpi ne, %convert_element_type3A_698, %cond3A_699 : i32
      scf.if %cond3A_700 {
        %mul3A_701 = arith.constant 64 : i32
        %mul3A_702 = arith.muli %sub3A_695, %mul3A_701 : i32
        %add3A_703 = arith.addi %mul3A_2, %mul3A_702 : i32
        %dma_wait3A_704 = arith.constant 3 : i32
        %dma_wait3A_705 = arith.constant 3 : i32
        %dma_wait3A_706 = arith.constant 0 : i32
        %dma_wait3A_707 = arith.constant 0 : i32
        %dma_wait3A_708 = tpu.memref_slice %arg8[%dma_wait3A_704, %dma_wait3A_706, %dma_wait3A_707] : memref<8x64x128xf32, #tpu.memory_space<vmem>> -> memref<1x64x128xf32, #tpu.memory_space<vmem>>
        %dma_wait3A_709 = tpu.memref_squeeze %dma_wait3A_708 : memref<1x64x128xf32, #tpu.memory_space<vmem>> -> memref<64x128xf32, #tpu.memory_space<vmem>>
        %dma_wait3A_710 = arith.constant 0 : i32
        %dma_wait3A_711 = tpu.memref_slice %arg5[%add3A_703, %dma_wait3A_710] : memref<262144x128xf32, #tpu.memory_space<hbm>> -> memref<64x128xf32, #tpu.memory_space<hbm>>
        %dma_wait3A_712 = tpu.memref_slice %arg10[%dma_wait3A_705] : memref<8x!tpu.dma_semaphore, #tpu.memory_space<semaphore_mem>> -> memref<1x!tpu.dma_semaphore, #tpu.memory_space<semaphore_mem>>
        %dma_wait3A_713 = tpu.memref_squeeze %dma_wait3A_712 : memref<1x!tpu.dma_semaphore, #tpu.memory_space<semaphore_mem>> -> memref<!tpu.dma_semaphore, #tpu.memory_space<semaphore_mem>>
        %dma_wait3A_714 = arith.constant 0 : i32
        %dma_wait3A_715 = tpu.memref_slice %arg5[%add3A_703, %dma_wait3A_714] : memref<262144x128xf32, #tpu.memory_space<hbm>> -> memref<64x128xf32, #tpu.memory_space<hbm>>
        %dma_wait3A_716 = arith.constant 0 : i32
        %dma_wait3A_717 = arith.constant 0 : i32
        %dma_wait3A_718 = tpu.memref_slice %arg8[%dma_wait3A_704, %dma_wait3A_716, %dma_wait3A_717] : memref<8x64x128xf32, #tpu.memory_space<vmem>> -> memref<1x64x128xf32, #tpu.memory_space<vmem>>
        %dma_wait3A_719 = tpu.memref_squeeze %dma_wait3A_718 : memref<1x64x128xf32, #tpu.memory_space<vmem>> -> memref<64x128xf32, #tpu.memory_space<vmem>>
        tpu.wait_dma2 semaphore(%dma_wait3A_713 : memref<!tpu.dma_semaphore, #tpu.memory_space<semaphore_mem>>) src(%dma_wait3A_719 : memref<64x128xf32, #tpu.memory_space<vmem>>) dst(%dma_wait3A_715 : memref<64x128xf32, #tpu.memory_space<hbm>>)
        %add3A_720 = arith.constant 8 : i32
        %add3A_721 = arith.addi %sub3A_695, %add3A_720 : i32
        %lt3A = arith.constant 128 : i32
        %lt3A_722 = arith.cmpi slt, %add3A_721, %lt3A : i32
        %convert_element_type3A_723 = arith.extui %lt3A_722 : i1 to i32
        %cond3A_724 = arith.constant 0 : i32
        %cond3A_725 = arith.cmpi ne, %convert_element_type3A_723, %cond3A_724 : i32
        scf.if %cond3A_725 {
          %add3A_726 = arith.constant 8 : i32
          %add3A_727 = arith.addi %sub3A_695, %add3A_726 : i32
          %mul3A_728 = arith.constant 64 : i32
          %mul3A_729 = arith.muli %add3A_727, %mul3A_728 : i32
          %dma_start3A_730 = arith.constant 3 : i32
          %dma_start3A_731 = arith.constant 3 : i32
          %dma_start3A_732 = arith.constant 0 : i32
          %dma_start3A_733 = arith.constant 0 : i32
          %dma_start3A_734 = tpu.memref_slice %arg8[%dma_start3A_730, %dma_start3A_732, %dma_start3A_733] : memref<8x64x128xf32, #tpu.memory_space<vmem>> -> memref<1x64x128xf32, #tpu.memory_space<vmem>>
          %dma_start3A_735 = tpu.memref_squeeze %dma_start3A_734 : memref<1x64x128xf32, #tpu.memory_space<vmem>> -> memref<64x128xf32, #tpu.memory_space<vmem>>
          %dma_start3A_736 = tpu.memref_slice %arg7[%mul3A_729] : memref<8192xi32, #tpu.memory_space<vmem>> -> memref<64xi32, #tpu.memory_space<vmem>>
          %dma_start3A_737 = arith.constant 0 : i32
          %dma_start3A_738 = arith.constant 0 : i32
          %dma_start3A_739 = tpu.memref_slice %arg2[%dma_start3A_737, %dma_start3A_738] : memref<100000x128xf32, #tpu.memory_space<hbm>> -> memref<100000x128xf32, #tpu.memory_space<hbm>>
          %dma_start3A_740 = tpu.memref_slice %arg9[%dma_start3A_731] : memref<8x!tpu.dma_semaphore, #tpu.memory_space<semaphore_mem>> -> memref<1x!tpu.dma_semaphore, #tpu.memory_space<semaphore_mem>>
          %dma_start3A_741 = tpu.memref_squeeze %dma_start3A_740 : memref<1x!tpu.dma_semaphore, #tpu.memory_space<semaphore_mem>> -> memref<!tpu.dma_semaphore, #tpu.memory_space<semaphore_mem>>
          tpu.enqueue_indirect_dma source(%dma_start3A_739 : memref<100000x128xf32, #tpu.memory_space<hbm>>) target(%dma_start3A_735 : memref<64x128xf32, #tpu.memory_space<vmem>>) offsets(%dma_start3A_736 : memref<64xi32, #tpu.memory_space<vmem>>) semaphore(%dma_start3A_741 : memref<!tpu.dma_semaphore, #tpu.memory_space<semaphore_mem>>)
        } else {
        }
      } else {
      }
    }
    %scan3A_109 = arith.constant 16 : i32
    %add3A_110 = arith.constant 7936 : i32
    %add3A_111 = arith.addi %mul3A_2, %add3A_110 : i32
    %dma_wait3A = arith.constant 4 : i32
    %dma_wait3A_112 = arith.constant 4 : i32
    %dma_wait3A_113 = arith.constant 0 : i32
    %dma_wait3A_114 = arith.constant 0 : i32
    %dma_wait3A_115 = tpu.memref_slice %arg8[%dma_wait3A, %dma_wait3A_113, %dma_wait3A_114] : memref<8x64x128xf32, #tpu.memory_space<vmem>> -> memref<1x64x128xf32, #tpu.memory_space<vmem>>
    %dma_wait3A_116 = tpu.memref_squeeze %dma_wait3A_115 : memref<1x64x128xf32, #tpu.memory_space<vmem>> -> memref<64x128xf32, #tpu.memory_space<vmem>>
    %dma_wait3A_117 = arith.constant 0 : i32
    %dma_wait3A_118 = tpu.memref_slice %arg5[%add3A_111, %dma_wait3A_117] : memref<262144x128xf32, #tpu.memory_space<hbm>> -> memref<64x128xf32, #tpu.memory_space<hbm>>
    %dma_wait3A_119 = tpu.memref_slice %arg10[%dma_wait3A_112] : memref<8x!tpu.dma_semaphore, #tpu.memory_space<semaphore_mem>> -> memref<1x!tpu.dma_semaphore, #tpu.memory_space<semaphore_mem>>
    %dma_wait3A_120 = tpu.memref_squeeze %dma_wait3A_119 : memref<1x!tpu.dma_semaphore, #tpu.memory_space<semaphore_mem>> -> memref<!tpu.dma_semaphore, #tpu.memory_space<semaphore_mem>>
    %dma_wait3A_121 = arith.constant 0 : i32
    %dma_wait3A_122 = tpu.memref_slice %arg5[%add3A_111, %dma_wait3A_121] : memref<262144x128xf32, #tpu.memory_space<hbm>> -> memref<64x128xf32, #tpu.memory_space<hbm>>
    %dma_wait3A_123 = arith.constant 0 : i32
    %dma_wait3A_124 = arith.constant 0 : i32
    %dma_wait3A_125 = tpu.memref_slice %arg8[%dma_wait3A, %dma_wait3A_123, %dma_wait3A_124] : memref<8x64x128xf32, #tpu.memory_space<vmem>> -> memref<1x64x128xf32, #tpu.memory_space<vmem>>
    %dma_wait3A_126 = tpu.memref_squeeze %dma_wait3A_125 : memref<1x64x128xf32, #tpu.memory_space<vmem>> -> memref<64x128xf32, #tpu.memory_space<vmem>>
    tpu.wait_dma2 semaphore(%dma_wait3A_120 : memref<!tpu.dma_semaphore, #tpu.memory_space<semaphore_mem>>) src(%dma_wait3A_126 : memref<64x128xf32, #tpu.memory_space<vmem>>) dst(%dma_wait3A_122 : memref<64x128xf32, #tpu.memory_space<hbm>>)
    %add3A_127 = arith.constant 8000 : i32
    %add3A_128 = arith.addi %mul3A_2, %add3A_127 : i32
    %dma_wait3A_129 = arith.constant 5 : i32
    %dma_wait3A_130 = arith.constant 5 : i32
    %dma_wait3A_131 = arith.constant 0 : i32
    %dma_wait3A_132 = arith.constant 0 : i32
    %dma_wait3A_133 = tpu.memref_slice %arg8[%dma_wait3A_129, %dma_wait3A_131, %dma_wait3A_132] : memref<8x64x128xf32, #tpu.memory_space<vmem>> -> memref<1x64x128xf32, #tpu.memory_space<vmem>>
    %dma_wait3A_134 = tpu.memref_squeeze %dma_wait3A_133 : memref<1x64x128xf32, #tpu.memory_space<vmem>> -> memref<64x128xf32, #tpu.memory_space<vmem>>
    %dma_wait3A_135 = arith.constant 0 : i32
    %dma_wait3A_136 = tpu.memref_slice %arg5[%add3A_128, %dma_wait3A_135] : memref<262144x128xf32, #tpu.memory_space<hbm>> -> memref<64x128xf32, #tpu.memory_space<hbm>>
    %dma_wait3A_137 = tpu.memref_slice %arg10[%dma_wait3A_130] : memref<8x!tpu.dma_semaphore, #tpu.memory_space<semaphore_mem>> -> memref<1x!tpu.dma_semaphore, #tpu.memory_space<semaphore_mem>>
    %dma_wait3A_138 = tpu.memref_squeeze %dma_wait3A_137 : memref<1x!tpu.dma_semaphore, #tpu.memory_space<semaphore_mem>> -> memref<!tpu.dma_semaphore, #tpu.memory_space<semaphore_mem>>
    %dma_wait3A_139 = arith.constant 0 : i32
    %dma_wait3A_140 = tpu.memref_slice %arg5[%add3A_128, %dma_wait3A_139] : memref<262144x128xf32, #tpu.memory_space<hbm>> -> memref<64x128xf32, #tpu.memory_space<hbm>>
    %dma_wait3A_141 = arith.constant 0 : i32
    %dma_wait3A_142 = arith.constant 0 : i32
    %dma_wait3A_143 = tpu.memref_slice %arg8[%dma_wait3A_129, %dma_wait3A_141, %dma_wait3A_142] : memref<8x64x128xf32, #tpu.memory_space<vmem>> -> memref<1x64x128xf32, #tpu.memory_space<vmem>>
    %dma_wait3A_144 = tpu.memref_squeeze %dma_wait3A_143 : memref<1x64x128xf32, #tpu.memory_space<vmem>> -> memref<64x128xf32, #tpu.memory_space<vmem>>
    tpu.wait_dma2 semaphore(%dma_wait3A_138 : memref<!tpu.dma_semaphore, #tpu.memory_space<semaphore_mem>>) src(%dma_wait3A_144 : memref<64x128xf32, #tpu.memory_space<vmem>>) dst(%dma_wait3A_140 : memref<64x128xf32, #tpu.memory_space<hbm>>)
    %add3A_145 = arith.constant 8064 : i32
    %add3A_146 = arith.addi %mul3A_2, %add3A_145 : i32
    %dma_wait3A_147 = arith.constant 6 : i32
    %dma_wait3A_148 = arith.constant 6 : i32
    %dma_wait3A_149 = arith.constant 0 : i32
    %dma_wait3A_150 = arith.constant 0 : i32
    %dma_wait3A_151 = tpu.memref_slice %arg8[%dma_wait3A_147, %dma_wait3A_149, %dma_wait3A_150] : memref<8x64x128xf32, #tpu.memory_space<vmem>> -> memref<1x64x128xf32, #tpu.memory_space<vmem>>
    %dma_wait3A_152 = tpu.memref_squeeze %dma_wait3A_151 : memref<1x64x128xf32, #tpu.memory_space<vmem>> -> memref<64x128xf32, #tpu.memory_space<vmem>>
    %dma_wait3A_153 = arith.constant 0 : i32
    %dma_wait3A_154 = tpu.memref_slice %arg5[%add3A_146, %dma_wait3A_153] : memref<262144x128xf32, #tpu.memory_space<hbm>> -> memref<64x128xf32, #tpu.memory_space<hbm>>
    %dma_wait3A_155 = tpu.memref_slice %arg10[%dma_wait3A_148] : memref<8x!tpu.dma_semaphore, #tpu.memory_space<semaphore_mem>> -> memref<1x!tpu.dma_semaphore, #tpu.memory_space<semaphore_mem>>
    %dma_wait3A_156 = tpu.memref_squeeze %dma_wait3A_155 : memref<1x!tpu.dma_semaphore, #tpu.memory_space<semaphore_mem>> -> memref<!tpu.dma_semaphore, #tpu.memory_space<semaphore_mem>>
    %dma_wait3A_157 = arith.constant 0 : i32
    %dma_wait3A_158 = tpu.memref_slice %arg5[%add3A_146, %dma_wait3A_157] : memref<262144x128xf32, #tpu.memory_space<hbm>> -> memref<64x128xf32, #tpu.memory_space<hbm>>
    %dma_wait3A_159 = arith.constant 0 : i32
    %dma_wait3A_160 = arith.constant 0 : i32
    %dma_wait3A_161 = tpu.memref_slice %arg8[%dma_wait3A_147, %dma_wait3A_159, %dma_wait3A_160] : memref<8x64x128xf32, #tpu.memory_space<vmem>> -> memref<1x64x128xf32, #tpu.memory_space<vmem>>
    %dma_wait3A_162 = tpu.memref_squeeze %dma_wait3A_161 : memref<1x64x128xf32, #tpu.memory_space<vmem>> -> memref<64x128xf32, #tpu.memory_space<vmem>>
    tpu.wait_dma2 semaphore(%dma_wait3A_156 : memref<!tpu.dma_semaphore, #tpu.memory_space<semaphore_mem>>) src(%dma_wait3A_162 : memref<64x128xf32, #tpu.memory_space<vmem>>) dst(%dma_wait3A_158 : memref<64x128xf32, #tpu.memory_space<hbm>>)
    %add3A_163 = arith.constant 8128 : i32
    %add3A_164 = arith.addi %mul3A_2, %add3A_163 : i32
    %dma_wait3A_165 = arith.constant 7 : i32
    %dma_wait3A_166 = arith.constant 7 : i32
    %dma_wait3A_167 = arith.constant 0 : i32
    %dma_wait3A_168 = arith.constant 0 : i32
    %dma_wait3A_169 = tpu.memref_slice %arg8[%dma_wait3A_165, %dma_wait3A_167, %dma_wait3A_168] : memref<8x64x128xf32, #tpu.memory_space<vmem>> -> memref<1x64x128xf32, #tpu.memory_space<vmem>>
    %dma_wait3A_170 = tpu.memref_squeeze %dma_wait3A_169 : memref<1x64x128xf32, #tpu.memory_space<vmem>> -> memref<64x128xf32, #tpu.memory_space<vmem>>
    %dma_wait3A_171 = arith.constant 0 : i32
    %dma_wait3A_172 = tpu.memref_slice %arg5[%add3A_164, %dma_wait3A_171] : memref<262144x128xf32, #tpu.memory_space<hbm>> -> memref<64x128xf32, #tpu.memory_space<hbm>>
    %dma_wait3A_173 = tpu.memref_slice %arg10[%dma_wait3A_166] : memref<8x!tpu.dma_semaphore, #tpu.memory_space<semaphore_mem>> -> memref<1x!tpu.dma_semaphore, #tpu.memory_space<semaphore_mem>>
    %dma_wait3A_174 = tpu.memref_squeeze %dma_wait3A_173 : memref<1x!tpu.dma_semaphore, #tpu.memory_space<semaphore_mem>> -> memref<!tpu.dma_semaphore, #tpu.memory_space<semaphore_mem>>
    %dma_wait3A_175 = arith.constant 0 : i32
    %dma_wait3A_176 = tpu.memref_slice %arg5[%add3A_164, %dma_wait3A_175] : memref<262144x128xf32, #tpu.memory_space<hbm>> -> memref<64x128xf32, #tpu.memory_space<hbm>>
    %dma_wait3A_177 = arith.constant 0 : i32
    %dma_wait3A_178 = arith.constant 0 : i32
    %dma_wait3A_179 = tpu.memref_slice %arg8[%dma_wait3A_165, %dma_wait3A_177, %dma_wait3A_178] : memref<8x64x128xf32, #tpu.memory_space<vmem>> -> memref<1x64x128xf32, #tpu.memory_space<vmem>>
    %dma_wait3A_180 = tpu.memref_squeeze %dma_wait3A_179 : memref<1x64x128xf32, #tpu.memory_space<vmem>> -> memref<64x128xf32, #tpu.memory_space<vmem>>
    tpu.wait_dma2 semaphore(%dma_wait3A_174 : memref<!tpu.dma_semaphore, #tpu.memory_space<semaphore_mem>>) src(%dma_wait3A_180 : memref<64x128xf32, #tpu.memory_space<vmem>>) dst(%dma_wait3A_176 : memref<64x128xf32, #tpu.memory_space<hbm>>)
    %dma_start3A_181 = arith.constant 0 : i32
    %dma_start3A_182 = arith.constant 0 : i32
    %dma_start3A_183 = arith.constant 0 : i32
    %dma_start3A_184 = arith.constant 0 : i32
    %dma_start3A_185 = tpu.memref_slice %arg8[%dma_start3A_181, %dma_start3A_183, %dma_start3A_184] : memref<8x64x128xf32, #tpu.memory_space<vmem>> -> memref<1x64x128xf32, #tpu.memory_space<vmem>>
    %dma_start3A_186 = tpu.memref_squeeze %dma_start3A_185 : memref<1x64x128xf32, #tpu.memory_space<vmem>> -> memref<64x128xf32, #tpu.memory_space<vmem>>
    %dma_start3A_187 = arith.constant 0 : i32
    %dma_start3A_188 = tpu.memref_slice %arg7[%dma_start3A_187] : memref<8192xi32, #tpu.memory_space<vmem>> -> memref<64xi32, #tpu.memory_space<vmem>>
    %dma_start3A_189 = arith.constant 0 : i32
    %dma_start3A_190 = arith.constant 0 : i32
    %dma_start3A_191 = tpu.memref_slice %arg3[%dma_start3A_189, %dma_start3A_190] : memref<100000x128xf32, #tpu.memory_space<hbm>> -> memref<100000x128xf32, #tpu.memory_space<hbm>>
    %dma_start3A_192 = tpu.memref_slice %arg9[%dma_start3A_182] : memref<8x!tpu.dma_semaphore, #tpu.memory_space<semaphore_mem>> -> memref<1x!tpu.dma_semaphore, #tpu.memory_space<semaphore_mem>>
    %dma_start3A_193 = tpu.memref_squeeze %dma_start3A_192 : memref<1x!tpu.dma_semaphore, #tpu.memory_space<semaphore_mem>> -> memref<!tpu.dma_semaphore, #tpu.memory_space<semaphore_mem>>
    tpu.enqueue_indirect_dma source(%dma_start3A_191 : memref<100000x128xf32, #tpu.memory_space<hbm>>) target(%dma_start3A_186 : memref<64x128xf32, #tpu.memory_space<vmem>>) offsets(%dma_start3A_188 : memref<64xi32, #tpu.memory_space<vmem>>) semaphore(%dma_start3A_193 : memref<!tpu.dma_semaphore, #tpu.memory_space<semaphore_mem>>)
    %dma_start3A_194 = arith.constant 1 : i32
    %dma_start3A_195 = arith.constant 1 : i32
    %dma_start3A_196 = arith.constant 0 : i32
    %dma_start3A_197 = arith.constant 0 : i32
    %dma_start3A_198 = tpu.memref_slice %arg8[%dma_start3A_194, %dma_start3A_196, %dma_start3A_197] : memref<8x64x128xf32, #tpu.memory_space<vmem>> -> memref<1x64x128xf32, #tpu.memory_space<vmem>>
    %dma_start3A_199 = tpu.memref_squeeze %dma_start3A_198 : memref<1x64x128xf32, #tpu.memory_space<vmem>> -> memref<64x128xf32, #tpu.memory_space<vmem>>
    %dma_start3A_200 = arith.constant 64 : i32
    %dma_start3A_201 = tpu.memref_slice %arg7[%dma_start3A_200] : memref<8192xi32, #tpu.memory_space<vmem>> -> memref<64xi32, #tpu.memory_space<vmem>>
    %dma_start3A_202 = arith.constant 0 : i32
    %dma_start3A_203 = arith.constant 0 : i32
    %dma_start3A_204 = tpu.memref_slice %arg3[%dma_start3A_202, %dma_start3A_203] : memref<100000x128xf32, #tpu.memory_space<hbm>> -> memref<100000x128xf32, #tpu.memory_space<hbm>>
    %dma_start3A_205 = tpu.memref_slice %arg9[%dma_start3A_195] : memref<8x!tpu.dma_semaphore, #tpu.memory_space<semaphore_mem>> -> memref<1x!tpu.dma_semaphore, #tpu.memory_space<semaphore_mem>>
    %dma_start3A_206 = tpu.memref_squeeze %dma_start3A_205 : memref<1x!tpu.dma_semaphore, #tpu.memory_space<semaphore_mem>> -> memref<!tpu.dma_semaphore, #tpu.memory_space<semaphore_mem>>
    tpu.enqueue_indirect_dma source(%dma_start3A_204 : memref<100000x128xf32, #tpu.memory_space<hbm>>) target(%dma_start3A_199 : memref<64x128xf32, #tpu.memory_space<vmem>>) offsets(%dma_start3A_201 : memref<64xi32, #tpu.memory_space<vmem>>) semaphore(%dma_start3A_206 : memref<!tpu.dma_semaphore, #tpu.memory_space<semaphore_mem>>)
    %dma_start3A_207 = arith.constant 2 : i32
    %dma_start3A_208 = arith.constant 2 : i32
    %dma_start3A_209 = arith.constant 0 : i32
    %dma_start3A_210 = arith.constant 0 : i32
    %dma_start3A_211 = tpu.memref_slice %arg8[%dma_start3A_207, %dma_start3A_209, %dma_start3A_210] : memref<8x64x128xf32, #tpu.memory_space<vmem>> -> memref<1x64x128xf32, #tpu.memory_space<vmem>>
    %dma_start3A_212 = tpu.memref_squeeze %dma_start3A_211 : memref<1x64x128xf32, #tpu.memory_space<vmem>> -> memref<64x128xf32, #tpu.memory_space<vmem>>
    %dma_start3A_213 = arith.constant 128 : i32
    %dma_start3A_214 = tpu.memref_slice %arg7[%dma_start3A_213] : memref<8192xi32, #tpu.memory_space<vmem>> -> memref<64xi32, #tpu.memory_space<vmem>>
    %dma_start3A_215 = arith.constant 0 : i32
    %dma_start3A_216 = arith.constant 0 : i32
    %dma_start3A_217 = tpu.memref_slice %arg3[%dma_start3A_215, %dma_start3A_216] : memref<100000x128xf32, #tpu.memory_space<hbm>> -> memref<100000x128xf32, #tpu.memory_space<hbm>>
    %dma_start3A_218 = tpu.memref_slice %arg9[%dma_start3A_208] : memref<8x!tpu.dma_semaphore, #tpu.memory_space<semaphore_mem>> -> memref<1x!tpu.dma_semaphore, #tpu.memory_space<semaphore_mem>>
    %dma_start3A_219 = tpu.memref_squeeze %dma_start3A_218 : memref<1x!tpu.dma_semaphore, #tpu.memory_space<semaphore_mem>> -> memref<!tpu.dma_semaphore, #tpu.memory_space<semaphore_mem>>
    tpu.enqueue_indirect_dma source(%dma_start3A_217 : memref<100000x128xf32, #tpu.memory_space<hbm>>) target(%dma_start3A_212 : memref<64x128xf32, #tpu.memory_space<vmem>>) offsets(%dma_start3A_214 : memref<64xi32, #tpu.memory_space<vmem>>) semaphore(%dma_start3A_219 : memref<!tpu.dma_semaphore, #tpu.memory_space<semaphore_mem>>)
    %dma_start3A_220 = arith.constant 3 : i32
    %dma_start3A_221 = arith.constant 3 : i32
    %dma_start3A_222 = arith.constant 0 : i32
    %dma_start3A_223 = arith.constant 0 : i32
    %dma_start3A_224 = tpu.memref_slice %arg8[%dma_start3A_220, %dma_start3A_222, %dma_start3A_223] : memref<8x64x128xf32, #tpu.memory_space<vmem>> -> memref<1x64x128xf32, #tpu.memory_space<vmem>>
    %dma_start3A_225 = tpu.memref_squeeze %dma_start3A_224 : memref<1x64x128xf32, #tpu.memory_space<vmem>> -> memref<64x128xf32, #tpu.memory_space<vmem>>
    %dma_start3A_226 = arith.constant 192 : i32
    %dma_start3A_227 = tpu.memref_slice %arg7[%dma_start3A_226] : memref<8192xi32, #tpu.memory_space<vmem>> -> memref<64xi32, #tpu.memory_space<vmem>>
    %dma_start3A_228 = arith.constant 0 : i32
    %dma_start3A_229 = arith.constant 0 : i32
    %dma_start3A_230 = tpu.memref_slice %arg3[%dma_start3A_228, %dma_start3A_229] : memref<100000x128xf32, #tpu.memory_space<hbm>> -> memref<100000x128xf32, #tpu.memory_space<hbm>>
    %dma_start3A_231 = tpu.memref_slice %arg9[%dma_start3A_221] : memref<8x!tpu.dma_semaphore, #tpu.memory_space<semaphore_mem>> -> memref<1x!tpu.dma_semaphore, #tpu.memory_space<semaphore_mem>>
    %dma_start3A_232 = tpu.memref_squeeze %dma_start3A_231 : memref<1x!tpu.dma_semaphore, #tpu.memory_space<semaphore_mem>> -> memref<!tpu.dma_semaphore, #tpu.memory_space<semaphore_mem>>
    tpu.enqueue_indirect_dma source(%dma_start3A_230 : memref<100000x128xf32, #tpu.memory_space<hbm>>) target(%dma_start3A_225 : memref<64x128xf32, #tpu.memory_space<vmem>>) offsets(%dma_start3A_227 : memref<64xi32, #tpu.memory_space<vmem>>) semaphore(%dma_start3A_232 : memref<!tpu.dma_semaphore, #tpu.memory_space<semaphore_mem>>)
    %dma_start3A_233 = arith.constant 4 : i32
    %dma_start3A_234 = arith.constant 4 : i32
    %dma_start3A_235 = arith.constant 0 : i32
    %dma_start3A_236 = arith.constant 0 : i32
    %dma_start3A_237 = tpu.memref_slice %arg8[%dma_start3A_233, %dma_start3A_235, %dma_start3A_236] : memref<8x64x128xf32, #tpu.memory_space<vmem>> -> memref<1x64x128xf32, #tpu.memory_space<vmem>>
    %dma_start3A_238 = tpu.memref_squeeze %dma_start3A_237 : memref<1x64x128xf32, #tpu.memory_space<vmem>> -> memref<64x128xf32, #tpu.memory_space<vmem>>
    %dma_start3A_239 = arith.constant 256 : i32
    %dma_start3A_240 = tpu.memref_slice %arg7[%dma_start3A_239] : memref<8192xi32, #tpu.memory_space<vmem>> -> memref<64xi32, #tpu.memory_space<vmem>>
    %dma_start3A_241 = arith.constant 0 : i32
    %dma_start3A_242 = arith.constant 0 : i32
    %dma_start3A_243 = tpu.memref_slice %arg3[%dma_start3A_241, %dma_start3A_242] : memref<100000x128xf32, #tpu.memory_space<hbm>> -> memref<100000x128xf32, #tpu.memory_space<hbm>>
    %dma_start3A_244 = tpu.memref_slice %arg9[%dma_start3A_234] : memref<8x!tpu.dma_semaphore, #tpu.memory_space<semaphore_mem>> -> memref<1x!tpu.dma_semaphore, #tpu.memory_space<semaphore_mem>>
    %dma_start3A_245 = tpu.memref_squeeze %dma_start3A_244 : memref<1x!tpu.dma_semaphore, #tpu.memory_space<semaphore_mem>> -> memref<!tpu.dma_semaphore, #tpu.memory_space<semaphore_mem>>
    tpu.enqueue_indirect_dma source(%dma_start3A_243 : memref<100000x128xf32, #tpu.memory_space<hbm>>) target(%dma_start3A_238 : memref<64x128xf32, #tpu.memory_space<vmem>>) offsets(%dma_start3A_240 : memref<64xi32, #tpu.memory_space<vmem>>) semaphore(%dma_start3A_245 : memref<!tpu.dma_semaphore, #tpu.memory_space<semaphore_mem>>)
    %dma_start3A_246 = arith.constant 5 : i32
    %dma_start3A_247 = arith.constant 5 : i32
    %dma_start3A_248 = arith.constant 0 : i32
    %dma_start3A_249 = arith.constant 0 : i32
    %dma_start3A_250 = tpu.memref_slice %arg8[%dma_start3A_246, %dma_start3A_248, %dma_start3A_249] : memref<8x64x128xf32, #tpu.memory_space<vmem>> -> memref<1x64x128xf32, #tpu.memory_space<vmem>>
    %dma_start3A_251 = tpu.memref_squeeze %dma_start3A_250 : memref<1x64x128xf32, #tpu.memory_space<vmem>> -> memref<64x128xf32, #tpu.memory_space<vmem>>
    %dma_start3A_252 = arith.constant 320 : i32
    %dma_start3A_253 = tpu.memref_slice %arg7[%dma_start3A_252] : memref<8192xi32, #tpu.memory_space<vmem>> -> memref<64xi32, #tpu.memory_space<vmem>>
    %dma_start3A_254 = arith.constant 0 : i32
    %dma_start3A_255 = arith.constant 0 : i32
    %dma_start3A_256 = tpu.memref_slice %arg3[%dma_start3A_254, %dma_start3A_255] : memref<100000x128xf32, #tpu.memory_space<hbm>> -> memref<100000x128xf32, #tpu.memory_space<hbm>>
    %dma_start3A_257 = tpu.memref_slice %arg9[%dma_start3A_247] : memref<8x!tpu.dma_semaphore, #tpu.memory_space<semaphore_mem>> -> memref<1x!tpu.dma_semaphore, #tpu.memory_space<semaphore_mem>>
    %dma_start3A_258 = tpu.memref_squeeze %dma_start3A_257 : memref<1x!tpu.dma_semaphore, #tpu.memory_space<semaphore_mem>> -> memref<!tpu.dma_semaphore, #tpu.memory_space<semaphore_mem>>
    tpu.enqueue_indirect_dma source(%dma_start3A_256 : memref<100000x128xf32, #tpu.memory_space<hbm>>) target(%dma_start3A_251 : memref<64x128xf32, #tpu.memory_space<vmem>>) offsets(%dma_start3A_253 : memref<64xi32, #tpu.memory_space<vmem>>) semaphore(%dma_start3A_258 : memref<!tpu.dma_semaphore, #tpu.memory_space<semaphore_mem>>)
    %dma_start3A_259 = arith.constant 6 : i32
    %dma_start3A_260 = arith.constant 6 : i32
    %dma_start3A_261 = arith.constant 0 : i32
    %dma_start3A_262 = arith.constant 0 : i32
    %dma_start3A_263 = tpu.memref_slice %arg8[%dma_start3A_259, %dma_start3A_261, %dma_start3A_262] : memref<8x64x128xf32, #tpu.memory_space<vmem>> -> memref<1x64x128xf32, #tpu.memory_space<vmem>>
    %dma_start3A_264 = tpu.memref_squeeze %dma_start3A_263 : memref<1x64x128xf32, #tpu.memory_space<vmem>> -> memref<64x128xf32, #tpu.memory_space<vmem>>
    %dma_start3A_265 = arith.constant 384 : i32
    %dma_start3A_266 = tpu.memref_slice %arg7[%dma_start3A_265] : memref<8192xi32, #tpu.memory_space<vmem>> -> memref<64xi32, #tpu.memory_space<vmem>>
    %dma_start3A_267 = arith.constant 0 : i32
    %dma_start3A_268 = arith.constant 0 : i32
    %dma_start3A_269 = tpu.memref_slice %arg3[%dma_start3A_267, %dma_start3A_268] : memref<100000x128xf32, #tpu.memory_space<hbm>> -> memref<100000x128xf32, #tpu.memory_space<hbm>>
    %dma_start3A_270 = tpu.memref_slice %arg9[%dma_start3A_260] : memref<8x!tpu.dma_semaphore, #tpu.memory_space<semaphore_mem>> -> memref<1x!tpu.dma_semaphore, #tpu.memory_space<semaphore_mem>>
    %dma_start3A_271 = tpu.memref_squeeze %dma_start3A_270 : memref<1x!tpu.dma_semaphore, #tpu.memory_space<semaphore_mem>> -> memref<!tpu.dma_semaphore, #tpu.memory_space<semaphore_mem>>
    tpu.enqueue_indirect_dma source(%dma_start3A_269 : memref<100000x128xf32, #tpu.memory_space<hbm>>) target(%dma_start3A_264 : memref<64x128xf32, #tpu.memory_space<vmem>>) offsets(%dma_start3A_266 : memref<64xi32, #tpu.memory_space<vmem>>) semaphore(%dma_start3A_271 : memref<!tpu.dma_semaphore, #tpu.memory_space<semaphore_mem>>)
    %dma_start3A_272 = arith.constant 7 : i32
    %dma_start3A_273 = arith.constant 7 : i32
    %dma_start3A_274 = arith.constant 0 : i32
    %dma_start3A_275 = arith.constant 0 : i32
    %dma_start3A_276 = tpu.memref_slice %arg8[%dma_start3A_272, %dma_start3A_274, %dma_start3A_275] : memref<8x64x128xf32, #tpu.memory_space<vmem>> -> memref<1x64x128xf32, #tpu.memory_space<vmem>>
    %dma_start3A_277 = tpu.memref_squeeze %dma_start3A_276 : memref<1x64x128xf32, #tpu.memory_space<vmem>> -> memref<64x128xf32, #tpu.memory_space<vmem>>
    %dma_start3A_278 = arith.constant 448 : i32
    %dma_start3A_279 = tpu.memref_slice %arg7[%dma_start3A_278] : memref<8192xi32, #tpu.memory_space<vmem>> -> memref<64xi32, #tpu.memory_space<vmem>>
    %dma_start3A_280 = arith.constant 0 : i32
    %dma_start3A_281 = arith.constant 0 : i32
    %dma_start3A_282 = tpu.memref_slice %arg3[%dma_start3A_280, %dma_start3A_281] : memref<100000x128xf32, #tpu.memory_space<hbm>> -> memref<100000x128xf32, #tpu.memory_space<hbm>>
    %dma_start3A_283 = tpu.memref_slice %arg9[%dma_start3A_273] : memref<8x!tpu.dma_semaphore, #tpu.memory_space<semaphore_mem>> -> memref<1x!tpu.dma_semaphore, #tpu.memory_space<semaphore_mem>>
    %dma_start3A_284 = tpu.memref_squeeze %dma_start3A_283 : memref<1x!tpu.dma_semaphore, #tpu.memory_space<semaphore_mem>> -> memref<!tpu.dma_semaphore, #tpu.memory_space<semaphore_mem>>
    tpu.enqueue_indirect_dma source(%dma_start3A_282 : memref<100000x128xf32, #tpu.memory_space<hbm>>) target(%dma_start3A_277 : memref<64x128xf32, #tpu.memory_space<vmem>>) offsets(%dma_start3A_279 : memref<64xi32, #tpu.memory_space<vmem>>) semaphore(%dma_start3A_284 : memref<!tpu.dma_semaphore, #tpu.memory_space<semaphore_mem>>)
    %scan3A_285 = arith.constant 0 : i32
    %scan3A_286 = arith.constant 16 : i32
    %scan3A_287 = arith.addi %scan3A_285, %scan3A_286 : i32
    %scan3A_288 = arith.constant 1 : i32
    scf.for %scan3A_362 = %scan3A_285 to %scan3A_287 step %scan3A_288  : i32 {
      %mul3A_363 = arith.constant 1 : i32
      %mul3A_364 = arith.muli %scan3A_362, %mul3A_363 : i32
      %add3A_365 = arith.constant 0 : i32
      %add3A_366 = arith.addi %add3A_365, %mul3A_364 : i32
      %mul3A_367 = arith.constant 8 : i32
      %mul3A_368 = arith.muli %add3A_366, %mul3A_367 : i32
      %add3A_369 = arith.constant 0 : i32
      %add3A_370 = arith.addi %mul3A_368, %add3A_369 : i32
      %mul3A_371 = arith.constant 64 : i32
      %mul3A_372 = arith.muli %add3A_370, %mul3A_371 : i32
      %dma_wait3A_373 = arith.constant 0 : i32
      %dma_wait3A_374 = arith.constant 0 : i32
      %dma_wait3A_375 = arith.constant 0 : i32
      %dma_wait3A_376 = arith.constant 0 : i32
      %dma_wait3A_377 = tpu.memref_slice %arg8[%dma_wait3A_373, %dma_wait3A_375, %dma_wait3A_376] : memref<8x64x128xf32, #tpu.memory_space<vmem>> -> memref<1x64x128xf32, #tpu.memory_space<vmem>>
      %dma_wait3A_378 = tpu.memref_squeeze %dma_wait3A_377 : memref<1x64x128xf32, #tpu.memory_space<vmem>> -> memref<64x128xf32, #tpu.memory_space<vmem>>
      %dma_wait3A_379 = tpu.memref_slice %arg7[%mul3A_372] : memref<8192xi32, #tpu.memory_space<vmem>> -> memref<64xi32, #tpu.memory_space<vmem>>
      %dma_wait3A_380 = arith.constant 0 : i32
      %dma_wait3A_381 = arith.constant 0 : i32
      %dma_wait3A_382 = tpu.memref_slice %arg3[%dma_wait3A_380, %dma_wait3A_381] : memref<100000x128xf32, #tpu.memory_space<hbm>> -> memref<100000x128xf32, #tpu.memory_space<hbm>>
      %dma_wait3A_383 = tpu.memref_slice %arg9[%dma_wait3A_374] : memref<8x!tpu.dma_semaphore, #tpu.memory_space<semaphore_mem>> -> memref<1x!tpu.dma_semaphore, #tpu.memory_space<semaphore_mem>>
      %dma_wait3A_384 = tpu.memref_squeeze %dma_wait3A_383 : memref<1x!tpu.dma_semaphore, #tpu.memory_space<semaphore_mem>> -> memref<!tpu.dma_semaphore, #tpu.memory_space<semaphore_mem>>
      tpu.wait_indirect_dma semaphore(%dma_wait3A_384 : memref<!tpu.dma_semaphore, #tpu.memory_space<semaphore_mem>>) src(%dma_wait3A_382 : memref<100000x128xf32, #tpu.memory_space<hbm>>) dst(%dma_wait3A_378 : memref<64x128xf32, #tpu.memory_space<vmem>>)
      %mul3A_385 = arith.constant 64 : i32
      %mul3A_386 = arith.muli %add3A_370, %mul3A_385 : i32
      %add3A_387 = arith.addi %mul3A_2, %mul3A_386 : i32
      %dma_start3A_388 = arith.constant 0 : i32
      %dma_start3A_389 = arith.constant 0 : i32
      %dma_start3A_390 = arith.constant 0 : i32
      %dma_start3A_391 = arith.constant 0 : i32
      %dma_start3A_392 = tpu.memref_slice %arg8[%dma_start3A_388, %dma_start3A_390, %dma_start3A_391] : memref<8x64x128xf32, #tpu.memory_space<vmem>> -> memref<1x64x128xf32, #tpu.memory_space<vmem>>
      %dma_start3A_393 = tpu.memref_squeeze %dma_start3A_392 : memref<1x64x128xf32, #tpu.memory_space<vmem>> -> memref<64x128xf32, #tpu.memory_space<vmem>>
      %dma_start3A_394 = arith.constant 0 : i32
      %dma_start3A_395 = tpu.memref_slice %arg6[%add3A_387, %dma_start3A_394] : memref<262144x128xf32, #tpu.memory_space<hbm>> -> memref<64x128xf32, #tpu.memory_space<hbm>>
      %dma_start3A_396 = tpu.memref_slice %arg10[%dma_start3A_389] : memref<8x!tpu.dma_semaphore, #tpu.memory_space<semaphore_mem>> -> memref<1x!tpu.dma_semaphore, #tpu.memory_space<semaphore_mem>>
      %dma_start3A_397 = tpu.memref_squeeze %dma_start3A_396 : memref<1x!tpu.dma_semaphore, #tpu.memory_space<semaphore_mem>> -> memref<!tpu.dma_semaphore, #tpu.memory_space<semaphore_mem>>
      %dma_start3A_398 = arith.constant 0 : i32
      %dma_start3A_399 = tpu.memref_slice %arg6[%add3A_387, %dma_start3A_398] : memref<262144x128xf32, #tpu.memory_space<hbm>> -> memref<64x128xf32, #tpu.memory_space<hbm>>
      %dma_start3A_400 = arith.constant 0 : i32
      %dma_start3A_401 = arith.constant 0 : i32
      %dma_start3A_402 = tpu.memref_slice %arg8[%dma_start3A_388, %dma_start3A_400, %dma_start3A_401] : memref<8x64x128xf32, #tpu.memory_space<vmem>> -> memref<1x64x128xf32, #tpu.memory_space<vmem>>
      %dma_start3A_403 = tpu.memref_squeeze %dma_start3A_402 : memref<1x64x128xf32, #tpu.memory_space<vmem>> -> memref<64x128xf32, #tpu.memory_space<vmem>>
      tpu.enqueue_dma source(%dma_start3A_403 : memref<64x128xf32, #tpu.memory_space<vmem>>) target(%dma_start3A_399 : memref<64x128xf32, #tpu.memory_space<hbm>>) target_semaphore(%dma_start3A_397 : memref<!tpu.dma_semaphore, #tpu.memory_space<semaphore_mem>>)
      %sub3A = arith.constant 4 : i32
      %sub3A_404 = arith.subi %add3A_370, %sub3A : i32
      %ge3A = arith.constant 0 : i32
      %ge3A_405 = arith.cmpi sge, %sub3A_404, %ge3A : i32
      %convert_element_type3A = arith.extui %ge3A_405 : i1 to i32
      %cond3A = arith.constant 0 : i32
      %cond3A_406 = arith.cmpi ne, %convert_element_type3A, %cond3A : i32
      scf.if %cond3A_406 {
        %mul3A_701 = arith.constant 64 : i32
        %mul3A_702 = arith.muli %sub3A_404, %mul3A_701 : i32
        %add3A_703 = arith.addi %mul3A_2, %mul3A_702 : i32
        %dma_wait3A_704 = arith.constant 4 : i32
        %dma_wait3A_705 = arith.constant 4 : i32
        %dma_wait3A_706 = arith.constant 0 : i32
        %dma_wait3A_707 = arith.constant 0 : i32
        %dma_wait3A_708 = tpu.memref_slice %arg8[%dma_wait3A_704, %dma_wait3A_706, %dma_wait3A_707] : memref<8x64x128xf32, #tpu.memory_space<vmem>> -> memref<1x64x128xf32, #tpu.memory_space<vmem>>
        %dma_wait3A_709 = tpu.memref_squeeze %dma_wait3A_708 : memref<1x64x128xf32, #tpu.memory_space<vmem>> -> memref<64x128xf32, #tpu.memory_space<vmem>>
        %dma_wait3A_710 = arith.constant 0 : i32
        %dma_wait3A_711 = tpu.memref_slice %arg6[%add3A_703, %dma_wait3A_710] : memref<262144x128xf32, #tpu.memory_space<hbm>> -> memref<64x128xf32, #tpu.memory_space<hbm>>
        %dma_wait3A_712 = tpu.memref_slice %arg10[%dma_wait3A_705] : memref<8x!tpu.dma_semaphore, #tpu.memory_space<semaphore_mem>> -> memref<1x!tpu.dma_semaphore, #tpu.memory_space<semaphore_mem>>
        %dma_wait3A_713 = tpu.memref_squeeze %dma_wait3A_712 : memref<1x!tpu.dma_semaphore, #tpu.memory_space<semaphore_mem>> -> memref<!tpu.dma_semaphore, #tpu.memory_space<semaphore_mem>>
        %dma_wait3A_714 = arith.constant 0 : i32
        %dma_wait3A_715 = tpu.memref_slice %arg6[%add3A_703, %dma_wait3A_714] : memref<262144x128xf32, #tpu.memory_space<hbm>> -> memref<64x128xf32, #tpu.memory_space<hbm>>
        %dma_wait3A_716 = arith.constant 0 : i32
        %dma_wait3A_717 = arith.constant 0 : i32
        %dma_wait3A_718 = tpu.memref_slice %arg8[%dma_wait3A_704, %dma_wait3A_716, %dma_wait3A_717] : memref<8x64x128xf32, #tpu.memory_space<vmem>> -> memref<1x64x128xf32, #tpu.memory_space<vmem>>
        %dma_wait3A_719 = tpu.memref_squeeze %dma_wait3A_718 : memref<1x64x128xf32, #tpu.memory_space<vmem>> -> memref<64x128xf32, #tpu.memory_space<vmem>>
        tpu.wait_dma2 semaphore(%dma_wait3A_713 : memref<!tpu.dma_semaphore, #tpu.memory_space<semaphore_mem>>) src(%dma_wait3A_719 : memref<64x128xf32, #tpu.memory_space<vmem>>) dst(%dma_wait3A_715 : memref<64x128xf32, #tpu.memory_space<hbm>>)
        %add3A_720 = arith.constant 8 : i32
        %add3A_721 = arith.addi %sub3A_404, %add3A_720 : i32
        %lt3A = arith.constant 128 : i32
        %lt3A_722 = arith.cmpi slt, %add3A_721, %lt3A : i32
        %convert_element_type3A_723 = arith.extui %lt3A_722 : i1 to i32
        %cond3A_724 = arith.constant 0 : i32
        %cond3A_725 = arith.cmpi ne, %convert_element_type3A_723, %cond3A_724 : i32
        scf.if %cond3A_725 {
          %add3A_726 = arith.constant 8 : i32
          %add3A_727 = arith.addi %sub3A_404, %add3A_726 : i32
          %mul3A_728 = arith.constant 64 : i32
          %mul3A_729 = arith.muli %add3A_727, %mul3A_728 : i32
          %dma_start3A_730 = arith.constant 4 : i32
          %dma_start3A_731 = arith.constant 4 : i32
          %dma_start3A_732 = arith.constant 0 : i32
          %dma_start3A_733 = arith.constant 0 : i32
          %dma_start3A_734 = tpu.memref_slice %arg8[%dma_start3A_730, %dma_start3A_732, %dma_start3A_733] : memref<8x64x128xf32, #tpu.memory_space<vmem>> -> memref<1x64x128xf32, #tpu.memory_space<vmem>>
          %dma_start3A_735 = tpu.memref_squeeze %dma_start3A_734 : memref<1x64x128xf32, #tpu.memory_space<vmem>> -> memref<64x128xf32, #tpu.memory_space<vmem>>
          %dma_start3A_736 = tpu.memref_slice %arg7[%mul3A_729] : memref<8192xi32, #tpu.memory_space<vmem>> -> memref<64xi32, #tpu.memory_space<vmem>>
          %dma_start3A_737 = arith.constant 0 : i32
          %dma_start3A_738 = arith.constant 0 : i32
          %dma_start3A_739 = tpu.memref_slice %arg3[%dma_start3A_737, %dma_start3A_738] : memref<100000x128xf32, #tpu.memory_space<hbm>> -> memref<100000x128xf32, #tpu.memory_space<hbm>>
          %dma_start3A_740 = tpu.memref_slice %arg9[%dma_start3A_731] : memref<8x!tpu.dma_semaphore, #tpu.memory_space<semaphore_mem>> -> memref<1x!tpu.dma_semaphore, #tpu.memory_space<semaphore_mem>>
          %dma_start3A_741 = tpu.memref_squeeze %dma_start3A_740 : memref<1x!tpu.dma_semaphore, #tpu.memory_space<semaphore_mem>> -> memref<!tpu.dma_semaphore, #tpu.memory_space<semaphore_mem>>
          tpu.enqueue_indirect_dma source(%dma_start3A_739 : memref<100000x128xf32, #tpu.memory_space<hbm>>) target(%dma_start3A_735 : memref<64x128xf32, #tpu.memory_space<vmem>>) offsets(%dma_start3A_736 : memref<64xi32, #tpu.memory_space<vmem>>) semaphore(%dma_start3A_741 : memref<!tpu.dma_semaphore, #tpu.memory_space<semaphore_mem>>)
        } else {
        }
      } else {
      }
      %add3A_407 = arith.constant 1 : i32
      %add3A_408 = arith.addi %mul3A_368, %add3A_407 : i32
      %mul3A_409 = arith.constant 64 : i32
      %mul3A_410 = arith.muli %add3A_408, %mul3A_409 : i32
      %dma_wait3A_411 = arith.constant 1 : i32
      %dma_wait3A_412 = arith.constant 1 : i32
      %dma_wait3A_413 = arith.constant 0 : i32
      %dma_wait3A_414 = arith.constant 0 : i32
      %dma_wait3A_415 = tpu.memref_slice %arg8[%dma_wait3A_411, %dma_wait3A_413, %dma_wait3A_414] : memref<8x64x128xf32, #tpu.memory_space<vmem>> -> memref<1x64x128xf32, #tpu.memory_space<vmem>>
      %dma_wait3A_416 = tpu.memref_squeeze %dma_wait3A_415 : memref<1x64x128xf32, #tpu.memory_space<vmem>> -> memref<64x128xf32, #tpu.memory_space<vmem>>
      %dma_wait3A_417 = tpu.memref_slice %arg7[%mul3A_410] : memref<8192xi32, #tpu.memory_space<vmem>> -> memref<64xi32, #tpu.memory_space<vmem>>
      %dma_wait3A_418 = arith.constant 0 : i32
      %dma_wait3A_419 = arith.constant 0 : i32
      %dma_wait3A_420 = tpu.memref_slice %arg3[%dma_wait3A_418, %dma_wait3A_419] : memref<100000x128xf32, #tpu.memory_space<hbm>> -> memref<100000x128xf32, #tpu.memory_space<hbm>>
      %dma_wait3A_421 = tpu.memref_slice %arg9[%dma_wait3A_412] : memref<8x!tpu.dma_semaphore, #tpu.memory_space<semaphore_mem>> -> memref<1x!tpu.dma_semaphore, #tpu.memory_space<semaphore_mem>>
      %dma_wait3A_422 = tpu.memref_squeeze %dma_wait3A_421 : memref<1x!tpu.dma_semaphore, #tpu.memory_space<semaphore_mem>> -> memref<!tpu.dma_semaphore, #tpu.memory_space<semaphore_mem>>
      tpu.wait_indirect_dma semaphore(%dma_wait3A_422 : memref<!tpu.dma_semaphore, #tpu.memory_space<semaphore_mem>>) src(%dma_wait3A_420 : memref<100000x128xf32, #tpu.memory_space<hbm>>) dst(%dma_wait3A_416 : memref<64x128xf32, #tpu.memory_space<vmem>>)
      %mul3A_423 = arith.constant 64 : i32
      %mul3A_424 = arith.muli %add3A_408, %mul3A_423 : i32
      %add3A_425 = arith.addi %mul3A_2, %mul3A_424 : i32
      %dma_start3A_426 = arith.constant 1 : i32
      %dma_start3A_427 = arith.constant 1 : i32
      %dma_start3A_428 = arith.constant 0 : i32
      %dma_start3A_429 = arith.constant 0 : i32
      %dma_start3A_430 = tpu.memref_slice %arg8[%dma_start3A_426, %dma_start3A_428, %dma_start3A_429] : memref<8x64x128xf32, #tpu.memory_space<vmem>> -> memref<1x64x128xf32, #tpu.memory_space<vmem>>
      %dma_start3A_431 = tpu.memref_squeeze %dma_start3A_430 : memref<1x64x128xf32, #tpu.memory_space<vmem>> -> memref<64x128xf32, #tpu.memory_space<vmem>>
      %dma_start3A_432 = arith.constant 0 : i32
      %dma_start3A_433 = tpu.memref_slice %arg6[%add3A_425, %dma_start3A_432] : memref<262144x128xf32, #tpu.memory_space<hbm>> -> memref<64x128xf32, #tpu.memory_space<hbm>>
      %dma_start3A_434 = tpu.memref_slice %arg10[%dma_start3A_427] : memref<8x!tpu.dma_semaphore, #tpu.memory_space<semaphore_mem>> -> memref<1x!tpu.dma_semaphore, #tpu.memory_space<semaphore_mem>>
      %dma_start3A_435 = tpu.memref_squeeze %dma_start3A_434 : memref<1x!tpu.dma_semaphore, #tpu.memory_space<semaphore_mem>> -> memref<!tpu.dma_semaphore, #tpu.memory_space<semaphore_mem>>
      %dma_start3A_436 = arith.constant 0 : i32
      %dma_start3A_437 = tpu.memref_slice %arg6[%add3A_425, %dma_start3A_436] : memref<262144x128xf32, #tpu.memory_space<hbm>> -> memref<64x128xf32, #tpu.memory_space<hbm>>
      %dma_start3A_438 = arith.constant 0 : i32
      %dma_start3A_439 = arith.constant 0 : i32
      %dma_start3A_440 = tpu.memref_slice %arg8[%dma_start3A_426, %dma_start3A_438, %dma_start3A_439] : memref<8x64x128xf32, #tpu.memory_space<vmem>> -> memref<1x64x128xf32, #tpu.memory_space<vmem>>
      %dma_start3A_441 = tpu.memref_squeeze %dma_start3A_440 : memref<1x64x128xf32, #tpu.memory_space<vmem>> -> memref<64x128xf32, #tpu.memory_space<vmem>>
      tpu.enqueue_dma source(%dma_start3A_441 : memref<64x128xf32, #tpu.memory_space<vmem>>) target(%dma_start3A_437 : memref<64x128xf32, #tpu.memory_space<hbm>>) target_semaphore(%dma_start3A_435 : memref<!tpu.dma_semaphore, #tpu.memory_space<semaphore_mem>>)
      %sub3A_442 = arith.constant 4 : i32
      %sub3A_443 = arith.subi %add3A_408, %sub3A_442 : i32
      %ge3A_444 = arith.constant 0 : i32
      %ge3A_445 = arith.cmpi sge, %sub3A_443, %ge3A_444 : i32
      %convert_element_type3A_446 = arith.extui %ge3A_445 : i1 to i32
      %cond3A_447 = arith.constant 0 : i32
      %cond3A_448 = arith.cmpi ne, %convert_element_type3A_446, %cond3A_447 : i32
      scf.if %cond3A_448 {
        %mul3A_701 = arith.constant 64 : i32
        %mul3A_702 = arith.muli %sub3A_443, %mul3A_701 : i32
        %add3A_703 = arith.addi %mul3A_2, %mul3A_702 : i32
        %dma_wait3A_704 = arith.constant 5 : i32
        %dma_wait3A_705 = arith.constant 5 : i32
        %dma_wait3A_706 = arith.constant 0 : i32
        %dma_wait3A_707 = arith.constant 0 : i32
        %dma_wait3A_708 = tpu.memref_slice %arg8[%dma_wait3A_704, %dma_wait3A_706, %dma_wait3A_707] : memref<8x64x128xf32, #tpu.memory_space<vmem>> -> memref<1x64x128xf32, #tpu.memory_space<vmem>>
        %dma_wait3A_709 = tpu.memref_squeeze %dma_wait3A_708 : memref<1x64x128xf32, #tpu.memory_space<vmem>> -> memref<64x128xf32, #tpu.memory_space<vmem>>
        %dma_wait3A_710 = arith.constant 0 : i32
        %dma_wait3A_711 = tpu.memref_slice %arg6[%add3A_703, %dma_wait3A_710] : memref<262144x128xf32, #tpu.memory_space<hbm>> -> memref<64x128xf32, #tpu.memory_space<hbm>>
        %dma_wait3A_712 = tpu.memref_slice %arg10[%dma_wait3A_705] : memref<8x!tpu.dma_semaphore, #tpu.memory_space<semaphore_mem>> -> memref<1x!tpu.dma_semaphore, #tpu.memory_space<semaphore_mem>>
        %dma_wait3A_713 = tpu.memref_squeeze %dma_wait3A_712 : memref<1x!tpu.dma_semaphore, #tpu.memory_space<semaphore_mem>> -> memref<!tpu.dma_semaphore, #tpu.memory_space<semaphore_mem>>
        %dma_wait3A_714 = arith.constant 0 : i32
        %dma_wait3A_715 = tpu.memref_slice %arg6[%add3A_703, %dma_wait3A_714] : memref<262144x128xf32, #tpu.memory_space<hbm>> -> memref<64x128xf32, #tpu.memory_space<hbm>>
        %dma_wait3A_716 = arith.constant 0 : i32
        %dma_wait3A_717 = arith.constant 0 : i32
        %dma_wait3A_718 = tpu.memref_slice %arg8[%dma_wait3A_704, %dma_wait3A_716, %dma_wait3A_717] : memref<8x64x128xf32, #tpu.memory_space<vmem>> -> memref<1x64x128xf32, #tpu.memory_space<vmem>>
        %dma_wait3A_719 = tpu.memref_squeeze %dma_wait3A_718 : memref<1x64x128xf32, #tpu.memory_space<vmem>> -> memref<64x128xf32, #tpu.memory_space<vmem>>
        tpu.wait_dma2 semaphore(%dma_wait3A_713 : memref<!tpu.dma_semaphore, #tpu.memory_space<semaphore_mem>>) src(%dma_wait3A_719 : memref<64x128xf32, #tpu.memory_space<vmem>>) dst(%dma_wait3A_715 : memref<64x128xf32, #tpu.memory_space<hbm>>)
        %add3A_720 = arith.constant 8 : i32
        %add3A_721 = arith.addi %sub3A_443, %add3A_720 : i32
        %lt3A = arith.constant 128 : i32
        %lt3A_722 = arith.cmpi slt, %add3A_721, %lt3A : i32
        %convert_element_type3A_723 = arith.extui %lt3A_722 : i1 to i32
        %cond3A_724 = arith.constant 0 : i32
        %cond3A_725 = arith.cmpi ne, %convert_element_type3A_723, %cond3A_724 : i32
        scf.if %cond3A_725 {
          %add3A_726 = arith.constant 8 : i32
          %add3A_727 = arith.addi %sub3A_443, %add3A_726 : i32
          %mul3A_728 = arith.constant 64 : i32
          %mul3A_729 = arith.muli %add3A_727, %mul3A_728 : i32
          %dma_start3A_730 = arith.constant 5 : i32
          %dma_start3A_731 = arith.constant 5 : i32
          %dma_start3A_732 = arith.constant 0 : i32
          %dma_start3A_733 = arith.constant 0 : i32
          %dma_start3A_734 = tpu.memref_slice %arg8[%dma_start3A_730, %dma_start3A_732, %dma_start3A_733] : memref<8x64x128xf32, #tpu.memory_space<vmem>> -> memref<1x64x128xf32, #tpu.memory_space<vmem>>
          %dma_start3A_735 = tpu.memref_squeeze %dma_start3A_734 : memref<1x64x128xf32, #tpu.memory_space<vmem>> -> memref<64x128xf32, #tpu.memory_space<vmem>>
          %dma_start3A_736 = tpu.memref_slice %arg7[%mul3A_729] : memref<8192xi32, #tpu.memory_space<vmem>> -> memref<64xi32, #tpu.memory_space<vmem>>
          %dma_start3A_737 = arith.constant 0 : i32
          %dma_start3A_738 = arith.constant 0 : i32
          %dma_start3A_739 = tpu.memref_slice %arg3[%dma_start3A_737, %dma_start3A_738] : memref<100000x128xf32, #tpu.memory_space<hbm>> -> memref<100000x128xf32, #tpu.memory_space<hbm>>
          %dma_start3A_740 = tpu.memref_slice %arg9[%dma_start3A_731] : memref<8x!tpu.dma_semaphore, #tpu.memory_space<semaphore_mem>> -> memref<1x!tpu.dma_semaphore, #tpu.memory_space<semaphore_mem>>
          %dma_start3A_741 = tpu.memref_squeeze %dma_start3A_740 : memref<1x!tpu.dma_semaphore, #tpu.memory_space<semaphore_mem>> -> memref<!tpu.dma_semaphore, #tpu.memory_space<semaphore_mem>>
          tpu.enqueue_indirect_dma source(%dma_start3A_739 : memref<100000x128xf32, #tpu.memory_space<hbm>>) target(%dma_start3A_735 : memref<64x128xf32, #tpu.memory_space<vmem>>) offsets(%dma_start3A_736 : memref<64xi32, #tpu.memory_space<vmem>>) semaphore(%dma_start3A_741 : memref<!tpu.dma_semaphore, #tpu.memory_space<semaphore_mem>>)
        } else {
        }
      } else {
      }
      %add3A_449 = arith.constant 2 : i32
      %add3A_450 = arith.addi %mul3A_368, %add3A_449 : i32
      %mul3A_451 = arith.constant 64 : i32
      %mul3A_452 = arith.muli %add3A_450, %mul3A_451 : i32
      %dma_wait3A_453 = arith.constant 2 : i32
      %dma_wait3A_454 = arith.constant 2 : i32
      %dma_wait3A_455 = arith.constant 0 : i32
      %dma_wait3A_456 = arith.constant 0 : i32
      %dma_wait3A_457 = tpu.memref_slice %arg8[%dma_wait3A_453, %dma_wait3A_455, %dma_wait3A_456] : memref<8x64x128xf32, #tpu.memory_space<vmem>> -> memref<1x64x128xf32, #tpu.memory_space<vmem>>
      %dma_wait3A_458 = tpu.memref_squeeze %dma_wait3A_457 : memref<1x64x128xf32, #tpu.memory_space<vmem>> -> memref<64x128xf32, #tpu.memory_space<vmem>>
      %dma_wait3A_459 = tpu.memref_slice %arg7[%mul3A_452] : memref<8192xi32, #tpu.memory_space<vmem>> -> memref<64xi32, #tpu.memory_space<vmem>>
      %dma_wait3A_460 = arith.constant 0 : i32
      %dma_wait3A_461 = arith.constant 0 : i32
      %dma_wait3A_462 = tpu.memref_slice %arg3[%dma_wait3A_460, %dma_wait3A_461] : memref<100000x128xf32, #tpu.memory_space<hbm>> -> memref<100000x128xf32, #tpu.memory_space<hbm>>
      %dma_wait3A_463 = tpu.memref_slice %arg9[%dma_wait3A_454] : memref<8x!tpu.dma_semaphore, #tpu.memory_space<semaphore_mem>> -> memref<1x!tpu.dma_semaphore, #tpu.memory_space<semaphore_mem>>
      %dma_wait3A_464 = tpu.memref_squeeze %dma_wait3A_463 : memref<1x!tpu.dma_semaphore, #tpu.memory_space<semaphore_mem>> -> memref<!tpu.dma_semaphore, #tpu.memory_space<semaphore_mem>>
      tpu.wait_indirect_dma semaphore(%dma_wait3A_464 : memref<!tpu.dma_semaphore, #tpu.memory_space<semaphore_mem>>) src(%dma_wait3A_462 : memref<100000x128xf32, #tpu.memory_space<hbm>>) dst(%dma_wait3A_458 : memref<64x128xf32, #tpu.memory_space<vmem>>)
      %mul3A_465 = arith.constant 64 : i32
      %mul3A_466 = arith.muli %add3A_450, %mul3A_465 : i32
      %add3A_467 = arith.addi %mul3A_2, %mul3A_466 : i32
      %dma_start3A_468 = arith.constant 2 : i32
      %dma_start3A_469 = arith.constant 2 : i32
      %dma_start3A_470 = arith.constant 0 : i32
      %dma_start3A_471 = arith.constant 0 : i32
      %dma_start3A_472 = tpu.memref_slice %arg8[%dma_start3A_468, %dma_start3A_470, %dma_start3A_471] : memref<8x64x128xf32, #tpu.memory_space<vmem>> -> memref<1x64x128xf32, #tpu.memory_space<vmem>>
      %dma_start3A_473 = tpu.memref_squeeze %dma_start3A_472 : memref<1x64x128xf32, #tpu.memory_space<vmem>> -> memref<64x128xf32, #tpu.memory_space<vmem>>
      %dma_start3A_474 = arith.constant 0 : i32
      %dma_start3A_475 = tpu.memref_slice %arg6[%add3A_467, %dma_start3A_474] : memref<262144x128xf32, #tpu.memory_space<hbm>> -> memref<64x128xf32, #tpu.memory_space<hbm>>
      %dma_start3A_476 = tpu.memref_slice %arg10[%dma_start3A_469] : memref<8x!tpu.dma_semaphore, #tpu.memory_space<semaphore_mem>> -> memref<1x!tpu.dma_semaphore, #tpu.memory_space<semaphore_mem>>
      %dma_start3A_477 = tpu.memref_squeeze %dma_start3A_476 : memref<1x!tpu.dma_semaphore, #tpu.memory_space<semaphore_mem>> -> memref<!tpu.dma_semaphore, #tpu.memory_space<semaphore_mem>>
      %dma_start3A_478 = arith.constant 0 : i32
      %dma_start3A_479 = tpu.memref_slice %arg6[%add3A_467, %dma_start3A_478] : memref<262144x128xf32, #tpu.memory_space<hbm>> -> memref<64x128xf32, #tpu.memory_space<hbm>>
      %dma_start3A_480 = arith.constant 0 : i32
      %dma_start3A_481 = arith.constant 0 : i32
      %dma_start3A_482 = tpu.memref_slice %arg8[%dma_start3A_468, %dma_start3A_480, %dma_start3A_481] : memref<8x64x128xf32, #tpu.memory_space<vmem>> -> memref<1x64x128xf32, #tpu.memory_space<vmem>>
      %dma_start3A_483 = tpu.memref_squeeze %dma_start3A_482 : memref<1x64x128xf32, #tpu.memory_space<vmem>> -> memref<64x128xf32, #tpu.memory_space<vmem>>
      tpu.enqueue_dma source(%dma_start3A_483 : memref<64x128xf32, #tpu.memory_space<vmem>>) target(%dma_start3A_479 : memref<64x128xf32, #tpu.memory_space<hbm>>) target_semaphore(%dma_start3A_477 : memref<!tpu.dma_semaphore, #tpu.memory_space<semaphore_mem>>)
      %sub3A_484 = arith.constant 4 : i32
      %sub3A_485 = arith.subi %add3A_450, %sub3A_484 : i32
      %ge3A_486 = arith.constant 0 : i32
      %ge3A_487 = arith.cmpi sge, %sub3A_485, %ge3A_486 : i32
      %convert_element_type3A_488 = arith.extui %ge3A_487 : i1 to i32
      %cond3A_489 = arith.constant 0 : i32
      %cond3A_490 = arith.cmpi ne, %convert_element_type3A_488, %cond3A_489 : i32
      scf.if %cond3A_490 {
        %mul3A_701 = arith.constant 64 : i32
        %mul3A_702 = arith.muli %sub3A_485, %mul3A_701 : i32
        %add3A_703 = arith.addi %mul3A_2, %mul3A_702 : i32
        %dma_wait3A_704 = arith.constant 6 : i32
        %dma_wait3A_705 = arith.constant 6 : i32
        %dma_wait3A_706 = arith.constant 0 : i32
        %dma_wait3A_707 = arith.constant 0 : i32
        %dma_wait3A_708 = tpu.memref_slice %arg8[%dma_wait3A_704, %dma_wait3A_706, %dma_wait3A_707] : memref<8x64x128xf32, #tpu.memory_space<vmem>> -> memref<1x64x128xf32, #tpu.memory_space<vmem>>
        %dma_wait3A_709 = tpu.memref_squeeze %dma_wait3A_708 : memref<1x64x128xf32, #tpu.memory_space<vmem>> -> memref<64x128xf32, #tpu.memory_space<vmem>>
        %dma_wait3A_710 = arith.constant 0 : i32
        %dma_wait3A_711 = tpu.memref_slice %arg6[%add3A_703, %dma_wait3A_710] : memref<262144x128xf32, #tpu.memory_space<hbm>> -> memref<64x128xf32, #tpu.memory_space<hbm>>
        %dma_wait3A_712 = tpu.memref_slice %arg10[%dma_wait3A_705] : memref<8x!tpu.dma_semaphore, #tpu.memory_space<semaphore_mem>> -> memref<1x!tpu.dma_semaphore, #tpu.memory_space<semaphore_mem>>
        %dma_wait3A_713 = tpu.memref_squeeze %dma_wait3A_712 : memref<1x!tpu.dma_semaphore, #tpu.memory_space<semaphore_mem>> -> memref<!tpu.dma_semaphore, #tpu.memory_space<semaphore_mem>>
        %dma_wait3A_714 = arith.constant 0 : i32
        %dma_wait3A_715 = tpu.memref_slice %arg6[%add3A_703, %dma_wait3A_714] : memref<262144x128xf32, #tpu.memory_space<hbm>> -> memref<64x128xf32, #tpu.memory_space<hbm>>
        %dma_wait3A_716 = arith.constant 0 : i32
        %dma_wait3A_717 = arith.constant 0 : i32
        %dma_wait3A_718 = tpu.memref_slice %arg8[%dma_wait3A_704, %dma_wait3A_716, %dma_wait3A_717] : memref<8x64x128xf32, #tpu.memory_space<vmem>> -> memref<1x64x128xf32, #tpu.memory_space<vmem>>
        %dma_wait3A_719 = tpu.memref_squeeze %dma_wait3A_718 : memref<1x64x128xf32, #tpu.memory_space<vmem>> -> memref<64x128xf32, #tpu.memory_space<vmem>>
        tpu.wait_dma2 semaphore(%dma_wait3A_713 : memref<!tpu.dma_semaphore, #tpu.memory_space<semaphore_mem>>) src(%dma_wait3A_719 : memref<64x128xf32, #tpu.memory_space<vmem>>) dst(%dma_wait3A_715 : memref<64x128xf32, #tpu.memory_space<hbm>>)
        %add3A_720 = arith.constant 8 : i32
        %add3A_721 = arith.addi %sub3A_485, %add3A_720 : i32
        %lt3A = arith.constant 128 : i32
        %lt3A_722 = arith.cmpi slt, %add3A_721, %lt3A : i32
        %convert_element_type3A_723 = arith.extui %lt3A_722 : i1 to i32
        %cond3A_724 = arith.constant 0 : i32
        %cond3A_725 = arith.cmpi ne, %convert_element_type3A_723, %cond3A_724 : i32
        scf.if %cond3A_725 {
          %add3A_726 = arith.constant 8 : i32
          %add3A_727 = arith.addi %sub3A_485, %add3A_726 : i32
          %mul3A_728 = arith.constant 64 : i32
          %mul3A_729 = arith.muli %add3A_727, %mul3A_728 : i32
          %dma_start3A_730 = arith.constant 6 : i32
          %dma_start3A_731 = arith.constant 6 : i32
          %dma_start3A_732 = arith.constant 0 : i32
          %dma_start3A_733 = arith.constant 0 : i32
          %dma_start3A_734 = tpu.memref_slice %arg8[%dma_start3A_730, %dma_start3A_732, %dma_start3A_733] : memref<8x64x128xf32, #tpu.memory_space<vmem>> -> memref<1x64x128xf32, #tpu.memory_space<vmem>>
          %dma_start3A_735 = tpu.memref_squeeze %dma_start3A_734 : memref<1x64x128xf32, #tpu.memory_space<vmem>> -> memref<64x128xf32, #tpu.memory_space<vmem>>
          %dma_start3A_736 = tpu.memref_slice %arg7[%mul3A_729] : memref<8192xi32, #tpu.memory_space<vmem>> -> memref<64xi32, #tpu.memory_space<vmem>>
          %dma_start3A_737 = arith.constant 0 : i32
          %dma_start3A_738 = arith.constant 0 : i32
          %dma_start3A_739 = tpu.memref_slice %arg3[%dma_start3A_737, %dma_start3A_738] : memref<100000x128xf32, #tpu.memory_space<hbm>> -> memref<100000x128xf32, #tpu.memory_space<hbm>>
          %dma_start3A_740 = tpu.memref_slice %arg9[%dma_start3A_731] : memref<8x!tpu.dma_semaphore, #tpu.memory_space<semaphore_mem>> -> memref<1x!tpu.dma_semaphore, #tpu.memory_space<semaphore_mem>>
          %dma_start3A_741 = tpu.memref_squeeze %dma_start3A_740 : memref<1x!tpu.dma_semaphore, #tpu.memory_space<semaphore_mem>> -> memref<!tpu.dma_semaphore, #tpu.memory_space<semaphore_mem>>
          tpu.enqueue_indirect_dma source(%dma_start3A_739 : memref<100000x128xf32, #tpu.memory_space<hbm>>) target(%dma_start3A_735 : memref<64x128xf32, #tpu.memory_space<vmem>>) offsets(%dma_start3A_736 : memref<64xi32, #tpu.memory_space<vmem>>) semaphore(%dma_start3A_741 : memref<!tpu.dma_semaphore, #tpu.memory_space<semaphore_mem>>)
        } else {
        }
      } else {
      }
      %add3A_491 = arith.constant 3 : i32
      %add3A_492 = arith.addi %mul3A_368, %add3A_491 : i32
      %mul3A_493 = arith.constant 64 : i32
      %mul3A_494 = arith.muli %add3A_492, %mul3A_493 : i32
      %dma_wait3A_495 = arith.constant 3 : i32
      %dma_wait3A_496 = arith.constant 3 : i32
      %dma_wait3A_497 = arith.constant 0 : i32
      %dma_wait3A_498 = arith.constant 0 : i32
      %dma_wait3A_499 = tpu.memref_slice %arg8[%dma_wait3A_495, %dma_wait3A_497, %dma_wait3A_498] : memref<8x64x128xf32, #tpu.memory_space<vmem>> -> memref<1x64x128xf32, #tpu.memory_space<vmem>>
      %dma_wait3A_500 = tpu.memref_squeeze %dma_wait3A_499 : memref<1x64x128xf32, #tpu.memory_space<vmem>> -> memref<64x128xf32, #tpu.memory_space<vmem>>
      %dma_wait3A_501 = tpu.memref_slice %arg7[%mul3A_494] : memref<8192xi32, #tpu.memory_space<vmem>> -> memref<64xi32, #tpu.memory_space<vmem>>
      %dma_wait3A_502 = arith.constant 0 : i32
      %dma_wait3A_503 = arith.constant 0 : i32
      %dma_wait3A_504 = tpu.memref_slice %arg3[%dma_wait3A_502, %dma_wait3A_503] : memref<100000x128xf32, #tpu.memory_space<hbm>> -> memref<100000x128xf32, #tpu.memory_space<hbm>>
      %dma_wait3A_505 = tpu.memref_slice %arg9[%dma_wait3A_496] : memref<8x!tpu.dma_semaphore, #tpu.memory_space<semaphore_mem>> -> memref<1x!tpu.dma_semaphore, #tpu.memory_space<semaphore_mem>>
      %dma_wait3A_506 = tpu.memref_squeeze %dma_wait3A_505 : memref<1x!tpu.dma_semaphore, #tpu.memory_space<semaphore_mem>> -> memref<!tpu.dma_semaphore, #tpu.memory_space<semaphore_mem>>
      tpu.wait_indirect_dma semaphore(%dma_wait3A_506 : memref<!tpu.dma_semaphore, #tpu.memory_space<semaphore_mem>>) src(%dma_wait3A_504 : memref<100000x128xf32, #tpu.memory_space<hbm>>) dst(%dma_wait3A_500 : memref<64x128xf32, #tpu.memory_space<vmem>>)
      %mul3A_507 = arith.constant 64 : i32
      %mul3A_508 = arith.muli %add3A_492, %mul3A_507 : i32
      %add3A_509 = arith.addi %mul3A_2, %mul3A_508 : i32
      %dma_start3A_510 = arith.constant 3 : i32
      %dma_start3A_511 = arith.constant 3 : i32
      %dma_start3A_512 = arith.constant 0 : i32
      %dma_start3A_513 = arith.constant 0 : i32
      %dma_start3A_514 = tpu.memref_slice %arg8[%dma_start3A_510, %dma_start3A_512, %dma_start3A_513] : memref<8x64x128xf32, #tpu.memory_space<vmem>> -> memref<1x64x128xf32, #tpu.memory_space<vmem>>
      %dma_start3A_515 = tpu.memref_squeeze %dma_start3A_514 : memref<1x64x128xf32, #tpu.memory_space<vmem>> -> memref<64x128xf32, #tpu.memory_space<vmem>>
      %dma_start3A_516 = arith.constant 0 : i32
      %dma_start3A_517 = tpu.memref_slice %arg6[%add3A_509, %dma_start3A_516] : memref<262144x128xf32, #tpu.memory_space<hbm>> -> memref<64x128xf32, #tpu.memory_space<hbm>>
      %dma_start3A_518 = tpu.memref_slice %arg10[%dma_start3A_511] : memref<8x!tpu.dma_semaphore, #tpu.memory_space<semaphore_mem>> -> memref<1x!tpu.dma_semaphore, #tpu.memory_space<semaphore_mem>>
      %dma_start3A_519 = tpu.memref_squeeze %dma_start3A_518 : memref<1x!tpu.dma_semaphore, #tpu.memory_space<semaphore_mem>> -> memref<!tpu.dma_semaphore, #tpu.memory_space<semaphore_mem>>
      %dma_start3A_520 = arith.constant 0 : i32
      %dma_start3A_521 = tpu.memref_slice %arg6[%add3A_509, %dma_start3A_520] : memref<262144x128xf32, #tpu.memory_space<hbm>> -> memref<64x128xf32, #tpu.memory_space<hbm>>
      %dma_start3A_522 = arith.constant 0 : i32
      %dma_start3A_523 = arith.constant 0 : i32
      %dma_start3A_524 = tpu.memref_slice %arg8[%dma_start3A_510, %dma_start3A_522, %dma_start3A_523] : memref<8x64x128xf32, #tpu.memory_space<vmem>> -> memref<1x64x128xf32, #tpu.memory_space<vmem>>
      %dma_start3A_525 = tpu.memref_squeeze %dma_start3A_524 : memref<1x64x128xf32, #tpu.memory_space<vmem>> -> memref<64x128xf32, #tpu.memory_space<vmem>>
      tpu.enqueue_dma source(%dma_start3A_525 : memref<64x128xf32, #tpu.memory_space<vmem>>) target(%dma_start3A_521 : memref<64x128xf32, #tpu.memory_space<hbm>>) target_semaphore(%dma_start3A_519 : memref<!tpu.dma_semaphore, #tpu.memory_space<semaphore_mem>>)
      %sub3A_526 = arith.constant 4 : i32
      %sub3A_527 = arith.subi %add3A_492, %sub3A_526 : i32
      %ge3A_528 = arith.constant 0 : i32
      %ge3A_529 = arith.cmpi sge, %sub3A_527, %ge3A_528 : i32
      %convert_element_type3A_530 = arith.extui %ge3A_529 : i1 to i32
      %cond3A_531 = arith.constant 0 : i32
      %cond3A_532 = arith.cmpi ne, %convert_element_type3A_530, %cond3A_531 : i32
      scf.if %cond3A_532 {
        %mul3A_701 = arith.constant 64 : i32
        %mul3A_702 = arith.muli %sub3A_527, %mul3A_701 : i32
        %add3A_703 = arith.addi %mul3A_2, %mul3A_702 : i32
        %dma_wait3A_704 = arith.constant 7 : i32
        %dma_wait3A_705 = arith.constant 7 : i32
        %dma_wait3A_706 = arith.constant 0 : i32
        %dma_wait3A_707 = arith.constant 0 : i32
        %dma_wait3A_708 = tpu.memref_slice %arg8[%dma_wait3A_704, %dma_wait3A_706, %dma_wait3A_707] : memref<8x64x128xf32, #tpu.memory_space<vmem>> -> memref<1x64x128xf32, #tpu.memory_space<vmem>>
        %dma_wait3A_709 = tpu.memref_squeeze %dma_wait3A_708 : memref<1x64x128xf32, #tpu.memory_space<vmem>> -> memref<64x128xf32, #tpu.memory_space<vmem>>
        %dma_wait3A_710 = arith.constant 0 : i32
        %dma_wait3A_711 = tpu.memref_slice %arg6[%add3A_703, %dma_wait3A_710] : memref<262144x128xf32, #tpu.memory_space<hbm>> -> memref<64x128xf32, #tpu.memory_space<hbm>>
        %dma_wait3A_712 = tpu.memref_slice %arg10[%dma_wait3A_705] : memref<8x!tpu.dma_semaphore, #tpu.memory_space<semaphore_mem>> -> memref<1x!tpu.dma_semaphore, #tpu.memory_space<semaphore_mem>>
        %dma_wait3A_713 = tpu.memref_squeeze %dma_wait3A_712 : memref<1x!tpu.dma_semaphore, #tpu.memory_space<semaphore_mem>> -> memref<!tpu.dma_semaphore, #tpu.memory_space<semaphore_mem>>
        %dma_wait3A_714 = arith.constant 0 : i32
        %dma_wait3A_715 = tpu.memref_slice %arg6[%add3A_703, %dma_wait3A_714] : memref<262144x128xf32, #tpu.memory_space<hbm>> -> memref<64x128xf32, #tpu.memory_space<hbm>>
        %dma_wait3A_716 = arith.constant 0 : i32
        %dma_wait3A_717 = arith.constant 0 : i32
        %dma_wait3A_718 = tpu.memref_slice %arg8[%dma_wait3A_704, %dma_wait3A_716, %dma_wait3A_717] : memref<8x64x128xf32, #tpu.memory_space<vmem>> -> memref<1x64x128xf32, #tpu.memory_space<vmem>>
        %dma_wait3A_719 = tpu.memref_squeeze %dma_wait3A_718 : memref<1x64x128xf32, #tpu.memory_space<vmem>> -> memref<64x128xf32, #tpu.memory_space<vmem>>
        tpu.wait_dma2 semaphore(%dma_wait3A_713 : memref<!tpu.dma_semaphore, #tpu.memory_space<semaphore_mem>>) src(%dma_wait3A_719 : memref<64x128xf32, #tpu.memory_space<vmem>>) dst(%dma_wait3A_715 : memref<64x128xf32, #tpu.memory_space<hbm>>)
        %add3A_720 = arith.constant 8 : i32
        %add3A_721 = arith.addi %sub3A_527, %add3A_720 : i32
        %lt3A = arith.constant 128 : i32
        %lt3A_722 = arith.cmpi slt, %add3A_721, %lt3A : i32
        %convert_element_type3A_723 = arith.extui %lt3A_722 : i1 to i32
        %cond3A_724 = arith.constant 0 : i32
        %cond3A_725 = arith.cmpi ne, %convert_element_type3A_723, %cond3A_724 : i32
        scf.if %cond3A_725 {
          %add3A_726 = arith.constant 8 : i32
          %add3A_727 = arith.addi %sub3A_527, %add3A_726 : i32
          %mul3A_728 = arith.constant 64 : i32
          %mul3A_729 = arith.muli %add3A_727, %mul3A_728 : i32
          %dma_start3A_730 = arith.constant 7 : i32
          %dma_start3A_731 = arith.constant 7 : i32
          %dma_start3A_732 = arith.constant 0 : i32
          %dma_start3A_733 = arith.constant 0 : i32
          %dma_start3A_734 = tpu.memref_slice %arg8[%dma_start3A_730, %dma_start3A_732, %dma_start3A_733] : memref<8x64x128xf32, #tpu.memory_space<vmem>> -> memref<1x64x128xf32, #tpu.memory_space<vmem>>
          %dma_start3A_735 = tpu.memref_squeeze %dma_start3A_734 : memref<1x64x128xf32, #tpu.memory_space<vmem>> -> memref<64x128xf32, #tpu.memory_space<vmem>>
          %dma_start3A_736 = tpu.memref_slice %arg7[%mul3A_729] : memref<8192xi32, #tpu.memory_space<vmem>> -> memref<64xi32, #tpu.memory_space<vmem>>
          %dma_start3A_737 = arith.constant 0 : i32
          %dma_start3A_738 = arith.constant 0 : i32
          %dma_start3A_739 = tpu.memref_slice %arg3[%dma_start3A_737, %dma_start3A_738] : memref<100000x128xf32, #tpu.memory_space<hbm>> -> memref<100000x128xf32, #tpu.memory_space<hbm>>
          %dma_start3A_740 = tpu.memref_slice %arg9[%dma_start3A_731] : memref<8x!tpu.dma_semaphore, #tpu.memory_space<semaphore_mem>> -> memref<1x!tpu.dma_semaphore, #tpu.memory_space<semaphore_mem>>
          %dma_start3A_741 = tpu.memref_squeeze %dma_start3A_740 : memref<1x!tpu.dma_semaphore, #tpu.memory_space<semaphore_mem>> -> memref<!tpu.dma_semaphore, #tpu.memory_space<semaphore_mem>>
          tpu.enqueue_indirect_dma source(%dma_start3A_739 : memref<100000x128xf32, #tpu.memory_space<hbm>>) target(%dma_start3A_735 : memref<64x128xf32, #tpu.memory_space<vmem>>) offsets(%dma_start3A_736 : memref<64xi32, #tpu.memory_space<vmem>>) semaphore(%dma_start3A_741 : memref<!tpu.dma_semaphore, #tpu.memory_space<semaphore_mem>>)
        } else {
        }
      } else {
      }
      %add3A_533 = arith.constant 4 : i32
      %add3A_534 = arith.addi %mul3A_368, %add3A_533 : i32
      %mul3A_535 = arith.constant 64 : i32
      %mul3A_536 = arith.muli %add3A_534, %mul3A_535 : i32
      %dma_wait3A_537 = arith.constant 4 : i32
      %dma_wait3A_538 = arith.constant 4 : i32
      %dma_wait3A_539 = arith.constant 0 : i32
      %dma_wait3A_540 = arith.constant 0 : i32
      %dma_wait3A_541 = tpu.memref_slice %arg8[%dma_wait3A_537, %dma_wait3A_539, %dma_wait3A_540] : memref<8x64x128xf32, #tpu.memory_space<vmem>> -> memref<1x64x128xf32, #tpu.memory_space<vmem>>
      %dma_wait3A_542 = tpu.memref_squeeze %dma_wait3A_541 : memref<1x64x128xf32, #tpu.memory_space<vmem>> -> memref<64x128xf32, #tpu.memory_space<vmem>>
      %dma_wait3A_543 = tpu.memref_slice %arg7[%mul3A_536] : memref<8192xi32, #tpu.memory_space<vmem>> -> memref<64xi32, #tpu.memory_space<vmem>>
      %dma_wait3A_544 = arith.constant 0 : i32
      %dma_wait3A_545 = arith.constant 0 : i32
      %dma_wait3A_546 = tpu.memref_slice %arg3[%dma_wait3A_544, %dma_wait3A_545] : memref<100000x128xf32, #tpu.memory_space<hbm>> -> memref<100000x128xf32, #tpu.memory_space<hbm>>
      %dma_wait3A_547 = tpu.memref_slice %arg9[%dma_wait3A_538] : memref<8x!tpu.dma_semaphore, #tpu.memory_space<semaphore_mem>> -> memref<1x!tpu.dma_semaphore, #tpu.memory_space<semaphore_mem>>
      %dma_wait3A_548 = tpu.memref_squeeze %dma_wait3A_547 : memref<1x!tpu.dma_semaphore, #tpu.memory_space<semaphore_mem>> -> memref<!tpu.dma_semaphore, #tpu.memory_space<semaphore_mem>>
      tpu.wait_indirect_dma semaphore(%dma_wait3A_548 : memref<!tpu.dma_semaphore, #tpu.memory_space<semaphore_mem>>) src(%dma_wait3A_546 : memref<100000x128xf32, #tpu.memory_space<hbm>>) dst(%dma_wait3A_542 : memref<64x128xf32, #tpu.memory_space<vmem>>)
      %mul3A_549 = arith.constant 64 : i32
      %mul3A_550 = arith.muli %add3A_534, %mul3A_549 : i32
      %add3A_551 = arith.addi %mul3A_2, %mul3A_550 : i32
      %dma_start3A_552 = arith.constant 4 : i32
      %dma_start3A_553 = arith.constant 4 : i32
      %dma_start3A_554 = arith.constant 0 : i32
      %dma_start3A_555 = arith.constant 0 : i32
      %dma_start3A_556 = tpu.memref_slice %arg8[%dma_start3A_552, %dma_start3A_554, %dma_start3A_555] : memref<8x64x128xf32, #tpu.memory_space<vmem>> -> memref<1x64x128xf32, #tpu.memory_space<vmem>>
      %dma_start3A_557 = tpu.memref_squeeze %dma_start3A_556 : memref<1x64x128xf32, #tpu.memory_space<vmem>> -> memref<64x128xf32, #tpu.memory_space<vmem>>
      %dma_start3A_558 = arith.constant 0 : i32
      %dma_start3A_559 = tpu.memref_slice %arg6[%add3A_551, %dma_start3A_558] : memref<262144x128xf32, #tpu.memory_space<hbm>> -> memref<64x128xf32, #tpu.memory_space<hbm>>
      %dma_start3A_560 = tpu.memref_slice %arg10[%dma_start3A_553] : memref<8x!tpu.dma_semaphore, #tpu.memory_space<semaphore_mem>> -> memref<1x!tpu.dma_semaphore, #tpu.memory_space<semaphore_mem>>
      %dma_start3A_561 = tpu.memref_squeeze %dma_start3A_560 : memref<1x!tpu.dma_semaphore, #tpu.memory_space<semaphore_mem>> -> memref<!tpu.dma_semaphore, #tpu.memory_space<semaphore_mem>>
      %dma_start3A_562 = arith.constant 0 : i32
      %dma_start3A_563 = tpu.memref_slice %arg6[%add3A_551, %dma_start3A_562] : memref<262144x128xf32, #tpu.memory_space<hbm>> -> memref<64x128xf32, #tpu.memory_space<hbm>>
      %dma_start3A_564 = arith.constant 0 : i32
      %dma_start3A_565 = arith.constant 0 : i32
      %dma_start3A_566 = tpu.memref_slice %arg8[%dma_start3A_552, %dma_start3A_564, %dma_start3A_565] : memref<8x64x128xf32, #tpu.memory_space<vmem>> -> memref<1x64x128xf32, #tpu.memory_space<vmem>>
      %dma_start3A_567 = tpu.memref_squeeze %dma_start3A_566 : memref<1x64x128xf32, #tpu.memory_space<vmem>> -> memref<64x128xf32, #tpu.memory_space<vmem>>
      tpu.enqueue_dma source(%dma_start3A_567 : memref<64x128xf32, #tpu.memory_space<vmem>>) target(%dma_start3A_563 : memref<64x128xf32, #tpu.memory_space<hbm>>) target_semaphore(%dma_start3A_561 : memref<!tpu.dma_semaphore, #tpu.memory_space<semaphore_mem>>)
      %sub3A_568 = arith.constant 4 : i32
      %sub3A_569 = arith.subi %add3A_534, %sub3A_568 : i32
      %ge3A_570 = arith.constant 0 : i32
      %ge3A_571 = arith.cmpi sge, %sub3A_569, %ge3A_570 : i32
      %convert_element_type3A_572 = arith.extui %ge3A_571 : i1 to i32
      %cond3A_573 = arith.constant 0 : i32
      %cond3A_574 = arith.cmpi ne, %convert_element_type3A_572, %cond3A_573 : i32
      scf.if %cond3A_574 {
        %mul3A_701 = arith.constant 64 : i32
        %mul3A_702 = arith.muli %sub3A_569, %mul3A_701 : i32
        %add3A_703 = arith.addi %mul3A_2, %mul3A_702 : i32
        %dma_wait3A_704 = arith.constant 0 : i32
        %dma_wait3A_705 = arith.constant 0 : i32
        %dma_wait3A_706 = arith.constant 0 : i32
        %dma_wait3A_707 = arith.constant 0 : i32
        %dma_wait3A_708 = tpu.memref_slice %arg8[%dma_wait3A_704, %dma_wait3A_706, %dma_wait3A_707] : memref<8x64x128xf32, #tpu.memory_space<vmem>> -> memref<1x64x128xf32, #tpu.memory_space<vmem>>
        %dma_wait3A_709 = tpu.memref_squeeze %dma_wait3A_708 : memref<1x64x128xf32, #tpu.memory_space<vmem>> -> memref<64x128xf32, #tpu.memory_space<vmem>>
        %dma_wait3A_710 = arith.constant 0 : i32
        %dma_wait3A_711 = tpu.memref_slice %arg6[%add3A_703, %dma_wait3A_710] : memref<262144x128xf32, #tpu.memory_space<hbm>> -> memref<64x128xf32, #tpu.memory_space<hbm>>
        %dma_wait3A_712 = tpu.memref_slice %arg10[%dma_wait3A_705] : memref<8x!tpu.dma_semaphore, #tpu.memory_space<semaphore_mem>> -> memref<1x!tpu.dma_semaphore, #tpu.memory_space<semaphore_mem>>
        %dma_wait3A_713 = tpu.memref_squeeze %dma_wait3A_712 : memref<1x!tpu.dma_semaphore, #tpu.memory_space<semaphore_mem>> -> memref<!tpu.dma_semaphore, #tpu.memory_space<semaphore_mem>>
        %dma_wait3A_714 = arith.constant 0 : i32
        %dma_wait3A_715 = tpu.memref_slice %arg6[%add3A_703, %dma_wait3A_714] : memref<262144x128xf32, #tpu.memory_space<hbm>> -> memref<64x128xf32, #tpu.memory_space<hbm>>
        %dma_wait3A_716 = arith.constant 0 : i32
        %dma_wait3A_717 = arith.constant 0 : i32
        %dma_wait3A_718 = tpu.memref_slice %arg8[%dma_wait3A_704, %dma_wait3A_716, %dma_wait3A_717] : memref<8x64x128xf32, #tpu.memory_space<vmem>> -> memref<1x64x128xf32, #tpu.memory_space<vmem>>
        %dma_wait3A_719 = tpu.memref_squeeze %dma_wait3A_718 : memref<1x64x128xf32, #tpu.memory_space<vmem>> -> memref<64x128xf32, #tpu.memory_space<vmem>>
        tpu.wait_dma2 semaphore(%dma_wait3A_713 : memref<!tpu.dma_semaphore, #tpu.memory_space<semaphore_mem>>) src(%dma_wait3A_719 : memref<64x128xf32, #tpu.memory_space<vmem>>) dst(%dma_wait3A_715 : memref<64x128xf32, #tpu.memory_space<hbm>>)
        %add3A_720 = arith.constant 8 : i32
        %add3A_721 = arith.addi %sub3A_569, %add3A_720 : i32
        %lt3A = arith.constant 128 : i32
        %lt3A_722 = arith.cmpi slt, %add3A_721, %lt3A : i32
        %convert_element_type3A_723 = arith.extui %lt3A_722 : i1 to i32
        %cond3A_724 = arith.constant 0 : i32
        %cond3A_725 = arith.cmpi ne, %convert_element_type3A_723, %cond3A_724 : i32
        scf.if %cond3A_725 {
          %add3A_726 = arith.constant 8 : i32
          %add3A_727 = arith.addi %sub3A_569, %add3A_726 : i32
          %mul3A_728 = arith.constant 64 : i32
          %mul3A_729 = arith.muli %add3A_727, %mul3A_728 : i32
          %dma_start3A_730 = arith.constant 0 : i32
          %dma_start3A_731 = arith.constant 0 : i32
          %dma_start3A_732 = arith.constant 0 : i32
          %dma_start3A_733 = arith.constant 0 : i32
          %dma_start3A_734 = tpu.memref_slice %arg8[%dma_start3A_730, %dma_start3A_732, %dma_start3A_733] : memref<8x64x128xf32, #tpu.memory_space<vmem>> -> memref<1x64x128xf32, #tpu.memory_space<vmem>>
          %dma_start3A_735 = tpu.memref_squeeze %dma_start3A_734 : memref<1x64x128xf32, #tpu.memory_space<vmem>> -> memref<64x128xf32, #tpu.memory_space<vmem>>
          %dma_start3A_736 = tpu.memref_slice %arg7[%mul3A_729] : memref<8192xi32, #tpu.memory_space<vmem>> -> memref<64xi32, #tpu.memory_space<vmem>>
          %dma_start3A_737 = arith.constant 0 : i32
          %dma_start3A_738 = arith.constant 0 : i32
          %dma_start3A_739 = tpu.memref_slice %arg3[%dma_start3A_737, %dma_start3A_738] : memref<100000x128xf32, #tpu.memory_space<hbm>> -> memref<100000x128xf32, #tpu.memory_space<hbm>>
          %dma_start3A_740 = tpu.memref_slice %arg9[%dma_start3A_731] : memref<8x!tpu.dma_semaphore, #tpu.memory_space<semaphore_mem>> -> memref<1x!tpu.dma_semaphore, #tpu.memory_space<semaphore_mem>>
          %dma_start3A_741 = tpu.memref_squeeze %dma_start3A_740 : memref<1x!tpu.dma_semaphore, #tpu.memory_space<semaphore_mem>> -> memref<!tpu.dma_semaphore, #tpu.memory_space<semaphore_mem>>
          tpu.enqueue_indirect_dma source(%dma_start3A_739 : memref<100000x128xf32, #tpu.memory_space<hbm>>) target(%dma_start3A_735 : memref<64x128xf32, #tpu.memory_space<vmem>>) offsets(%dma_start3A_736 : memref<64xi32, #tpu.memory_space<vmem>>) semaphore(%dma_start3A_741 : memref<!tpu.dma_semaphore, #tpu.memory_space<semaphore_mem>>)
        } else {
        }
      } else {
      }
      %add3A_575 = arith.constant 5 : i32
      %add3A_576 = arith.addi %mul3A_368, %add3A_575 : i32
      %mul3A_577 = arith.constant 64 : i32
      %mul3A_578 = arith.muli %add3A_576, %mul3A_577 : i32
      %dma_wait3A_579 = arith.constant 5 : i32
      %dma_wait3A_580 = arith.constant 5 : i32
      %dma_wait3A_581 = arith.constant 0 : i32
      %dma_wait3A_582 = arith.constant 0 : i32
      %dma_wait3A_583 = tpu.memref_slice %arg8[%dma_wait3A_579, %dma_wait3A_581, %dma_wait3A_582] : memref<8x64x128xf32, #tpu.memory_space<vmem>> -> memref<1x64x128xf32, #tpu.memory_space<vmem>>
      %dma_wait3A_584 = tpu.memref_squeeze %dma_wait3A_583 : memref<1x64x128xf32, #tpu.memory_space<vmem>> -> memref<64x128xf32, #tpu.memory_space<vmem>>
      %dma_wait3A_585 = tpu.memref_slice %arg7[%mul3A_578] : memref<8192xi32, #tpu.memory_space<vmem>> -> memref<64xi32, #tpu.memory_space<vmem>>
      %dma_wait3A_586 = arith.constant 0 : i32
      %dma_wait3A_587 = arith.constant 0 : i32
      %dma_wait3A_588 = tpu.memref_slice %arg3[%dma_wait3A_586, %dma_wait3A_587] : memref<100000x128xf32, #tpu.memory_space<hbm>> -> memref<100000x128xf32, #tpu.memory_space<hbm>>
      %dma_wait3A_589 = tpu.memref_slice %arg9[%dma_wait3A_580] : memref<8x!tpu.dma_semaphore, #tpu.memory_space<semaphore_mem>> -> memref<1x!tpu.dma_semaphore, #tpu.memory_space<semaphore_mem>>
      %dma_wait3A_590 = tpu.memref_squeeze %dma_wait3A_589 : memref<1x!tpu.dma_semaphore, #tpu.memory_space<semaphore_mem>> -> memref<!tpu.dma_semaphore, #tpu.memory_space<semaphore_mem>>
      tpu.wait_indirect_dma semaphore(%dma_wait3A_590 : memref<!tpu.dma_semaphore, #tpu.memory_space<semaphore_mem>>) src(%dma_wait3A_588 : memref<100000x128xf32, #tpu.memory_space<hbm>>) dst(%dma_wait3A_584 : memref<64x128xf32, #tpu.memory_space<vmem>>)
      %mul3A_591 = arith.constant 64 : i32
      %mul3A_592 = arith.muli %add3A_576, %mul3A_591 : i32
      %add3A_593 = arith.addi %mul3A_2, %mul3A_592 : i32
      %dma_start3A_594 = arith.constant 5 : i32
      %dma_start3A_595 = arith.constant 5 : i32
      %dma_start3A_596 = arith.constant 0 : i32
      %dma_start3A_597 = arith.constant 0 : i32
      %dma_start3A_598 = tpu.memref_slice %arg8[%dma_start3A_594, %dma_start3A_596, %dma_start3A_597] : memref<8x64x128xf32, #tpu.memory_space<vmem>> -> memref<1x64x128xf32, #tpu.memory_space<vmem>>
      %dma_start3A_599 = tpu.memref_squeeze %dma_start3A_598 : memref<1x64x128xf32, #tpu.memory_space<vmem>> -> memref<64x128xf32, #tpu.memory_space<vmem>>
      %dma_start3A_600 = arith.constant 0 : i32
      %dma_start3A_601 = tpu.memref_slice %arg6[%add3A_593, %dma_start3A_600] : memref<262144x128xf32, #tpu.memory_space<hbm>> -> memref<64x128xf32, #tpu.memory_space<hbm>>
      %dma_start3A_602 = tpu.memref_slice %arg10[%dma_start3A_595] : memref<8x!tpu.dma_semaphore, #tpu.memory_space<semaphore_mem>> -> memref<1x!tpu.dma_semaphore, #tpu.memory_space<semaphore_mem>>
      %dma_start3A_603 = tpu.memref_squeeze %dma_start3A_602 : memref<1x!tpu.dma_semaphore, #tpu.memory_space<semaphore_mem>> -> memref<!tpu.dma_semaphore, #tpu.memory_space<semaphore_mem>>
      %dma_start3A_604 = arith.constant 0 : i32
      %dma_start3A_605 = tpu.memref_slice %arg6[%add3A_593, %dma_start3A_604] : memref<262144x128xf32, #tpu.memory_space<hbm>> -> memref<64x128xf32, #tpu.memory_space<hbm>>
      %dma_start3A_606 = arith.constant 0 : i32
      %dma_start3A_607 = arith.constant 0 : i32
      %dma_start3A_608 = tpu.memref_slice %arg8[%dma_start3A_594, %dma_start3A_606, %dma_start3A_607] : memref<8x64x128xf32, #tpu.memory_space<vmem>> -> memref<1x64x128xf32, #tpu.memory_space<vmem>>
      %dma_start3A_609 = tpu.memref_squeeze %dma_start3A_608 : memref<1x64x128xf32, #tpu.memory_space<vmem>> -> memref<64x128xf32, #tpu.memory_space<vmem>>
      tpu.enqueue_dma source(%dma_start3A_609 : memref<64x128xf32, #tpu.memory_space<vmem>>) target(%dma_start3A_605 : memref<64x128xf32, #tpu.memory_space<hbm>>) target_semaphore(%dma_start3A_603 : memref<!tpu.dma_semaphore, #tpu.memory_space<semaphore_mem>>)
      %sub3A_610 = arith.constant 4 : i32
      %sub3A_611 = arith.subi %add3A_576, %sub3A_610 : i32
      %ge3A_612 = arith.constant 0 : i32
      %ge3A_613 = arith.cmpi sge, %sub3A_611, %ge3A_612 : i32
      %convert_element_type3A_614 = arith.extui %ge3A_613 : i1 to i32
      %cond3A_615 = arith.constant 0 : i32
      %cond3A_616 = arith.cmpi ne, %convert_element_type3A_614, %cond3A_615 : i32
      scf.if %cond3A_616 {
        %mul3A_701 = arith.constant 64 : i32
        %mul3A_702 = arith.muli %sub3A_611, %mul3A_701 : i32
        %add3A_703 = arith.addi %mul3A_2, %mul3A_702 : i32
        %dma_wait3A_704 = arith.constant 1 : i32
        %dma_wait3A_705 = arith.constant 1 : i32
        %dma_wait3A_706 = arith.constant 0 : i32
        %dma_wait3A_707 = arith.constant 0 : i32
        %dma_wait3A_708 = tpu.memref_slice %arg8[%dma_wait3A_704, %dma_wait3A_706, %dma_wait3A_707] : memref<8x64x128xf32, #tpu.memory_space<vmem>> -> memref<1x64x128xf32, #tpu.memory_space<vmem>>
        %dma_wait3A_709 = tpu.memref_squeeze %dma_wait3A_708 : memref<1x64x128xf32, #tpu.memory_space<vmem>> -> memref<64x128xf32, #tpu.memory_space<vmem>>
        %dma_wait3A_710 = arith.constant 0 : i32
        %dma_wait3A_711 = tpu.memref_slice %arg6[%add3A_703, %dma_wait3A_710] : memref<262144x128xf32, #tpu.memory_space<hbm>> -> memref<64x128xf32, #tpu.memory_space<hbm>>
        %dma_wait3A_712 = tpu.memref_slice %arg10[%dma_wait3A_705] : memref<8x!tpu.dma_semaphore, #tpu.memory_space<semaphore_mem>> -> memref<1x!tpu.dma_semaphore, #tpu.memory_space<semaphore_mem>>
        %dma_wait3A_713 = tpu.memref_squeeze %dma_wait3A_712 : memref<1x!tpu.dma_semaphore, #tpu.memory_space<semaphore_mem>> -> memref<!tpu.dma_semaphore, #tpu.memory_space<semaphore_mem>>
        %dma_wait3A_714 = arith.constant 0 : i32
        %dma_wait3A_715 = tpu.memref_slice %arg6[%add3A_703, %dma_wait3A_714] : memref<262144x128xf32, #tpu.memory_space<hbm>> -> memref<64x128xf32, #tpu.memory_space<hbm>>
        %dma_wait3A_716 = arith.constant 0 : i32
        %dma_wait3A_717 = arith.constant 0 : i32
        %dma_wait3A_718 = tpu.memref_slice %arg8[%dma_wait3A_704, %dma_wait3A_716, %dma_wait3A_717] : memref<8x64x128xf32, #tpu.memory_space<vmem>> -> memref<1x64x128xf32, #tpu.memory_space<vmem>>
        %dma_wait3A_719 = tpu.memref_squeeze %dma_wait3A_718 : memref<1x64x128xf32, #tpu.memory_space<vmem>> -> memref<64x128xf32, #tpu.memory_space<vmem>>
        tpu.wait_dma2 semaphore(%dma_wait3A_713 : memref<!tpu.dma_semaphore, #tpu.memory_space<semaphore_mem>>) src(%dma_wait3A_719 : memref<64x128xf32, #tpu.memory_space<vmem>>) dst(%dma_wait3A_715 : memref<64x128xf32, #tpu.memory_space<hbm>>)
        %add3A_720 = arith.constant 8 : i32
        %add3A_721 = arith.addi %sub3A_611, %add3A_720 : i32
        %lt3A = arith.constant 128 : i32
        %lt3A_722 = arith.cmpi slt, %add3A_721, %lt3A : i32
        %convert_element_type3A_723 = arith.extui %lt3A_722 : i1 to i32
        %cond3A_724 = arith.constant 0 : i32
        %cond3A_725 = arith.cmpi ne, %convert_element_type3A_723, %cond3A_724 : i32
        scf.if %cond3A_725 {
          %add3A_726 = arith.constant 8 : i32
          %add3A_727 = arith.addi %sub3A_611, %add3A_726 : i32
          %mul3A_728 = arith.constant 64 : i32
          %mul3A_729 = arith.muli %add3A_727, %mul3A_728 : i32
          %dma_start3A_730 = arith.constant 1 : i32
          %dma_start3A_731 = arith.constant 1 : i32
          %dma_start3A_732 = arith.constant 0 : i32
          %dma_start3A_733 = arith.constant 0 : i32
          %dma_start3A_734 = tpu.memref_slice %arg8[%dma_start3A_730, %dma_start3A_732, %dma_start3A_733] : memref<8x64x128xf32, #tpu.memory_space<vmem>> -> memref<1x64x128xf32, #tpu.memory_space<vmem>>
          %dma_start3A_735 = tpu.memref_squeeze %dma_start3A_734 : memref<1x64x128xf32, #tpu.memory_space<vmem>> -> memref<64x128xf32, #tpu.memory_space<vmem>>
          %dma_start3A_736 = tpu.memref_slice %arg7[%mul3A_729] : memref<8192xi32, #tpu.memory_space<vmem>> -> memref<64xi32, #tpu.memory_space<vmem>>
          %dma_start3A_737 = arith.constant 0 : i32
          %dma_start3A_738 = arith.constant 0 : i32
          %dma_start3A_739 = tpu.memref_slice %arg3[%dma_start3A_737, %dma_start3A_738] : memref<100000x128xf32, #tpu.memory_space<hbm>> -> memref<100000x128xf32, #tpu.memory_space<hbm>>
          %dma_start3A_740 = tpu.memref_slice %arg9[%dma_start3A_731] : memref<8x!tpu.dma_semaphore, #tpu.memory_space<semaphore_mem>> -> memref<1x!tpu.dma_semaphore, #tpu.memory_space<semaphore_mem>>
          %dma_start3A_741 = tpu.memref_squeeze %dma_start3A_740 : memref<1x!tpu.dma_semaphore, #tpu.memory_space<semaphore_mem>> -> memref<!tpu.dma_semaphore, #tpu.memory_space<semaphore_mem>>
          tpu.enqueue_indirect_dma source(%dma_start3A_739 : memref<100000x128xf32, #tpu.memory_space<hbm>>) target(%dma_start3A_735 : memref<64x128xf32, #tpu.memory_space<vmem>>) offsets(%dma_start3A_736 : memref<64xi32, #tpu.memory_space<vmem>>) semaphore(%dma_start3A_741 : memref<!tpu.dma_semaphore, #tpu.memory_space<semaphore_mem>>)
        } else {
        }
      } else {
      }
      %add3A_617 = arith.constant 6 : i32
      %add3A_618 = arith.addi %mul3A_368, %add3A_617 : i32
      %mul3A_619 = arith.constant 64 : i32
      %mul3A_620 = arith.muli %add3A_618, %mul3A_619 : i32
      %dma_wait3A_621 = arith.constant 6 : i32
      %dma_wait3A_622 = arith.constant 6 : i32
      %dma_wait3A_623 = arith.constant 0 : i32
      %dma_wait3A_624 = arith.constant 0 : i32
      %dma_wait3A_625 = tpu.memref_slice %arg8[%dma_wait3A_621, %dma_wait3A_623, %dma_wait3A_624] : memref<8x64x128xf32, #tpu.memory_space<vmem>> -> memref<1x64x128xf32, #tpu.memory_space<vmem>>
      %dma_wait3A_626 = tpu.memref_squeeze %dma_wait3A_625 : memref<1x64x128xf32, #tpu.memory_space<vmem>> -> memref<64x128xf32, #tpu.memory_space<vmem>>
      %dma_wait3A_627 = tpu.memref_slice %arg7[%mul3A_620] : memref<8192xi32, #tpu.memory_space<vmem>> -> memref<64xi32, #tpu.memory_space<vmem>>
      %dma_wait3A_628 = arith.constant 0 : i32
      %dma_wait3A_629 = arith.constant 0 : i32
      %dma_wait3A_630 = tpu.memref_slice %arg3[%dma_wait3A_628, %dma_wait3A_629] : memref<100000x128xf32, #tpu.memory_space<hbm>> -> memref<100000x128xf32, #tpu.memory_space<hbm>>
      %dma_wait3A_631 = tpu.memref_slice %arg9[%dma_wait3A_622] : memref<8x!tpu.dma_semaphore, #tpu.memory_space<semaphore_mem>> -> memref<1x!tpu.dma_semaphore, #tpu.memory_space<semaphore_mem>>
      %dma_wait3A_632 = tpu.memref_squeeze %dma_wait3A_631 : memref<1x!tpu.dma_semaphore, #tpu.memory_space<semaphore_mem>> -> memref<!tpu.dma_semaphore, #tpu.memory_space<semaphore_mem>>
      tpu.wait_indirect_dma semaphore(%dma_wait3A_632 : memref<!tpu.dma_semaphore, #tpu.memory_space<semaphore_mem>>) src(%dma_wait3A_630 : memref<100000x128xf32, #tpu.memory_space<hbm>>) dst(%dma_wait3A_626 : memref<64x128xf32, #tpu.memory_space<vmem>>)
      %mul3A_633 = arith.constant 64 : i32
      %mul3A_634 = arith.muli %add3A_618, %mul3A_633 : i32
      %add3A_635 = arith.addi %mul3A_2, %mul3A_634 : i32
      %dma_start3A_636 = arith.constant 6 : i32
      %dma_start3A_637 = arith.constant 6 : i32
      %dma_start3A_638 = arith.constant 0 : i32
      %dma_start3A_639 = arith.constant 0 : i32
      %dma_start3A_640 = tpu.memref_slice %arg8[%dma_start3A_636, %dma_start3A_638, %dma_start3A_639] : memref<8x64x128xf32, #tpu.memory_space<vmem>> -> memref<1x64x128xf32, #tpu.memory_space<vmem>>
      %dma_start3A_641 = tpu.memref_squeeze %dma_start3A_640 : memref<1x64x128xf32, #tpu.memory_space<vmem>> -> memref<64x128xf32, #tpu.memory_space<vmem>>
      %dma_start3A_642 = arith.constant 0 : i32
      %dma_start3A_643 = tpu.memref_slice %arg6[%add3A_635, %dma_start3A_642] : memref<262144x128xf32, #tpu.memory_space<hbm>> -> memref<64x128xf32, #tpu.memory_space<hbm>>
      %dma_start3A_644 = tpu.memref_slice %arg10[%dma_start3A_637] : memref<8x!tpu.dma_semaphore, #tpu.memory_space<semaphore_mem>> -> memref<1x!tpu.dma_semaphore, #tpu.memory_space<semaphore_mem>>
      %dma_start3A_645 = tpu.memref_squeeze %dma_start3A_644 : memref<1x!tpu.dma_semaphore, #tpu.memory_space<semaphore_mem>> -> memref<!tpu.dma_semaphore, #tpu.memory_space<semaphore_mem>>
      %dma_start3A_646 = arith.constant 0 : i32
      %dma_start3A_647 = tpu.memref_slice %arg6[%add3A_635, %dma_start3A_646] : memref<262144x128xf32, #tpu.memory_space<hbm>> -> memref<64x128xf32, #tpu.memory_space<hbm>>
      %dma_start3A_648 = arith.constant 0 : i32
      %dma_start3A_649 = arith.constant 0 : i32
      %dma_start3A_650 = tpu.memref_slice %arg8[%dma_start3A_636, %dma_start3A_648, %dma_start3A_649] : memref<8x64x128xf32, #tpu.memory_space<vmem>> -> memref<1x64x128xf32, #tpu.memory_space<vmem>>
      %dma_start3A_651 = tpu.memref_squeeze %dma_start3A_650 : memref<1x64x128xf32, #tpu.memory_space<vmem>> -> memref<64x128xf32, #tpu.memory_space<vmem>>
      tpu.enqueue_dma source(%dma_start3A_651 : memref<64x128xf32, #tpu.memory_space<vmem>>) target(%dma_start3A_647 : memref<64x128xf32, #tpu.memory_space<hbm>>) target_semaphore(%dma_start3A_645 : memref<!tpu.dma_semaphore, #tpu.memory_space<semaphore_mem>>)
      %sub3A_652 = arith.constant 4 : i32
      %sub3A_653 = arith.subi %add3A_618, %sub3A_652 : i32
      %ge3A_654 = arith.constant 0 : i32
      %ge3A_655 = arith.cmpi sge, %sub3A_653, %ge3A_654 : i32
      %convert_element_type3A_656 = arith.extui %ge3A_655 : i1 to i32
      %cond3A_657 = arith.constant 0 : i32
      %cond3A_658 = arith.cmpi ne, %convert_element_type3A_656, %cond3A_657 : i32
      scf.if %cond3A_658 {
        %mul3A_701 = arith.constant 64 : i32
        %mul3A_702 = arith.muli %sub3A_653, %mul3A_701 : i32
        %add3A_703 = arith.addi %mul3A_2, %mul3A_702 : i32
        %dma_wait3A_704 = arith.constant 2 : i32
        %dma_wait3A_705 = arith.constant 2 : i32
        %dma_wait3A_706 = arith.constant 0 : i32
        %dma_wait3A_707 = arith.constant 0 : i32
        %dma_wait3A_708 = tpu.memref_slice %arg8[%dma_wait3A_704, %dma_wait3A_706, %dma_wait3A_707] : memref<8x64x128xf32, #tpu.memory_space<vmem>> -> memref<1x64x128xf32, #tpu.memory_space<vmem>>
        %dma_wait3A_709 = tpu.memref_squeeze %dma_wait3A_708 : memref<1x64x128xf32, #tpu.memory_space<vmem>> -> memref<64x128xf32, #tpu.memory_space<vmem>>
        %dma_wait3A_710 = arith.constant 0 : i32
        %dma_wait3A_711 = tpu.memref_slice %arg6[%add3A_703, %dma_wait3A_710] : memref<262144x128xf32, #tpu.memory_space<hbm>> -> memref<64x128xf32, #tpu.memory_space<hbm>>
        %dma_wait3A_712 = tpu.memref_slice %arg10[%dma_wait3A_705] : memref<8x!tpu.dma_semaphore, #tpu.memory_space<semaphore_mem>> -> memref<1x!tpu.dma_semaphore, #tpu.memory_space<semaphore_mem>>
        %dma_wait3A_713 = tpu.memref_squeeze %dma_wait3A_712 : memref<1x!tpu.dma_semaphore, #tpu.memory_space<semaphore_mem>> -> memref<!tpu.dma_semaphore, #tpu.memory_space<semaphore_mem>>
        %dma_wait3A_714 = arith.constant 0 : i32
        %dma_wait3A_715 = tpu.memref_slice %arg6[%add3A_703, %dma_wait3A_714] : memref<262144x128xf32, #tpu.memory_space<hbm>> -> memref<64x128xf32, #tpu.memory_space<hbm>>
        %dma_wait3A_716 = arith.constant 0 : i32
        %dma_wait3A_717 = arith.constant 0 : i32
        %dma_wait3A_718 = tpu.memref_slice %arg8[%dma_wait3A_704, %dma_wait3A_716, %dma_wait3A_717] : memref<8x64x128xf32, #tpu.memory_space<vmem>> -> memref<1x64x128xf32, #tpu.memory_space<vmem>>
        %dma_wait3A_719 = tpu.memref_squeeze %dma_wait3A_718 : memref<1x64x128xf32, #tpu.memory_space<vmem>> -> memref<64x128xf32, #tpu.memory_space<vmem>>
        tpu.wait_dma2 semaphore(%dma_wait3A_713 : memref<!tpu.dma_semaphore, #tpu.memory_space<semaphore_mem>>) src(%dma_wait3A_719 : memref<64x128xf32, #tpu.memory_space<vmem>>) dst(%dma_wait3A_715 : memref<64x128xf32, #tpu.memory_space<hbm>>)
        %add3A_720 = arith.constant 8 : i32
        %add3A_721 = arith.addi %sub3A_653, %add3A_720 : i32
        %lt3A = arith.constant 128 : i32
        %lt3A_722 = arith.cmpi slt, %add3A_721, %lt3A : i32
        %convert_element_type3A_723 = arith.extui %lt3A_722 : i1 to i32
        %cond3A_724 = arith.constant 0 : i32
        %cond3A_725 = arith.cmpi ne, %convert_element_type3A_723, %cond3A_724 : i32
        scf.if %cond3A_725 {
          %add3A_726 = arith.constant 8 : i32
          %add3A_727 = arith.addi %sub3A_653, %add3A_726 : i32
          %mul3A_728 = arith.constant 64 : i32
          %mul3A_729 = arith.muli %add3A_727, %mul3A_728 : i32
          %dma_start3A_730 = arith.constant 2 : i32
          %dma_start3A_731 = arith.constant 2 : i32
          %dma_start3A_732 = arith.constant 0 : i32
          %dma_start3A_733 = arith.constant 0 : i32
          %dma_start3A_734 = tpu.memref_slice %arg8[%dma_start3A_730, %dma_start3A_732, %dma_start3A_733] : memref<8x64x128xf32, #tpu.memory_space<vmem>> -> memref<1x64x128xf32, #tpu.memory_space<vmem>>
          %dma_start3A_735 = tpu.memref_squeeze %dma_start3A_734 : memref<1x64x128xf32, #tpu.memory_space<vmem>> -> memref<64x128xf32, #tpu.memory_space<vmem>>
          %dma_start3A_736 = tpu.memref_slice %arg7[%mul3A_729] : memref<8192xi32, #tpu.memory_space<vmem>> -> memref<64xi32, #tpu.memory_space<vmem>>
          %dma_start3A_737 = arith.constant 0 : i32
          %dma_start3A_738 = arith.constant 0 : i32
          %dma_start3A_739 = tpu.memref_slice %arg3[%dma_start3A_737, %dma_start3A_738] : memref<100000x128xf32, #tpu.memory_space<hbm>> -> memref<100000x128xf32, #tpu.memory_space<hbm>>
          %dma_start3A_740 = tpu.memref_slice %arg9[%dma_start3A_731] : memref<8x!tpu.dma_semaphore, #tpu.memory_space<semaphore_mem>> -> memref<1x!tpu.dma_semaphore, #tpu.memory_space<semaphore_mem>>
          %dma_start3A_741 = tpu.memref_squeeze %dma_start3A_740 : memref<1x!tpu.dma_semaphore, #tpu.memory_space<semaphore_mem>> -> memref<!tpu.dma_semaphore, #tpu.memory_space<semaphore_mem>>
          tpu.enqueue_indirect_dma source(%dma_start3A_739 : memref<100000x128xf32, #tpu.memory_space<hbm>>) target(%dma_start3A_735 : memref<64x128xf32, #tpu.memory_space<vmem>>) offsets(%dma_start3A_736 : memref<64xi32, #tpu.memory_space<vmem>>) semaphore(%dma_start3A_741 : memref<!tpu.dma_semaphore, #tpu.memory_space<semaphore_mem>>)
        } else {
        }
      } else {
      }
      %add3A_659 = arith.constant 7 : i32
      %add3A_660 = arith.addi %mul3A_368, %add3A_659 : i32
      %mul3A_661 = arith.constant 64 : i32
      %mul3A_662 = arith.muli %add3A_660, %mul3A_661 : i32
      %dma_wait3A_663 = arith.constant 7 : i32
      %dma_wait3A_664 = arith.constant 7 : i32
      %dma_wait3A_665 = arith.constant 0 : i32
      %dma_wait3A_666 = arith.constant 0 : i32
      %dma_wait3A_667 = tpu.memref_slice %arg8[%dma_wait3A_663, %dma_wait3A_665, %dma_wait3A_666] : memref<8x64x128xf32, #tpu.memory_space<vmem>> -> memref<1x64x128xf32, #tpu.memory_space<vmem>>
      %dma_wait3A_668 = tpu.memref_squeeze %dma_wait3A_667 : memref<1x64x128xf32, #tpu.memory_space<vmem>> -> memref<64x128xf32, #tpu.memory_space<vmem>>
      %dma_wait3A_669 = tpu.memref_slice %arg7[%mul3A_662] : memref<8192xi32, #tpu.memory_space<vmem>> -> memref<64xi32, #tpu.memory_space<vmem>>
      %dma_wait3A_670 = arith.constant 0 : i32
      %dma_wait3A_671 = arith.constant 0 : i32
      %dma_wait3A_672 = tpu.memref_slice %arg3[%dma_wait3A_670, %dma_wait3A_671] : memref<100000x128xf32, #tpu.memory_space<hbm>> -> memref<100000x128xf32, #tpu.memory_space<hbm>>
      %dma_wait3A_673 = tpu.memref_slice %arg9[%dma_wait3A_664] : memref<8x!tpu.dma_semaphore, #tpu.memory_space<semaphore_mem>> -> memref<1x!tpu.dma_semaphore, #tpu.memory_space<semaphore_mem>>
      %dma_wait3A_674 = tpu.memref_squeeze %dma_wait3A_673 : memref<1x!tpu.dma_semaphore, #tpu.memory_space<semaphore_mem>> -> memref<!tpu.dma_semaphore, #tpu.memory_space<semaphore_mem>>
      tpu.wait_indirect_dma semaphore(%dma_wait3A_674 : memref<!tpu.dma_semaphore, #tpu.memory_space<semaphore_mem>>) src(%dma_wait3A_672 : memref<100000x128xf32, #tpu.memory_space<hbm>>) dst(%dma_wait3A_668 : memref<64x128xf32, #tpu.memory_space<vmem>>)
      %mul3A_675 = arith.constant 64 : i32
      %mul3A_676 = arith.muli %add3A_660, %mul3A_675 : i32
      %add3A_677 = arith.addi %mul3A_2, %mul3A_676 : i32
      %dma_start3A_678 = arith.constant 7 : i32
      %dma_start3A_679 = arith.constant 7 : i32
      %dma_start3A_680 = arith.constant 0 : i32
      %dma_start3A_681 = arith.constant 0 : i32
      %dma_start3A_682 = tpu.memref_slice %arg8[%dma_start3A_678, %dma_start3A_680, %dma_start3A_681] : memref<8x64x128xf32, #tpu.memory_space<vmem>> -> memref<1x64x128xf32, #tpu.memory_space<vmem>>
      %dma_start3A_683 = tpu.memref_squeeze %dma_start3A_682 : memref<1x64x128xf32, #tpu.memory_space<vmem>> -> memref<64x128xf32, #tpu.memory_space<vmem>>
      %dma_start3A_684 = arith.constant 0 : i32
      %dma_start3A_685 = tpu.memref_slice %arg6[%add3A_677, %dma_start3A_684] : memref<262144x128xf32, #tpu.memory_space<hbm>> -> memref<64x128xf32, #tpu.memory_space<hbm>>
      %dma_start3A_686 = tpu.memref_slice %arg10[%dma_start3A_679] : memref<8x!tpu.dma_semaphore, #tpu.memory_space<semaphore_mem>> -> memref<1x!tpu.dma_semaphore, #tpu.memory_space<semaphore_mem>>
      %dma_start3A_687 = tpu.memref_squeeze %dma_start3A_686 : memref<1x!tpu.dma_semaphore, #tpu.memory_space<semaphore_mem>> -> memref<!tpu.dma_semaphore, #tpu.memory_space<semaphore_mem>>
      %dma_start3A_688 = arith.constant 0 : i32
      %dma_start3A_689 = tpu.memref_slice %arg6[%add3A_677, %dma_start3A_688] : memref<262144x128xf32, #tpu.memory_space<hbm>> -> memref<64x128xf32, #tpu.memory_space<hbm>>
      %dma_start3A_690 = arith.constant 0 : i32
      %dma_start3A_691 = arith.constant 0 : i32
      %dma_start3A_692 = tpu.memref_slice %arg8[%dma_start3A_678, %dma_start3A_690, %dma_start3A_691] : memref<8x64x128xf32, #tpu.memory_space<vmem>> -> memref<1x64x128xf32, #tpu.memory_space<vmem>>
      %dma_start3A_693 = tpu.memref_squeeze %dma_start3A_692 : memref<1x64x128xf32, #tpu.memory_space<vmem>> -> memref<64x128xf32, #tpu.memory_space<vmem>>
      tpu.enqueue_dma source(%dma_start3A_693 : memref<64x128xf32, #tpu.memory_space<vmem>>) target(%dma_start3A_689 : memref<64x128xf32, #tpu.memory_space<hbm>>) target_semaphore(%dma_start3A_687 : memref<!tpu.dma_semaphore, #tpu.memory_space<semaphore_mem>>)
      %sub3A_694 = arith.constant 4 : i32
      %sub3A_695 = arith.subi %add3A_660, %sub3A_694 : i32
      %ge3A_696 = arith.constant 0 : i32
      %ge3A_697 = arith.cmpi sge, %sub3A_695, %ge3A_696 : i32
      %convert_element_type3A_698 = arith.extui %ge3A_697 : i1 to i32
      %cond3A_699 = arith.constant 0 : i32
      %cond3A_700 = arith.cmpi ne, %convert_element_type3A_698, %cond3A_699 : i32
      scf.if %cond3A_700 {
        %mul3A_701 = arith.constant 64 : i32
        %mul3A_702 = arith.muli %sub3A_695, %mul3A_701 : i32
        %add3A_703 = arith.addi %mul3A_2, %mul3A_702 : i32
        %dma_wait3A_704 = arith.constant 3 : i32
        %dma_wait3A_705 = arith.constant 3 : i32
        %dma_wait3A_706 = arith.constant 0 : i32
        %dma_wait3A_707 = arith.constant 0 : i32
        %dma_wait3A_708 = tpu.memref_slice %arg8[%dma_wait3A_704, %dma_wait3A_706, %dma_wait3A_707] : memref<8x64x128xf32, #tpu.memory_space<vmem>> -> memref<1x64x128xf32, #tpu.memory_space<vmem>>
        %dma_wait3A_709 = tpu.memref_squeeze %dma_wait3A_708 : memref<1x64x128xf32, #tpu.memory_space<vmem>> -> memref<64x128xf32, #tpu.memory_space<vmem>>
        %dma_wait3A_710 = arith.constant 0 : i32
        %dma_wait3A_711 = tpu.memref_slice %arg6[%add3A_703, %dma_wait3A_710] : memref<262144x128xf32, #tpu.memory_space<hbm>> -> memref<64x128xf32, #tpu.memory_space<hbm>>
        %dma_wait3A_712 = tpu.memref_slice %arg10[%dma_wait3A_705] : memref<8x!tpu.dma_semaphore, #tpu.memory_space<semaphore_mem>> -> memref<1x!tpu.dma_semaphore, #tpu.memory_space<semaphore_mem>>
        %dma_wait3A_713 = tpu.memref_squeeze %dma_wait3A_712 : memref<1x!tpu.dma_semaphore, #tpu.memory_space<semaphore_mem>> -> memref<!tpu.dma_semaphore, #tpu.memory_space<semaphore_mem>>
        %dma_wait3A_714 = arith.constant 0 : i32
        %dma_wait3A_715 = tpu.memref_slice %arg6[%add3A_703, %dma_wait3A_714] : memref<262144x128xf32, #tpu.memory_space<hbm>> -> memref<64x128xf32, #tpu.memory_space<hbm>>
        %dma_wait3A_716 = arith.constant 0 : i32
        %dma_wait3A_717 = arith.constant 0 : i32
        %dma_wait3A_718 = tpu.memref_slice %arg8[%dma_wait3A_704, %dma_wait3A_716, %dma_wait3A_717] : memref<8x64x128xf32, #tpu.memory_space<vmem>> -> memref<1x64x128xf32, #tpu.memory_space<vmem>>
        %dma_wait3A_719 = tpu.memref_squeeze %dma_wait3A_718 : memref<1x64x128xf32, #tpu.memory_space<vmem>> -> memref<64x128xf32, #tpu.memory_space<vmem>>
        tpu.wait_dma2 semaphore(%dma_wait3A_713 : memref<!tpu.dma_semaphore, #tpu.memory_space<semaphore_mem>>) src(%dma_wait3A_719 : memref<64x128xf32, #tpu.memory_space<vmem>>) dst(%dma_wait3A_715 : memref<64x128xf32, #tpu.memory_space<hbm>>)
        %add3A_720 = arith.constant 8 : i32
        %add3A_721 = arith.addi %sub3A_695, %add3A_720 : i32
        %lt3A = arith.constant 128 : i32
        %lt3A_722 = arith.cmpi slt, %add3A_721, %lt3A : i32
        %convert_element_type3A_723 = arith.extui %lt3A_722 : i1 to i32
        %cond3A_724 = arith.constant 0 : i32
        %cond3A_725 = arith.cmpi ne, %convert_element_type3A_723, %cond3A_724 : i32
        scf.if %cond3A_725 {
          %add3A_726 = arith.constant 8 : i32
          %add3A_727 = arith.addi %sub3A_695, %add3A_726 : i32
          %mul3A_728 = arith.constant 64 : i32
          %mul3A_729 = arith.muli %add3A_727, %mul3A_728 : i32
          %dma_start3A_730 = arith.constant 3 : i32
          %dma_start3A_731 = arith.constant 3 : i32
          %dma_start3A_732 = arith.constant 0 : i32
          %dma_start3A_733 = arith.constant 0 : i32
          %dma_start3A_734 = tpu.memref_slice %arg8[%dma_start3A_730, %dma_start3A_732, %dma_start3A_733] : memref<8x64x128xf32, #tpu.memory_space<vmem>> -> memref<1x64x128xf32, #tpu.memory_space<vmem>>
          %dma_start3A_735 = tpu.memref_squeeze %dma_start3A_734 : memref<1x64x128xf32, #tpu.memory_space<vmem>> -> memref<64x128xf32, #tpu.memory_space<vmem>>
          %dma_start3A_736 = tpu.memref_slice %arg7[%mul3A_729] : memref<8192xi32, #tpu.memory_space<vmem>> -> memref<64xi32, #tpu.memory_space<vmem>>
          %dma_start3A_737 = arith.constant 0 : i32
          %dma_start3A_738 = arith.constant 0 : i32
          %dma_start3A_739 = tpu.memref_slice %arg3[%dma_start3A_737, %dma_start3A_738] : memref<100000x128xf32, #tpu.memory_space<hbm>> -> memref<100000x128xf32, #tpu.memory_space<hbm>>
          %dma_start3A_740 = tpu.memref_slice %arg9[%dma_start3A_731] : memref<8x!tpu.dma_semaphore, #tpu.memory_space<semaphore_mem>> -> memref<1x!tpu.dma_semaphore, #tpu.memory_space<semaphore_mem>>
          %dma_start3A_741 = tpu.memref_squeeze %dma_start3A_740 : memref<1x!tpu.dma_semaphore, #tpu.memory_space<semaphore_mem>> -> memref<!tpu.dma_semaphore, #tpu.memory_space<semaphore_mem>>
          tpu.enqueue_indirect_dma source(%dma_start3A_739 : memref<100000x128xf32, #tpu.memory_space<hbm>>) target(%dma_start3A_735 : memref<64x128xf32, #tpu.memory_space<vmem>>) offsets(%dma_start3A_736 : memref<64xi32, #tpu.memory_space<vmem>>) semaphore(%dma_start3A_741 : memref<!tpu.dma_semaphore, #tpu.memory_space<semaphore_mem>>)
        } else {
        }
      } else {
      }
    }
    %scan3A_289 = arith.constant 16 : i32
    %add3A_290 = arith.constant 7936 : i32
    %add3A_291 = arith.addi %mul3A_2, %add3A_290 : i32
    %dma_wait3A_292 = arith.constant 4 : i32
    %dma_wait3A_293 = arith.constant 4 : i32
    %dma_wait3A_294 = arith.constant 0 : i32
    %dma_wait3A_295 = arith.constant 0 : i32
    %dma_wait3A_296 = tpu.memref_slice %arg8[%dma_wait3A_292, %dma_wait3A_294, %dma_wait3A_295] : memref<8x64x128xf32, #tpu.memory_space<vmem>> -> memref<1x64x128xf32, #tpu.memory_space<vmem>>
    %dma_wait3A_297 = tpu.memref_squeeze %dma_wait3A_296 : memref<1x64x128xf32, #tpu.memory_space<vmem>> -> memref<64x128xf32, #tpu.memory_space<vmem>>
    %dma_wait3A_298 = arith.constant 0 : i32
    %dma_wait3A_299 = tpu.memref_slice %arg6[%add3A_291, %dma_wait3A_298] : memref<262144x128xf32, #tpu.memory_space<hbm>> -> memref<64x128xf32, #tpu.memory_space<hbm>>
    %dma_wait3A_300 = tpu.memref_slice %arg10[%dma_wait3A_293] : memref<8x!tpu.dma_semaphore, #tpu.memory_space<semaphore_mem>> -> memref<1x!tpu.dma_semaphore, #tpu.memory_space<semaphore_mem>>
    %dma_wait3A_301 = tpu.memref_squeeze %dma_wait3A_300 : memref<1x!tpu.dma_semaphore, #tpu.memory_space<semaphore_mem>> -> memref<!tpu.dma_semaphore, #tpu.memory_space<semaphore_mem>>
    %dma_wait3A_302 = arith.constant 0 : i32
    %dma_wait3A_303 = tpu.memref_slice %arg6[%add3A_291, %dma_wait3A_302] : memref<262144x128xf32, #tpu.memory_space<hbm>> -> memref<64x128xf32, #tpu.memory_space<hbm>>
    %dma_wait3A_304 = arith.constant 0 : i32
    %dma_wait3A_305 = arith.constant 0 : i32
    %dma_wait3A_306 = tpu.memref_slice %arg8[%dma_wait3A_292, %dma_wait3A_304, %dma_wait3A_305] : memref<8x64x128xf32, #tpu.memory_space<vmem>> -> memref<1x64x128xf32, #tpu.memory_space<vmem>>
    %dma_wait3A_307 = tpu.memref_squeeze %dma_wait3A_306 : memref<1x64x128xf32, #tpu.memory_space<vmem>> -> memref<64x128xf32, #tpu.memory_space<vmem>>
    tpu.wait_dma2 semaphore(%dma_wait3A_301 : memref<!tpu.dma_semaphore, #tpu.memory_space<semaphore_mem>>) src(%dma_wait3A_307 : memref<64x128xf32, #tpu.memory_space<vmem>>) dst(%dma_wait3A_303 : memref<64x128xf32, #tpu.memory_space<hbm>>)
    %add3A_308 = arith.constant 8000 : i32
    %add3A_309 = arith.addi %mul3A_2, %add3A_308 : i32
    %dma_wait3A_310 = arith.constant 5 : i32
    %dma_wait3A_311 = arith.constant 5 : i32
    %dma_wait3A_312 = arith.constant 0 : i32
    %dma_wait3A_313 = arith.constant 0 : i32
    %dma_wait3A_314 = tpu.memref_slice %arg8[%dma_wait3A_310, %dma_wait3A_312, %dma_wait3A_313] : memref<8x64x128xf32, #tpu.memory_space<vmem>> -> memref<1x64x128xf32, #tpu.memory_space<vmem>>
    %dma_wait3A_315 = tpu.memref_squeeze %dma_wait3A_314 : memref<1x64x128xf32, #tpu.memory_space<vmem>> -> memref<64x128xf32, #tpu.memory_space<vmem>>
    %dma_wait3A_316 = arith.constant 0 : i32
    %dma_wait3A_317 = tpu.memref_slice %arg6[%add3A_309, %dma_wait3A_316] : memref<262144x128xf32, #tpu.memory_space<hbm>> -> memref<64x128xf32, #tpu.memory_space<hbm>>
    %dma_wait3A_318 = tpu.memref_slice %arg10[%dma_wait3A_311] : memref<8x!tpu.dma_semaphore, #tpu.memory_space<semaphore_mem>> -> memref<1x!tpu.dma_semaphore, #tpu.memory_space<semaphore_mem>>
    %dma_wait3A_319 = tpu.memref_squeeze %dma_wait3A_318 : memref<1x!tpu.dma_semaphore, #tpu.memory_space<semaphore_mem>> -> memref<!tpu.dma_semaphore, #tpu.memory_space<semaphore_mem>>
    %dma_wait3A_320 = arith.constant 0 : i32
    %dma_wait3A_321 = tpu.memref_slice %arg6[%add3A_309, %dma_wait3A_320] : memref<262144x128xf32, #tpu.memory_space<hbm>> -> memref<64x128xf32, #tpu.memory_space<hbm>>
    %dma_wait3A_322 = arith.constant 0 : i32
    %dma_wait3A_323 = arith.constant 0 : i32
    %dma_wait3A_324 = tpu.memref_slice %arg8[%dma_wait3A_310, %dma_wait3A_322, %dma_wait3A_323] : memref<8x64x128xf32, #tpu.memory_space<vmem>> -> memref<1x64x128xf32, #tpu.memory_space<vmem>>
    %dma_wait3A_325 = tpu.memref_squeeze %dma_wait3A_324 : memref<1x64x128xf32, #tpu.memory_space<vmem>> -> memref<64x128xf32, #tpu.memory_space<vmem>>
    tpu.wait_dma2 semaphore(%dma_wait3A_319 : memref<!tpu.dma_semaphore, #tpu.memory_space<semaphore_mem>>) src(%dma_wait3A_325 : memref<64x128xf32, #tpu.memory_space<vmem>>) dst(%dma_wait3A_321 : memref<64x128xf32, #tpu.memory_space<hbm>>)
    %add3A_326 = arith.constant 8064 : i32
    %add3A_327 = arith.addi %mul3A_2, %add3A_326 : i32
    %dma_wait3A_328 = arith.constant 6 : i32
    %dma_wait3A_329 = arith.constant 6 : i32
    %dma_wait3A_330 = arith.constant 0 : i32
    %dma_wait3A_331 = arith.constant 0 : i32
    %dma_wait3A_332 = tpu.memref_slice %arg8[%dma_wait3A_328, %dma_wait3A_330, %dma_wait3A_331] : memref<8x64x128xf32, #tpu.memory_space<vmem>> -> memref<1x64x128xf32, #tpu.memory_space<vmem>>
    %dma_wait3A_333 = tpu.memref_squeeze %dma_wait3A_332 : memref<1x64x128xf32, #tpu.memory_space<vmem>> -> memref<64x128xf32, #tpu.memory_space<vmem>>
    %dma_wait3A_334 = arith.constant 0 : i32
    %dma_wait3A_335 = tpu.memref_slice %arg6[%add3A_327, %dma_wait3A_334] : memref<262144x128xf32, #tpu.memory_space<hbm>> -> memref<64x128xf32, #tpu.memory_space<hbm>>
    %dma_wait3A_336 = tpu.memref_slice %arg10[%dma_wait3A_329] : memref<8x!tpu.dma_semaphore, #tpu.memory_space<semaphore_mem>> -> memref<1x!tpu.dma_semaphore, #tpu.memory_space<semaphore_mem>>
    %dma_wait3A_337 = tpu.memref_squeeze %dma_wait3A_336 : memref<1x!tpu.dma_semaphore, #tpu.memory_space<semaphore_mem>> -> memref<!tpu.dma_semaphore, #tpu.memory_space<semaphore_mem>>
    %dma_wait3A_338 = arith.constant 0 : i32
    %dma_wait3A_339 = tpu.memref_slice %arg6[%add3A_327, %dma_wait3A_338] : memref<262144x128xf32, #tpu.memory_space<hbm>> -> memref<64x128xf32, #tpu.memory_space<hbm>>
    %dma_wait3A_340 = arith.constant 0 : i32
    %dma_wait3A_341 = arith.constant 0 : i32
    %dma_wait3A_342 = tpu.memref_slice %arg8[%dma_wait3A_328, %dma_wait3A_340, %dma_wait3A_341] : memref<8x64x128xf32, #tpu.memory_space<vmem>> -> memref<1x64x128xf32, #tpu.memory_space<vmem>>
    %dma_wait3A_343 = tpu.memref_squeeze %dma_wait3A_342 : memref<1x64x128xf32, #tpu.memory_space<vmem>> -> memref<64x128xf32, #tpu.memory_space<vmem>>
    tpu.wait_dma2 semaphore(%dma_wait3A_337 : memref<!tpu.dma_semaphore, #tpu.memory_space<semaphore_mem>>) src(%dma_wait3A_343 : memref<64x128xf32, #tpu.memory_space<vmem>>) dst(%dma_wait3A_339 : memref<64x128xf32, #tpu.memory_space<hbm>>)
    %add3A_344 = arith.constant 8128 : i32
    %add3A_345 = arith.addi %mul3A_2, %add3A_344 : i32
    %dma_wait3A_346 = arith.constant 7 : i32
    %dma_wait3A_347 = arith.constant 7 : i32
    %dma_wait3A_348 = arith.constant 0 : i32
    %dma_wait3A_349 = arith.constant 0 : i32
    %dma_wait3A_350 = tpu.memref_slice %arg8[%dma_wait3A_346, %dma_wait3A_348, %dma_wait3A_349] : memref<8x64x128xf32, #tpu.memory_space<vmem>> -> memref<1x64x128xf32, #tpu.memory_space<vmem>>
    %dma_wait3A_351 = tpu.memref_squeeze %dma_wait3A_350 : memref<1x64x128xf32, #tpu.memory_space<vmem>> -> memref<64x128xf32, #tpu.memory_space<vmem>>
    %dma_wait3A_352 = arith.constant 0 : i32
    %dma_wait3A_353 = tpu.memref_slice %arg6[%add3A_345, %dma_wait3A_352] : memref<262144x128xf32, #tpu.memory_space<hbm>> -> memref<64x128xf32, #tpu.memory_space<hbm>>
    %dma_wait3A_354 = tpu.memref_slice %arg10[%dma_wait3A_347] : memref<8x!tpu.dma_semaphore, #tpu.memory_space<semaphore_mem>> -> memref<1x!tpu.dma_semaphore, #tpu.memory_space<semaphore_mem>>
    %dma_wait3A_355 = tpu.memref_squeeze %dma_wait3A_354 : memref<1x!tpu.dma_semaphore, #tpu.memory_space<semaphore_mem>> -> memref<!tpu.dma_semaphore, #tpu.memory_space<semaphore_mem>>
    %dma_wait3A_356 = arith.constant 0 : i32
    %dma_wait3A_357 = tpu.memref_slice %arg6[%add3A_345, %dma_wait3A_356] : memref<262144x128xf32, #tpu.memory_space<hbm>> -> memref<64x128xf32, #tpu.memory_space<hbm>>
    %dma_wait3A_358 = arith.constant 0 : i32
    %dma_wait3A_359 = arith.constant 0 : i32
    %dma_wait3A_360 = tpu.memref_slice %arg8[%dma_wait3A_346, %dma_wait3A_358, %dma_wait3A_359] : memref<8x64x128xf32, #tpu.memory_space<vmem>> -> memref<1x64x128xf32, #tpu.memory_space<vmem>>
    %dma_wait3A_361 = tpu.memref_squeeze %dma_wait3A_360 : memref<1x64x128xf32, #tpu.memory_space<vmem>> -> memref<64x128xf32, #tpu.memory_space<vmem>>
    tpu.wait_dma2 semaphore(%dma_wait3A_355 : memref<!tpu.dma_semaphore, #tpu.memory_space<semaphore_mem>>) src(%dma_wait3A_361 : memref<64x128xf32, #tpu.memory_space<vmem>>) dst(%dma_wait3A_357 : memref<64x128xf32, #tpu.memory_space<hbm>>)
    return
  }
}

#map = affine_map<(d0, d1) -> (0, 0)>
#map1 = affine_map<(d0, d1) -> (0)>
module attributes {stable_mosaic.version = 14 : i64} {
  func.func @new_body(%arg0: i32, %arg1: i32, %arg2: memref<100000x128xf32, #tpu.memory_space<hbm>>, %arg3: memref<100000x128xf32, #tpu.memory_space<hbm>>, %arg4: memref<1024x128xf32, #tpu.memory_space<hbm>>, %arg5: memref<1024x128xf32, #tpu.memory_space<hbm>>, %arg6: memref<1024xi32, #tpu.memory_space<hbm>>, %arg7: memref<1024xi32, #tpu.memory_space<hbm>>, %arg8: memref<262144x128xf32, #tpu.memory_space<hbm>>, %arg9: memref<100000x128xf32, #tpu.memory_space<hbm>>, %arg10: memref<100000x128xf32, #tpu.memory_space<hbm>>, %arg11: memref<100000x128xf32, #tpu.memory_space<hbm>>, %arg12: memref<100000x128xf32, #tpu.memory_space<hbm>>, %arg13: memref<32xi32, #tpu.memory_space<vmem>>, %arg14: memref<32xi32, #tpu.memory_space<vmem>>, %arg15: memref<32x128xf32, #tpu.memory_space<vmem>>, %arg16: memref<32x128xf32, #tpu.memory_space<vmem>>, %arg17: memref<32x128xf32, #tpu.memory_space<vmem>>, %arg18: memref<32x128xf32, #tpu.memory_space<vmem>>, %arg19: memref<32x128xf32, #tpu.memory_space<vmem>>, %arg20: memref<32x128xf32, #tpu.memory_space<vmem>>, %arg21: memref<!tpu.dma_semaphore, #tpu.memory_space<semaphore_mem>>) attributes {dimension_semantics = [#tpu.dimension_semantics<core_parallel>, #tpu.dimension_semantics<subcore_parallel>], iteration_bounds = array<i64: 2, 16>, scalar_prefetch = 0 : i64, scratch_operands = 9 : i64, tpu.core_type = #tpu.core_type<sc_vector_subcore>, window_params = [{transform_indices = #map}, {transform_indices = #map}, {transform_indices = #map}, {transform_indices = #map}, {transform_indices = #map1}, {transform_indices = #map1}, {transform_indices = #map}, {transform_indices = #map}, {transform_indices = #map}, {transform_indices = #map}, {transform_indices = #map}]} {
    %mul3A = arith.constant 2 : i32
    %mul3A_0 = arith.muli %arg1, %mul3A : i32
    %add3A = arith.addi %mul3A_0, %arg0 : i32
    %mul3A_1 = arith.constant 32 : i32
    %mul3A_2 = arith.muli %add3A, %mul3A_1 : i32
    "tpu.region"() ({
      %run_scoped3A = tpu.sem_alloc : memref<!tpu.dma_semaphore, #tpu.memory_space<semaphore_mem>>
      %dma_start3A_46 = tpu.memref_slice %arg6[%mul3A_2] : memref<1024xi32, #tpu.memory_space<hbm>> -> memref<32xi32, #tpu.memory_space<hbm>>
      %dma_start3A_47 = tpu.memref_slice %arg6[%mul3A_2] : memref<1024xi32, #tpu.memory_space<hbm>> -> memref<32xi32, #tpu.memory_space<hbm>>
      tpu.enqueue_dma source(%dma_start3A_47 : memref<32xi32, #tpu.memory_space<hbm>>) target(%arg13 : memref<32xi32, #tpu.memory_space<vmem>>) target_semaphore(%run_scoped3A : memref<!tpu.dma_semaphore, #tpu.memory_space<semaphore_mem>>)
      %dma_wait3A_48 = tpu.memref_slice %arg6[%mul3A_2] : memref<1024xi32, #tpu.memory_space<hbm>> -> memref<32xi32, #tpu.memory_space<hbm>>
      %dma_wait3A_49 = tpu.memref_slice %arg6[%mul3A_2] : memref<1024xi32, #tpu.memory_space<hbm>> -> memref<32xi32, #tpu.memory_space<hbm>>
      tpu.wait_dma2 semaphore(%run_scoped3A : memref<!tpu.dma_semaphore, #tpu.memory_space<semaphore_mem>>) src(%dma_wait3A_49 : memref<32xi32, #tpu.memory_space<hbm>>) dst(%arg13 : memref<32xi32, #tpu.memory_space<vmem>>)
      tpu.yield
    }) : () -> ()
    "tpu.region"() ({
      %run_scoped3A = tpu.sem_alloc : memref<!tpu.dma_semaphore, #tpu.memory_space<semaphore_mem>>
      %dma_start3A_46 = tpu.memref_slice %arg7[%mul3A_2] : memref<1024xi32, #tpu.memory_space<hbm>> -> memref<32xi32, #tpu.memory_space<hbm>>
      %dma_start3A_47 = tpu.memref_slice %arg7[%mul3A_2] : memref<1024xi32, #tpu.memory_space<hbm>> -> memref<32xi32, #tpu.memory_space<hbm>>
      tpu.enqueue_dma source(%dma_start3A_47 : memref<32xi32, #tpu.memory_space<hbm>>) target(%arg14 : memref<32xi32, #tpu.memory_space<vmem>>) target_semaphore(%run_scoped3A : memref<!tpu.dma_semaphore, #tpu.memory_space<semaphore_mem>>)
      %dma_wait3A_48 = tpu.memref_slice %arg7[%mul3A_2] : memref<1024xi32, #tpu.memory_space<hbm>> -> memref<32xi32, #tpu.memory_space<hbm>>
      %dma_wait3A_49 = tpu.memref_slice %arg7[%mul3A_2] : memref<1024xi32, #tpu.memory_space<hbm>> -> memref<32xi32, #tpu.memory_space<hbm>>
      tpu.wait_dma2 semaphore(%run_scoped3A : memref<!tpu.dma_semaphore, #tpu.memory_space<semaphore_mem>>) src(%dma_wait3A_49 : memref<32xi32, #tpu.memory_space<hbm>>) dst(%arg14 : memref<32xi32, #tpu.memory_space<vmem>>)
      tpu.yield
    }) : () -> ()
    %dma_start3A = arith.constant 0 : i32
    %dma_start3A_3 = arith.constant 0 : i32
    %dma_start3A_4 = tpu.memref_slice %arg2[%dma_start3A, %dma_start3A_3] : memref<100000x128xf32, #tpu.memory_space<hbm>> -> memref<100000x128xf32, #tpu.memory_space<hbm>>
    tpu.enqueue_indirect_dma source(%dma_start3A_4 : memref<100000x128xf32, #tpu.memory_space<hbm>>) target(%arg15 : memref<32x128xf32, #tpu.memory_space<vmem>>) offsets(%arg13 : memref<32xi32, #tpu.memory_space<vmem>>) semaphore(%arg21 : memref<!tpu.dma_semaphore, #tpu.memory_space<semaphore_mem>>)
    %dma_start3A_5 = arith.constant 0 : i32
    %dma_start3A_6 = arith.constant 0 : i32
    %dma_start3A_7 = tpu.memref_slice %arg4[%dma_start3A_5, %dma_start3A_6] : memref<1024x128xf32, #tpu.memory_space<hbm>> -> memref<1024x128xf32, #tpu.memory_space<hbm>>
    tpu.enqueue_indirect_dma source(%dma_start3A_7 : memref<1024x128xf32, #tpu.memory_space<hbm>>) target(%arg16 : memref<32x128xf32, #tpu.memory_space<vmem>>) offsets(%arg14 : memref<32xi32, #tpu.memory_space<vmem>>) semaphore(%arg21 : memref<!tpu.dma_semaphore, #tpu.memory_space<semaphore_mem>>)
    %dma_start3A_8 = arith.constant 0 : i32
    %dma_start3A_9 = arith.constant 0 : i32
    %dma_start3A_10 = tpu.memref_slice %arg3[%dma_start3A_8, %dma_start3A_9] : memref<100000x128xf32, #tpu.memory_space<hbm>> -> memref<100000x128xf32, #tpu.memory_space<hbm>>
    tpu.enqueue_indirect_dma source(%dma_start3A_10 : memref<100000x128xf32, #tpu.memory_space<hbm>>) target(%arg18 : memref<32x128xf32, #tpu.memory_space<vmem>>) offsets(%arg13 : memref<32xi32, #tpu.memory_space<vmem>>) semaphore(%arg21 : memref<!tpu.dma_semaphore, #tpu.memory_space<semaphore_mem>>)
    %dma_start3A_11 = arith.constant 0 : i32
    %dma_start3A_12 = arith.constant 0 : i32
    %dma_start3A_13 = tpu.memref_slice %arg5[%dma_start3A_11, %dma_start3A_12] : memref<1024x128xf32, #tpu.memory_space<hbm>> -> memref<1024x128xf32, #tpu.memory_space<hbm>>
    tpu.enqueue_indirect_dma source(%dma_start3A_13 : memref<1024x128xf32, #tpu.memory_space<hbm>>) target(%arg19 : memref<32x128xf32, #tpu.memory_space<vmem>>) offsets(%arg14 : memref<32xi32, #tpu.memory_space<vmem>>) semaphore(%arg21 : memref<!tpu.dma_semaphore, #tpu.memory_space<semaphore_mem>>)
    %dma_wait3A = arith.constant 0 : i32
    %dma_wait3A_14 = arith.constant 0 : i32
    %dma_wait3A_15 = tpu.memref_slice %arg2[%dma_wait3A, %dma_wait3A_14] : memref<100000x128xf32, #tpu.memory_space<hbm>> -> memref<100000x128xf32, #tpu.memory_space<hbm>>
    tpu.wait_indirect_dma semaphore(%arg21 : memref<!tpu.dma_semaphore, #tpu.memory_space<semaphore_mem>>) src(%dma_wait3A_15 : memref<100000x128xf32, #tpu.memory_space<hbm>>) dst(%arg15 : memref<32x128xf32, #tpu.memory_space<vmem>>)
    %dma_wait3A_16 = arith.constant 0 : i32
    %dma_wait3A_17 = arith.constant 0 : i32
    %dma_wait3A_18 = tpu.memref_slice %arg4[%dma_wait3A_16, %dma_wait3A_17] : memref<1024x128xf32, #tpu.memory_space<hbm>> -> memref<1024x128xf32, #tpu.memory_space<hbm>>
    tpu.wait_indirect_dma semaphore(%arg21 : memref<!tpu.dma_semaphore, #tpu.memory_space<semaphore_mem>>) src(%dma_wait3A_18 : memref<1024x128xf32, #tpu.memory_space<hbm>>) dst(%arg16 : memref<32x128xf32, #tpu.memory_space<vmem>>)
    %dma_wait3A_19 = arith.constant 0 : i32
    %dma_wait3A_20 = arith.constant 0 : i32
    %dma_wait3A_21 = tpu.memref_slice %arg3[%dma_wait3A_19, %dma_wait3A_20] : memref<100000x128xf32, #tpu.memory_space<hbm>> -> memref<100000x128xf32, #tpu.memory_space<hbm>>
    tpu.wait_indirect_dma semaphore(%arg21 : memref<!tpu.dma_semaphore, #tpu.memory_space<semaphore_mem>>) src(%dma_wait3A_21 : memref<100000x128xf32, #tpu.memory_space<hbm>>) dst(%arg18 : memref<32x128xf32, #tpu.memory_space<vmem>>)
    %dma_wait3A_22 = arith.constant 0 : i32
    %dma_wait3A_23 = arith.constant 0 : i32
    %dma_wait3A_24 = tpu.memref_slice %arg5[%dma_wait3A_22, %dma_wait3A_23] : memref<1024x128xf32, #tpu.memory_space<hbm>> -> memref<1024x128xf32, #tpu.memory_space<hbm>>
    tpu.wait_indirect_dma semaphore(%arg21 : memref<!tpu.dma_semaphore, #tpu.memory_space<semaphore_mem>>) src(%dma_wait3A_24 : memref<1024x128xf32, #tpu.memory_space<hbm>>) dst(%arg19 : memref<32x128xf32, #tpu.memory_space<vmem>>)
    %scan3A = arith.constant 0 : i32
    %scan3A_25 = arith.constant 32 : i32
    %scan3A_26 = arith.addi %scan3A, %scan3A_25 : i32
    %scan3A_27 = arith.constant 1 : i32
    scf.for %scan3A_46 = %scan3A to %scan3A_26 step %scan3A_27  : i32 {
      %mul3A_47 = arith.constant 1 : i32
      %mul3A_48 = arith.muli %scan3A_46, %mul3A_47 : i32
      %add3A_49 = arith.constant 0 : i32
      %add3A_50 = arith.addi %add3A_49, %mul3A_48 : i32
      %broadcast_in_dim3A = arith.constant 0.000000e+00 : f32
      %broadcast_in_dim3A_51 = vector.broadcast %broadcast_in_dim3A : f32 to vector<16xf32>
      %get3A = arith.index_cast %add3A_50 : i32 to index
      %get3A_52 = arith.constant 0 : index
      %get3A_53 = tpu.vector_load %arg15[%get3A, %get3A_52] {strides = array<i32>} : memref<32x128xf32, #tpu.memory_space<vmem>>, vector<16xf32>,
      %mul3A_54 = arith.constant 5.000000e-01 : f32
      %mul3A_55 = vector.broadcast %mul3A_54 : f32 to vector<16xf32>
      %mul3A_56 = arith.mulf %get3A_53, %mul3A_55 : vector<16xf32>
      %get3A_57 = arith.index_cast %add3A_50 : i32 to index
      %get3A_58 = arith.constant 0 : index
      %get3A_59 = tpu.vector_load %arg16[%get3A_57, %get3A_58] {strides = array<i32>} : memref<32x128xf32, #tpu.memory_space<vmem>>, vector<16xf32>,
      %mul3A_60 = arith.constant 5.000000e-01 : f32
      %mul3A_61 = vector.broadcast %mul3A_60 : f32 to vector<16xf32>
      %mul3A_62 = arith.mulf %get3A_59, %mul3A_61 : vector<16xf32>
      %add3A_63 = arith.addf %mul3A_56, %mul3A_62 : vector<16xf32>
      %swap3A = arith.index_cast %add3A_50 : i32 to index
      %swap3A_64 = arith.constant 0 : index
      %swap3A_65 = tpu.vector_load %arg17[%swap3A, %swap3A_64] {strides = array<i32>} : memref<32x128xf32, #tpu.memory_space<vmem>>, vector<16xf32>,
      tpu.vector_store %arg17[%swap3A, %swap3A_64], %add3A_63 {strides = array<i32>} : memref<32x128xf32, #tpu.memory_space<vmem>>, vector<16xf32>,
      %mul3A_66 = arith.mulf %add3A_63, %add3A_63 : vector<16xf32>
      %add3A_67 = arith.addf %broadcast_in_dim3A_51, %mul3A_66 : vector<16xf32>
      %get3A_68 = arith.index_cast %add3A_50 : i32 to index
      %get3A_69 = arith.constant 16 : index
      %get3A_70 = tpu.vector_load %arg15[%get3A_68, %get3A_69] {strides = array<i32>} : memref<32x128xf32, #tpu.memory_space<vmem>>, vector<16xf32>,
      %mul3A_71 = arith.constant 5.000000e-01 : f32
      %mul3A_72 = vector.broadcast %mul3A_71 : f32 to vector<16xf32>
      %mul3A_73 = arith.mulf %get3A_70, %mul3A_72 : vector<16xf32>
      %get3A_74 = arith.index_cast %add3A_50 : i32 to index
      %get3A_75 = arith.constant 16 : index
      %get3A_76 = tpu.vector_load %arg16[%get3A_74, %get3A_75] {strides = array<i32>} : memref<32x128xf32, #tpu.memory_space<vmem>>, vector<16xf32>,
      %mul3A_77 = arith.constant 5.000000e-01 : f32
      %mul3A_78 = vector.broadcast %mul3A_77 : f32 to vector<16xf32>
      %mul3A_79 = arith.mulf %get3A_76, %mul3A_78 : vector<16xf32>
      %add3A_80 = arith.addf %mul3A_73, %mul3A_79 : vector<16xf32>
      %swap3A_81 = arith.index_cast %add3A_50 : i32 to index
      %swap3A_82 = arith.constant 16 : index
      %swap3A_83 = tpu.vector_load %arg17[%swap3A_81, %swap3A_82] {strides = array<i32>} : memref<32x128xf32, #tpu.memory_space<vmem>>, vector<16xf32>,
      tpu.vector_store %arg17[%swap3A_81, %swap3A_82], %add3A_80 {strides = array<i32>} : memref<32x128xf32, #tpu.memory_space<vmem>>, vector<16xf32>,
      %mul3A_84 = arith.mulf %add3A_80, %add3A_80 : vector<16xf32>
      %add3A_85 = arith.addf %add3A_67, %mul3A_84 : vector<16xf32>
      %get3A_86 = arith.index_cast %add3A_50 : i32 to index
      %get3A_87 = arith.constant 32 : index
      %get3A_88 = tpu.vector_load %arg15[%get3A_86, %get3A_87] {strides = array<i32>} : memref<32x128xf32, #tpu.memory_space<vmem>>, vector<16xf32>,
      %mul3A_89 = arith.constant 5.000000e-01 : f32
      %mul3A_90 = vector.broadcast %mul3A_89 : f32 to vector<16xf32>
      %mul3A_91 = arith.mulf %get3A_88, %mul3A_90 : vector<16xf32>
      %get3A_92 = arith.index_cast %add3A_50 : i32 to index
      %get3A_93 = arith.constant 32 : index
      %get3A_94 = tpu.vector_load %arg16[%get3A_92, %get3A_93] {strides = array<i32>} : memref<32x128xf32, #tpu.memory_space<vmem>>, vector<16xf32>,
      %mul3A_95 = arith.constant 5.000000e-01 : f32
      %mul3A_96 = vector.broadcast %mul3A_95 : f32 to vector<16xf32>
      %mul3A_97 = arith.mulf %get3A_94, %mul3A_96 : vector<16xf32>
      %add3A_98 = arith.addf %mul3A_91, %mul3A_97 : vector<16xf32>
      %swap3A_99 = arith.index_cast %add3A_50 : i32 to index
      %swap3A_100 = arith.constant 32 : index
      %swap3A_101 = tpu.vector_load %arg17[%swap3A_99, %swap3A_100] {strides = array<i32>} : memref<32x128xf32, #tpu.memory_space<vmem>>, vector<16xf32>,
      tpu.vector_store %arg17[%swap3A_99, %swap3A_100], %add3A_98 {strides = array<i32>} : memref<32x128xf32, #tpu.memory_space<vmem>>, vector<16xf32>,
      %mul3A_102 = arith.mulf %add3A_98, %add3A_98 : vector<16xf32>
      %add3A_103 = arith.addf %add3A_85, %mul3A_102 : vector<16xf32>
      %get3A_104 = arith.index_cast %add3A_50 : i32 to index
      %get3A_105 = arith.constant 48 : index
      %get3A_106 = tpu.vector_load %arg15[%get3A_104, %get3A_105] {strides = array<i32>} : memref<32x128xf32, #tpu.memory_space<vmem>>, vector<16xf32>,
      %mul3A_107 = arith.constant 5.000000e-01 : f32
      %mul3A_108 = vector.broadcast %mul3A_107 : f32 to vector<16xf32>
      %mul3A_109 = arith.mulf %get3A_106, %mul3A_108 : vector<16xf32>
      %get3A_110 = arith.index_cast %add3A_50 : i32 to index
      %get3A_111 = arith.constant 48 : index
      %get3A_112 = tpu.vector_load %arg16[%get3A_110, %get3A_111] {strides = array<i32>} : memref<32x128xf32, #tpu.memory_space<vmem>>, vector<16xf32>,
      %mul3A_113 = arith.constant 5.000000e-01 : f32
      %mul3A_114 = vector.broadcast %mul3A_113 : f32 to vector<16xf32>
      %mul3A_115 = arith.mulf %get3A_112, %mul3A_114 : vector<16xf32>
      %add3A_116 = arith.addf %mul3A_109, %mul3A_115 : vector<16xf32>
      %swap3A_117 = arith.index_cast %add3A_50 : i32 to index
      %swap3A_118 = arith.constant 48 : index
      %swap3A_119 = tpu.vector_load %arg17[%swap3A_117, %swap3A_118] {strides = array<i32>} : memref<32x128xf32, #tpu.memory_space<vmem>>, vector<16xf32>,
      tpu.vector_store %arg17[%swap3A_117, %swap3A_118], %add3A_116 {strides = array<i32>} : memref<32x128xf32, #tpu.memory_space<vmem>>, vector<16xf32>,
      %mul3A_120 = arith.mulf %add3A_116, %add3A_116 : vector<16xf32>
      %add3A_121 = arith.addf %add3A_103, %mul3A_120 : vector<16xf32>
      %get3A_122 = arith.index_cast %add3A_50 : i32 to index
      %get3A_123 = arith.constant 64 : index
      %get3A_124 = tpu.vector_load %arg15[%get3A_122, %get3A_123] {strides = array<i32>} : memref<32x128xf32, #tpu.memory_space<vmem>>, vector<16xf32>,
      %mul3A_125 = arith.constant 5.000000e-01 : f32
      %mul3A_126 = vector.broadcast %mul3A_125 : f32 to vector<16xf32>
      %mul3A_127 = arith.mulf %get3A_124, %mul3A_126 : vector<16xf32>
      %get3A_128 = arith.index_cast %add3A_50 : i32 to index
      %get3A_129 = arith.constant 64 : index
      %get3A_130 = tpu.vector_load %arg16[%get3A_128, %get3A_129] {strides = array<i32>} : memref<32x128xf32, #tpu.memory_space<vmem>>, vector<16xf32>,
      %mul3A_131 = arith.constant 5.000000e-01 : f32
      %mul3A_132 = vector.broadcast %mul3A_131 : f32 to vector<16xf32>
      %mul3A_133 = arith.mulf %get3A_130, %mul3A_132 : vector<16xf32>
      %add3A_134 = arith.addf %mul3A_127, %mul3A_133 : vector<16xf32>
      %swap3A_135 = arith.index_cast %add3A_50 : i32 to index
      %swap3A_136 = arith.constant 64 : index
      %swap3A_137 = tpu.vector_load %arg17[%swap3A_135, %swap3A_136] {strides = array<i32>} : memref<32x128xf32, #tpu.memory_space<vmem>>, vector<16xf32>,
      tpu.vector_store %arg17[%swap3A_135, %swap3A_136], %add3A_134 {strides = array<i32>} : memref<32x128xf32, #tpu.memory_space<vmem>>, vector<16xf32>,
      %mul3A_138 = arith.mulf %add3A_134, %add3A_134 : vector<16xf32>
      %add3A_139 = arith.addf %add3A_121, %mul3A_138 : vector<16xf32>
      %get3A_140 = arith.index_cast %add3A_50 : i32 to index
      %get3A_141 = arith.constant 80 : index
      %get3A_142 = tpu.vector_load %arg15[%get3A_140, %get3A_141] {strides = array<i32>} : memref<32x128xf32, #tpu.memory_space<vmem>>, vector<16xf32>,
      %mul3A_143 = arith.constant 5.000000e-01 : f32
      %mul3A_144 = vector.broadcast %mul3A_143 : f32 to vector<16xf32>
      %mul3A_145 = arith.mulf %get3A_142, %mul3A_144 : vector<16xf32>
      %get3A_146 = arith.index_cast %add3A_50 : i32 to index
      %get3A_147 = arith.constant 80 : index
      %get3A_148 = tpu.vector_load %arg16[%get3A_146, %get3A_147] {strides = array<i32>} : memref<32x128xf32, #tpu.memory_space<vmem>>, vector<16xf32>,
      %mul3A_149 = arith.constant 5.000000e-01 : f32
      %mul3A_150 = vector.broadcast %mul3A_149 : f32 to vector<16xf32>
      %mul3A_151 = arith.mulf %get3A_148, %mul3A_150 : vector<16xf32>
      %add3A_152 = arith.addf %mul3A_145, %mul3A_151 : vector<16xf32>
      %swap3A_153 = arith.index_cast %add3A_50 : i32 to index
      %swap3A_154 = arith.constant 80 : index
      %swap3A_155 = tpu.vector_load %arg17[%swap3A_153, %swap3A_154] {strides = array<i32>} : memref<32x128xf32, #tpu.memory_space<vmem>>, vector<16xf32>,
      tpu.vector_store %arg17[%swap3A_153, %swap3A_154], %add3A_152 {strides = array<i32>} : memref<32x128xf32, #tpu.memory_space<vmem>>, vector<16xf32>,
      %mul3A_156 = arith.mulf %add3A_152, %add3A_152 : vector<16xf32>
      %add3A_157 = arith.addf %add3A_139, %mul3A_156 : vector<16xf32>
      %get3A_158 = arith.index_cast %add3A_50 : i32 to index
      %get3A_159 = arith.constant 96 : index
      %get3A_160 = tpu.vector_load %arg15[%get3A_158, %get3A_159] {strides = array<i32>} : memref<32x128xf32, #tpu.memory_space<vmem>>, vector<16xf32>,
      %mul3A_161 = arith.constant 5.000000e-01 : f32
      %mul3A_162 = vector.broadcast %mul3A_161 : f32 to vector<16xf32>
      %mul3A_163 = arith.mulf %get3A_160, %mul3A_162 : vector<16xf32>
      %get3A_164 = arith.index_cast %add3A_50 : i32 to index
      %get3A_165 = arith.constant 96 : index
      %get3A_166 = tpu.vector_load %arg16[%get3A_164, %get3A_165] {strides = array<i32>} : memref<32x128xf32, #tpu.memory_space<vmem>>, vector<16xf32>,
      %mul3A_167 = arith.constant 5.000000e-01 : f32
      %mul3A_168 = vector.broadcast %mul3A_167 : f32 to vector<16xf32>
      %mul3A_169 = arith.mulf %get3A_166, %mul3A_168 : vector<16xf32>
      %add3A_170 = arith.addf %mul3A_163, %mul3A_169 : vector<16xf32>
      %swap3A_171 = arith.index_cast %add3A_50 : i32 to index
      %swap3A_172 = arith.constant 96 : index
      %swap3A_173 = tpu.vector_load %arg17[%swap3A_171, %swap3A_172] {strides = array<i32>} : memref<32x128xf32, #tpu.memory_space<vmem>>, vector<16xf32>,
      tpu.vector_store %arg17[%swap3A_171, %swap3A_172], %add3A_170 {strides = array<i32>} : memref<32x128xf32, #tpu.memory_space<vmem>>, vector<16xf32>,
      %mul3A_174 = arith.mulf %add3A_170, %add3A_170 : vector<16xf32>
      %add3A_175 = arith.addf %add3A_157, %mul3A_174 : vector<16xf32>
      %get3A_176 = arith.index_cast %add3A_50 : i32 to index
      %get3A_177 = arith.constant 112 : index
      %get3A_178 = tpu.vector_load %arg15[%get3A_176, %get3A_177] {strides = array<i32>} : memref<32x128xf32, #tpu.memory_space<vmem>>, vector<16xf32>,
      %mul3A_179 = arith.constant 5.000000e-01 : f32
      %mul3A_180 = vector.broadcast %mul3A_179 : f32 to vector<16xf32>
      %mul3A_181 = arith.mulf %get3A_178, %mul3A_180 : vector<16xf32>
      %get3A_182 = arith.index_cast %add3A_50 : i32 to index
      %get3A_183 = arith.constant 112 : index
      %get3A_184 = tpu.vector_load %arg16[%get3A_182, %get3A_183] {strides = array<i32>} : memref<32x128xf32, #tpu.memory_space<vmem>>, vector<16xf32>,
      %mul3A_185 = arith.constant 5.000000e-01 : f32
      %mul3A_186 = vector.broadcast %mul3A_185 : f32 to vector<16xf32>
      %mul3A_187 = arith.mulf %get3A_184, %mul3A_186 : vector<16xf32>
      %add3A_188 = arith.addf %mul3A_181, %mul3A_187 : vector<16xf32>
      %swap3A_189 = arith.index_cast %add3A_50 : i32 to index
      %swap3A_190 = arith.constant 112 : index
      %swap3A_191 = tpu.vector_load %arg17[%swap3A_189, %swap3A_190] {strides = array<i32>} : memref<32x128xf32, #tpu.memory_space<vmem>>, vector<16xf32>,
      tpu.vector_store %arg17[%swap3A_189, %swap3A_190], %add3A_188 {strides = array<i32>} : memref<32x128xf32, #tpu.memory_space<vmem>>, vector<16xf32>,
      %mul3A_192 = arith.mulf %add3A_188, %add3A_188 : vector<16xf32>
      %add3A_193 = arith.addf %add3A_175, %mul3A_192 : vector<16xf32>
      %reduce_sum3A = arith.constant true
      %reduce_sum3A_194 = vector.broadcast %reduce_sum3A : i1 to vector<16xi1>
      %reduce_sum3A_195 = tpu.scan <sum>, %add3A_193 masked %reduce_sum3A_194 : vector<16xf32>, vector<16xi1> -> vector<16xf32>
      %reduce_sum3A_196 = vector.extract %reduce_sum3A_195[15] : f32 from vector<16xf32>
      %broadcast_in_dim3A_197 = vector.broadcast %reduce_sum3A_196 : f32 to vector<16xf32>
      %bitcast3A = vector.bitcast %broadcast_in_dim3A_197 : vector<16xf32> to vector<16xi32>
      %shift_right_arithmetic3A = arith.constant 1 : i32
      %shift_right_arithmetic3A_198 = vector.broadcast %shift_right_arithmetic3A : i32 to vector<16xi32>
      %shift_right_arithmetic3A_199 = arith.shrsi %bitcast3A, %shift_right_arithmetic3A_198 : vector<16xi32>
      %sub3A = arith.constant 1597463007 : i32
      %sub3A_200 = vector.broadcast %sub3A : i32 to vector<16xi32>
      %sub3A_201 = arith.subi %sub3A_200, %shift_right_arithmetic3A_199 : vector<16xi32>
      %bitcast3A_202 = vector.bitcast %sub3A_201 : vector<16xi32> to vector<16xf32>
      %mul3A_203 = arith.constant 5.000000e-01 : f32
      %mul3A_204 = vector.broadcast %mul3A_203 : f32 to vector<16xf32>
      %mul3A_205 = arith.mulf %mul3A_204, %broadcast_in_dim3A_197 : vector<16xf32>
      %mul3A_206 = arith.mulf %mul3A_205, %bitcast3A_202 : vector<16xf32>
      %mul3A_207 = arith.mulf %mul3A_206, %bitcast3A_202 : vector<16xf32>
      %sub3A_208 = arith.constant 1.500000e+00 : f32
      %sub3A_209 = vector.broadcast %sub3A_208 : f32 to vector<16xf32>
      %sub3A_210 = arith.subf %sub3A_209, %mul3A_207 : vector<16xf32>
      %mul3A_211 = arith.mulf %bitcast3A_202, %sub3A_210 : vector<16xf32>
      %mul3A_212 = arith.constant 5.000000e-01 : f32
      %mul3A_213 = vector.broadcast %mul3A_212 : f32 to vector<16xf32>
      %mul3A_214 = arith.mulf %mul3A_213, %broadcast_in_dim3A_197 : vector<16xf32>
      %mul3A_215 = arith.mulf %mul3A_214, %mul3A_211 : vector<16xf32>
      %mul3A_216 = arith.mulf %mul3A_215, %mul3A_211 : vector<16xf32>
      %sub3A_217 = arith.constant 1.500000e+00 : f32
      %sub3A_218 = vector.broadcast %sub3A_217 : f32 to vector<16xf32>
      %sub3A_219 = arith.subf %sub3A_218, %mul3A_216 : vector<16xf32>
      %mul3A_220 = arith.mulf %mul3A_211, %sub3A_219 : vector<16xf32>
      %mul3A_221 = arith.constant 5.000000e-01 : f32
      %mul3A_222 = vector.broadcast %mul3A_221 : f32 to vector<16xf32>
      %mul3A_223 = arith.mulf %mul3A_222, %broadcast_in_dim3A_197 : vector<16xf32>
      %mul3A_224 = arith.mulf %mul3A_223, %mul3A_220 : vector<16xf32>
      %mul3A_225 = arith.mulf %mul3A_224, %mul3A_220 : vector<16xf32>
      %sub3A_226 = arith.constant 1.500000e+00 : f32
      %sub3A_227 = vector.broadcast %sub3A_226 : f32 to vector<16xf32>
      %sub3A_228 = arith.subf %sub3A_227, %mul3A_225 : vector<16xf32>
      %mul3A_229 = arith.mulf %mul3A_220, %sub3A_228 : vector<16xf32>
      %get3A_230 = arith.index_cast %add3A_50 : i32 to index
      %get3A_231 = arith.constant 0 : index
      %get3A_232 = tpu.vector_load %arg17[%get3A_230, %get3A_231] {strides = array<i32>} : memref<32x128xf32, #tpu.memory_space<vmem>>, vector<16xf32>,
      %mul3A_233 = arith.mulf %get3A_232, %mul3A_229 : vector<16xf32>
      %swap3A_234 = arith.index_cast %add3A_50 : i32 to index
      %swap3A_235 = arith.constant 0 : index
      %swap3A_236 = tpu.vector_load %arg17[%swap3A_234, %swap3A_235] {strides = array<i32>} : memref<32x128xf32, #tpu.memory_space<vmem>>, vector<16xf32>,
      tpu.vector_store %arg17[%swap3A_234, %swap3A_235], %mul3A_233 {strides = array<i32>} : memref<32x128xf32, #tpu.memory_space<vmem>>, vector<16xf32>,
      %get3A_237 = arith.index_cast %add3A_50 : i32 to index
      %get3A_238 = arith.constant 16 : index
      %get3A_239 = tpu.vector_load %arg17[%get3A_237, %get3A_238] {strides = array<i32>} : memref<32x128xf32, #tpu.memory_space<vmem>>, vector<16xf32>,
      %mul3A_240 = arith.mulf %get3A_239, %mul3A_229 : vector<16xf32>
      %swap3A_241 = arith.index_cast %add3A_50 : i32 to index
      %swap3A_242 = arith.constant 16 : index
      %swap3A_243 = tpu.vector_load %arg17[%swap3A_241, %swap3A_242] {strides = array<i32>} : memref<32x128xf32, #tpu.memory_space<vmem>>, vector<16xf32>,
      tpu.vector_store %arg17[%swap3A_241, %swap3A_242], %mul3A_240 {strides = array<i32>} : memref<32x128xf32, #tpu.memory_space<vmem>>, vector<16xf32>,
      %get3A_244 = arith.index_cast %add3A_50 : i32 to index
      %get3A_245 = arith.constant 32 : index
      %get3A_246 = tpu.vector_load %arg17[%get3A_244, %get3A_245] {strides = array<i32>} : memref<32x128xf32, #tpu.memory_space<vmem>>, vector<16xf32>,
      %mul3A_247 = arith.mulf %get3A_246, %mul3A_229 : vector<16xf32>
      %swap3A_248 = arith.index_cast %add3A_50 : i32 to index
      %swap3A_249 = arith.constant 32 : index
      %swap3A_250 = tpu.vector_load %arg17[%swap3A_248, %swap3A_249] {strides = array<i32>} : memref<32x128xf32, #tpu.memory_space<vmem>>, vector<16xf32>,
      tpu.vector_store %arg17[%swap3A_248, %swap3A_249], %mul3A_247 {strides = array<i32>} : memref<32x128xf32, #tpu.memory_space<vmem>>, vector<16xf32>,
      %get3A_251 = arith.index_cast %add3A_50 : i32 to index
      %get3A_252 = arith.constant 48 : index
      %get3A_253 = tpu.vector_load %arg17[%get3A_251, %get3A_252] {strides = array<i32>} : memref<32x128xf32, #tpu.memory_space<vmem>>, vector<16xf32>,
      %mul3A_254 = arith.mulf %get3A_253, %mul3A_229 : vector<16xf32>
      %swap3A_255 = arith.index_cast %add3A_50 : i32 to index
      %swap3A_256 = arith.constant 48 : index
      %swap3A_257 = tpu.vector_load %arg17[%swap3A_255, %swap3A_256] {strides = array<i32>} : memref<32x128xf32, #tpu.memory_space<vmem>>, vector<16xf32>,
      tpu.vector_store %arg17[%swap3A_255, %swap3A_256], %mul3A_254 {strides = array<i32>} : memref<32x128xf32, #tpu.memory_space<vmem>>, vector<16xf32>,
      %get3A_258 = arith.index_cast %add3A_50 : i32 to index
      %get3A_259 = arith.constant 64 : index
      %get3A_260 = tpu.vector_load %arg17[%get3A_258, %get3A_259] {strides = array<i32>} : memref<32x128xf32, #tpu.memory_space<vmem>>, vector<16xf32>,
      %mul3A_261 = arith.mulf %get3A_260, %mul3A_229 : vector<16xf32>
      %swap3A_262 = arith.index_cast %add3A_50 : i32 to index
      %swap3A_263 = arith.constant 64 : index
      %swap3A_264 = tpu.vector_load %arg17[%swap3A_262, %swap3A_263] {strides = array<i32>} : memref<32x128xf32, #tpu.memory_space<vmem>>, vector<16xf32>,
      tpu.vector_store %arg17[%swap3A_262, %swap3A_263], %mul3A_261 {strides = array<i32>} : memref<32x128xf32, #tpu.memory_space<vmem>>, vector<16xf32>,
      %get3A_265 = arith.index_cast %add3A_50 : i32 to index
      %get3A_266 = arith.constant 80 : index
      %get3A_267 = tpu.vector_load %arg17[%get3A_265, %get3A_266] {strides = array<i32>} : memref<32x128xf32, #tpu.memory_space<vmem>>, vector<16xf32>,
      %mul3A_268 = arith.mulf %get3A_267, %mul3A_229 : vector<16xf32>
      %swap3A_269 = arith.index_cast %add3A_50 : i32 to index
      %swap3A_270 = arith.constant 80 : index
      %swap3A_271 = tpu.vector_load %arg17[%swap3A_269, %swap3A_270] {strides = array<i32>} : memref<32x128xf32, #tpu.memory_space<vmem>>, vector<16xf32>,
      tpu.vector_store %arg17[%swap3A_269, %swap3A_270], %mul3A_268 {strides = array<i32>} : memref<32x128xf32, #tpu.memory_space<vmem>>, vector<16xf32>,
      %get3A_272 = arith.index_cast %add3A_50 : i32 to index
      %get3A_273 = arith.constant 96 : index
      %get3A_274 = tpu.vector_load %arg17[%get3A_272, %get3A_273] {strides = array<i32>} : memref<32x128xf32, #tpu.memory_space<vmem>>, vector<16xf32>,
      %mul3A_275 = arith.mulf %get3A_274, %mul3A_229 : vector<16xf32>
      %swap3A_276 = arith.index_cast %add3A_50 : i32 to index
      %swap3A_277 = arith.constant 96 : index
      %swap3A_278 = tpu.vector_load %arg17[%swap3A_276, %swap3A_277] {strides = array<i32>} : memref<32x128xf32, #tpu.memory_space<vmem>>, vector<16xf32>,
      tpu.vector_store %arg17[%swap3A_276, %swap3A_277], %mul3A_275 {strides = array<i32>} : memref<32x128xf32, #tpu.memory_space<vmem>>, vector<16xf32>,
      %get3A_279 = arith.index_cast %add3A_50 : i32 to index
      %get3A_280 = arith.constant 112 : index
      %get3A_281 = tpu.vector_load %arg17[%get3A_279, %get3A_280] {strides = array<i32>} : memref<32x128xf32, #tpu.memory_space<vmem>>, vector<16xf32>,
      %mul3A_282 = arith.mulf %get3A_281, %mul3A_229 : vector<16xf32>
      %swap3A_283 = arith.index_cast %add3A_50 : i32 to index
      %swap3A_284 = arith.constant 112 : index
      %swap3A_285 = tpu.vector_load %arg17[%swap3A_283, %swap3A_284] {strides = array<i32>} : memref<32x128xf32, #tpu.memory_space<vmem>>, vector<16xf32>,
      tpu.vector_store %arg17[%swap3A_283, %swap3A_284], %mul3A_282 {strides = array<i32>} : memref<32x128xf32, #tpu.memory_space<vmem>>, vector<16xf32>,
    }
    %scan3A_28 = arith.constant 32 : i32
    %scan3A_29 = arith.constant 0 : i32
    %scan3A_30 = arith.constant 32 : i32
    %scan3A_31 = arith.addi %scan3A_29, %scan3A_30 : i32
    %scan3A_32 = arith.constant 1 : i32
    scf.for %scan3A_46 = %scan3A_29 to %scan3A_31 step %scan3A_32  : i32 {
      %mul3A_47 = arith.constant 1 : i32
      %mul3A_48 = arith.muli %scan3A_46, %mul3A_47 : i32
      %add3A_49 = arith.constant 0 : i32
      %add3A_50 = arith.addi %add3A_49, %mul3A_48 : i32
      %broadcast_in_dim3A = arith.constant 0.000000e+00 : f32
      %broadcast_in_dim3A_51 = vector.broadcast %broadcast_in_dim3A : f32 to vector<16xf32>
      %get3A = arith.index_cast %add3A_50 : i32 to index
      %get3A_52 = arith.constant 0 : index
      %get3A_53 = tpu.vector_load %arg18[%get3A, %get3A_52] {strides = array<i32>} : memref<32x128xf32, #tpu.memory_space<vmem>>, vector<16xf32>,
      %mul3A_54 = arith.constant 5.000000e-01 : f32
      %mul3A_55 = vector.broadcast %mul3A_54 : f32 to vector<16xf32>
      %mul3A_56 = arith.mulf %get3A_53, %mul3A_55 : vector<16xf32>
      %get3A_57 = arith.index_cast %add3A_50 : i32 to index
      %get3A_58 = arith.constant 0 : index
      %get3A_59 = tpu.vector_load %arg19[%get3A_57, %get3A_58] {strides = array<i32>} : memref<32x128xf32, #tpu.memory_space<vmem>>, vector<16xf32>,
      %mul3A_60 = arith.constant 5.000000e-01 : f32
      %mul3A_61 = vector.broadcast %mul3A_60 : f32 to vector<16xf32>
      %mul3A_62 = arith.mulf %get3A_59, %mul3A_61 : vector<16xf32>
      %add3A_63 = arith.addf %mul3A_56, %mul3A_62 : vector<16xf32>
      %swap3A = arith.index_cast %add3A_50 : i32 to index
      %swap3A_64 = arith.constant 0 : index
      %swap3A_65 = tpu.vector_load %arg20[%swap3A, %swap3A_64] {strides = array<i32>} : memref<32x128xf32, #tpu.memory_space<vmem>>, vector<16xf32>,
      tpu.vector_store %arg20[%swap3A, %swap3A_64], %add3A_63 {strides = array<i32>} : memref<32x128xf32, #tpu.memory_space<vmem>>, vector<16xf32>,
      %mul3A_66 = arith.mulf %add3A_63, %add3A_63 : vector<16xf32>
      %add3A_67 = arith.addf %broadcast_in_dim3A_51, %mul3A_66 : vector<16xf32>
      %get3A_68 = arith.index_cast %add3A_50 : i32 to index
      %get3A_69 = arith.constant 16 : index
      %get3A_70 = tpu.vector_load %arg18[%get3A_68, %get3A_69] {strides = array<i32>} : memref<32x128xf32, #tpu.memory_space<vmem>>, vector<16xf32>,
      %mul3A_71 = arith.constant 5.000000e-01 : f32
      %mul3A_72 = vector.broadcast %mul3A_71 : f32 to vector<16xf32>
      %mul3A_73 = arith.mulf %get3A_70, %mul3A_72 : vector<16xf32>
      %get3A_74 = arith.index_cast %add3A_50 : i32 to index
      %get3A_75 = arith.constant 16 : index
      %get3A_76 = tpu.vector_load %arg19[%get3A_74, %get3A_75] {strides = array<i32>} : memref<32x128xf32, #tpu.memory_space<vmem>>, vector<16xf32>,
      %mul3A_77 = arith.constant 5.000000e-01 : f32
      %mul3A_78 = vector.broadcast %mul3A_77 : f32 to vector<16xf32>
      %mul3A_79 = arith.mulf %get3A_76, %mul3A_78 : vector<16xf32>
      %add3A_80 = arith.addf %mul3A_73, %mul3A_79 : vector<16xf32>
      %swap3A_81 = arith.index_cast %add3A_50 : i32 to index
      %swap3A_82 = arith.constant 16 : index
      %swap3A_83 = tpu.vector_load %arg20[%swap3A_81, %swap3A_82] {strides = array<i32>} : memref<32x128xf32, #tpu.memory_space<vmem>>, vector<16xf32>,
      tpu.vector_store %arg20[%swap3A_81, %swap3A_82], %add3A_80 {strides = array<i32>} : memref<32x128xf32, #tpu.memory_space<vmem>>, vector<16xf32>,
      %mul3A_84 = arith.mulf %add3A_80, %add3A_80 : vector<16xf32>
      %add3A_85 = arith.addf %add3A_67, %mul3A_84 : vector<16xf32>
      %get3A_86 = arith.index_cast %add3A_50 : i32 to index
      %get3A_87 = arith.constant 32 : index
      %get3A_88 = tpu.vector_load %arg18[%get3A_86, %get3A_87] {strides = array<i32>} : memref<32x128xf32, #tpu.memory_space<vmem>>, vector<16xf32>,
      %mul3A_89 = arith.constant 5.000000e-01 : f32
      %mul3A_90 = vector.broadcast %mul3A_89 : f32 to vector<16xf32>
      %mul3A_91 = arith.mulf %get3A_88, %mul3A_90 : vector<16xf32>
      %get3A_92 = arith.index_cast %add3A_50 : i32 to index
      %get3A_93 = arith.constant 32 : index
      %get3A_94 = tpu.vector_load %arg19[%get3A_92, %get3A_93] {strides = array<i32>} : memref<32x128xf32, #tpu.memory_space<vmem>>, vector<16xf32>,
      %mul3A_95 = arith.constant 5.000000e-01 : f32
      %mul3A_96 = vector.broadcast %mul3A_95 : f32 to vector<16xf32>
      %mul3A_97 = arith.mulf %get3A_94, %mul3A_96 : vector<16xf32>
      %add3A_98 = arith.addf %mul3A_91, %mul3A_97 : vector<16xf32>
      %swap3A_99 = arith.index_cast %add3A_50 : i32 to index
      %swap3A_100 = arith.constant 32 : index
      %swap3A_101 = tpu.vector_load %arg20[%swap3A_99, %swap3A_100] {strides = array<i32>} : memref<32x128xf32, #tpu.memory_space<vmem>>, vector<16xf32>,
      tpu.vector_store %arg20[%swap3A_99, %swap3A_100], %add3A_98 {strides = array<i32>} : memref<32x128xf32, #tpu.memory_space<vmem>>, vector<16xf32>,
      %mul3A_102 = arith.mulf %add3A_98, %add3A_98 : vector<16xf32>
      %add3A_103 = arith.addf %add3A_85, %mul3A_102 : vector<16xf32>
      %get3A_104 = arith.index_cast %add3A_50 : i32 to index
      %get3A_105 = arith.constant 48 : index
      %get3A_106 = tpu.vector_load %arg18[%get3A_104, %get3A_105] {strides = array<i32>} : memref<32x128xf32, #tpu.memory_space<vmem>>, vector<16xf32>,
      %mul3A_107 = arith.constant 5.000000e-01 : f32
      %mul3A_108 = vector.broadcast %mul3A_107 : f32 to vector<16xf32>
      %mul3A_109 = arith.mulf %get3A_106, %mul3A_108 : vector<16xf32>
      %get3A_110 = arith.index_cast %add3A_50 : i32 to index
      %get3A_111 = arith.constant 48 : index
      %get3A_112 = tpu.vector_load %arg19[%get3A_110, %get3A_111] {strides = array<i32>} : memref<32x128xf32, #tpu.memory_space<vmem>>, vector<16xf32>,
      %mul3A_113 = arith.constant 5.000000e-01 : f32
      %mul3A_114 = vector.broadcast %mul3A_113 : f32 to vector<16xf32>
      %mul3A_115 = arith.mulf %get3A_112, %mul3A_114 : vector<16xf32>
      %add3A_116 = arith.addf %mul3A_109, %mul3A_115 : vector<16xf32>
      %swap3A_117 = arith.index_cast %add3A_50 : i32 to index
      %swap3A_118 = arith.constant 48 : index
      %swap3A_119 = tpu.vector_load %arg20[%swap3A_117, %swap3A_118] {strides = array<i32>} : memref<32x128xf32, #tpu.memory_space<vmem>>, vector<16xf32>,
      tpu.vector_store %arg20[%swap3A_117, %swap3A_118], %add3A_116 {strides = array<i32>} : memref<32x128xf32, #tpu.memory_space<vmem>>, vector<16xf32>,
      %mul3A_120 = arith.mulf %add3A_116, %add3A_116 : vector<16xf32>
      %add3A_121 = arith.addf %add3A_103, %mul3A_120 : vector<16xf32>
      %get3A_122 = arith.index_cast %add3A_50 : i32 to index
      %get3A_123 = arith.constant 64 : index
      %get3A_124 = tpu.vector_load %arg18[%get3A_122, %get3A_123] {strides = array<i32>} : memref<32x128xf32, #tpu.memory_space<vmem>>, vector<16xf32>,
      %mul3A_125 = arith.constant 5.000000e-01 : f32
      %mul3A_126 = vector.broadcast %mul3A_125 : f32 to vector<16xf32>
      %mul3A_127 = arith.mulf %get3A_124, %mul3A_126 : vector<16xf32>
      %get3A_128 = arith.index_cast %add3A_50 : i32 to index
      %get3A_129 = arith.constant 64 : index
      %get3A_130 = tpu.vector_load %arg19[%get3A_128, %get3A_129] {strides = array<i32>} : memref<32x128xf32, #tpu.memory_space<vmem>>, vector<16xf32>,
      %mul3A_131 = arith.constant 5.000000e-01 : f32
      %mul3A_132 = vector.broadcast %mul3A_131 : f32 to vector<16xf32>
      %mul3A_133 = arith.mulf %get3A_130, %mul3A_132 : vector<16xf32>
      %add3A_134 = arith.addf %mul3A_127, %mul3A_133 : vector<16xf32>
      %swap3A_135 = arith.index_cast %add3A_50 : i32 to index
      %swap3A_136 = arith.constant 64 : index
      %swap3A_137 = tpu.vector_load %arg20[%swap3A_135, %swap3A_136] {strides = array<i32>} : memref<32x128xf32, #tpu.memory_space<vmem>>, vector<16xf32>,
      tpu.vector_store %arg20[%swap3A_135, %swap3A_136], %add3A_134 {strides = array<i32>} : memref<32x128xf32, #tpu.memory_space<vmem>>, vector<16xf32>,
      %mul3A_138 = arith.mulf %add3A_134, %add3A_134 : vector<16xf32>
      %add3A_139 = arith.addf %add3A_121, %mul3A_138 : vector<16xf32>
      %get3A_140 = arith.index_cast %add3A_50 : i32 to index
      %get3A_141 = arith.constant 80 : index
      %get3A_142 = tpu.vector_load %arg18[%get3A_140, %get3A_141] {strides = array<i32>} : memref<32x128xf32, #tpu.memory_space<vmem>>, vector<16xf32>,
      %mul3A_143 = arith.constant 5.000000e-01 : f32
      %mul3A_144 = vector.broadcast %mul3A_143 : f32 to vector<16xf32>
      %mul3A_145 = arith.mulf %get3A_142, %mul3A_144 : vector<16xf32>
      %get3A_146 = arith.index_cast %add3A_50 : i32 to index
      %get3A_147 = arith.constant 80 : index
      %get3A_148 = tpu.vector_load %arg19[%get3A_146, %get3A_147] {strides = array<i32>} : memref<32x128xf32, #tpu.memory_space<vmem>>, vector<16xf32>,
      %mul3A_149 = arith.constant 5.000000e-01 : f32
      %mul3A_150 = vector.broadcast %mul3A_149 : f32 to vector<16xf32>
      %mul3A_151 = arith.mulf %get3A_148, %mul3A_150 : vector<16xf32>
      %add3A_152 = arith.addf %mul3A_145, %mul3A_151 : vector<16xf32>
      %swap3A_153 = arith.index_cast %add3A_50 : i32 to index
      %swap3A_154 = arith.constant 80 : index
      %swap3A_155 = tpu.vector_load %arg20[%swap3A_153, %swap3A_154] {strides = array<i32>} : memref<32x128xf32, #tpu.memory_space<vmem>>, vector<16xf32>,
      tpu.vector_store %arg20[%swap3A_153, %swap3A_154], %add3A_152 {strides = array<i32>} : memref<32x128xf32, #tpu.memory_space<vmem>>, vector<16xf32>,
      %mul3A_156 = arith.mulf %add3A_152, %add3A_152 : vector<16xf32>
      %add3A_157 = arith.addf %add3A_139, %mul3A_156 : vector<16xf32>
      %get3A_158 = arith.index_cast %add3A_50 : i32 to index
      %get3A_159 = arith.constant 96 : index
      %get3A_160 = tpu.vector_load %arg18[%get3A_158, %get3A_159] {strides = array<i32>} : memref<32x128xf32, #tpu.memory_space<vmem>>, vector<16xf32>,
      %mul3A_161 = arith.constant 5.000000e-01 : f32
      %mul3A_162 = vector.broadcast %mul3A_161 : f32 to vector<16xf32>
      %mul3A_163 = arith.mulf %get3A_160, %mul3A_162 : vector<16xf32>
      %get3A_164 = arith.index_cast %add3A_50 : i32 to index
      %get3A_165 = arith.constant 96 : index
      %get3A_166 = tpu.vector_load %arg19[%get3A_164, %get3A_165] {strides = array<i32>} : memref<32x128xf32, #tpu.memory_space<vmem>>, vector<16xf32>,
      %mul3A_167 = arith.constant 5.000000e-01 : f32
      %mul3A_168 = vector.broadcast %mul3A_167 : f32 to vector<16xf32>
      %mul3A_169 = arith.mulf %get3A_166, %mul3A_168 : vector<16xf32>
      %add3A_170 = arith.addf %mul3A_163, %mul3A_169 : vector<16xf32>
      %swap3A_171 = arith.index_cast %add3A_50 : i32 to index
      %swap3A_172 = arith.constant 96 : index
      %swap3A_173 = tpu.vector_load %arg20[%swap3A_171, %swap3A_172] {strides = array<i32>} : memref<32x128xf32, #tpu.memory_space<vmem>>, vector<16xf32>,
      tpu.vector_store %arg20[%swap3A_171, %swap3A_172], %add3A_170 {strides = array<i32>} : memref<32x128xf32, #tpu.memory_space<vmem>>, vector<16xf32>,
      %mul3A_174 = arith.mulf %add3A_170, %add3A_170 : vector<16xf32>
      %add3A_175 = arith.addf %add3A_157, %mul3A_174 : vector<16xf32>
      %get3A_176 = arith.index_cast %add3A_50 : i32 to index
      %get3A_177 = arith.constant 112 : index
      %get3A_178 = tpu.vector_load %arg18[%get3A_176, %get3A_177] {strides = array<i32>} : memref<32x128xf32, #tpu.memory_space<vmem>>, vector<16xf32>,
      %mul3A_179 = arith.constant 5.000000e-01 : f32
      %mul3A_180 = vector.broadcast %mul3A_179 : f32 to vector<16xf32>
      %mul3A_181 = arith.mulf %get3A_178, %mul3A_180 : vector<16xf32>
      %get3A_182 = arith.index_cast %add3A_50 : i32 to index
      %get3A_183 = arith.constant 112 : index
      %get3A_184 = tpu.vector_load %arg19[%get3A_182, %get3A_183] {strides = array<i32>} : memref<32x128xf32, #tpu.memory_space<vmem>>, vector<16xf32>,
      %mul3A_185 = arith.constant 5.000000e-01 : f32
      %mul3A_186 = vector.broadcast %mul3A_185 : f32 to vector<16xf32>
      %mul3A_187 = arith.mulf %get3A_184, %mul3A_186 : vector<16xf32>
      %add3A_188 = arith.addf %mul3A_181, %mul3A_187 : vector<16xf32>
      %swap3A_189 = arith.index_cast %add3A_50 : i32 to index
      %swap3A_190 = arith.constant 112 : index
      %swap3A_191 = tpu.vector_load %arg20[%swap3A_189, %swap3A_190] {strides = array<i32>} : memref<32x128xf32, #tpu.memory_space<vmem>>, vector<16xf32>,
      tpu.vector_store %arg20[%swap3A_189, %swap3A_190], %add3A_188 {strides = array<i32>} : memref<32x128xf32, #tpu.memory_space<vmem>>, vector<16xf32>,
      %mul3A_192 = arith.mulf %add3A_188, %add3A_188 : vector<16xf32>
      %add3A_193 = arith.addf %add3A_175, %mul3A_192 : vector<16xf32>
      %reduce_sum3A = arith.constant true
      %reduce_sum3A_194 = vector.broadcast %reduce_sum3A : i1 to vector<16xi1>
      %reduce_sum3A_195 = tpu.scan <sum>, %add3A_193 masked %reduce_sum3A_194 : vector<16xf32>, vector<16xi1> -> vector<16xf32>
      %reduce_sum3A_196 = vector.extract %reduce_sum3A_195[15] : f32 from vector<16xf32>
      %broadcast_in_dim3A_197 = vector.broadcast %reduce_sum3A_196 : f32 to vector<16xf32>
      %bitcast3A = vector.bitcast %broadcast_in_dim3A_197 : vector<16xf32> to vector<16xi32>
      %shift_right_arithmetic3A = arith.constant 1 : i32
      %shift_right_arithmetic3A_198 = vector.broadcast %shift_right_arithmetic3A : i32 to vector<16xi32>
      %shift_right_arithmetic3A_199 = arith.shrsi %bitcast3A, %shift_right_arithmetic3A_198 : vector<16xi32>
      %sub3A = arith.constant 1597463007 : i32
      %sub3A_200 = vector.broadcast %sub3A : i32 to vector<16xi32>
      %sub3A_201 = arith.subi %sub3A_200, %shift_right_arithmetic3A_199 : vector<16xi32>
      %bitcast3A_202 = vector.bitcast %sub3A_201 : vector<16xi32> to vector<16xf32>
      %mul3A_203 = arith.constant 5.000000e-01 : f32
      %mul3A_204 = vector.broadcast %mul3A_203 : f32 to vector<16xf32>
      %mul3A_205 = arith.mulf %mul3A_204, %broadcast_in_dim3A_197 : vector<16xf32>
      %mul3A_206 = arith.mulf %mul3A_205, %bitcast3A_202 : vector<16xf32>
      %mul3A_207 = arith.mulf %mul3A_206, %bitcast3A_202 : vector<16xf32>
      %sub3A_208 = arith.constant 1.500000e+00 : f32
      %sub3A_209 = vector.broadcast %sub3A_208 : f32 to vector<16xf32>
      %sub3A_210 = arith.subf %sub3A_209, %mul3A_207 : vector<16xf32>
      %mul3A_211 = arith.mulf %bitcast3A_202, %sub3A_210 : vector<16xf32>
      %mul3A_212 = arith.constant 5.000000e-01 : f32
      %mul3A_213 = vector.broadcast %mul3A_212 : f32 to vector<16xf32>
      %mul3A_214 = arith.mulf %mul3A_213, %broadcast_in_dim3A_197 : vector<16xf32>
      %mul3A_215 = arith.mulf %mul3A_214, %mul3A_211 : vector<16xf32>
      %mul3A_216 = arith.mulf %mul3A_215, %mul3A_211 : vector<16xf32>
      %sub3A_217 = arith.constant 1.500000e+00 : f32
      %sub3A_218 = vector.broadcast %sub3A_217 : f32 to vector<16xf32>
      %sub3A_219 = arith.subf %sub3A_218, %mul3A_216 : vector<16xf32>
      %mul3A_220 = arith.mulf %mul3A_211, %sub3A_219 : vector<16xf32>
      %mul3A_221 = arith.constant 5.000000e-01 : f32
      %mul3A_222 = vector.broadcast %mul3A_221 : f32 to vector<16xf32>
      %mul3A_223 = arith.mulf %mul3A_222, %broadcast_in_dim3A_197 : vector<16xf32>
      %mul3A_224 = arith.mulf %mul3A_223, %mul3A_220 : vector<16xf32>
      %mul3A_225 = arith.mulf %mul3A_224, %mul3A_220 : vector<16xf32>
      %sub3A_226 = arith.constant 1.500000e+00 : f32
      %sub3A_227 = vector.broadcast %sub3A_226 : f32 to vector<16xf32>
      %sub3A_228 = arith.subf %sub3A_227, %mul3A_225 : vector<16xf32>
      %mul3A_229 = arith.mulf %mul3A_220, %sub3A_228 : vector<16xf32>
      %get3A_230 = arith.index_cast %add3A_50 : i32 to index
      %get3A_231 = arith.constant 0 : index
      %get3A_232 = tpu.vector_load %arg20[%get3A_230, %get3A_231] {strides = array<i32>} : memref<32x128xf32, #tpu.memory_space<vmem>>, vector<16xf32>,
      %mul3A_233 = arith.mulf %get3A_232, %mul3A_229 : vector<16xf32>
      %swap3A_234 = arith.index_cast %add3A_50 : i32 to index
      %swap3A_235 = arith.constant 0 : index
      %swap3A_236 = tpu.vector_load %arg20[%swap3A_234, %swap3A_235] {strides = array<i32>} : memref<32x128xf32, #tpu.memory_space<vmem>>, vector<16xf32>,
      tpu.vector_store %arg20[%swap3A_234, %swap3A_235], %mul3A_233 {strides = array<i32>} : memref<32x128xf32, #tpu.memory_space<vmem>>, vector<16xf32>,
      %get3A_237 = arith.index_cast %add3A_50 : i32 to index
      %get3A_238 = arith.constant 16 : index
      %get3A_239 = tpu.vector_load %arg20[%get3A_237, %get3A_238] {strides = array<i32>} : memref<32x128xf32, #tpu.memory_space<vmem>>, vector<16xf32>,
      %mul3A_240 = arith.mulf %get3A_239, %mul3A_229 : vector<16xf32>
      %swap3A_241 = arith.index_cast %add3A_50 : i32 to index
      %swap3A_242 = arith.constant 16 : index
      %swap3A_243 = tpu.vector_load %arg20[%swap3A_241, %swap3A_242] {strides = array<i32>} : memref<32x128xf32, #tpu.memory_space<vmem>>, vector<16xf32>,
      tpu.vector_store %arg20[%swap3A_241, %swap3A_242], %mul3A_240 {strides = array<i32>} : memref<32x128xf32, #tpu.memory_space<vmem>>, vector<16xf32>,
      %get3A_244 = arith.index_cast %add3A_50 : i32 to index
      %get3A_245 = arith.constant 32 : index
      %get3A_246 = tpu.vector_load %arg20[%get3A_244, %get3A_245] {strides = array<i32>} : memref<32x128xf32, #tpu.memory_space<vmem>>, vector<16xf32>,
      %mul3A_247 = arith.mulf %get3A_246, %mul3A_229 : vector<16xf32>
      %swap3A_248 = arith.index_cast %add3A_50 : i32 to index
      %swap3A_249 = arith.constant 32 : index
      %swap3A_250 = tpu.vector_load %arg20[%swap3A_248, %swap3A_249] {strides = array<i32>} : memref<32x128xf32, #tpu.memory_space<vmem>>, vector<16xf32>,
      tpu.vector_store %arg20[%swap3A_248, %swap3A_249], %mul3A_247 {strides = array<i32>} : memref<32x128xf32, #tpu.memory_space<vmem>>, vector<16xf32>,
      %get3A_251 = arith.index_cast %add3A_50 : i32 to index
      %get3A_252 = arith.constant 48 : index
      %get3A_253 = tpu.vector_load %arg20[%get3A_251, %get3A_252] {strides = array<i32>} : memref<32x128xf32, #tpu.memory_space<vmem>>, vector<16xf32>,
      %mul3A_254 = arith.mulf %get3A_253, %mul3A_229 : vector<16xf32>
      %swap3A_255 = arith.index_cast %add3A_50 : i32 to index
      %swap3A_256 = arith.constant 48 : index
      %swap3A_257 = tpu.vector_load %arg20[%swap3A_255, %swap3A_256] {strides = array<i32>} : memref<32x128xf32, #tpu.memory_space<vmem>>, vector<16xf32>,
      tpu.vector_store %arg20[%swap3A_255, %swap3A_256], %mul3A_254 {strides = array<i32>} : memref<32x128xf32, #tpu.memory_space<vmem>>, vector<16xf32>,
      %get3A_258 = arith.index_cast %add3A_50 : i32 to index
      %get3A_259 = arith.constant 64 : index
      %get3A_260 = tpu.vector_load %arg20[%get3A_258, %get3A_259] {strides = array<i32>} : memref<32x128xf32, #tpu.memory_space<vmem>>, vector<16xf32>,
      %mul3A_261 = arith.mulf %get3A_260, %mul3A_229 : vector<16xf32>
      %swap3A_262 = arith.index_cast %add3A_50 : i32 to index
      %swap3A_263 = arith.constant 64 : index
      %swap3A_264 = tpu.vector_load %arg20[%swap3A_262, %swap3A_263] {strides = array<i32>} : memref<32x128xf32, #tpu.memory_space<vmem>>, vector<16xf32>,
      tpu.vector_store %arg20[%swap3A_262, %swap3A_263], %mul3A_261 {strides = array<i32>} : memref<32x128xf32, #tpu.memory_space<vmem>>, vector<16xf32>,
      %get3A_265 = arith.index_cast %add3A_50 : i32 to index
      %get3A_266 = arith.constant 80 : index
      %get3A_267 = tpu.vector_load %arg20[%get3A_265, %get3A_266] {strides = array<i32>} : memref<32x128xf32, #tpu.memory_space<vmem>>, vector<16xf32>,
      %mul3A_268 = arith.mulf %get3A_267, %mul3A_229 : vector<16xf32>
      %swap3A_269 = arith.index_cast %add3A_50 : i32 to index
      %swap3A_270 = arith.constant 80 : index
      %swap3A_271 = tpu.vector_load %arg20[%swap3A_269, %swap3A_270] {strides = array<i32>} : memref<32x128xf32, #tpu.memory_space<vmem>>, vector<16xf32>,
      tpu.vector_store %arg20[%swap3A_269, %swap3A_270], %mul3A_268 {strides = array<i32>} : memref<32x128xf32, #tpu.memory_space<vmem>>, vector<16xf32>,
      %get3A_272 = arith.index_cast %add3A_50 : i32 to index
      %get3A_273 = arith.constant 96 : index
      %get3A_274 = tpu.vector_load %arg20[%get3A_272, %get3A_273] {strides = array<i32>} : memref<32x128xf32, #tpu.memory_space<vmem>>, vector<16xf32>,
      %mul3A_275 = arith.mulf %get3A_274, %mul3A_229 : vector<16xf32>
      %swap3A_276 = arith.index_cast %add3A_50 : i32 to index
      %swap3A_277 = arith.constant 96 : index
      %swap3A_278 = tpu.vector_load %arg20[%swap3A_276, %swap3A_277] {strides = array<i32>} : memref<32x128xf32, #tpu.memory_space<vmem>>, vector<16xf32>,
      tpu.vector_store %arg20[%swap3A_276, %swap3A_277], %mul3A_275 {strides = array<i32>} : memref<32x128xf32, #tpu.memory_space<vmem>>, vector<16xf32>,
      %get3A_279 = arith.index_cast %add3A_50 : i32 to index
      %get3A_280 = arith.constant 112 : index
      %get3A_281 = tpu.vector_load %arg20[%get3A_279, %get3A_280] {strides = array<i32>} : memref<32x128xf32, #tpu.memory_space<vmem>>, vector<16xf32>,
      %mul3A_282 = arith.mulf %get3A_281, %mul3A_229 : vector<16xf32>
      %swap3A_283 = arith.index_cast %add3A_50 : i32 to index
      %swap3A_284 = arith.constant 112 : index
      %swap3A_285 = tpu.vector_load %arg20[%swap3A_283, %swap3A_284] {strides = array<i32>} : memref<32x128xf32, #tpu.memory_space<vmem>>, vector<16xf32>,
      tpu.vector_store %arg20[%swap3A_283, %swap3A_284], %mul3A_282 {strides = array<i32>} : memref<32x128xf32, #tpu.memory_space<vmem>>, vector<16xf32>,
    }
    %scan3A_33 = arith.constant 32 : i32
    %dma_start3A_34 = arith.constant 0 : i32
    %dma_start3A_35 = arith.constant 0 : i32
    %dma_start3A_36 = tpu.memref_slice %arg9[%dma_start3A_34, %dma_start3A_35] : memref<100000x128xf32, #tpu.memory_space<hbm>> -> memref<100000x128xf32, #tpu.memory_space<hbm>>
    tpu.enqueue_indirect_dma source(%arg17 : memref<32x128xf32, #tpu.memory_space<vmem>>) target(%dma_start3A_36 : memref<100000x128xf32, #tpu.memory_space<hbm>>) offsets(%arg13 : memref<32xi32, #tpu.memory_space<vmem>>) semaphore(%arg21 : memref<!tpu.dma_semaphore, #tpu.memory_space<semaphore_mem>>)
    %dma_start3A_37 = arith.constant 0 : i32
    %dma_start3A_38 = arith.constant 0 : i32
    %dma_start3A_39 = tpu.memref_slice %arg10[%dma_start3A_37, %dma_start3A_38] : memref<100000x128xf32, #tpu.memory_space<hbm>> -> memref<100000x128xf32, #tpu.memory_space<hbm>>
    tpu.enqueue_indirect_dma source(%arg20 : memref<32x128xf32, #tpu.memory_space<vmem>>) target(%dma_start3A_39 : memref<100000x128xf32, #tpu.memory_space<hbm>>) offsets(%arg13 : memref<32xi32, #tpu.memory_space<vmem>>) semaphore(%arg21 : memref<!tpu.dma_semaphore, #tpu.memory_space<semaphore_mem>>)
    %dma_wait3A_40 = arith.constant 0 : i32
    %dma_wait3A_41 = arith.constant 0 : i32
    %dma_wait3A_42 = tpu.memref_slice %arg9[%dma_wait3A_40, %dma_wait3A_41] : memref<100000x128xf32, #tpu.memory_space<hbm>> -> memref<100000x128xf32, #tpu.memory_space<hbm>>
    tpu.wait_indirect_dma semaphore(%arg21 : memref<!tpu.dma_semaphore, #tpu.memory_space<semaphore_mem>>) src(%arg17 : memref<32x128xf32, #tpu.memory_space<vmem>>) dst(%dma_wait3A_42 : memref<100000x128xf32, #tpu.memory_space<hbm>>)
    %dma_wait3A_43 = arith.constant 0 : i32
    %dma_wait3A_44 = arith.constant 0 : i32
    %dma_wait3A_45 = tpu.memref_slice %arg10[%dma_wait3A_43, %dma_wait3A_44] : memref<100000x128xf32, #tpu.memory_space<hbm>> -> memref<100000x128xf32, #tpu.memory_space<hbm>>
    tpu.wait_indirect_dma semaphore(%arg21 : memref<!tpu.dma_semaphore, #tpu.memory_space<semaphore_mem>>) src(%arg20 : memref<32x128xf32, #tpu.memory_space<vmem>>) dst(%dma_wait3A_45 : memref<100000x128xf32, #tpu.memory_space<hbm>>)
    return
  }
}

</mosaic_0001>

<sc_bundles>
// kernel: kernel.4.cloned.1.call-start
scs
__scs_entry_jumppad:
0x0: {  	(pc) =	sbr.rel $0x88, $3  }
0x1: {  	(tag) =	ssettag $0x0;
	lr =	simm.s32 $0x1  }
0x2: {  	[smem:$0x3F9B] =	sst lr;
	_ =	strace $0xD0000000  }
0x3: {  	_ = 	snop  }
0x4: {  	_ = 	snop  }
0x5: {  	_ = 	snop  }
0x6: {  	_ = 	snop  }
0x7: {  	_ = 	snop  }
__scs_overlays_trampoline_lowered:
0x8: {  	[smem:$0x3FAA] =	sst s0  }
0x9: {  	[smem:$0x3FAB] =	sst s1  }
0xa: {  	[smem:$0x3FAC] =	sst s2  }
0xb: {  	[smem:$0x3FAD] =	sst s3  }
0xc: {  	[smem:$0x3FAE] =	sst s4  }
0xd: {  	[smem:$0x3FAF] =	sst s5  }
0xe: {  	[smem:$0x3FB0] =	sst s6  }
0xf: {  	[smem:$0x3FB1] =	sst s7  }
0x10: {  	[smem:$0x3FB2] =	sst s8  }
0x11: {  	[smem:$0x3FB3] =	sst s9;
	s0 =	simm.s32 @!p0 $0x0  }
0x12: {  	s1 =	sld [smem:$0x3F99];
	s0 =	simm.s32 @p0 $0x1  }
0x13: {  	[smem:$0x3FB4] =	sst s0;
	s0 =	simm.s32 @!p1 $0x0  }
0x14: {  	s2 =	sld [smem:$0x3F98];
	s0 =	simm.s32 @p1 $0x1  }
0x15: {  	[smem:$0x3FB5] =	sst s0;
	s0 =	simm.s32 @!p2 $0x0  }
0x16: {  	s3 =	sld [smem:$0x3FDB];
	s0 =	simm.s32 @p2 $0x1  }
0x17: {  	s4 =	simm.s32 $0x1BF5;
	[smem:$0x3FB7] =	sst s0  }
0x18: {  	s0 =	sld [smem:$0x3F9A];
	_ =	swait.ge [sflag:s4], $0x0  }
0x19: {  	s7 =	sld [smem:$0x3F9B]  }
0x1a: {  	s8 =	sadd.s32 $0xFFFFE003, lr  }
0x1b: {  	s9 =	sadd.s32 $0xFFFFFEF7, lr;
	s5 =	simm.s32 $0xFFFFFFFF;
	p2 =	slt.u32 s8, $0xFFFFF086  }
0x1c: {  	p1 =	slt.u32 s9, $0xF7A;
	s5 =	simm.s32 @!p2 $0x0  }
0x1d: {  	s5 =	simm.s32 @p1 $0x1;
	p0 =	seq.s32 s7, s2  }
0x1e: {  	s7 =	smul.u32 @!p0 $0xF7A, s2;
	p2 =	seq.s32 @!p0 s5, $0x0  }
0x1f: {  	s9 =	smul.u32 $0xF7A, s1;
	s8 =	simm.s32 @!p0 $0x1BF5;
	p2 =	por !p2, p0  }
0x20: {  	[sflag:s8] =	ssyncset.s32 @!p0 $0xFFFFF086;
	s6 =	sadd.s32 @!p0 s3, s7;
	s7 =	simm.s32 @!p0 $0x108  }
0x21: {  	s3 =	sadd.s32 s3, s9;
	s6 =	sadd.s32 @!p0 $0x88, s6;
	s7 =	simm.s32 @p2 $0x1082  }
0x22: {  	[simem:s7], [sflag:s8] =	dma.local @!p0 [hbm:s6], $0xF7A  }
0x23: {  	s9 =	sor.u32 $0xD0000000, s2;
	s6 =	simm.s32 $0x108;
	_ =	swait.ge @!p0 [sflag:s8], $0x0  }
0x24: {  	s3 =	sadd.s32 $0x88, s3;
	s6 =	simm.s32 @!p1 $0x1082;
	[sflag:s4] =	ssyncset.s32 $0xFFFFF086  }
0x25: {  	[simem:s6], [sflag:s4] =	dma.local [hbm:s3], $0xF7A  }
0x26: {  	[smem:$0x3F9B] =	sst s1;
	(tag) =	ssettag s2;
	_ =	strace s9  }
0x27: {  	s1 =	sld [smem:$0x3FAB]  }
0x28: {  	s2 =	sld [smem:$0x3FAC]  }
0x29: {  	s4 =	sld [smem:$0x3FAE]  }
0x2a: {  	p0 =	seq.s32 s5, $0x0;
	s5 =	sld [smem:$0x3FAF]  }
0x2b: {  	s6 =	sld [smem:$0x3FB0]  }
0x2c: {  	s7 =	sld [smem:$0x3FB1]  }
0x2d: {  	s3 =	simm.s32 $0x108;
	s8 =	sld [smem:$0x3FB2]  }
0x2e: {  	s3 =	simm.s32 @!p0 $0x1082;
	s9 =	sld [smem:$0x3FB3]  }
0x2f: {  	lr =	sadd.s32 s0, s3;
	s0 =	sld [smem:$0x3FAA]  }
0x30: {  	s3 =	sld [smem:$0x3FAD]  }
0x31: {  	[smem:$0x3FB6] =	sst s10  }
0x32: {  	s10 =	sld [smem:$0x3FB4];
	_ =	sdelay $0x3  }
0x33: {  	p0 =	seq.s32 s10, $0x1;
	s10 =	sld [smem:$0x3FB6];
	_ =	sdelay $0x3  }
0x34: {  	[smem:$0x3FB6] =	sst s10  }
0x35: {  	s10 =	sld [smem:$0x3FB5];
	_ =	sdelay $0x3  }
0x36: {  	p1 =	seq.s32 s10, $0x1;
	s10 =	sld [smem:$0x3FB6];
	_ =	sdelay $0x3  }
0x37: {  	[smem:$0x3FB6] =	sst s10  }
0x38: {  	s10 =	sld [smem:$0x3FB7]  }
0x39: {  	_ = 	snop;
	(pc) =	sbr.ind lr, $3  }
0x3a: {  	_ = 	snop  }
0x3b: {  	_ = 	snop  }
0x3c: {  	p2 =	seq.s32 s10, $0x1;
	s10 =	sld [smem:$0x3FB6]  }
0x3d: {  	_ =	shalt  }
0x3e: {  	_ =	shalt  }
0x3f: {  	_ =	shalt  }
0x40: {  	_ =	shalt  }
0x41: {  	_ =	shalt  }
0x42: {  	_ =	shalt  }
0x43: {  	_ =	shalt  }
0x44: {  	_ =	shalt  }
0x45: {  	_ =	shalt  }
0x46: {  	_ =	shalt  }
0x47: {  	_ =	shalt  }
0x48: {  	_ =	shalt  }
0x49: {  	_ =	shalt  }
0x4a: {  	_ =	shalt  }
0x4b: {  	_ =	shalt  }
0x4c: {  	_ =	shalt  }
0x4d: {  	_ =	shalt  }
0x4e: {  	_ =	shalt  }
0x4f: {  	_ =	shalt  }
0x50: {  	_ =	shalt  }
0x51: {  	_ =	shalt  }
0x52: {  	_ =	shalt  }
0x53: {  	_ =	shalt  }
0x54: {  	_ =	shalt  }
0x55: {  	_ =	shalt  }
0x56: {  	_ =	shalt  }
0x57: {  	_ =	shalt  }
0x58: {  	_ =	shalt  }
0x59: {  	_ =	shalt  }
0x5a: {  	_ =	shalt  }
0x5b: {  	_ =	shalt  }
0x5c: {  	_ =	shalt  }
0x5d: {  	_ =	shalt  }
0x5e: {  	_ =	shalt  }
0x5f: {  	_ =	shalt  }
0x60: {  	_ =	shalt  }
0x61: {  	_ =	shalt  }
0x62: {  	_ =	shalt  }
0x63: {  	_ =	shalt  }
0x64: {  	_ =	shalt  }
0x65: {  	_ =	shalt  }
0x66: {  	_ =	shalt  }
0x67: {  	_ =	shalt  }
0x68: {  	_ =	shalt  }
0x69: {  	_ =	shalt  }
0x6a: {  	_ =	shalt  }
0x6b: {  	_ =	shalt  }
0x6c: {  	_ =	shalt  }
0x6d: {  	_ =	shalt  }
0x6e: {  	_ =	shalt  }
0x6f: {  	_ =	shalt  }
0x70: {  	_ =	shalt  }
0x71: {  	_ =	shalt  }
0x72: {  	_ =	shalt  }
0x73: {  	_ =	shalt  }
0x74: {  	_ =	shalt  }
0x75: {  	_ =	shalt  }
0x76: {  	_ =	shalt  }
0x77: {  	_ =	shalt  }
0x78: {  	_ =	shalt  }
0x79: {  	_ =	shalt  }
0x7a: {  	_ =	shalt  }
0x7b: {  	_ =	shalt  }
0x7c: {  	_ =	shalt  }
0x7d: {  	_ =	shalt  }
0x7e: {  	_ =	shalt  }
0x7f: {  	_ =	shalt  }
0x80: {  	_ =	shalt  }
0x81: {  	_ =	shalt  }
0x82: {  	_ =	shalt  }
0x83: {  	_ =	shalt  }
0x84: {  	_ =	shalt  }
0x85: {  	_ =	shalt  }
0x86: {  	_ =	shalt  }
0x87: {  	_ =	shalt  }
.Lfunc_end0:
.L_simem_size_0:
called_computation_lowered:
.L_overlay_start_0:
0x88: {  	s2 =	sld [smem:$0x3FD9]  }
0x89: {  	s3 =	sld [smem:$0x3FFE];
	_ =	sdelay $0x1  }
0x8a: {  	s1 =	srdreg.scid  }
0x8b: {  	s0 =	sand.u32 $0x1, s1  }
0x8c: {  	s14 =	sshll.u32 s0, $0xA;
	s2 =	sadd.s32 s3, s2  }
0x8d: {  	s2 =	sadd.s32 s2, s14  }
0x8e: {  	[smem:$0x3FC2] =	sst s2  }
0x8f: {  	_ = 	snop  }
0x90: {  	s2 =	sld [smem:$0x3FD0];
	_ =	sdelay $0x1  }
0x91: {  	s15 =	sld [smem:$0x3FC7]  }
0x92: {  	s5 =	simm.s32 $0xA;
	s6 =	simm.s32 $0x10;
	s4 =	sld [smem:$0x3FC6]  }
0x93: {  	[smem:s6], [sflag:s5] =	dma.local [hbm:s2], $0x1  }
0x94: {  	_ =	swait.eq [sflag:s5], $0x1  }
0x95: {  	[sflag:s5] =	ssyncset.done $0x0  }
0x96: {  	s16 =	sld [smem:$0x10];
	[sflag:s5] =	ssyncadd.s32 $0xFFFFFFFF  }
0x97: {  	s17 =	sld [smem:$0x11];
	(tm) =	ssettm $0x1  }
0x98: {  	s18 =	sld [smem:$0x3FFB];
	_ =	sdelay $0x3  }
0x99: {  	_ =	strace s18  }
0x9a: {  	s6 =	sld [smem:$0x3FFC];
	_ =	sdelay $0x3  }
0x9b: {  	_ =	strace s6  }
0x9c: {  	s6 =	sld [smem:$0x3FFD];
	_ =	sdelay $0x3  }
0x9d: {  	_ =	strace s6  }
0x9e: {  	_ =	strace $0x8FFFFFFF  }
0x9f: {  	s19 =	sld [smem:$0x3FDB];
	_ =	sdelay $0x1  }
0xa0: {  	s7 =	simm.s32 $_scs_section_size  }
0xa1: {  	s8 =	simm.s32 $_size__tile_overlayer_lowered;
	s9 =	simm.s32 $_tile_overlayer_lowered  }
0xa2: {  	s22 =	simm.s32 $0x1BFF;
	s21 =	sshll.u32 s9, $0x1;
	s6 =	sadd.s32 s7, s19  }
0xa3: {  	s10 =	simm.s32 $0x0;
	s20 =	sshll.u32 s8, $0x1;
	s8 =	sadd.s32 s21, s6  }
0xa4: {  	[timem:s10], [sflag:s22] =	dma.local [hbm:s8], s20  }
0xa5: {  	_ =	swait.ge [sflag:s22], s20  }
0xa6: {  	s7 =	ssub.s32 $0x0, s20;
	[sflag:s22] =	ssyncset.done $0x0  }
0xa7: {  	[sflag:s22] =	ssyncadd.s32 s7;
	_ =	sdelay $0x1  }
0xa8: {  	s23 =	simm.s32 $0x1B8B  }
0xa9: {  	_ =	swait.ge [sflag:s23], $0x1  }
0xaa: {  	[sflag:s23] =	ssyncset.done $0x0  }
0xab: {  	s25 =	simm.s32 $0x1B8E;
	s24 =	sld [smem:$0x3FFE];
	[sflag:s23] =	ssyncadd.s32 $0xFFFFFFFF  }
0xac: {  	s26 =	simm.s32 $execute0_lowered;
	[smem:$0x3FD2] =	sst s25  }
0xad: {  	s8 =	sshll.u32 s26, $0x1;
	_ =	strace $0x80000046;
	[dreg:$0x1] =	wrdreg $0xFFFFFFFF  }
0xae: {  	s28 =	simm.s32 $_size_execute0_lowered;
	s6 =	sadd.s32 s6, s8;
	[dreg:$0x0] =	wrdreg $0x0  }
0xaf: {  	s8 =	sshll.u32 s28, $0x1;
	[dreg:$0x2] =	wrdreg s6  }
0xb0: {  	[dreg:$0x3] =	wrdreg s8  }
0xb1: {  	[dreg:$0x4] =	wrdreg $0xC0  }
0xb2: {  	_ =	task [dreg:s10], $0x5FFFF  }
0xb3: {  	[dreg:$0x1] =	wrdreg $0xFFFFFFFF  }
0xb4: {  	[dreg:$0x0] =	wrdreg $0x60  }
0xb5: {  	[dreg:$0x2] =	wrdreg s15  }
0xb6: {  	[dreg:$0x3] =	wrdreg s4  }
0xb7: {  	[dreg:$0x4] =	wrdreg s24  }
0xb8: {  	[dreg:$0x5] =	wrdreg s16  }
0xb9: {  	[dreg:$0x6] =	wrdreg s17  }
0xba: {  	[dreg:$0x7] =	wrdreg $0x9  }
0xbb: {  	_ =	task.clear_ibuf [dreg:s10], $0x8FFFF;
	_ =	strace $0x90000046  }
0xbc: {  	s29 =	simm.s32 $0x9;
	_ =	strace $0x80000048  }
0xbd: {  	_ =	swait.ge [sflag:s29], $0x1  }
0xbe: {  	[sflag:s29] =	ssyncadd.s32 $0xFFFFFFFF  }
0xbf: {  	_ =	strace $0x90000048  }
0xc0: {  	_ =	sfence  }
0xc1: {  	s30 =	sld [smem:$0x0];
	_ =	sdelay $0x2  }
0xc2: {  	s31 =	sshll.u32 s1, $0xD;
	s1 =	sshrl.u32 s1, $0x2  }
0xc3: {  	s3 =	sand.u32 $0x4000, s31;
	s1 =	sadd.s32 s1, s30  }
0xc4: {  	s0 =	sor.u32 s3, s0;
	s1 =	sshll.u32 s1, $0x11  }
0xc5: {  	s0 =	sor.u32 s1, s0  }
0xc6: {  	s0 =	sadd.s32 $0x8F2B, s0  }
0xc7: {  	[sflag:s0] =	ssyncadd.remote.s32 $0x1  }
0xc8: {  	_ =	sfence.sel $0xFFFF  }
0xc9: {  	[dreg:$0x0] =	wrdreg $0xFFFFFFFF;
	(pc) =	sbr.abs _section_cstart, $3  }
0xca: {  	[dreg:$0x1] =	wrdreg $0xFFFFFFFF  }
0xcb: {  	_ =	task.clear_ibuf [dreg:s10], $0x2FFFF;
	_ =	strace $0x9FFFFFFF  }
0xcc: {  	(tm) =	ssettm $0x7FFFFFFF  }
0xcd: {  	_ =	shalt  }
tec
execute0_lowered:
.L_overlay_start_1:
0x0: {  	(tag) =	ssettag $0x1  }
0x1: {  	s0 =	rddreg [dreg:$0x0]  }
0x2: {  	s2 =	rddreg [dreg:$0x1]  }
0x3: {  	s1 =	rddreg [dreg:$0x2]  }
0x4: {  	s3 =	srdreg.scid;
	s5 =	rddreg [dreg:$0x3]  }
0x5: {  	s9 =	stileid.u32;
	s6 =	rddreg [dreg:$0x4];
	s4 =	simm.s32 $0x0  }
0x6: {  	s10 =	simm.s32 $0x40;
	s14 =	simm.s32 $0x6000;
	s18 =	simm.s32 $0xA000  }
0x7: {  	s20 =	simm.s32 $0xC000;
	s21 =	simm.s32 $0xE000;
	s28 =	simm.s32 $0x9  }
0x8: {  	s29 =	simm.s32 $0x6;
	s30 =	simm.s32 $0xA;
	s31 =	simm.s32 $0x7  }
0x9: {  	s11 =	simm.s32 $0x0;
	s3 =	sand.u32 $0x1, s3;
	s7 =	sshll.u32 s9, $0xE  }
0xa: {  	[smem:$0x7FF] =	sst s4;
	s25 =	sshll.u32 s9, $0x12;
	s8 =	sshll.u32 s3, $0xD  }
0xb: {  	s23 =	ssub.s32 $0x2, s3;
	_ =	strace $0x80000047;
	s7 =	sor.u32 s8, s7  }
0xc: {  	s5 =	sadd.s32 s25, s5;
	s24 =	sshrl.u32 s23, $0x1;
	s7 =	sshrl.u32 s7, $0x3  }
0xd: {  	s3 =	sshll.u32 s3, $0x11;
	s1 =	sadd.s32 s7, s1;
	s7 =	ssub.s32 s23, s24  }
.Ltmp0:
0xe: {  	s23 =	simm.s32 $0x10000;
	s24 =	simm.s32 $0x1;
	(pc) =	sbr.rel .LBB2_1-.Ltmp0, $4  }
0xf: {  	s1 =	sadd.s32 $0xE00, s1;
	s26 =	smax.u32 s7, $0x1;
	s7 =	sadd.s32 s3, s5  }
0x10: {  	s5 =	simm.s32 $0xC;
	[dreg:$0x6] =	wrdreg s1;
	s1 =	sadd.s32 s25, s6  }
0x11: {  	[dreg:$0x7] =	wrdreg s26;
	s25 =	simm.s32 $0x3;
	s26 =	simm.s32 $0x5  }
0x12: {  	s8 =	sadd.s32 s3, s1;
	s3 =	simm.s32 $0xB;
	s1 =	simm.s32 $0x8  }
.LBB2_7:
0x13: {  	s6 =	simm.s32 $0xD  }
0x14: {  	_ =	swait.ge [sflag:s6], $0x2000  }
0x15: {  	[sflag:s6] =	ssyncset.done $0x0  }
0x16: {  	s17 =	simm.s32 $0xE;
	[sflag:s6] =	ssyncadd.s32 $0xFFFFE000  }
0x17: {  	_ =	swait.ge [sflag:s17], $0x2000  }
0x18: {  	[sflag:s17] =	ssyncset.done $0x0  }
0x19: {  	s19 =	simm.s32 $0xF;
	[sflag:s17] =	ssyncadd.s32 $0xFFFFE000  }
0x1a: {  	_ =	swait.ge [sflag:s19], $0x2000  }
0x1b: {  	[sflag:s19] =	ssyncset.done $0x0  }
0x1c: {  	s9 =	simm.s32 $0x10;
	[sflag:s19] =	ssyncadd.s32 $0xFFFFE000  }
0x1d: {  	_ =	swait.ge [sflag:s9], $0x2000  }
0x1e: {  	s11 =	rddreg [dreg:$0x8]  }
0x1f: {  	s22 =	rddreg [dreg:$0x7];
	s11 =	sadd.s32 $0x1, s11  }
0x20: {  	p0 =	sne.s32 s11, s22  }
.Ltmp1:
0x21: {  	_ = 	snop;
	(pc) =	sbr.rel @!p0 .LBB2_8-.Ltmp1, $3  }
0x22: {  	_ =	sdelay $0x1  }
0x23: {  	[sflag:s9] =	ssyncset.done $0x0  }
0x24: {  	[sflag:s9] =	ssyncadd.s32 $0xFFFFE000  }
.LBB2_1:
0x25: {  	[dreg:$0x8] =	wrdreg s11  }
0x26: {  	s6 =	rddreg [dreg:$0x6];
	s11 =	simm.s32 $0x11  }
0x27: {  	[tilespmem:s4], [sflag:$0x11] =	stream.linear.gather [hbm4b:s6+s4], $0x2000, $0x38;
	[tilespmem:$0x12000] =	vst v63  }
0x28: {  	_ =	swait.ge [sflag:s11], $0x2000  }
0x29: {  	[sflag:s11] =	ssyncset.done $0x0  }
0x2a: {  	s12 =	simm.s32 $0x2000;
	[sflag:s11] =	ssyncadd.s32 $0xFFFFE000  }
0x2b: {  	[tilespmem:s12], [sflag:$0x1] =	stream.indirect.gather [hbm4b:s0+s10], $0x80, s4, s10, $0xb8;
	[tilespmem:$0x12000] =	vst v63  }
0x2c: {  	s13 =	simm.s32 $0x4000  }
0x2d: {  	[tilespmem:s13], [sflag:$0x2] =	stream.indirect.gather [hbm4b:s0+s10], $0x80, s10, s10, $0xb8;
	[tilespmem:$0x12000] =	vst v63  }
0x2e: {  	s15 =	simm.s32 $0x80  }
0x2f: {  	[tilespmem:s14], [sflag:$0x3] =	stream.indirect.gather [hbm4b:s0+s10], $0x80, s15, s10, $0xb8;
	[tilespmem:$0x12000] =	vst v63  }
0x30: {  	s16 =	simm.s32 $0xC0;
	s9 =	simm.s32 $0x8000  }
0x31: {  	[tilespmem:s9], [sflag:$0x4] =	stream.indirect.gather [hbm4b:s0+s10], $0x80, s16, s10, $0xb8;
	[tilespmem:$0x12000] =	vst v63  }
0x32: {  	s17 =	simm.s32 $0x100  }
0x33: {  	[tilespmem:s18], [sflag:$0x5] =	stream.indirect.gather [hbm4b:s0+s10], $0x80, s17, s10, $0xb8;
	[tilespmem:$0x12000] =	vst v63  }
0x34: {  	s19 =	simm.s32 $0x140  }
0x35: {  	[tilespmem:s20], [sflag:$0x6] =	stream.indirect.gather [hbm4b:s0+s10], $0x80, s19, s10, $0xb8;
	[tilespmem:$0x12000] =	vst v63  }
0x36: {  	s19 =	simm.s32 $0x180  }
0x37: {  	[tilespmem:s21], [sflag:$0x7] =	stream.indirect.gather [hbm4b:s0+s10], $0x80, s19, s10, $0xb8;
	[tilespmem:$0x12000] =	vst v63  }
0x38: {  	s22 =	simm.s32 $0x1C0  }
0x39: {  	[tilespmem:s23], [sflag:$0x8] =	stream.indirect.gather [hbm4b:s0+s10], $0x80, s22, s10, $0xb8;
	[tilespmem:$0x12000] =	vst v63  }
0x3a: {  	s22 =	simm.s32 $0x0  }
.LBB2_2:
0x3b: {  	_ =	swait.ge [sflag:s24], $0x2000  }
0x3c: {  	s9 =	sadd.s32 s22, s7;
	[sflag:s24] =	ssyncset.done $0x0  }
0x3d: {  	s6 =	simm.s32 $0x2000;
	p0 =	seq.s32 s22, $0x0;
	[sflag:s24] =	ssyncadd.s32 $0xFFFFE000  }
0x3e: {  	[hbm4b:s9+s4] =	stream.linear.scatter [tilespmem:s6], [sflag:$0x9], $0x2000, $0x38;
	[tilespmem:$0x12000] =	vst v63  }
0x3f: {  	s6 =	simm.s32 @p0 $0x2  }
0x40: {  	_ =	swait.ge @p0 [sflag:s6], $0x2000  }
0x41: {  	[sflag:s6] =	ssyncset.done @p0 $0x0  }
0x42: {  	[sflag:s6] =	ssyncadd.s32 @p0 $0xFFFFE000;
	s6 =	sadd.s32 @p0 s22, s7  }
0x43: {  	s13 =	simm.s32 @p0 $0x0;
	s15 =	simm.s32 @p0 $0x4000;
	s12 =	sadd.s32 @p0 $0x400, s6  }
0x44: {  	[hbm4b:s12+s13] =	stream.linear.scatter @p0 [tilespmem:s15], [sflag:$0xA], $0x2000, $0x38;
	[tilespmem:$0x12000] =	vst v63  }
0x45: {  	s12 =	simm.s32 @!p0 $0xD  }
0x46: {  	_ =	swait.ge @!p0 [sflag:s12], $0x2000  }
0x47: {  	s17 =	simm.s32 @!p0 $0xA000;
	[sflag:s12] =	ssyncset.done @!p0 $0x0  }
0x48: {  	s15 =	simm.s32 @!p0 $0x40;
	[sflag:s12] =	ssyncadd.s32 @!p0 $0xFFFFE000;
	s12 =	sadd.s32 @!p0 $0xFFFFFF80, s19  }
0x49: {  	[tilespmem:s17], [sflag:$0x5] =	stream.indirect.gather @!p0 [hbm4b:s0+s15], $0x80, s12, s15, $0xb8;
	[tilespmem:$0x12000] =	vst v63  }
0x4a: {  	s12 =	simm.s32 @!p0 $0x2  }
0x4b: {  	_ =	swait.ge @!p0 [sflag:s12], $0x2000  }
0x4c: {  	[sflag:s12] =	ssyncset.done @!p0 $0x0  }
0x4d: {  	[sflag:s12] =	ssyncadd.s32 @!p0 $0xFFFFE000;
	s12 =	sadd.s32 @!p0 s22, s7  }
0x4e: {  	s16 =	simm.s32 @!p0 $0x0;
	s11 =	simm.s32 @!p0 $0x4000;
	s17 =	sadd.s32 @!p0 $0x400, s12  }
0x4f: {  	[hbm4b:s17+s16] =	stream.linear.scatter @!p0 [tilespmem:s11], [sflag:$0xA], $0x2000, $0x38;
	[tilespmem:$0x12000] =	vst v63  }
0x50: {  	s11 =	simm.s32 @!p0 $0xE  }
0x51: {  	_ =	swait.ge @!p0 [sflag:s11], $0x2000  }
0x52: {  	[sflag:s11] =	ssyncset.done @!p0 $0x0  }
0x53: {  	s17 =	simm.s32 @!p0 $0xC000;
	[sflag:s11] =	ssyncadd.s32 @!p0 $0xFFFFE000;
	s11 =	sadd.s32 @!p0 $0xFFFFFFC0, s19  }
0x54: {  	[tilespmem:s17], [sflag:$0x6] =	stream.indirect.gather @!p0 [hbm4b:s0+s15], $0x80, s11, s15, $0xb8;
	[tilespmem:$0x12000] =	vst v63  }
0x55: {  	_ =	swait.ge [sflag:s25], $0x2000  }
0x56: {  	[sflag:s25] =	ssyncset.done $0x0  }
0x57: {  	s17 =	sadd.s32 $0x800, s9;
	s11 =	simm.s32 @p0 $0x4;
	[sflag:s25] =	ssyncadd.s32 $0xFFFFE000  }
0x58: {  	[hbm4b:s17+s4] =	stream.linear.scatter [tilespmem:s14], [sflag:$0xB], $0x2000, $0x38;
	[tilespmem:$0x12000] =	vst v63  }
0x59: {  	_ =	swait.ge @p0 [sflag:s11], $0x2000  }
0x5a: {  	[sflag:s11] =	ssyncset.done @p0 $0x0  }
0x5b: {  	s6 =	sadd.s32 @p0 $0xC00, s6;
	[sflag:s11] =	ssyncadd.s32 @p0 $0xFFFFE000;
	s11 =	simm.s32 @p0 $0x8000  }
0x5c: {  	[hbm4b:s6+s13] =	stream.linear.scatter @p0 [tilespmem:s11], [sflag:$0xC], $0x2000, $0x38;
	[tilespmem:$0x12000] =	vst v63  }
0x5d: {  	s6 =	simm.s32 @!p0 $0xF  }
0x5e: {  	_ =	swait.ge @!p0 [sflag:s6], $0x2000  }
0x5f: {  	[sflag:s6] =	ssyncset.done @!p0 $0x0  }
0x60: {  	[sflag:s6] =	ssyncadd.s32 @!p0 $0xFFFFE000;
	s6 =	simm.s32 @!p0 $0xE000  }
0x61: {  	[tilespmem:s6], [sflag:$0x7] =	stream.indirect.gather @!p0 [hbm4b:s0+s15], $0x80, s19, s15, $0xb8;
	[tilespmem:$0x12000] =	vst v63  }
0x62: {  	s6 =	simm.s32 @!p0 $0x4  }
0x63: {  	_ =	swait.ge @!p0 [sflag:s6], $0x2000  }
0x64: {  	[sflag:s6] =	ssyncset.done @!p0 $0x0  }
0x65: {  	s11 =	simm.s32 @!p0 $0x8000;
	[sflag:s6] =	ssyncadd.s32 @!p0 $0xFFFFE000;
	s6 =	sadd.s32 @!p0 $0xC00, s12  }
0x66: {  	[hbm4b:s6+s16] =	stream.linear.scatter @!p0 [tilespmem:s11], [sflag:$0xC], $0x2000, $0x38;
	[tilespmem:$0x12000] =	vst v63  }
0x67: {  	s6 =	simm.s32 @!p0 $0x10  }
0x68: {  	_ =	swait.ge @!p0 [sflag:s6], $0x2000  }
0x69: {  	[sflag:s6] =	ssyncset.done @!p0 $0x0  }
0x6a: {  	s11 =	simm.s32 @!p0 $0x10000;
	[sflag:s6] =	ssyncadd.s32 @!p0 $0xFFFFE000;
	s6 =	sadd.s32 @!p0 $0x40, s19  }
0x6b: {  	[tilespmem:s11], [sflag:$0x8] =	stream.indirect.gather @!p0 [hbm4b:s0+s15], $0x80, s6, s15, $0xb8;
	[tilespmem:$0x12000] =	vst v63  }
0x6c: {  	_ =	swait.ge [sflag:s26], $0x2000  }
0x6d: {  	[sflag:s26] =	ssyncset.done $0x0  }
0x6e: {  	s13 =	sadd.s32 $0x1000, s9;
	[sflag:s26] =	ssyncadd.s32 $0xFFFFE000  }
0x6f: {  	[hbm4b:s13+s4] =	stream.linear.scatter [tilespmem:s18], [sflag:$0xD], $0x2000, $0x38;
	[tilespmem:$0x12000] =	vst v63  }
0x70: {  	p0 =	seq.s32 s22, $0x1E000;
	_ =	swait.ge [sflag:s28], $0x2000  }
0x71: {  	s6 =	sadd.s32 @!p0 $0x80, s19;
	[sflag:s28] =	ssyncset.done $0x0  }
0x72: {  	s11 =	simm.s32 @!p0 $0x40;
	s12 =	simm.s32 @!p0 $0x2000;
	[sflag:s28] =	ssyncadd.s32 $0xFFFFE000  }
0x73: {  	[tilespmem:s12], [sflag:$0x1] =	stream.indirect.gather @!p0 [hbm4b:s0+s11], $0x80, s6, s11, $0xb8;
	[tilespmem:$0x12000] =	vst v63  }
0x74: {  	_ =	swait.ge [sflag:s29], $0x2000  }
0x75: {  	[sflag:s29] =	ssyncset.done $0x0  }
0x76: {  	s15 =	sadd.s32 $0x1400, s9;
	[sflag:s29] =	ssyncadd.s32 $0xFFFFE000  }
0x77: {  	[hbm4b:s15+s4] =	stream.linear.scatter [tilespmem:s20], [sflag:$0xE], $0x2000, $0x38;
	[tilespmem:$0x12000] =	vst v63  }
0x78: {  	_ =	swait.ge [sflag:s30], $0x2000  }
0x79: {  	[sflag:s30] =	ssyncset.done $0x0  }
0x7a: {  	s6 =	sadd.s32 @!p0 $0xC0, s19;
	s12 =	simm.s32 @!p0 $0x4000;
	[sflag:s30] =	ssyncadd.s32 $0xFFFFE000  }
0x7b: {  	[tilespmem:s12], [sflag:$0x2] =	stream.indirect.gather @!p0 [hbm4b:s0+s11], $0x80, s6, s11, $0xb8;
	[tilespmem:$0x12000] =	vst v63  }
0x7c: {  	_ =	swait.ge [sflag:s31], $0x2000  }
0x7d: {  	[sflag:s31] =	ssyncset.done $0x0  }
0x7e: {  	s16 =	sadd.s32 $0x1800, s9;
	[sflag:s31] =	ssyncadd.s32 $0xFFFFE000  }
0x7f: {  	[hbm4b:s16+s4] =	stream.linear.scatter [tilespmem:s21], [sflag:$0xF], $0x2000, $0x38;
	[tilespmem:$0x12000] =	vst v63  }
0x80: {  	_ =	swait.ge [sflag:s3], $0x2000  }
0x81: {  	[sflag:s3] =	ssyncset.done $0x0  }
0x82: {  	s6 =	sadd.s32 @!p0 $0x100, s19;
	s12 =	simm.s32 @!p0 $0x6000;
	[sflag:s3] =	ssyncadd.s32 $0xFFFFE000  }
0x83: {  	[tilespmem:s12], [sflag:$0x3] =	stream.indirect.gather @!p0 [hbm4b:s0+s11], $0x80, s6, s11, $0xb8;
	[tilespmem:$0x12000] =	vst v63  }
0x84: {  	_ =	swait.ge [sflag:s1], $0x2000  }
0x85: {  	[sflag:s1] =	ssyncset.done $0x0  }
.Ltmp2:
0x86: {  	s17 =	sadd.s32 $0x1C00, s9;
	[sflag:s1] =	ssyncadd.s32 $0xFFFFE000;
	(pc) =	sbr.rel @p0 .LBB2_4-.Ltmp2, $4  }
0x87: {  	[hbm4b:s17+s4] =	stream.linear.scatter [tilespmem:s23], [sflag:$0x10], $0x2000, $0x38;
	[tilespmem:$0x12000] =	vst v63  }
0x88: {  	_ =	swait.ge [sflag:s5], $0x2000  }
0x89: {  	[sflag:s5] =	ssyncset.done $0x0  }
0x8a: {  	[sflag:s5] =	ssyncadd.s32 $0xFFFFE000  }
.Ltmp3:
0x8b: {  	(pc) =	sbr.rel .LBB2_2-.Ltmp3, $4  }
0x8c: {  	_ = 	snop  }
0x8d: {  	s6 =	sadd.s32 $0x140, s19  }
0x8e: {  	s9 =	simm.s32 $0x8000;
	s22 =	sadd.s32 $0x2000, s22;
	s19 =	sadd.s32 $0x200, s19  }
0x8f: {  	[tilespmem:s9], [sflag:$0x4] =	stream.indirect.gather [hbm4b:s0+s10], $0x80, s6, s10, $0xb8;
	[tilespmem:$0x12000] =	vst v63  }
.LBB2_4:
0x90: {  	s6 =	simm.s32 $0xD  }
0x91: {  	_ =	swait.ge [sflag:s6], $0x2000  }
0x92: {  	[sflag:s6] =	ssyncset.done $0x0  }
0x93: {  	s17 =	simm.s32 $0xE;
	[sflag:s6] =	ssyncadd.s32 $0xFFFFE000  }
0x94: {  	_ =	swait.ge [sflag:s17], $0x2000  }
0x95: {  	[sflag:s17] =	ssyncset.done $0x0  }
0x96: {  	s19 =	simm.s32 $0xF;
	[sflag:s17] =	ssyncadd.s32 $0xFFFFE000  }
0x97: {  	_ =	swait.ge [sflag:s19], $0x2000  }
0x98: {  	[sflag:s19] =	ssyncset.done $0x0  }
0x99: {  	s22 =	simm.s32 $0x10;
	[sflag:s19] =	ssyncadd.s32 $0xFFFFE000  }
0x9a: {  	_ =	swait.ge [sflag:s22], $0x2000  }
0x9b: {  	[sflag:s22] =	ssyncset.done $0x0  }
0x9c: {  	s9 =	simm.s32 $0x2000;
	s19 =	simm.s32 $0x0;
	[sflag:s22] =	ssyncadd.s32 $0xFFFFE000  }
0x9d: {  	[tilespmem:s9], [sflag:$0x1] =	stream.indirect.gather [hbm4b:s2+s10], $0x80, s19, s10, $0xb8;
	[tilespmem:$0x12000] =	vst v63  }
0x9e: {  	s11 =	simm.s32 $0x4000  }
0x9f: {  	[tilespmem:s11], [sflag:$0x2] =	stream.indirect.gather [hbm4b:s2+s10], $0x80, s10, s10, $0xb8;
	[tilespmem:$0x12000] =	vst v63  }
0xa0: {  	s12 =	simm.s32 $0x80  }
0xa1: {  	[tilespmem:s14], [sflag:$0x3] =	stream.indirect.gather [hbm4b:s2+s10], $0x80, s12, s10, $0xb8;
	[tilespmem:$0x12000] =	vst v63  }
0xa2: {  	s13 =	simm.s32 $0xC0;
	s9 =	simm.s32 $0x8000  }
0xa3: {  	[tilespmem:s9], [sflag:$0x4] =	stream.indirect.gather [hbm4b:s2+s10], $0x80, s13, s10, $0xb8;
	[tilespmem:$0x12000] =	vst v63  }
0xa4: {  	s15 =	simm.s32 $0x100  }
0xa5: {  	[tilespmem:s18], [sflag:$0x5] =	stream.indirect.gather [hbm4b:s2+s10], $0x80, s15, s10, $0xb8;
	[tilespmem:$0x12000] =	vst v63  }
0xa6: {  	s16 =	simm.s32 $0x140  }
0xa7: {  	[tilespmem:s20], [sflag:$0x6] =	stream.indirect.gather [hbm4b:s2+s10], $0x80, s16, s10, $0xb8;
	[tilespmem:$0x12000] =	vst v63  }
0xa8: {  	s22 =	simm.s32 $0x180  }
0xa9: {  	[tilespmem:s21], [sflag:$0x7] =	stream.indirect.gather [hbm4b:s2+s10], $0x80, s22, s10, $0xb8;
	[tilespmem:$0x12000] =	vst v63  }
0xaa: {  	s17 =	simm.s32 $0x1C0  }
0xab: {  	[tilespmem:s23], [sflag:$0x8] =	stream.indirect.gather [hbm4b:s2+s10], $0x80, s17, s10, $0xb8;
	[tilespmem:$0x12000] =	vst v63  }
.LBB2_5:
0xac: {  	_ =	swait.ge [sflag:s24], $0x2000  }
0xad: {  	s9 =	sadd.s32 s19, s8;
	[sflag:s24] =	ssyncset.done $0x0  }
0xae: {  	s6 =	simm.s32 $0x2000;
	p0 =	seq.s32 s19, $0x0;
	[sflag:s24] =	ssyncadd.s32 $0xFFFFE000  }
0xaf: {  	[hbm4b:s9+s4] =	stream.linear.scatter [tilespmem:s6], [sflag:$0x9], $0x2000, $0x38;
	[tilespmem:$0x12000] =	vst v63  }
0xb0: {  	s6 =	simm.s32 @p0 $0x2  }
0xb1: {  	_ =	swait.ge @p0 [sflag:s6], $0x2000  }
0xb2: {  	[sflag:s6] =	ssyncset.done @p0 $0x0  }
0xb3: {  	[sflag:s6] =	ssyncadd.s32 @p0 $0xFFFFE000;
	s6 =	sadd.s32 @p0 s19, s8  }
0xb4: {  	s12 =	simm.s32 @p0 $0x0;
	s13 =	simm.s32 @p0 $0x4000;
	s11 =	sadd.s32 @p0 $0x400, s6  }
0xb5: {  	[hbm4b:s11+s12] =	stream.linear.scatter @p0 [tilespmem:s13], [sflag:$0xA], $0x2000, $0x38;
	[tilespmem:$0x12000] =	vst v63  }
0xb6: {  	s11 =	simm.s32 @!p0 $0xD  }
0xb7: {  	_ =	swait.ge @!p0 [sflag:s11], $0x2000  }
0xb8: {  	s15 =	simm.s32 @!p0 $0xA000;
	[sflag:s11] =	ssyncset.done @!p0 $0x0  }
0xb9: {  	s13 =	simm.s32 @!p0 $0x40;
	[sflag:s11] =	ssyncadd.s32 @!p0 $0xFFFFE000;
	s11 =	sadd.s32 @!p0 $0xFFFFFF80, s22  }
0xba: {  	[tilespmem:s15], [sflag:$0x5] =	stream.indirect.gather @!p0 [hbm4b:s2+s13], $0x80, s11, s13, $0xb8;
	[tilespmem:$0x12000] =	vst v63  }
0xbb: {  	s11 =	simm.s32 @!p0 $0x2  }
0xbc: {  	_ =	swait.ge @!p0 [sflag:s11], $0x2000  }
0xbd: {  	[sflag:s11] =	ssyncset.done @!p0 $0x0  }
0xbe: {  	[sflag:s11] =	ssyncadd.s32 @!p0 $0xFFFFE000;
	s11 =	sadd.s32 @!p0 s19, s8  }
0xbf: {  	s16 =	simm.s32 @!p0 $0x0;
	s17 =	simm.s32 @!p0 $0x4000;
	s15 =	sadd.s32 @!p0 $0x400, s11  }
0xc0: {  	[hbm4b:s15+s16] =	stream.linear.scatter @!p0 [tilespmem:s17], [sflag:$0xA], $0x2000, $0x38;
	[tilespmem:$0x12000] =	vst v63  }
0xc1: {  	s15 =	simm.s32 @!p0 $0xE  }
0xc2: {  	_ =	swait.ge @!p0 [sflag:s15], $0x2000  }
0xc3: {  	[sflag:s15] =	ssyncset.done @!p0 $0x0  }
0xc4: {  	s17 =	simm.s32 @!p0 $0xC000;
	[sflag:s15] =	ssyncadd.s32 @!p0 $0xFFFFE000;
	s15 =	sadd.s32 @!p0 $0xFFFFFFC0, s22  }
0xc5: {  	[tilespmem:s17], [sflag:$0x6] =	stream.indirect.gather @!p0 [hbm4b:s2+s13], $0x80, s15, s13, $0xb8;
	[tilespmem:$0x12000] =	vst v63  }
0xc6: {  	_ =	swait.ge [sflag:s25], $0x2000  }
0xc7: {  	[sflag:s25] =	ssyncset.done $0x0  }
0xc8: {  	s17 =	sadd.s32 $0x800, s9;
	s15 =	simm.s32 @p0 $0x4;
	[sflag:s25] =	ssyncadd.s32 $0xFFFFE000  }
0xc9: {  	[hbm4b:s17+s4] =	stream.linear.scatter [tilespmem:s14], [sflag:$0xB], $0x2000, $0x38;
	[tilespmem:$0x12000] =	vst v63  }
0xca: {  	_ =	swait.ge @p0 [sflag:s15], $0x2000  }
0xcb: {  	[sflag:s15] =	ssyncset.done @p0 $0x0  }
0xcc: {  	s6 =	sadd.s32 @p0 $0xC00, s6;
	[sflag:s15] =	ssyncadd.s32 @p0 $0xFFFFE000;
	s15 =	simm.s32 @p0 $0x8000  }
0xcd: {  	[hbm4b:s6+s12] =	stream.linear.scatter @p0 [tilespmem:s15], [sflag:$0xC], $0x2000, $0x38;
	[tilespmem:$0x12000] =	vst v63  }
0xce: {  	s6 =	simm.s32 @!p0 $0xF  }
0xcf: {  	_ =	swait.ge @!p0 [sflag:s6], $0x2000  }
0xd0: {  	[sflag:s6] =	ssyncset.done @!p0 $0x0  }
0xd1: {  	[sflag:s6] =	ssyncadd.s32 @!p0 $0xFFFFE000;
	s6 =	simm.s32 @!p0 $0xE000  }
0xd2: {  	[tilespmem:s6], [sflag:$0x7] =	stream.indirect.gather @!p0 [hbm4b:s2+s13], $0x80, s22, s13, $0xb8;
	[tilespmem:$0x12000] =	vst v63  }
0xd3: {  	s6 =	simm.s32 @!p0 $0x4  }
0xd4: {  	_ =	swait.ge @!p0 [sflag:s6], $0x2000  }
0xd5: {  	[sflag:s6] =	ssyncset.done @!p0 $0x0  }
0xd6: {  	[sflag:s6] =	ssyncadd.s32 @!p0 $0xFFFFE000;
	s6 =	sadd.s32 @!p0 $0xC00, s11;
	s11 =	simm.s32 @!p0 $0x8000  }
0xd7: {  	[hbm4b:s6+s16] =	stream.linear.scatter @!p0 [tilespmem:s11], [sflag:$0xC], $0x2000, $0x38;
	[tilespmem:$0x12000] =	vst v63  }
0xd8: {  	s6 =	simm.s32 @!p0 $0x10  }
0xd9: {  	_ =	swait.ge @!p0 [sflag:s6], $0x2000  }
0xda: {  	[sflag:s6] =	ssyncset.done @!p0 $0x0  }
0xdb: {  	s11 =	simm.s32 @!p0 $0x10000;
	[sflag:s6] =	ssyncadd.s32 @!p0 $0xFFFFE000;
	s6 =	sadd.s32 @!p0 $0x40, s22  }
0xdc: {  	[tilespmem:s11], [sflag:$0x8] =	stream.indirect.gather @!p0 [hbm4b:s2+s13], $0x80, s6, s13, $0xb8;
	[tilespmem:$0x12000] =	vst v63  }
0xdd: {  	_ =	swait.ge [sflag:s26], $0x2000  }
0xde: {  	[sflag:s26] =	ssyncset.done $0x0  }
0xdf: {  	s13 =	sadd.s32 $0x1000, s9;
	[sflag:s26] =	ssyncadd.s32 $0xFFFFE000  }
0xe0: {  	[hbm4b:s13+s4] =	stream.linear.scatter [tilespmem:s18], [sflag:$0xD], $0x2000, $0x38;
	[tilespmem:$0x12000] =	vst v63  }
0xe1: {  	p0 =	seq.s32 s19, $0x1E000;
	_ =	swait.ge [sflag:s28], $0x2000  }
0xe2: {  	s6 =	sadd.s32 @!p0 $0x80, s22;
	[sflag:s28] =	ssyncset.done $0x0  }
0xe3: {  	s11 =	simm.s32 @!p0 $0x40;
	s12 =	simm.s32 @!p0 $0x2000;
	[sflag:s28] =	ssyncadd.s32 $0xFFFFE000  }
0xe4: {  	[tilespmem:s12], [sflag:$0x1] =	stream.indirect.gather @!p0 [hbm4b:s2+s11], $0x80, s6, s11, $0xb8;
	[tilespmem:$0x12000] =	vst v63  }
0xe5: {  	_ =	swait.ge [sflag:s29], $0x2000  }
0xe6: {  	[sflag:s29] =	ssyncset.done $0x0  }
0xe7: {  	s15 =	sadd.s32 $0x1400, s9;
	[sflag:s29] =	ssyncadd.s32 $0xFFFFE000  }
0xe8: {  	[hbm4b:s15+s4] =	stream.linear.scatter [tilespmem:s20], [sflag:$0xE], $0x2000, $0x38;
	[tilespmem:$0x12000] =	vst v63  }
0xe9: {  	_ =	swait.ge [sflag:s30], $0x2000  }
0xea: {  	[sflag:s30] =	ssyncset.done $0x0  }
0xeb: {  	s6 =	sadd.s32 @!p0 $0xC0, s22;
	s12 =	simm.s32 @!p0 $0x4000;
	[sflag:s30] =	ssyncadd.s32 $0xFFFFE000  }
0xec: {  	[tilespmem:s12], [sflag:$0x2] =	stream.indirect.gather @!p0 [hbm4b:s2+s11], $0x80, s6, s11, $0xb8;
	[tilespmem:$0x12000] =	vst v63  }
0xed: {  	_ =	swait.ge [sflag:s31], $0x2000  }
0xee: {  	[sflag:s31] =	ssyncset.done $0x0  }
0xef: {  	s16 =	sadd.s32 $0x1800, s9;
	[sflag:s31] =	ssyncadd.s32 $0xFFFFE000  }
0xf0: {  	[hbm4b:s16+s4] =	stream.linear.scatter [tilespmem:s21], [sflag:$0xF], $0x2000, $0x38;
	[tilespmem:$0x12000] =	vst v63  }
0xf1: {  	_ =	swait.ge [sflag:s3], $0x2000  }
0xf2: {  	[sflag:s3] =	ssyncset.done $0x0  }
0xf3: {  	s6 =	sadd.s32 @!p0 $0x100, s22;
	s12 =	simm.s32 @!p0 $0x6000;
	[sflag:s3] =	ssyncadd.s32 $0xFFFFE000  }
0xf4: {  	[tilespmem:s12], [sflag:$0x3] =	stream.indirect.gather @!p0 [hbm4b:s2+s11], $0x80, s6, s11, $0xb8;
	[tilespmem:$0x12000] =	vst v63  }
0xf5: {  	_ =	swait.ge [sflag:s1], $0x2000  }
0xf6: {  	[sflag:s1] =	ssyncset.done $0x0  }
.Ltmp4:
0xf7: {  	s17 =	sadd.s32 $0x1C00, s9;
	[sflag:s1] =	ssyncadd.s32 $0xFFFFE000;
	(pc) =	sbr.rel @p0 .LBB2_7-.Ltmp4, $4  }
0xf8: {  	[hbm4b:s17+s4] =	stream.linear.scatter [tilespmem:s23], [sflag:$0x10], $0x2000, $0x38;
	[tilespmem:$0x12000] =	vst v63  }
0xf9: {  	_ =	swait.ge [sflag:s5], $0x2000  }
0xfa: {  	[sflag:s5] =	ssyncset.done $0x0  }
0xfb: {  	[sflag:s5] =	ssyncadd.s32 $0xFFFFE000  }
.Ltmp5:
0xfc: {  	(pc) =	sbr.rel .LBB2_5-.Ltmp5, $4  }
0xfd: {  	_ = 	snop  }
0xfe: {  	s6 =	sadd.s32 $0x140, s22  }
0xff: {  	s9 =	simm.s32 $0x8000;
	s19 =	sadd.s32 $0x2000, s19;
	s22 =	sadd.s32 $0x200, s22  }
0x100: {  	[tilespmem:s9], [sflag:$0x4] =	stream.indirect.gather [hbm4b:s2+s10], $0x80, s6, s10, $0xb8;
	[tilespmem:$0x12000] =	vst v63  }
.LBB2_8:
0x101: {  	_ =	sfence.sel $0x180000  }
0x102: {  	[bflag:$0x0] =	sbarrier.arrive $0xFFFF  }
0x103: {  	_ =	strace $0x90000047  }
0x104: {  	s0 =	stileid.u32;
	[bflag:$0x2] =	sbarrier.arrive $0xFFFF  }
0x105: {  	p0 =	sne.s32 s0, $0x0;
	s0 =	rddreg [dreg:$0x5]  }
0x106: {  	s0 =	sadd.s32 @!p0 $0x100000, s0  }
0x107: {  	[sflag:s0] =	ssyncadd.tile.s32 @!p0 $0x1;
	_ =	shalt  }
.Lfunc_end2:
_tile_overlayer_lowered:
.L_overlay_start_2:
0x108: {  	(tag) =	ssettag $0x2  }
0x109: {  	s0 =	rddreg [dreg:$0x0];
	s2 =	stileid.u32  }
0x10a: {  	s1 =	rddreg [dreg:$0x1];
	p0 =	sne.s32 s2, $0x0  }
0x10b: {  	s3 =	rddreg [dreg:$0x2];
	[bflag:$0x3] =	sbarrier.arrive $0xFFFF;
	s2 =	simm.s32 @!p0 $0x1C11  }
0x10c: {  	[timem:s3], [sflag:s2] =	dma.local @!p0 [hbm:s0], s1  }
0x10d: {  	s0 =	simm.s32 @!p0 $0x11  }
0x10e: {  	_ =	swait.ge @!p0 [sflag:s0], s1  }
0x10f: {  	s1 =	ssub.s32 @!p0 $0x0, s1;
	[sflag:s0] =	ssyncset.done @!p0 $0x0  }
0x110: {  	[sflag:s0] =	ssyncadd.s32 @!p0 s1  }
0x111: {  	[bflag:$0x3] =	sbarrier.arrive $0xFFFF  }
0x112: {  	_ =	shalt  }

// kernel: kernel.7.cloned.1.call-start
scs
__scs_entry_jumppad:
0x0: {  	(pc) =	sbr.rel $0x88, $3  }
0x1: {  	(tag) =	ssettag $0x0;
	lr =	simm.s32 $0x1  }
0x2: {  	[smem:$0x3F9B] =	sst lr;
	_ =	strace $0xD0000000  }
0x3: {  	_ = 	snop  }
0x4: {  	_ = 	snop  }
0x5: {  	_ = 	snop  }
0x6: {  	_ = 	snop  }
0x7: {  	_ = 	snop  }
__scs_overlays_trampoline_lowered:
0x8: {  	[smem:$0x3FAA] =	sst s0  }
0x9: {  	[smem:$0x3FAB] =	sst s1  }
0xa: {  	[smem:$0x3FAC] =	sst s2  }
0xb: {  	[smem:$0x3FAD] =	sst s3  }
0xc: {  	[smem:$0x3FAE] =	sst s4  }
0xd: {  	[smem:$0x3FAF] =	sst s5  }
0xe: {  	[smem:$0x3FB0] =	sst s6  }
0xf: {  	[smem:$0x3FB1] =	sst s7  }
0x10: {  	[smem:$0x3FB2] =	sst s8  }
0x11: {  	[smem:$0x3FB3] =	sst s9;
	s0 =	simm.s32 @!p0 $0x0  }
0x12: {  	s1 =	sld [smem:$0x3F99];
	s0 =	simm.s32 @p0 $0x1  }
0x13: {  	[smem:$0x3FB4] =	sst s0;
	s0 =	simm.s32 @!p1 $0x0  }
0x14: {  	s2 =	sld [smem:$0x3F98];
	s0 =	simm.s32 @p1 $0x1  }
0x15: {  	[smem:$0x3FB5] =	sst s0;
	s0 =	simm.s32 @!p2 $0x0  }
0x16: {  	s3 =	sld [smem:$0x3FDB];
	s0 =	simm.s32 @p2 $0x1  }
0x17: {  	s4 =	simm.s32 $0x1BF5;
	[smem:$0x3FB7] =	sst s0  }
0x18: {  	s0 =	sld [smem:$0x3F9A];
	_ =	swait.ge [sflag:s4], $0x0  }
0x19: {  	s7 =	sld [smem:$0x3F9B]  }
0x1a: {  	s8 =	sadd.s32 $0xFFFFE003, lr  }
0x1b: {  	s9 =	sadd.s32 $0xFFFFFEF7, lr;
	s5 =	simm.s32 $0xFFFFFFFF;
	p2 =	slt.u32 s8, $0xFFFFF086  }
0x1c: {  	p1 =	slt.u32 s9, $0xF7A;
	s5 =	simm.s32 @!p2 $0x0  }
0x1d: {  	s5 =	simm.s32 @p1 $0x1;
	p0 =	seq.s32 s7, s2  }
0x1e: {  	s7 =	smul.u32 @!p0 $0xF7A, s2;
	p2 =	seq.s32 @!p0 s5, $0x0  }
0x1f: {  	s9 =	smul.u32 $0xF7A, s1;
	s8 =	simm.s32 @!p0 $0x1BF5;
	p2 =	por !p2, p0  }
0x20: {  	[sflag:s8] =	ssyncset.s32 @!p0 $0xFFFFF086;
	s6 =	sadd.s32 @!p0 s3, s7;
	s7 =	simm.s32 @!p0 $0x108  }
0x21: {  	s3 =	sadd.s32 s3, s9;
	s6 =	sadd.s32 @!p0 $0x88, s6;
	s7 =	simm.s32 @p2 $0x1082  }
0x22: {  	[simem:s7], [sflag:s8] =	dma.local @!p0 [hbm:s6], $0xF7A  }
0x23: {  	s9 =	sor.u32 $0xD0000000, s2;
	s6 =	simm.s32 $0x108;
	_ =	swait.ge @!p0 [sflag:s8], $0x0  }
0x24: {  	s3 =	sadd.s32 $0x88, s3;
	s6 =	simm.s32 @!p1 $0x1082;
	[sflag:s4] =	ssyncset.s32 $0xFFFFF086  }
0x25: {  	[simem:s6], [sflag:s4] =	dma.local [hbm:s3], $0xF7A  }
0x26: {  	[smem:$0x3F9B] =	sst s1;
	(tag) =	ssettag s2;
	_ =	strace s9  }
0x27: {  	s1 =	sld [smem:$0x3FAB]  }
0x28: {  	s2 =	sld [smem:$0x3FAC]  }
0x29: {  	s4 =	sld [smem:$0x3FAE]  }
0x2a: {  	p0 =	seq.s32 s5, $0x0;
	s5 =	sld [smem:$0x3FAF]  }
0x2b: {  	s6 =	sld [smem:$0x3FB0]  }
0x2c: {  	s7 =	sld [smem:$0x3FB1]  }
0x2d: {  	s3 =	simm.s32 $0x108;
	s8 =	sld [smem:$0x3FB2]  }
0x2e: {  	s3 =	simm.s32 @!p0 $0x1082;
	s9 =	sld [smem:$0x3FB3]  }
0x2f: {  	lr =	sadd.s32 s0, s3;
	s0 =	sld [smem:$0x3FAA]  }
0x30: {  	s3 =	sld [smem:$0x3FAD]  }
0x31: {  	[smem:$0x3FB6] =	sst s10  }
0x32: {  	s10 =	sld [smem:$0x3FB4];
	_ =	sdelay $0x3  }
0x33: {  	p0 =	seq.s32 s10, $0x1;
	s10 =	sld [smem:$0x3FB6];
	_ =	sdelay $0x3  }
0x34: {  	[smem:$0x3FB6] =	sst s10  }
0x35: {  	s10 =	sld [smem:$0x3FB5];
	_ =	sdelay $0x3  }
0x36: {  	p1 =	seq.s32 s10, $0x1;
	s10 =	sld [smem:$0x3FB6];
	_ =	sdelay $0x3  }
0x37: {  	[smem:$0x3FB6] =	sst s10  }
0x38: {  	s10 =	sld [smem:$0x3FB7]  }
0x39: {  	_ = 	snop;
	(pc) =	sbr.ind lr, $3  }
0x3a: {  	_ = 	snop  }
0x3b: {  	_ = 	snop  }
0x3c: {  	p2 =	seq.s32 s10, $0x1;
	s10 =	sld [smem:$0x3FB6]  }
0x3d: {  	_ =	shalt  }
0x3e: {  	_ =	shalt  }
0x3f: {  	_ =	shalt  }
0x40: {  	_ =	shalt  }
0x41: {  	_ =	shalt  }
0x42: {  	_ =	shalt  }
0x43: {  	_ =	shalt  }
0x44: {  	_ =	shalt  }
0x45: {  	_ =	shalt  }
0x46: {  	_ =	shalt  }
0x47: {  	_ =	shalt  }
0x48: {  	_ =	shalt  }
0x49: {  	_ =	shalt  }
0x4a: {  	_ =	shalt  }
0x4b: {  	_ =	shalt  }
0x4c: {  	_ =	shalt  }
0x4d: {  	_ =	shalt  }
0x4e: {  	_ =	shalt  }
0x4f: {  	_ =	shalt  }
0x50: {  	_ =	shalt  }
0x51: {  	_ =	shalt  }
0x52: {  	_ =	shalt  }
0x53: {  	_ =	shalt  }
0x54: {  	_ =	shalt  }
0x55: {  	_ =	shalt  }
0x56: {  	_ =	shalt  }
0x57: {  	_ =	shalt  }
0x58: {  	_ =	shalt  }
0x59: {  	_ =	shalt  }
0x5a: {  	_ =	shalt  }
0x5b: {  	_ =	shalt  }
0x5c: {  	_ =	shalt  }
0x5d: {  	_ =	shalt  }
0x5e: {  	_ =	shalt  }
0x5f: {  	_ =	shalt  }
0x60: {  	_ =	shalt  }
0x61: {  	_ =	shalt  }
0x62: {  	_ =	shalt  }
0x63: {  	_ =	shalt  }
0x64: {  	_ =	shalt  }
0x65: {  	_ =	shalt  }
0x66: {  	_ =	shalt  }
0x67: {  	_ =	shalt  }
0x68: {  	_ =	shalt  }
0x69: {  	_ =	shalt  }
0x6a: {  	_ =	shalt  }
0x6b: {  	_ =	shalt  }
0x6c: {  	_ =	shalt  }
0x6d: {  	_ =	shalt  }
0x6e: {  	_ =	shalt  }
0x6f: {  	_ =	shalt  }
0x70: {  	_ =	shalt  }
0x71: {  	_ =	shalt  }
0x72: {  	_ =	shalt  }
0x73: {  	_ =	shalt  }
0x74: {  	_ =	shalt  }
0x75: {  	_ =	shalt  }
0x76: {  	_ =	shalt  }
0x77: {  	_ =	shalt  }
0x78: {  	_ =	shalt  }
0x79: {  	_ =	shalt  }
0x7a: {  	_ =	shalt  }
0x7b: {  	_ =	shalt  }
0x7c: {  	_ =	shalt  }
0x7d: {  	_ =	shalt  }
0x7e: {  	_ =	shalt  }
0x7f: {  	_ =	shalt  }
0x80: {  	_ =	shalt  }
0x81: {  	_ =	shalt  }
0x82: {  	_ =	shalt  }
0x83: {  	_ =	shalt  }
0x84: {  	_ =	shalt  }
0x85: {  	_ =	shalt  }
0x86: {  	_ =	shalt  }
0x87: {  	_ =	shalt  }
.Lfunc_end0:
.L_simem_size_0:
called_computation.1_lowered:
.L_overlay_start_0:
0x88: {  	s2 =	sld [smem:$0x3FD9]  }
0x89: {  	s3 =	sld [smem:$0x3FFE];
	_ =	sdelay $0x1  }
0x8a: {  	s1 =	srdreg.scid  }
0x8b: {  	s0 =	sand.u32 $0x1, s1  }
0x8c: {  	s14 =	sshll.u32 s0, $0xA;
	s2 =	sadd.s32 s3, s2  }
0x8d: {  	s2 =	sadd.s32 s2, s14  }
0x8e: {  	[smem:$0x3FC2] =	sst s2  }
0x8f: {  	_ = 	snop  }
0x90: {  	s2 =	sld [smem:$0x3FC9]  }
0x91: {  	s15 =	sld [smem:$0x3FC8]  }
0x92: {  	s4 =	sld [smem:$0x3FD0]  }
0x93: {  	s5 =	sld [smem:$0x3FC7]  }
0x94: {  	s6 =	sld [smem:$0x3FC6]  }
0x95: {  	s8 =	simm.s32 $0xA;
	s9 =	simm.s32 $0x10;
	s7 =	sld [smem:$0x3FC5]  }
0x96: {  	[smem:s9], [sflag:s8] =	dma.local [hbm:s4], $0x1  }
0x97: {  	_ =	swait.eq [sflag:s8], $0x1  }
0x98: {  	[sflag:s8] =	ssyncset.done $0x0  }
0x99: {  	s16 =	sld [smem:$0x12];
	[sflag:s8] =	ssyncadd.s32 $0xFFFFFFFF  }
0x9a: {  	s17 =	sld [smem:$0x13];
	(tm) =	ssettm $0x1  }
0x9b: {  	s18 =	sld [smem:$0x3FFB];
	_ =	sdelay $0x3  }
0x9c: {  	_ =	strace s18  }
0x9d: {  	s9 =	sld [smem:$0x3FFC];
	_ =	sdelay $0x3  }
0x9e: {  	_ =	strace s9  }
0x9f: {  	s9 =	sld [smem:$0x3FFD];
	_ =	sdelay $0x3  }
0xa0: {  	_ =	strace s9  }
0xa1: {  	_ =	strace $0x8FFFFFFF  }
0xa2: {  	s19 =	sld [smem:$0x3FDB];
	_ =	sdelay $0x1  }
0xa3: {  	s10 =	simm.s32 $_scs_section_size  }
0xa4: {  	s11 =	simm.s32 $_size__tile_overlayer_lowered;
	s12 =	simm.s32 $_tile_overlayer_lowered  }
0xa5: {  	s22 =	simm.s32 $0x1BFF;
	s21 =	sshll.u32 s12, $0x1;
	s9 =	sadd.s32 s10, s19  }
0xa6: {  	s13 =	simm.s32 $0x0;
	s20 =	sshll.u32 s11, $0x1;
	s11 =	sadd.s32 s21, s9  }
0xa7: {  	[timem:s13], [sflag:s22] =	dma.local [hbm:s11], s20  }
0xa8: {  	_ =	swait.ge [sflag:s22], s20  }
0xa9: {  	s10 =	ssub.s32 $0x0, s20;
	[sflag:s22] =	ssyncset.done $0x0  }
0xaa: {  	[sflag:s22] =	ssyncadd.s32 s10;
	_ =	sdelay $0x1  }
0xab: {  	s23 =	simm.s32 $0x1B8B  }
0xac: {  	_ =	swait.ge [sflag:s23], $0x1  }
0xad: {  	[sflag:s23] =	ssyncset.done $0x0  }
0xae: {  	s25 =	simm.s32 $0x1B8E;
	s24 =	sld [smem:$0x3FFE];
	[sflag:s23] =	ssyncadd.s32 $0xFFFFFFFF  }
0xaf: {  	s26 =	simm.s32 $execute0_lowered;
	[smem:$0x3FD2] =	sst s25  }
0xb0: {  	s11 =	sshll.u32 s26, $0x1;
	_ =	strace $0x80000049;
	[dreg:$0x1] =	wrdreg $0xFFFFFFFF  }
0xb1: {  	s28 =	simm.s32 $_size_execute0_lowered;
	s9 =	sadd.s32 s9, s11;
	[dreg:$0x0] =	wrdreg $0x0  }
0xb2: {  	s11 =	sshll.u32 s28, $0x1;
	[dreg:$0x2] =	wrdreg s9  }
0xb3: {  	[dreg:$0x3] =	wrdreg s11  }
0xb4: {  	[dreg:$0x4] =	wrdreg $0xC0  }
0xb5: {  	_ =	task [dreg:s13], $0x5FFFF  }
0xb6: {  	[dreg:$0x1] =	wrdreg $0xFFFFFFFF  }
0xb7: {  	[dreg:$0x0] =	wrdreg $0x60  }
0xb8: {  	[dreg:$0x2] =	wrdreg s5  }
0xb9: {  	[dreg:$0x3] =	wrdreg s6  }
0xba: {  	[dreg:$0x4] =	wrdreg s2  }
0xbb: {  	[dreg:$0x5] =	wrdreg s15  }
0xbc: {  	[dreg:$0x6] =	wrdreg s7  }
0xbd: {  	[dreg:$0x7] =	wrdreg s24  }
0xbe: {  	[dreg:$0x8] =	wrdreg s16  }
0xbf: {  	[dreg:$0x9] =	wrdreg s17  }
0xc0: {  	[dreg:$0xa] =	wrdreg $0x9  }
0xc1: {  	_ =	task.clear_ibuf [dreg:s13], $0xBFFFF;
	_ =	strace $0x90000049  }
0xc2: {  	s29 =	simm.s32 $0x9;
	_ =	strace $0x8000004B  }
0xc3: {  	_ =	swait.ge [sflag:s29], $0x1  }
0xc4: {  	[sflag:s29] =	ssyncadd.s32 $0xFFFFFFFF  }
0xc5: {  	_ =	strace $0x9000004B  }
0xc6: {  	_ =	sfence  }
0xc7: {  	s30 =	sld [smem:$0x0];
	_ =	sdelay $0x2  }
0xc8: {  	s31 =	sshll.u32 s1, $0xD;
	s1 =	sshrl.u32 s1, $0x2  }
0xc9: {  	s3 =	sand.u32 $0x4000, s31;
	s1 =	sadd.s32 s1, s30  }
0xca: {  	s0 =	sor.u32 s3, s0;
	s1 =	sshll.u32 s1, $0x11  }
0xcb: {  	s0 =	sor.u32 s1, s0  }
0xcc: {  	s0 =	sadd.s32 $0x8F2B, s0  }
0xcd: {  	[sflag:s0] =	ssyncadd.remote.s32 $0x1  }
0xce: {  	_ =	sfence.sel $0xFFFF  }
0xcf: {  	[dreg:$0x0] =	wrdreg $0xFFFFFFFF;
	(pc) =	sbr.abs _section_cstart, $3  }
0xd0: {  	[dreg:$0x1] =	wrdreg $0xFFFFFFFF  }
0xd1: {  	_ =	task.clear_ibuf [dreg:s13], $0x2FFFF;
	_ =	strace $0x9FFFFFFF  }
0xd2: {  	(tm) =	ssettm $0x7FFFFFFF  }
0xd3: {  	_ =	shalt  }
tec
execute0_lowered:
.L_overlay_start_1:
0x0: {  	(tag) =	ssettag $0x1  }
0x1: {  	s0 =	rddreg [dreg:$0x0]  }
0x2: {  	s1 =	rddreg [dreg:$0x1]  }
0x3: {  	s2 =	rddreg [dreg:$0x2]  }
0x4: {  	s4 =	rddreg [dreg:$0x3]  }
0x5: {  	s9 =	rddreg [dreg:$0x4]  }
0x6: {  	s10 =	rddreg [dreg:$0x5]  }
0x7: {  	s6 =	rddreg [dreg:$0x6]  }
0x8: {  	s7 =	rddreg [dreg:$0x7];
	s8 =	srdreg.scid  }
0x9: {  	s3 =	rddreg [dreg:$0x8];
	s5 =	stileid.u32;
	s14 =	simm.s32 $0x20  }
0xa: {  	s15 =	simm.s32 $0x100;
	s16 =	simm.s32 $0x1100;
	s17 =	simm.s32 $0x3100  }
0xb: {  	s18 =	simm.s32 $0x4100;
	s19 =	simm.s32 $0x1;
	s20 =	simm.s32 $0x2100  }
0xc: {  	s21 =	simm.s32 $0x5100;
	s22 =	simm.s32 $0x0;
	s11 =	sand.u32 $0x1, s8  }
0xd: {  	s8 =	simm.s32 $0x0;
	s12 =	sshll.u32 s5, $0x3;
	s13 =	sshll.u32 s11, $0x2  }
0xe: {  	[smem:$0x7FF] =	sst s8;
	s11 =	ssub.s32 $0x2, s11;
	s12 =	sor.u32 s13, s12  }
0xf: {  	_ =	strace $0x8000004A;
	s31 =	sshrl.u32 s11, $0x1;
	s13 =	simm.s32 $0x80  }
0x10: {  	s10 =	sadd.s32 s12, s10;
	s11 =	ssub.s32 s11, s31;
	s9 =	sadd.s32 s9, s12  }
0x11: {  	s12 =	simm.s32 $0x2;
	s10 =	sadd.s32 $0x8E00, s10;
	s11 =	smax.u32 s11, $0x1  }
.LBB2_1:
0x12: {  	[tilespmem:s8], [sflag:$0x2] =	stream.linear.gather [hbm4b:s9+s8], $0x20, $0x38;
	[tilespmem:$0x6100] =	vst v63  }
0x13: {  	_ =	swait.ge [sflag:s12], $0x20  }
0x14: {  	[sflag:s12] =	ssyncset.done $0x0  }
0x15: {  	[sflag:s12] =	ssyncadd.s32 $0xFFFFFFE0  }
0x16: {  	[tilespmem:s13], [sflag:$0x2] =	stream.linear.gather [hbm4b:s10+s8], $0x20, $0x38;
	[tilespmem:$0x6100] =	vst v63  }
0x17: {  	_ =	swait.ge [sflag:s12], $0x20  }
0x18: {  	[sflag:s12] =	ssyncset.done $0x0  }
0x19: {  	[sflag:s12] =	ssyncadd.s32 $0xFFFFFFE0  }
0x1a: {  	[tilespmem:s15], [sflag:$0x1] =	stream.indirect.gather [hbm4b:s0+s14], $0x80, s8, s14, $0xb8;
	[tilespmem:$0x6100] =	vst v63  }
0x1b: {  	_ = 	snop  }
0x1c: {  	[tilespmem:s16], [sflag:$0x1] =	stream.indirect.gather [hbm4b:s2+s14], $0x80, s13, s14, $0xb8;
	[tilespmem:$0x6100] =	vst v63  }
0x1d: {  	_ = 	snop  }
0x1e: {  	[tilespmem:s17], [sflag:$0x1] =	stream.indirect.gather [hbm4b:s1+s14], $0x80, s8, s14, $0xb8;
	[tilespmem:$0x6100] =	vst v63  }
0x1f: {  	_ = 	snop  }
0x20: {  	[tilespmem:s18], [sflag:$0x1] =	stream.indirect.gather [hbm4b:s4+s14], $0x80, s13, s14, $0xb8;
	[tilespmem:$0x6100] =	vst v63  }
0x21: {  	_ =	swait.ge [sflag:s19], $0x1000  }
0x22: {  	[sflag:s19] =	ssyncset.done $0x0  }
0x23: {  	[sflag:s19] =	ssyncadd.s32 $0xFFFFF000  }
0x24: {  	_ =	swait.ge [sflag:s19], $0x1000  }
0x25: {  	[sflag:s19] =	ssyncset.done $0x0  }
0x26: {  	[sflag:s19] =	ssyncadd.s32 $0xFFFFF000  }
0x27: {  	_ =	swait.ge [sflag:s19], $0x1000  }
0x28: {  	[sflag:s19] =	ssyncset.done $0x0  }
0x29: {  	[sflag:s19] =	ssyncadd.s32 $0xFFFFF000  }
0x2a: {  	_ =	swait.ge [sflag:s19], $0x1000  }
0x2b: {  	[sflag:s19] =	ssyncset.done $0x0  }
0x2c: {  	s26 =	simm.s32 $0x0;
	[sflag:s19] =	ssyncadd.s32 $0xFFFFF000  }
0x2d: {  	v0 =	vld [tilespmem:s26+$0x1120]  }
0x2e: {  	v1 =	vld [tilespmem:s26+$0x1140]  }
0x2f: {  	v2 =	vld [tilespmem:s26+$0x150]  }
0x30: {  	v3 =	vld [tilespmem:s26+$0x1150]  }
0x31: {  	v4 =	vld [tilespmem:s26+$0x130]  }
0x32: {  	v5 =	vld [tilespmem:s26+$0x120]  }
0x33: {  	v6 =	vld [tilespmem:s26+$0x1100]  }
0x34: {  	v7 =	vld [tilespmem:s26+$0x1110]  }
0x35: {  	v8 =	vld [tilespmem:s26+$0x110]  }
0x36: {  	v9 =	vld [tilespmem:s26+$0x100]  }
0x37: {  	v10 =	vld [tilespmem:s26+$0x1160]  }
0x38: {  	v11 =	vld [tilespmem:s26+$0x160]  }
0x39: {  	v12 =	vld [tilespmem:s26+$0x170]  }
0x3a: {  	v13 =	vld [tilespmem:s26+$0x140]  }
0x3b: {  	s23 =	simm.s32 $0x80;
	v14 =	vld [tilespmem:s26+$0x1130]  }
0x3c: {  	v16 =	vld [tilespmem:s23+$0x1120]  }
0x3d: {  	v17 =	vld [tilespmem:s23+$0x1140]  }
0x3e: {  	v18 =	vld [tilespmem:s23+$0x150]  }
0x3f: {  	v19 =	vld [tilespmem:s23+$0x1150]  }
0x40: {  	v20 =	vld [tilespmem:s23+$0x130]  }
0x41: {  	v21 =	vld [tilespmem:s23+$0x120]  }
0x42: {  	v22 =	vld [tilespmem:s23+$0x1100]  }
0x43: {  	v24 =	vld [tilespmem:s23+$0x1110]  }
0x44: {  	s24 =	simm.s32 $0x100;
	v26 =	vld [tilespmem:s23+$0x100];
	v0 =	vmul.f32 $5.000000000e-01, v0;
	v1 =	vmul.f32 $5.000000000e-01, v1  }
0x45: {  	v32 =	vld [tilespmem:s24+$0x1140];
	v2 =	vmul.f32 $5.000000000e-01, v2;
	v3 =	vmul.f32 $5.000000000e-01, v3  }
0x46: {  	s25 =	simm.s32 $0x180;
	v37 =	vld [tilespmem:s24+$0x170];
	v5 =	vmul.f32 $5.000000000e-01, v5;
	v9 =	vmul.f32 $5.000000000e-01, v9  }
0x47: {  	v38 =	vld [tilespmem:s25+$0x1140];
	v6 =	vmul.f32 $5.000000000e-01, v6;
	v10 =	vmul.f32 $5.000000000e-01, v10  }
0x48: {  	v62 =	vld [tilespmem:s25+$0x120];
	v11 =	vmul.f32 $5.000000000e-01, v11;
	v15 =	vmul.f32 $5.000000000e-01, v8  }
0x49: {  	v53 =	vld [tilespmem:s25+$0x100];
	v7 =	vmul.f32 $5.000000000e-01, v7;
	v4 =	vmul.f32 $5.000000000e-01, v4  }
0x4a: {  	v41 =	vld [tilespmem:s25+$0x1100];
	v29 =	vmul.f32 $5.000000000e-01, v12;
	v16 =	vmul.f32 $5.000000000e-01, v16  }
0x4b: {  	v25 =	vld [tilespmem:s23+$0x110];
	v17 =	vmul.f32 $5.000000000e-01, v17;
	v19 =	vmul.f32 $5.000000000e-01, v19  }
0x4c: {  	s28 =	simm.s32 $0x200;
	v55 =	vld [tilespmem:s25+$0x140];
	v26 =	vmul.f32 $5.000000000e-01, v26;
	v32 =	vmul.f32 $5.000000000e-01, v32  }
0x4d: {  	v49 =	vld [tilespmem:s28+$0x1120];
	v40 =	vmul.f32 $5.000000000e-01, v37;
	v42 =	vmul.f32 $5.000000000e-01, v38  }
0x4e: {  	v27 =	vld [tilespmem:s26+$0x1170];
	v37 =	vmul.f32 $5.000000000e-01, v62;
	v38 =	vmul.f32 $5.000000000e-01, v53;
	v35 =	vadd.f32 v10, v11  }
0x4f: {  	v31 =	vld [tilespmem:s23+$0x1130];
	v41 =	vmul.f32 $5.000000000e-01, v41;
	v8 =	vadd.f32 v6, v9;
	v15 =	vadd.f32 v7, v15  }
0x50: {  	v33 =	vld [tilespmem:s24+$0x1110];
	v11 =	vmul.f32 $5.000000000e-01, v13;
	v23 =	vadd.f32 v0, v5;
	v0 =	vmul.f32 $5.000000000e-01, v14  }
0x51: {  	v51 =	vld [tilespmem:s28+$0x150];
	v9 =	vmul.f32 v8, v8;
	v13 =	vmul.f32 v15, v15  }
0x52: {  	v52 =	vmul.f32 $5.000000000e-01, v55;
	v49 =	vmul.f32 $5.000000000e-01, v49;
	v10 =	vld [tilespmem:s23+$0x1160]  }
0x53: {  	v6 =	vld [tilespmem:s23+$0x160];
	v30 =	vmul.f32 v23, v23;
	v12 =	vadd.f32 v0, v4;
	v0 =	vadd.f32 v13, v9  }
0x54: {  	v36 =	vld [tilespmem:s24+$0x160];
	v28 =	vadd.f32 v3, v2;
	v3 =	vmul.f32 $5.000000000e-01, v21;
	v13 =	vmul.f32 $5.000000000e-01, v18  }
0x55: {  	v7 =	vld [tilespmem:s23+$0x170];
	v2 =	vmul.f32 v12, v12;
	v18 =	vadd.f32 v1, v11;
	v0 =	vadd.f32 v30, v0  }
0x56: {  	v51 =	vmul.f32 $5.000000000e-01, v51;
	v14 =	vld [tilespmem:s23+$0x140];
	v5 =	vmul.f32 v35, v35;
	v3 =	vadd.f32 v16, v3  }
0x57: {  	v4 =	vld [tilespmem:s24+$0x1120];
	v16 =	vmul.f32 $5.000000000e-01, v27;
	v9 =	vmul.f32 v18, v18;
	v0 =	vadd.f32 v2, v0  }
0x58: {  	v27 =	vld [tilespmem:s24+$0x1100];
	v6 =	vmul.f32 $5.000000000e-01, v6;
	v2 =	vmul.f32 $5.000000000e-01, v10  }
0x59: {  	v61 =	vld [tilespmem:s25+$0x150];
	v21 =	vmul.f32 v28, v28;
	v11 =	vmul.f32 $5.000000000e-01, v20;
	v0 =	vadd.f32 v9, v0  }
0x5a: {  	v1 =	vld [tilespmem:s24+$0x150];
	v9 =	vmul.f32 $5.000000000e-01, v22;
	v22 =	vmul.f32 $5.000000000e-01, v25;
	v2 =	vadd.f32 v2, v6  }
0x5b: {  	v20 =	vld [tilespmem:s24+$0x1150];
	v6 =	vadd.f32 v21, v0;
	v21 =	vmul.f32 $5.000000000e-01, v7;
	v7 =	vmul.f32 $5.000000000e-01, v24  }
0x5c: {  	v14 =	vmul.f32 $5.000000000e-01, v14;
	v30 =	vld [tilespmem:s24+$0x130];
	v4 =	vmul.f32 $5.000000000e-01, v4;
	v25 =	vadd.f32 v16, v29  }
0x5d: {  	v27 =	vmul.f32 $5.000000000e-01, v27;
	v10 =	vld [tilespmem:s24+$0x120];
	v0 =	vadd.f32 v9, v26;
	v9 =	vadd.f32 v7, v22  }
0x5e: {  	v16 =	vld [tilespmem:s24+$0x100];
	v29 =	vmul.f32 $5.000000000e-01, v31;
	v31 =	vmul.f32 v25, v25;
	v6 =	vadd.f32 v5, v6  }
0x5f: {  	v7 =	vld [tilespmem:s23+$0x1170];
	v5 =	vadd.f32 v19, v13;
	v13 =	vmul.f32 v0, v0;
	v19 =	vmul.f32 v9, v9  }
0x60: {  	v63 =	vld [tilespmem:s25+$0x110];
	v34 =	vmul.f32 v2, v2;
	v22 =	vmul.f32 v3, v3;
	v6 =	vadd.f32 v31, v6  }
0x61: {  	v26 =	vld [tilespmem:s24+$0x1160];
	v31 =	vmul.f32 $5.000000000e-01, v1;
	v1 =	vadd.f32 v29, v11;
	v11 =	vadd.f32 v19, v13  }
0x62: {  	v24 =	vld [tilespmem:s24+$0x110];
	v19 =	vmul.f32 $5.000000000e-01, v20;
	v20 =	vmul.f32 $5.000000000e-01, v10;
	v10 =	vadd.f32 v17, v14;
	(xrf2) =	vadd.scan.msk.f32 $0xffff, v6  }
0x63: {  	v59 =	vld [tilespmem:s28+$0x120];
	v17 =	vmul.f32 $5.000000000e-01, v30;
	v6 =	vmul.f32 v1, v1;
	v11 =	vadd.f32 v22, v11  }
0x64: {  	v39 =	vmul.f32 $5.000000000e-01, v7;
	v7 =	vmul.f32 $5.000000000e-01, v16;
	v16 =	vld [tilespmem:s25+$0x1150]  }
0x65: {  	v30 =	vmul.f32 v5, v5;
	v22 =	vld [tilespmem:s25+$0x1120];
	v29 =	vmul.f32 v10, v10;
	v6 =	vadd.f32 v6, v11  }
0x66: {  	v13 =	vld [tilespmem:s24+$0x140];
	v4 =	vadd.f32 v4, v20;
	v11 =	vmul.f32 $5.000000000e-01, v26;
	v26 =	vmul.f32 $5.000000000e-01, v36  }
0x67: {  	v14 =	vld [tilespmem:s24+$0x1130];
	v20 =	vmul.f32 $5.000000000e-01, v24;
	v36 =	vmul.f32 $5.000000000e-01, v61;
	v29 =	vadd.f32 v29, v6  }
0x68: {  	v6 =	vadd.f32 v11, v26;
	v11 =	vadd.f32 v19, v31;
	v19 =	vmul.f32 $5.000000000e-01, v33  }
0x69: {  	v43 =	vmul.f32 $5.000000000e-01, v16;
	v33 =	vmul.f32 $5.000000000e-01, v63  }
0x6a: {  	v7 =	vadd.f32 v27, v7;
	v63 =	vmul.f32 $5.000000000e-01, v59;
	v22 =	vmul.f32 $5.000000000e-01, v22  }
0x6b: {  	v24 =	vadd.f32 v30, v29;
	v29 =	vmul.f32 $5.000000000e-01, v13;
	v30 =	vmul.f32 v6, v6  }
0x6c: {  	v26 =	vld [tilespmem:s25+$0x130];
	v13 =	vmul.f32 $5.000000000e-01, v14;
	v14 =	vmul.f32 v4, v4;
	v16 =	vadd.f32 v19, v20;
	v27, _, _ =	vpop (xrf2)  }
0x6d: {  	v31 =	vld [tilespmem:s25+$0x1110];
	v34 =	vadd.f32 v34, v24;
	v24 =	vadd.f32 v39, v21;
	v21 =	vbroadcast v27, $0xF  }
0x6e: {  	v47 =	vld [tilespmem:s25+$0x170];
	v20 =	vmul.f32 v7, v7;
	v45 =	vmul.f32 v16, v16  }
0x6f: {  	v57 =	vld [tilespmem:s25+$0x1130];
	v44 =	vmul.f32 v24, v24;
	v19 =	vshra.s32 v21, $0x1;
	v39 =	vmul.f32 $5.000000000e-01, v21  }
0x70: {  	v13 =	vadd.f32 v13, v17;
	v27 =	vld [tilespmem:s24+$0x1170];
	v20 =	vadd.f32 v45, v20;
	v46 =	vsub.s32 $0x5F3759DF, v19  }
0x71: {  	v17 =	vld [tilespmem:s25+$0x1160];
	v19 =	vadd.f32 v32, v29;
	v54 =	vadd.f32 v44, v34;
	v29 =	vmul.f32 v46, v39  }
0x72: {  	v26 =	vmul.f32 $5.000000000e-01, v26;
	v60 =	vmul.f32 $5.000000000e-01, v31;
	v21 =	vld [tilespmem:s25+$0x160]  }
0x73: {  	v53 =	vld [tilespmem:s28+$0x1100];
	v56 =	vmul.f32 v13, v13;
	v14 =	vadd.f32 v14, v20;
	(xrf2) =	vadd.scan.msk.f32 $0xffff, v54;
	v29 =	vmul.f32 v46, v29  }
0x74: {  	v45 =	vmul.f32 $5.000000000e-01, v57;
	v48 =	vmul.f32 v19, v19  }
0x75: {  	v50 =	vmul.f32 $5.000000000e-01, v27;
	v27 =	vld [tilespmem:s28+$0x1140];
	v14 =	vadd.f32 v56, v14;
	v29 =	vsub.f32 $1.500000000e+00, v29  }
0x76: {  	v20 =	vmul.f32 v11, v11;
	v17 =	vmul.f32 $5.000000000e-01, v17  }
0x77: {  	v58 =	vld [tilespmem:s28+$0x1150];
	v21 =	vmul.f32 $5.000000000e-01, v21;
	v48 =	vadd.f32 v48, v14;
	v29 =	vmul.f32 v46, v29  }
0x78: {  	v55 =	vld [tilespmem:s28+$0x100];
	v32 =	vmul.f32 $5.000000000e-01, v47;
	v44 =	vmul.f32 $5.000000000e-01, v53;
	v14 =	vadd.f32 v22, v37  }
0x79: {  	v37 =	vld [tilespmem:s28+$0x1110];
	v17 =	vadd.f32 v17, v21;
	v20 =	vadd.f32 v20, v48;
	v22 =	vmul.f32 v29, v39  }
0x7a: {  	v21 =	vadd.f32 v43, v36;
	v36 =	vmul.f32 v14, v14;
	v48 =	vld [tilespmem:s28+$0x110];
	v31 =	vmul.f32 $5.000000000e-01, v27  }
0x7b: {  	v46 =	vld [tilespmem:s28+$0x130];
	[tilespmem:s26+$0x2160] =	vst v35;
	v27 =	vadd.f32 v60, v33;
	v34 =	vmul.f32 v17, v17;
	v22 =	vmul.f32 v22, v29  }
0x7c: {  	[tilespmem:s26+$0x2110] =	vst v15;
	v54 =	vadd.f32 v30, v20;
	v20 =	vadd.f32 v41, v38;
	v41 =	vmul.f32 $5.000000000e-01, v58  }
0x7d: {  	[tilespmem:s26+$0x2150] =	vst v28;
	v57 =	vmul.f32 v21, v21;
	v60 =	vmul.f32 v27, v27;
	v30, _, _ =	vpop (xrf2);
	v22 =	vsub.f32 $1.500000000e+00, v22  }
0x7e: {  	[tilespmem:s26+$0x2130] =	vst v12;
	v62 =	vmul.f32 v20, v20;
	v61 =	vbroadcast v30, $0xF  }
0x7f: {  	v26 =	vadd.f32 v45, v26;
	v56 =	vld [tilespmem:s25+$0x1170];
	[tilespmem:s26+$0x2120] =	vst v23;
	v43 =	vmul.f32 $5.000000000e-01, v48;
	v47 =	vmul.f32 v22, v29  }
0x80: {  	[tilespmem:s26+$0x2140] =	vst v18;
	v30 =	vadd.f32 v50, v40;
	v40 =	vadd.f32 v60, v62;
	v59 =	vshra.s32 v61, $0x1  }
0x81: {  	[tilespmem:s26+$0x2100] =	vst v8;
	v33 =	vmul.f32 $5.000000000e-01, v61;
	v29 =	vadd.f32 v42, v52;
	v39 =	vmul.f32 v47, v39  }
0x82: {  	v60 =	vld [tilespmem:s28+$0x160];
	v42 =	vmul.f32 v26, v26;
	v36 =	vadd.f32 v36, v40;
	v50 =	vsub.s32 $0x5F3759DF, v59  }
0x83: {  	v22 =	vadd.f32 v49, v63;
	v49 =	vld [tilespmem:s28+$0x1160];
	v61 =	vmul.f32 v50, v33;
	v39 =	vmul.f32 v39, v47  }
0x84: {  	v38 =	vmul.f32 $5.000000000e-01, v46;
	v63 =	vmul.f32 v29, v29;
	v36 =	vadd.f32 v42, v36  }
0x85: {  	v62 =	vmul.f32 v50, v61;
	v61 =	vmul.f32 v30, v30;
	v39 =	vsub.f32 $1.500000000e+00, v39  }
0x86: {  	v45 =	vld [tilespmem:s28+$0x170];
	v40 =	vmul.f32 $5.000000000e-01, v56;
	v42 =	vmul.f32 $5.000000000e-01, v55;
	v63 =	vadd.f32 v63, v36  }
0x87: {  	v58 =	vsub.f32 $1.500000000e+00, v62;
	v62 =	vadd.f32 v61, v54;
	v46 =	vmul.f32 v39, v47  }
0x88: {  	v48 =	vmul.f32 $5.000000000e-01, v60;
	v36 =	vadd.f32 v41, v51;
	v51 =	vld [tilespmem:s28+$0x140];
	v47 =	vmul.f32 $5.000000000e-01, v49  }
0x89: {  	s29 =	simm.s32 $0xA00;
	v39 =	vmul.f32 v50, v58;
	(xrf2) =	vadd.scan.msk.f32 $0xffff, v62;
	v49 =	vld [tilespmem:s28+$0x1130];
	v50 =	vadd.f32 v57, v63;
	v52 =	vmul.f32 v46, v35  }
.LBB2_2:
0x8a: {  	v41 =	vmov v36  }
0x8b: {  	s30 =	sshra.s32 s29, $0x2;
	p0 =	sne.s32 s29, $0x3E00;
	s29 =	sadd.s32 $0x200, s29;
	v36 =	vmul.f32 $5.000000000e-01, v45;
	v45 =	vmul.f32 v39, v33;
	v35 =	vmov v17  }
0x8c: {  	v23 =	vmul.f32 v46, v23;
	v17 =	vadd.f32 v47, v48;
	v47 =	vmul.f32 v46, v15;
	v53 =	vld [tilespmem:s30+$0x1120];
	[tilespmem:s26+$0x2160] =	vst v52  }
0x8d: {  	v50 =	vadd.f32 v34, v50;
	v15 =	vmovc v9;
	v9 =	vmovc v16;
	v51 =	vmul.f32 $5.000000000e-01, v51;
	v52 =	vmul.f32 v46, v25;
	v48 =	vld [tilespmem:s30+$0x1140]  }
0x8e: {  	v28 =	vmul.f32 v46, v28;
	v16 =	vmovc v27;
	v25 =	vmov v24;
	v34 =	vmul.f32 v17, v17;
	v54 =	vld [tilespmem:s30+$0x150];
	[tilespmem:s26+$0x2110] =	vst v47  }
0x8f: {  	v24 =	vmovc v30;
	v47 =	vmul.f32 $5.000000000e-01, v49;
	v49 =	vmul.f32 v46, v18;
	v18 =	vmovc v10;
	v10 =	vmov v19;
	v27 =	vld [tilespmem:s30+$0x1150];
	[tilespmem:s26+$0x2170] =	vst v52  }
0x90: {  	v55 =	vmul.f32 v22, v22;
	v56 =	vmul.f32 v46, v12;
	v12 =	vmovc v1;
	v1 =	vmov v13;
	v52 =	vld [tilespmem:s30+$0x130];
	[tilespmem:s26+$0x2150] =	vst v28  }
0x91: {  	v30 =	vmul.f32 $5.000000000e-01, v37;
	v46 =	vmul.f32 v46, v8;
	v8 =	vmovc v0;
	v0 =	vmovc v7;
	v7 =	vmov v20;
	v28 =	vld [tilespmem:s30+$0x120];
	[tilespmem:s26+$0x2120] =	vst v23  }
0x92: {  	v13 =	vmovc v26;
	v45 =	vmul.f32 v45, v39;
	v19 =	vmovc v29;
	v53 =	vmul.f32 $5.000000000e-01, v53;
	v23 =	vmov v3;
	v57 =	vld [tilespmem:s30+$0x1100];
	[tilespmem:s26+$0x2140] =	vst v49  }
0x93: {  	v20 =	vadd.f32 v44, v42;
	v48 =	vmul.f32 $5.000000000e-01, v48;
	v37 =	vld [tilespmem:s30+$0x1110];
	v49 =	vmul.f32 $5.000000000e-01, v54;
	v3, _, _ =	vpop (xrf2);
	[tilespmem:s26+$0x2100] =	vst v46  }
0x94: {  	v46 =	vld [tilespmem:s30+$0x110];
	v42 =	vmul.f32 $5.000000000e-01, v27;
	v27 =	vadd.f32 v30, v43;
	v30 =	vadd.f32 v40, v32;
	[tilespmem:s26+$0x2130] =	vst v56;
	v32 =	vmovc v36;
	s26 =	smov.u32 s23;
	s23 =	smov.u32 s24;
	s24 =	smov.u32 s25  }
0x95: {  	v29 =	vmul.f32 v20, v20;
	v26 =	vadd.f32 v47, v38;
	v36 =	vbroadcast v3, $0xF;
	v3 =	vmovc v4;
	s25 =	smov.u32 s28;
	s28 =	smov.u32 s30;
	v43 =	vld [tilespmem:s30+$0x100];
	[tilespmem:s26+$0x2160] =	vst v2  }
0x96: {  	v45 =	vsub.f32 $1.500000000e+00, v45;
	v4 =	vmovc v14;
	v14 =	vmovc v22;
	v40 =	vmul.f32 $5.000000000e-01, v28;
	v44 =	vmul.f32 v27, v27;
	[tilespmem:s26+$0x2110] =	vst v15  }
0x97: {  	v38 =	vmul.f32 $5.000000000e-01, v52;
	v22 =	vshra.s32 v36, $0x1;
	v36 =	vmul.f32 $5.000000000e-01, v36;
	v28 =	vmovc v5;
	[tilespmem:s26+$0x2150] =	vst v5;
	v5 =	vmovc v11  }
0x98: {  	v39 =	vmul.f32 v45, v39;
	v47 =	vmul.f32 v26, v26;
	v52 =	vsub.s32 $0x5F3759DF, v22;
	v11 =	vmovc v21;
	[tilespmem:s26+$0x2130] =	vst v12  }
0x99: {  	v56 =	vadd.f32 v44, v29;
	v29 =	vadd.f32 v31, v51;
	v45 =	vmul.f32 v52, v36;
	v44 =	vld [tilespmem:s25+$0x1170];
	[tilespmem:s26+$0x2120] =	vst v23  }
0x9a: {  	v22 =	vadd.f32 v53, v40;
	v40 =	vmul.f32 v39, v33;
	v31 =	vmovc v48;
	v33 =	vmov v36;
	[tilespmem:s26+$0x2140] =	vst v18  }
0x9b: {  	v48 =	vadd.f32 v55, v56;
	v53 =	vmul.f32 v29, v29;
	v45 =	vmul.f32 v52, v45;
	[tilespmem:s26+$0x2100] =	vst v8  }
0x9c: {  	v21 =	vmov v41;
	v36 =	vadd.f32 v42, v49;
	v51 =	vmul.f32 v40, v39;
	v54 =	vld [tilespmem:s28+$0x1160]  }
0x9d: {  	v41 =	vmul.f32 v41, v21;
	v49 =	vmul.f32 v30, v30;
	v56 =	vsub.f32 $1.500000000e+00, v45;
	v55 =	vld [tilespmem:s28+$0x160]  }
.Ltmp0:
0x9e: {  	v47 =	vadd.f32 v47, v48;
	v48 =	vsub.f32 $1.500000000e+00, v51;
	v45 =	vld [tilespmem:s28+$0x170];
	v40 =	vmul.f32 $5.000000000e-01, v44;
	(pc) =	sbr.rel @p0 .LBB2_2-.Ltmp0, $4  }
0x9f: {  	v42 =	vmul.f32 $5.000000000e-01, v43;
	v49 =	vadd.f32 v49, v50;
	v44 =	vmul.f32 $5.000000000e-01, v57  }
0xa0: {  	v43 =	vmul.f32 $5.000000000e-01, v46;
	v50 =	vadd.f32 v53, v47;
	v46 =	vmul.f32 v48, v39;
	v51 =	vld [tilespmem:s28+$0x140]  }
0xa1: {  	v39 =	vmul.f32 v52, v56;
	v47 =	vmul.f32 $5.000000000e-01, v54;
	(xrf2) =	vadd.scan.msk.f32 $0xffff, v49  }
0xa2: {  	v50 =	vadd.f32 v41, v50;
	v52 =	vmul.f32 v46, v2;
	v2 =	vmovc v6;
	v6 =	vmovc v35;
	v49 =	vld [tilespmem:s28+$0x1130];
	v48 =	vmul.f32 $5.000000000e-01, v55  }
0xa3: {  	_ =	sdelay $0x1  }
0xa4: {  	v35 =	vmul.f32 v39, v33;
	v15 =	vmul.f32 v46, v15  }
0xa5: {  	v23 =	vmul.f32 v46, v23;
	v25 =	vmul.f32 v46, v25;
	[tilespmem:s26+$0x2160] =	vst v52  }
0xa6: {  	v18 =	vmul.f32 v46, v18;
	v63 =	vmul.f32 v46, v12;
	[tilespmem:s26+$0x2110] =	vst v15  }
0xa7: {  	v41 =	vmul.f32 $5.000000000e-01, v51;
	v15 =	vmul.f32 v46, v28;
	[tilespmem:s26+$0x2170] =	vst v25  }
0xa8: {  	[tilespmem:s26+$0x2120] =	vst v23;
	v23 =	vadd.f32 v40, v32;
	v51 =	vmul.f32 v35, v39;
	v28 =	vmul.f32 $5.000000000e-01, v49  }
0xa9: {  	[tilespmem:s26+$0x2150] =	vst v15;
	v15 =	vmul.f32 $5.000000000e-01, v37;
	v49 =	vmul.f32 v46, v8  }
0xaa: {  	[tilespmem:s26+$0x2140] =	vst v18;
	v8 =	vadd.f32 v44, v42;
	v52 =	vmul.f32 v23, v23;
	v32 =	vsub.f32 $1.500000000e+00, v51;
	v18, _, _ =	vpop (xrf2)  }
0xab: {  	[tilespmem:s26+$0x2130] =	vst v63;
	v12 =	vadd.f32 v15, v43;
	v15 =	vadd.f32 v34, v50;
	v18 =	vbroadcast v18, $0xF  }
0xac: {  	[tilespmem:s26+$0x2100] =	vst v49;
	v53 =	vmul.f32 v8, v8;
	v32 =	vmul.f32 v32, v39  }
0xad: {  	[tilespmem:s23+$0x2160] =	vst v2;
	v55 =	vshra.s32 v18, $0x1;
	v56 =	vmul.f32 $5.000000000e-01, v18;
	v18 =	vadd.f32 v52, v15  }
0xae: {  	[tilespmem:s23+$0x2110] =	vst v9;
	v54 =	vmul.f32 v12, v12;
	v15 =	vadd.f32 v28, v38;
	v28 =	vsub.s32 $0x5F3759DF, v55  }
0xaf: {  	[tilespmem:s23+$0x2150] =	vst v5;
	v60 =	vmul.f32 v32, v33;
	v58 =	vmul.f32 v28, v56;
	(xrf2) =	vadd.scan.msk.f32 $0xffff, v18  }
0xb0: {  	v25 =	vmul.f32 v22, v22;
	[tilespmem:s23+$0x2130] =	vst v1;
	v57 =	vadd.f32 v54, v53  }
0xb1: {  	v33 =	vmul.f32 v60, v32;
	v18 =	vadd.f32 v31, v41;
	v31 =	vld [tilespmem:s28+$0x1170];
	v61 =	vmul.f32 v28, v58  }
0xb2: {  	v63 =	vmul.f32 $5.000000000e-01, v45;
	v25 =	vadd.f32 v25, v57;
	v59 =	vmul.f32 v15, v15  }
0xb3: {  	v44 =	vmul.f32 v36, v36;
	v33 =	vsub.f32 $1.500000000e+00, v33;
	v34 =	vsub.f32 $1.500000000e+00, v61  }
0xb4: {  	v43 =	vadd.f32 v47, v48;
	v62 =	vmul.f32 v18, v18;
	v25 =	vadd.f32 v59, v25  }
0xb5: {  	v32 =	vmul.f32 v33, v32;
	v28 =	vmul.f32 v28, v34  }
0xb6: {  	v45 =	vmul.f32 v43, v43;
	v25 =	vadd.f32 v62, v25;
	v31 =	vmul.f32 $5.000000000e-01, v31  }
0xb7: {  	[tilespmem:s23+$0x2120] =	vst v3;
	v2 =	vmul.f32 v32, v2;
	v34 =	vmul.f32 v28, v56  }
0xb8: {  	[tilespmem:s23+$0x2140] =	vst v10;
	v9 =	vmul.f32 v32, v9;
	v25 =	vadd.f32 v44, v25;
	v31 =	vadd.f32 v31, v63  }
0xb9: {  	[tilespmem:s23+$0x2100] =	vst v0;
	v24 =	vmul.f32 v32, v24;
	v34 =	vmul.f32 v34, v28;
	v46, _, _ =	vpop (xrf2)  }
0xba: {  	[tilespmem:s23+$0x2160] =	vst v2;
	v2 =	vadd.f32 v45, v25;
	v47 =	vmul.f32 v31, v31;
	v25 =	vbroadcast v46, $0xF  }
0xbb: {  	v3 =	vmul.f32 v32, v3;
	v5 =	vmul.f32 v32, v5;
	[tilespmem:s23+$0x2110] =	vst v9;
	v9 =	vsub.f32 $1.500000000e+00, v34  }
0xbc: {  	[tilespmem:s23+$0x2170] =	vst v24;
	v2 =	vadd.f32 v47, v2;
	v24 =	vshra.s32 v25, $0x1;
	v25 =	vmul.f32 $5.000000000e-01, v25  }
0xbd: {  	v10 =	vmul.f32 v32, v10;
	[tilespmem:s23+$0x2150] =	vst v5;
	v5 =	vsub.s32 $0x5F3759DF, v24;
	v9 =	vmul.f32 v9, v28  }
0xbe: {  	v0 =	vmul.f32 v32, v0;
	[tilespmem:s23+$0x2120] =	vst v3;
	(xrf2) =	vadd.scan.msk.f32 $0xffff, v2;
	v3 =	vmul.f32 v5, v25  }
0xbf: {  	v1 =	vmul.f32 v32, v1;
	[tilespmem:s23+$0x2140] =	vst v10;
	v2 =	vmul.f32 v9, v56  }
0xc0: {  	[tilespmem:s23+$0x2100] =	vst v0;
	v0 =	vmul.f32 v5, v3  }
0xc1: {  	[tilespmem:s23+$0x2130] =	vst v1;
	v1 =	vmul.f32 v2, v9  }
0xc2: {  	[tilespmem:s24+$0x2160] =	vst v6;
	v0 =	vsub.f32 $1.500000000e+00, v0  }
0xc3: {  	[tilespmem:s24+$0x2110] =	vst v16;
	v1 =	vsub.f32 $1.500000000e+00, v1  }
0xc4: {  	[tilespmem:s24+$0x2150] =	vst v11;
	v0 =	vmul.f32 v5, v0  }
0xc5: {  	[tilespmem:s24+$0x2130] =	vst v13;
	v1 =	vmul.f32 v1, v9  }
0xc6: {  	[tilespmem:s24+$0x2120] =	vst v4;
	v2 =	vmul.f32 v0, v25  }
0xc7: {  	[tilespmem:s24+$0x2140] =	vst v19;
	v3 =	vmul.f32 v1, v6  }
0xc8: {  	[tilespmem:s24+$0x2100] =	vst v7;
	v5 =	vmul.f32 v1, v16;
	v6, _, _ =	vpop (xrf2);
	v2 =	vmul.f32 v2, v0  }
0xc9: {  	v6 =	vbroadcast v6, $0xF;
	[tilespmem:s24+$0x2160] =	vst v3;
	v3 =	vmul.f32 v1, v30  }
0xca: {  	v4 =	vmul.f32 v1, v4;
	[tilespmem:s24+$0x2110] =	vst v5;
	v2 =	vsub.f32 $1.500000000e+00, v2  }
0xcb: {  	v9 =	vmul.f32 v1, v19;
	[tilespmem:s24+$0x2170] =	vst v3;
	v3 =	vshra.s32 v6, $0x1;
	v6 =	vmul.f32 $5.000000000e-01, v6  }
0xcc: {  	v5 =	vmul.f32 v1, v11;
	[tilespmem:s24+$0x2120] =	vst v4;
	v3 =	vsub.s32 $0x5F3759DF, v3;
	v0 =	vmul.f32 v2, v0  }
0xcd: {  	[tilespmem:s24+$0x2140] =	vst v9;
	v2 =	vmul.f32 v1, v7;
	v4 =	vmul.f32 v3, v6  }
0xce: {  	[tilespmem:s24+$0x2150] =	vst v5;
	v1 =	vmul.f32 v1, v13;
	v5 =	vmul.f32 v0, v25  }
0xcf: {  	[tilespmem:s24+$0x2100] =	vst v2;
	v2 =	vmul.f32 v3, v4  }
0xd0: {  	[tilespmem:s24+$0x2130] =	vst v1;
	v1 =	vmul.f32 v5, v0  }
0xd1: {  	[tilespmem:s25+$0x2160] =	vst v17;
	v2 =	vsub.f32 $1.500000000e+00, v2  }
0xd2: {  	[tilespmem:s25+$0x2110] =	vst v27;
	v1 =	vsub.f32 $1.500000000e+00, v1  }
0xd3: {  	[tilespmem:s25+$0x2150] =	vst v21;
	v2 =	vmul.f32 v3, v2  }
0xd4: {  	[tilespmem:s25+$0x2130] =	vst v26;
	v0 =	vmul.f32 v1, v0  }
0xd5: {  	[tilespmem:s25+$0x2120] =	vst v14;
	v1 =	vmul.f32 v2, v6  }
0xd6: {  	[tilespmem:s25+$0x2140] =	vst v29;
	v3 =	vmul.f32 v0, v17  }
0xd7: {  	[tilespmem:s25+$0x2100] =	vst v20;
	v4 =	vmul.f32 v0, v27;
	v1 =	vmul.f32 v1, v2  }
0xd8: {  	v5 =	vmul.f32 v0, v14;
	[tilespmem:s25+$0x2160] =	vst v3  }
0xd9: {  	v3 =	vmul.f32 v0, v23;
	[tilespmem:s25+$0x2110] =	vst v4;
	v1 =	vsub.f32 $1.500000000e+00, v1  }
0xda: {  	v4 =	vmul.f32 v0, v21;
	[tilespmem:s25+$0x2120] =	vst v5  }
0xdb: {  	[tilespmem:s25+$0x2170] =	vst v3;
	v3 =	vmul.f32 v0, v29;
	v1 =	vmul.f32 v1, v2  }
0xdc: {  	[tilespmem:s25+$0x2150] =	vst v4;
	v2 =	vmul.f32 v0, v20  }
0xdd: {  	v0 =	vmul.f32 v0, v26;
	[tilespmem:s25+$0x2140] =	vst v3;
	v3 =	vmul.f32 v1, v6  }
0xde: {  	[tilespmem:s25+$0x2100] =	vst v2  }
0xdf: {  	[tilespmem:s25+$0x2130] =	vst v0;
	v0 =	vmul.f32 v3, v1  }
0xe0: {  	[tilespmem:s28+$0x2160] =	vst v43  }
0xe1: {  	[tilespmem:s28+$0x2110] =	vst v12;
	v0 =	vsub.f32 $1.500000000e+00, v0  }
0xe2: {  	[tilespmem:s28+$0x2150] =	vst v36  }
0xe3: {  	[tilespmem:s28+$0x2130] =	vst v15;
	v0 =	vmul.f32 v0, v1  }
0xe4: {  	[tilespmem:s28+$0x2120] =	vst v22  }
0xe5: {  	[tilespmem:s28+$0x2140] =	vst v18;
	v1 =	vmul.f32 v0, v43  }
0xe6: {  	[tilespmem:s28+$0x2100] =	vst v8;
	v2 =	vmul.f32 v0, v12  }
0xe7: {  	v3 =	vmul.f32 v0, v22;
	[tilespmem:s28+$0x2160] =	vst v1  }
0xe8: {  	v1 =	vmul.f32 v0, v31;
	[tilespmem:s28+$0x2110] =	vst v2  }
0xe9: {  	v2 =	vmul.f32 v0, v36;
	[tilespmem:s28+$0x2120] =	vst v3  }
0xea: {  	[tilespmem:s28+$0x2170] =	vst v1;
	v1 =	vmul.f32 v0, v18  }
0xeb: {  	[tilespmem:s28+$0x2150] =	vst v2;
	v2 =	vmul.f32 v0, v8  }
0xec: {  	v0 =	vmul.f32 v0, v15;
	[tilespmem:s28+$0x2140] =	vst v1  }
0xed: {  	[tilespmem:s28+$0x2100] =	vst v2  }
0xee: {  	s26 =	simm.s32 $0x0;
	[tilespmem:s28+$0x2130] =	vst v0  }
0xef: {  	v0 =	vld [tilespmem:s26+$0x4120]  }
0xf0: {  	v1 =	vld [tilespmem:s26+$0x4140]  }
0xf1: {  	v2 =	vld [tilespmem:s26+$0x3150]  }
0xf2: {  	v3 =	vld [tilespmem:s26+$0x4150]  }
0xf3: {  	v4 =	vld [tilespmem:s26+$0x3130]  }
0xf4: {  	v5 =	vld [tilespmem:s26+$0x3120]  }
0xf5: {  	v6 =	vld [tilespmem:s26+$0x4100]  }
0xf6: {  	v7 =	vld [tilespmem:s26+$0x4110]  }
0xf7: {  	v8 =	vld [tilespmem:s26+$0x3110]  }
0xf8: {  	v9 =	vld [tilespmem:s26+$0x3100]  }
0xf9: {  	v10 =	vld [tilespmem:s26+$0x4160]  }
0xfa: {  	v11 =	vld [tilespmem:s26+$0x3160]  }
0xfb: {  	v12 =	vld [tilespmem:s26+$0x3170]  }
0xfc: {  	v13 =	vld [tilespmem:s26+$0x3140]  }
0xfd: {  	s23 =	simm.s32 $0x80;
	v14 =	vld [tilespmem:s26+$0x4130]  }
0xfe: {  	v16 =	vld [tilespmem:s23+$0x4120]  }
0xff: {  	v17 =	vld [tilespmem:s23+$0x4140]  }
0x100: {  	v18 =	vld [tilespmem:s23+$0x3150]  }
0x101: {  	v19 =	vld [tilespmem:s23+$0x4150]  }
0x102: {  	v20 =	vld [tilespmem:s23+$0x3130]  }
0x103: {  	v21 =	vld [tilespmem:s23+$0x3120]  }
0x104: {  	v22 =	vld [tilespmem:s23+$0x4100]  }
0x105: {  	s24 =	simm.s32 $0x100;
	v26 =	vld [tilespmem:s23+$0x3100];
	v0 =	vmul.f32 $5.000000000e-01, v0  }
0x106: {  	v48 =	vld [tilespmem:s24+$0x4140];
	v1 =	vmul.f32 $5.000000000e-01, v1;
	v2 =	vmul.f32 $5.000000000e-01, v2  }
0x107: {  	s25 =	simm.s32 $0x180;
	v52 =	vld [tilespmem:s24+$0x3170];
	v3 =	vmul.f32 $5.000000000e-01, v3;
	v5 =	vmul.f32 $5.000000000e-01, v5  }
0x108: {  	v53 =	vld [tilespmem:s25+$0x4140];
	v9 =	vmul.f32 $5.000000000e-01, v9;
	v6 =	vmul.f32 $5.000000000e-01, v6  }
0x109: {  	v54 =	vld [tilespmem:s25+$0x3150];
	v10 =	vmul.f32 $5.000000000e-01, v10;
	v11 =	vmul.f32 $5.000000000e-01, v11  }
0x10a: {  	v56 =	vld [tilespmem:s25+$0x3120];
	v15 =	vmul.f32 $5.000000000e-01, v8;
	v7 =	vmul.f32 $5.000000000e-01, v7  }
0x10b: {  	v58 =	vld [tilespmem:s25+$0x3100];
	v4 =	vmul.f32 $5.000000000e-01, v4;
	v29 =	vmul.f32 $5.000000000e-01, v12  }
0x10c: {  	v57 =	vld [tilespmem:s25+$0x4100];
	v16 =	vmul.f32 $5.000000000e-01, v16;
	v17 =	vmul.f32 $5.000000000e-01, v17  }
0x10d: {  	v24 =	vld [tilespmem:s23+$0x4110];
	v19 =	vmul.f32 $5.000000000e-01, v19;
	v26 =	vmul.f32 $5.000000000e-01, v26  }
0x10e: {  	v33 =	vld [tilespmem:s25+$0x3110];
	v32 =	vmul.f32 $5.000000000e-01, v48;
	v40 =	vmul.f32 $5.000000000e-01, v52  }
0x10f: {  	v60 =	vld [tilespmem:s25+$0x4130];
	v42 =	vmul.f32 $5.000000000e-01, v53;
	v36 =	vmul.f32 $5.000000000e-01, v54  }
0x110: {  	v25 =	vld [tilespmem:s23+$0x3110];
	v37 =	vmul.f32 $5.000000000e-01, v56;
	v38 =	vmul.f32 $5.000000000e-01, v58;
	v35 =	vadd.f32 v10, v11  }
0x111: {  	v27 =	vld [tilespmem:s26+$0x4170];
	v41 =	vmul.f32 $5.000000000e-01, v57;
	v8 =	vadd.f32 v6, v9;
	v15 =	vadd.f32 v7, v15  }
0x112: {  	v31 =	vld [tilespmem:s23+$0x4130];
	v11 =	vmul.f32 $5.000000000e-01, v13;
	v23 =	vadd.f32 v0, v5;
	v0 =	vmul.f32 $5.000000000e-01, v14  }
0x113: {  	v49 =	vld [tilespmem:s24+$0x4110];
	v9 =	vmul.f32 v8, v8;
	v13 =	vmul.f32 v15, v15  }
0x114: {  	v33 =	vmul.f32 $5.000000000e-01, v33;
	v45 =	vmul.f32 $5.000000000e-01, v60;
	v10 =	vld [tilespmem:s23+$0x4160]  }
0x115: {  	v6 =	vld [tilespmem:s23+$0x3160];
	v30 =	vmul.f32 v23, v23;
	v12 =	vadd.f32 v0, v4;
	v0 =	vadd.f32 v13, v9  }
0x116: {  	s28 =	simm.s32 $0x200;
	v51 =	vld [tilespmem:s24+$0x3160];
	v28 =	vadd.f32 v3, v2;
	v3 =	vmul.f32 $5.000000000e-01, v21;
	v13 =	vmul.f32 $5.000000000e-01, v18  }
0x117: {  	v62 =	vld [tilespmem:s28+$0x4120];
	v2 =	vmul.f32 v12, v12;
	v18 =	vadd.f32 v1, v11;
	v0 =	vadd.f32 v30, v0  }
0x118: {  	v7 =	vld [tilespmem:s23+$0x3170];
	v5 =	vmul.f32 v35, v35;
	v21 =	vmul.f32 v28, v28;
	v3 =	vadd.f32 v16, v3  }
0x119: {  	v14 =	vld [tilespmem:s23+$0x3140];
	v16 =	vmul.f32 $5.000000000e-01, v27;
	v9 =	vmul.f32 v18, v18;
	v0 =	vadd.f32 v2, v0  }
0x11a: {  	v4 =	vld [tilespmem:s24+$0x4120];
	v6 =	vmul.f32 $5.000000000e-01, v6;
	v2 =	vmul.f32 $5.000000000e-01, v10  }
0x11b: {  	v27 =	vld [tilespmem:s24+$0x4100];
	v11 =	vmul.f32 $5.000000000e-01, v20;
	v0 =	vadd.f32 v9, v0;
	v9 =	vmul.f32 $5.000000000e-01, v22  }
0x11c: {  	v1 =	vld [tilespmem:s24+$0x3150];
	v22 =	vmul.f32 $5.000000000e-01, v25;
	v2 =	vadd.f32 v2, v6;
	v25 =	vadd.f32 v16, v29  }
0x11d: {  	v20 =	vld [tilespmem:s24+$0x4150];
	v6 =	vadd.f32 v21, v0;
	v21 =	vmul.f32 $5.000000000e-01, v7;
	v7 =	vmul.f32 $5.000000000e-01, v24  }
0x11e: {  	v14 =	vmul.f32 $5.000000000e-01, v14;
	v10 =	vld [tilespmem:s24+$0x3120];
	v29 =	vmul.f32 $5.000000000e-01, v31;
	v0 =	vadd.f32 v9, v26  }
0x11f: {  	v16 =	vld [tilespmem:s24+$0x3100];
	v31 =	vmul.f32 v25, v25;
	v9 =	vadd.f32 v7, v22;
	v6 =	vadd.f32 v5, v6  }
0x120: {  	v4 =	vmul.f32 $5.000000000e-01, v4;
	v27 =	vmul.f32 $5.000000000e-01, v27;
	v7 =	vld [tilespmem:s23+$0x4170];
	v5 =	vadd.f32 v19, v13  }
0x121: {  	v30 =	vld [tilespmem:s24+$0x3130];
	v13 =	vmul.f32 v0, v0;
	v19 =	vmul.f32 v9, v9;
	v6 =	vadd.f32 v31, v6  }
0x122: {  	v50 =	vmul.f32 v2, v2;
	v26 =	vld [tilespmem:s24+$0x4160];
	v31 =	vmul.f32 $5.000000000e-01, v1;
	v1 =	vadd.f32 v29, v11  }
0x123: {  	v24 =	vld [tilespmem:s24+$0x3110];
	v22 =	vmul.f32 v3, v3;
	v11 =	vadd.f32 v19, v13;
	v19 =	vmul.f32 $5.000000000e-01, v20;
	(xrf2) =	vadd.scan.msk.f32 $0xffff, v6  }
0x124: {  	v57 =	vld [tilespmem:s28+$0x3150];
	v20 =	vmul.f32 $5.000000000e-01, v10;
	v10 =	vadd.f32 v17, v14;
	v6 =	vmul.f32 v1, v1  }
0x125: {  	v55 =	vmul.f32 $5.000000000e-01, v7;
	v7 =	vmul.f32 $5.000000000e-01, v16;
	v16 =	vld [tilespmem:s25+$0x4150];
	v11 =	vadd.f32 v22, v11  }
0x126: {  	v17 =	vmul.f32 $5.000000000e-01, v30;
	v22 =	vld [tilespmem:s25+$0x4120];
	v29 =	vmul.f32 v10, v10  }
0x127: {  	v13 =	vld [tilespmem:s24+$0x3140];
	v6 =	vadd.f32 v6, v11;
	v11 =	vmul.f32 $5.000000000e-01, v26;
	v26 =	vmul.f32 $5.000000000e-01, v51  }
0x128: {  	v14 =	vld [tilespmem:s24+$0x4130];
	v30 =	vmul.f32 v5, v5;
	v4 =	vadd.f32 v4, v20;
	v20 =	vmul.f32 $5.000000000e-01, v24  }
0x129: {  	v51 =	vmul.f32 $5.000000000e-01, v57;
	v29 =	vadd.f32 v29, v6;
	v6 =	vadd.f32 v11, v26  }
0x12a: {  	v11 =	vadd.f32 v19, v31;
	v19 =	vmul.f32 $5.000000000e-01, v49;
	v43 =	vmul.f32 $5.000000000e-01, v16  }
0x12b: {  	v7 =	vadd.f32 v27, v7;
	v49 =	vmul.f32 $5.000000000e-01, v62;
	v22 =	vmul.f32 $5.000000000e-01, v22  }
0x12c: {  	v24 =	vadd.f32 v30, v29;
	v29 =	vmul.f32 $5.000000000e-01, v13;
	v30 =	vmul.f32 v6, v6  }
0x12d: {  	v26 =	vld [tilespmem:s25+$0x3130];
	v13 =	vmul.f32 $5.000000000e-01, v14;
	v14 =	vmul.f32 v4, v4;
	v16 =	vadd.f32 v19, v20;
	v27, _, _ =	vpop (xrf2)  }
0x12e: {  	v31 =	vld [tilespmem:s25+$0x4110];
	v34 =	vadd.f32 v50, v24;
	v24 =	vadd.f32 v55, v21;
	v21 =	vbroadcast v27, $0xF  }
0x12f: {  	v54 =	vld [tilespmem:s25+$0x3170];
	v20 =	vmul.f32 v7, v7;
	v53 =	vmul.f32 v16, v16  }
0x130: {  	v56 =	vld [tilespmem:s25+$0x3140];
	v52 =	vmul.f32 v24, v24;
	v19 =	vshra.s32 v21, $0x1;
	v39 =	vmul.f32 $5.000000000e-01, v21  }
0x131: {  	v13 =	vadd.f32 v13, v17;
	v27 =	vld [tilespmem:s24+$0x4170];
	v20 =	vadd.f32 v53, v20;
	v46 =	vsub.s32 $0x5F3759DF, v19  }
0x132: {  	v17 =	vld [tilespmem:s25+$0x4160];
	v19 =	vadd.f32 v32, v29;
	v55 =	vadd.f32 v52, v34;
	v29 =	vmul.f32 v46, v39  }
0x133: {  	v26 =	vmul.f32 $5.000000000e-01, v26;
	v60 =	vmul.f32 $5.000000000e-01, v31;
	v21 =	vld [tilespmem:s25+$0x3160]  }
0x134: {  	v59 =	vmul.f32 v13, v13;
	v53 =	vld [tilespmem:s28+$0x4100];
	v14 =	vadd.f32 v14, v20;
	(xrf2) =	vadd.scan.msk.f32 $0xffff, v55;
	v29 =	vmul.f32 v46, v29  }
0x135: {  	v20 =	vmul.f32 v11, v11;
	v61 =	vmul.f32 v19, v19  }
0x136: {  	v63 =	vmul.f32 $5.000000000e-01, v27;
	v27 =	vld [tilespmem:s28+$0x4140];
	v14 =	vadd.f32 v59, v14;
	v29 =	vsub.f32 $1.500000000e+00, v29  }
0x137: {  	v58 =	vld [tilespmem:s28+$0x4150];
	v32 =	vmul.f32 $5.000000000e-01, v54;
	v17 =	vmul.f32 $5.000000000e-01, v17  }
0x138: {  	v59 =	vld [tilespmem:s28+$0x3120];
	v21 =	vmul.f32 $5.000000000e-01, v21;
	v48 =	vadd.f32 v61, v14;
	v29 =	vmul.f32 v46, v29  }
0x139: {  	v52 =	vmul.f32 $5.000000000e-01, v56;
	v55 =	vld [tilespmem:s28+$0x3100];
	v44 =	vmul.f32 $5.000000000e-01, v53;
	v14 =	vadd.f32 v22, v37  }
0x13a: {  	v37 =	vld [tilespmem:s28+$0x4110];
	v17 =	vadd.f32 v17, v21;
	v20 =	vadd.f32 v20, v48;
	v22 =	vmul.f32 v29, v39  }
0x13b: {  	v21 =	vadd.f32 v43, v36;
	v36 =	vmul.f32 v14, v14;
	v48 =	vld [tilespmem:s28+$0x3110];
	v31 =	vmul.f32 $5.000000000e-01, v27  }
0x13c: {  	v46 =	vld [tilespmem:s28+$0x3130];
	[tilespmem:s26+$0x5160] =	vst v35;
	v27 =	vadd.f32 v60, v33;
	v34 =	vmul.f32 v17, v17;
	v22 =	vmul.f32 v22, v29  }
0x13d: {  	[tilespmem:s26+$0x5110] =	vst v15;
	v54 =	vadd.f32 v30, v20;
	v20 =	vadd.f32 v41, v38;
	v41 =	vmul.f32 $5.000000000e-01, v58  }
0x13e: {  	[tilespmem:s26+$0x5150] =	vst v28;
	v57 =	vmul.f32 v21, v21;
	v60 =	vmul.f32 v27, v27;
	v30, _, _ =	vpop (xrf2);
	v22 =	vsub.f32 $1.500000000e+00, v22  }
0x13f: {  	v26 =	vadd.f32 v45, v26;
	[tilespmem:s26+$0x5130] =	vst v12;
	v62 =	vmul.f32 v20, v20;
	v61 =	vbroadcast v30, $0xF  }
0x140: {  	v56 =	vld [tilespmem:s25+$0x4170];
	[tilespmem:s26+$0x5120] =	vst v23;
	v43 =	vmul.f32 $5.000000000e-01, v48;
	v30 =	vadd.f32 v63, v40;
	v47 =	vmul.f32 v22, v29  }
0x141: {  	[tilespmem:s26+$0x5140] =	vst v18;
	v63 =	vmul.f32 $5.000000000e-01, v59;
	v40 =	vadd.f32 v60, v62;
	v59 =	vshra.s32 v61, $0x1  }
0x142: {  	[tilespmem:s26+$0x5100] =	vst v8;
	v33 =	vmul.f32 $5.000000000e-01, v61;
	v29 =	vadd.f32 v42, v52;
	v39 =	vmul.f32 v47, v39  }
0x143: {  	v60 =	vld [tilespmem:s28+$0x3160];
	v42 =	vmul.f32 v26, v26;
	v36 =	vadd.f32 v36, v40;
	v50 =	vsub.s32 $0x5F3759DF, v59  }
0x144: {  	v22 =	vadd.f32 v49, v63;
	v49 =	vld [tilespmem:s28+$0x4160];
	v61 =	vmul.f32 v50, v33;
	v39 =	vmul.f32 v39, v47  }
0x145: {  	v38 =	vmul.f32 $5.000000000e-01, v46;
	v63 =	vmul.f32 v29, v29;
	v36 =	vadd.f32 v42, v36  }
0x146: {  	v62 =	vmul.f32 v50, v61;
	v61 =	vmul.f32 v30, v30;
	v39 =	vsub.f32 $1.500000000e+00, v39  }
0x147: {  	v45 =	vld [tilespmem:s28+$0x3170];
	v40 =	vmul.f32 $5.000000000e-01, v56;
	v42 =	vmul.f32 $5.000000000e-01, v55;
	v63 =	vadd.f32 v63, v36  }
0x148: {  	v58 =	vsub.f32 $1.500000000e+00, v62;
	v62 =	vadd.f32 v61, v54;
	v46 =	vmul.f32 v39, v47  }
0x149: {  	v48 =	vmul.f32 $5.000000000e-01, v60;
	v36 =	vadd.f32 v41, v51;
	v51 =	vld [tilespmem:s28+$0x3140];
	v47 =	vmul.f32 $5.000000000e-01, v49  }
0x14a: {  	s29 =	simm.s32 $0xA00;
	v39 =	vmul.f32 v50, v58;
	(xrf2) =	vadd.scan.msk.f32 $0xffff, v62;
	v49 =	vld [tilespmem:s28+$0x4130];
	v50 =	vadd.f32 v57, v63;
	v52 =	vmul.f32 v46, v35  }
.LBB2_4:
0x14b: {  	v41 =	vmov v36  }
0x14c: {  	s30 =	sshra.s32 s29, $0x2;
	p0 =	sne.s32 s29, $0x3E00;
	s29 =	sadd.s32 $0x200, s29;
	v36 =	vmul.f32 $5.000000000e-01, v45;
	v45 =	vmul.f32 v39, v33;
	v35 =	vmov v17  }
0x14d: {  	v23 =	vmul.f32 v46, v23;
	v17 =	vadd.f32 v47, v48;
	v47 =	vmul.f32 v46, v15;
	v53 =	vld [tilespmem:s30+$0x4120];
	[tilespmem:s26+$0x5160] =	vst v52  }
0x14e: {  	v50 =	vadd.f32 v34, v50;
	v15 =	vmovc v9;
	v9 =	vmovc v16;
	v51 =	vmul.f32 $5.000000000e-01, v51;
	v52 =	vmul.f32 v46, v25;
	v48 =	vld [tilespmem:s30+$0x4140]  }
0x14f: {  	v28 =	vmul.f32 v46, v28;
	v16 =	vmovc v27;
	v25 =	vmov v24;
	v34 =	vmul.f32 v17, v17;
	v54 =	vld [tilespmem:s30+$0x3150];
	[tilespmem:s26+$0x5110] =	vst v47  }
0x150: {  	v24 =	vmovc v30;
	v47 =	vmul.f32 $5.000000000e-01, v49;
	v49 =	vmul.f32 v46, v18;
	v18 =	vmovc v10;
	v10 =	vmov v19;
	v27 =	vld [tilespmem:s30+$0x4150];
	[tilespmem:s26+$0x5170] =	vst v52  }
0x151: {  	v55 =	vmul.f32 v22, v22;
	v56 =	vmul.f32 v46, v12;
	v12 =	vmovc v1;
	v1 =	vmov v13;
	v52 =	vld [tilespmem:s30+$0x3130];
	[tilespmem:s26+$0x5150] =	vst v28  }
0x152: {  	v30 =	vmul.f32 $5.000000000e-01, v37;
	v46 =	vmul.f32 v46, v8;
	v8 =	vmovc v0;
	v0 =	vmovc v7;
	v7 =	vmov v20;
	v28 =	vld [tilespmem:s30+$0x3120];
	[tilespmem:s26+$0x5120] =	vst v23  }
0x153: {  	v13 =	vmovc v26;
	v45 =	vmul.f32 v45, v39;
	v19 =	vmovc v29;
	v53 =	vmul.f32 $5.000000000e-01, v53;
	v23 =	vmov v3;
	v57 =	vld [tilespmem:s30+$0x4100];
	[tilespmem:s26+$0x5140] =	vst v49  }
0x154: {  	v20 =	vadd.f32 v44, v42;
	v48 =	vmul.f32 $5.000000000e-01, v48;
	v37 =	vld [tilespmem:s30+$0x4110];
	v49 =	vmul.f32 $5.000000000e-01, v54;
	v3, _, _ =	vpop (xrf2);
	[tilespmem:s26+$0x5100] =	vst v46  }
0x155: {  	v46 =	vld [tilespmem:s30+$0x3110];
	v42 =	vmul.f32 $5.000000000e-01, v27;
	v27 =	vadd.f32 v30, v43;
	v30 =	vadd.f32 v40, v32;
	[tilespmem:s26+$0x5130] =	vst v56;
	v32 =	vmovc v36;
	s26 =	smov.u32 s23;
	s23 =	smov.u32 s24;
	s24 =	smov.u32 s25  }
0x156: {  	v29 =	vmul.f32 v20, v20;
	v26 =	vadd.f32 v47, v38;
	v36 =	vbroadcast v3, $0xF;
	v3 =	vmovc v4;
	s25 =	smov.u32 s28;
	s28 =	smov.u32 s30;
	v43 =	vld [tilespmem:s30+$0x3100];
	[tilespmem:s26+$0x5160] =	vst v2  }
0x157: {  	v45 =	vsub.f32 $1.500000000e+00, v45;
	v4 =	vmovc v14;
	v14 =	vmovc v22;
	v40 =	vmul.f32 $5.000000000e-01, v28;
	v44 =	vmul.f32 v27, v27;
	[tilespmem:s26+$0x5110] =	vst v15  }
0x158: {  	v38 =	vmul.f32 $5.000000000e-01, v52;
	v22 =	vshra.s32 v36, $0x1;
	v36 =	vmul.f32 $5.000000000e-01, v36;
	v28 =	vmovc v5;
	[tilespmem:s26+$0x5150] =	vst v5;
	v5 =	vmovc v11  }
0x159: {  	v39 =	vmul.f32 v45, v39;
	v47 =	vmul.f32 v26, v26;
	v52 =	vsub.s32 $0x5F3759DF, v22;
	v11 =	vmovc v21;
	[tilespmem:s26+$0x5130] =	vst v12  }
0x15a: {  	v56 =	vadd.f32 v44, v29;
	v29 =	vadd.f32 v31, v51;
	v45 =	vmul.f32 v52, v36;
	v44 =	vld [tilespmem:s25+$0x4170];
	[tilespmem:s26+$0x5120] =	vst v23  }
0x15b: {  	v22 =	vadd.f32 v53, v40;
	v40 =	vmul.f32 v39, v33;
	v31 =	vmovc v48;
	v33 =	vmov v36;
	[tilespmem:s26+$0x5140] =	vst v18  }
0x15c: {  	v48 =	vadd.f32 v55, v56;
	v53 =	vmul.f32 v29, v29;
	v45 =	vmul.f32 v52, v45;
	[tilespmem:s26+$0x5100] =	vst v8  }
0x15d: {  	v21 =	vmov v41;
	v36 =	vadd.f32 v42, v49;
	v51 =	vmul.f32 v40, v39;
	v54 =	vld [tilespmem:s28+$0x4160]  }
0x15e: {  	v41 =	vmul.f32 v41, v21;
	v49 =	vmul.f32 v30, v30;
	v56 =	vsub.f32 $1.500000000e+00, v45;
	v55 =	vld [tilespmem:s28+$0x3160]  }
.Ltmp1:
0x15f: {  	v47 =	vadd.f32 v47, v48;
	v48 =	vsub.f32 $1.500000000e+00, v51;
	v45 =	vld [tilespmem:s28+$0x3170];
	v40 =	vmul.f32 $5.000000000e-01, v44;
	(pc) =	sbr.rel @p0 .LBB2_4-.Ltmp1, $4  }
0x160: {  	v42 =	vmul.f32 $5.000000000e-01, v43;
	v49 =	vadd.f32 v49, v50;
	v44 =	vmul.f32 $5.000000000e-01, v57  }
0x161: {  	v43 =	vmul.f32 $5.000000000e-01, v46;
	v50 =	vadd.f32 v53, v47;
	v46 =	vmul.f32 v48, v39;
	v51 =	vld [tilespmem:s28+$0x3140]  }
0x162: {  	v39 =	vmul.f32 v52, v56;
	v47 =	vmul.f32 $5.000000000e-01, v54;
	(xrf2) =	vadd.scan.msk.f32 $0xffff, v49  }
0x163: {  	v50 =	vadd.f32 v41, v50;
	v52 =	vmul.f32 v46, v2;
	v2 =	vmovc v6;
	v6 =	vmovc v35;
	v49 =	vld [tilespmem:s28+$0x4130];
	v48 =	vmul.f32 $5.000000000e-01, v55  }
0x164: {  	v15 =	vmul.f32 v46, v15  }
0x165: {  	v25 =	vmul.f32 v46, v25;
	[tilespmem:s26+$0x5160] =	vst v52  }
0x166: {  	v59 =	vmul.f32 v46, v28;
	[tilespmem:s26+$0x5110] =	vst v15  }
0x167: {  	v23 =	vmul.f32 v46, v23;
	[tilespmem:s26+$0x5170] =	vst v25  }
0x168: {  	v18 =	vmul.f32 v46, v18;
	[tilespmem:s26+$0x5150] =	vst v59  }
0x169: {  	v35 =	vmul.f32 v39, v33;
	v63 =	vmul.f32 v46, v8;
	[tilespmem:s26+$0x5120] =	vst v23  }
0x16a: {  	v61 =	vmul.f32 $5.000000000e-01, v37;
	v62 =	vmul.f32 v46, v12;
	[tilespmem:s26+$0x5140] =	vst v18  }
0x16b: {  	v8 =	vadd.f32 v44, v42;
	v41 =	vmul.f32 $5.000000000e-01, v51;
	v23 =	vadd.f32 v40, v32;
	[tilespmem:s26+$0x5100] =	vst v63  }
0x16c: {  	v12 =	vadd.f32 v61, v43;
	[tilespmem:s26+$0x5130] =	vst v62;
	v60 =	vmul.f32 $5.000000000e-01, v49;
	v49 =	vmul.f32 v35, v39;
	v51, _, _ =	vpop (xrf2)  }
0x16d: {  	v52 =	vadd.f32 v34, v50;
	[tilespmem:s23+$0x5160] =	vst v2;
	v53 =	vmul.f32 v23, v23;
	v18 =	vbroadcast v51, $0xF  }
0x16e: {  	v54 =	vmul.f32 v8, v8;
	[tilespmem:s23+$0x5110] =	vst v9;
	v55 =	vmul.f32 v12, v12;
	v32 =	vsub.f32 $1.500000000e+00, v49  }
0x16f: {  	[tilespmem:s23+$0x5150] =	vst v5;
	v57 =	vadd.f32 v53, v52;
	v56 =	vshra.s32 v18, $0x1;
	v42 =	vmul.f32 $5.000000000e-01, v18  }
0x170: {  	v25 =	vmul.f32 v22, v22;
	[tilespmem:s23+$0x5130] =	vst v1;
	v32 =	vmul.f32 v32, v39;
	v58 =	vsub.s32 $0x5F3759DF, v56  }
0x171: {  	v63 =	vld [tilespmem:s28+$0x4170];
	v15 =	vadd.f32 v60, v38;
	v59 =	vadd.f32 v55, v54;
	(xrf2) =	vadd.scan.msk.f32 $0xffff, v57;
	v60 =	vmul.f32 v58, v42  }
0x172: {  	v62 =	vmul.f32 v32, v33  }
0x173: {  	v61 =	vmul.f32 v15, v15;
	v25 =	vadd.f32 v25, v59;
	v43 =	vmul.f32 v58, v60  }
0x174: {  	v18 =	vadd.f32 v31, v41;
	v33 =	vmul.f32 v62, v32  }
0x175: {  	v46 =	vmul.f32 $5.000000000e-01, v45;
	v25 =	vadd.f32 v61, v25;
	v34 =	vsub.f32 $1.500000000e+00, v43  }
0x176: {  	v31 =	vmul.f32 $5.000000000e-01, v63;
	v44 =	vmul.f32 v18, v18;
	v33 =	vsub.f32 $1.500000000e+00, v33  }
0x177: {  	v38 =	vadd.f32 v47, v48;
	v47 =	vmul.f32 v36, v36;
	v28 =	vmul.f32 v58, v34  }
0x178: {  	v31 =	vadd.f32 v31, v46;
	v25 =	vadd.f32 v44, v25;
	v32 =	vmul.f32 v33, v32  }
0x179: {  	[tilespmem:s23+$0x5120] =	vst v3;
	v48 =	vmul.f32 v38, v38;
	v34 =	vmul.f32 v28, v42  }
0x17a: {  	[tilespmem:s23+$0x5140] =	vst v10;
	v54 =	vmul.f32 v31, v31;
	v25 =	vadd.f32 v47, v25;
	v49 =	vmul.f32 v32, v2  }
0x17b: {  	[tilespmem:s23+$0x5100] =	vst v0;
	v50 =	vmul.f32 v32, v9;
	v51, _, _ =	vpop (xrf2);
	v34 =	vmul.f32 v34, v28  }
0x17c: {  	v24 =	vmul.f32 v32, v24;
	v52 =	vadd.f32 v48, v25;
	v53 =	vbroadcast v51, $0xF;
	[tilespmem:s23+$0x5160] =	vst v49  }
0x17d: {  	v55 =	vmul.f32 v32, v3;
	v56 =	vmul.f32 v32, v5;
	[tilespmem:s23+$0x5110] =	vst v50;
	v57 =	vsub.f32 $1.500000000e+00, v34  }
0x17e: {  	[tilespmem:s23+$0x5170] =	vst v24;
	v58 =	vshra.s32 v53, $0x1;
	v25 =	vmul.f32 $5.000000000e-01, v53;
	v2 =	vadd.f32 v54, v52  }
0x17f: {  	v59 =	vmul.f32 v32, v10;
	[tilespmem:s23+$0x5150] =	vst v56;
	v60 =	vsub.s32 $0x5F3759DF, v58;
	v9 =	vmul.f32 v57, v28  }
0x180: {  	v61 =	vmul.f32 v32, v0;
	[tilespmem:s23+$0x5120] =	vst v55;
	v62 =	vmul.f32 v60, v25;
	(xrf2) =	vadd.scan.msk.f32 $0xffff, v2  }
0x181: {  	v63 =	vmul.f32 v32, v1;
	[tilespmem:s23+$0x5140] =	vst v59;
	v24 =	vmul.f32 v9, v42  }
0x182: {  	[tilespmem:s23+$0x5100] =	vst v61;
	v28 =	vmul.f32 v60, v62  }
0x183: {  	[tilespmem:s23+$0x5130] =	vst v63;
	v32 =	vmul.f32 v24, v9  }
0x184: {  	[tilespmem:s24+$0x5160] =	vst v6;
	v0 =	vsub.f32 $1.500000000e+00, v28  }
0x185: {  	[tilespmem:s24+$0x5110] =	vst v16;
	v1 =	vsub.f32 $1.500000000e+00, v32  }
0x186: {  	[tilespmem:s24+$0x5150] =	vst v11;
	v0 =	vmul.f32 v60, v0  }
0x187: {  	[tilespmem:s24+$0x5130] =	vst v13;
	v1 =	vmul.f32 v1, v9  }
0x188: {  	[tilespmem:s24+$0x5120] =	vst v4;
	v33 =	vmul.f32 v0, v25  }
0x189: {  	[tilespmem:s24+$0x5140] =	vst v19;
	v34 =	vmul.f32 v1, v6  }
0x18a: {  	[tilespmem:s24+$0x5100] =	vst v7;
	v37, _, _ =	vpop (xrf2);
	v2 =	vmul.f32 v33, v0;
	v35 =	vmul.f32 v1, v16  }
0x18b: {  	v39 =	vmul.f32 v1, v30;
	v6 =	vbroadcast v37, $0xF;
	[tilespmem:s24+$0x5160] =	vst v34  }
0x18c: {  	v40 =	vmul.f32 v1, v11;
	v2 =	vsub.f32 $1.500000000e+00, v2;
	[tilespmem:s24+$0x5110] =	vst v35  }
0x18d: {  	v41 =	vmul.f32 v1, v4;
	[tilespmem:s24+$0x5170] =	vst v39;
	v42 =	vshra.s32 v6, $0x1;
	v6 =	vmul.f32 $5.000000000e-01, v6  }
0x18e: {  	v9 =	vmul.f32 v1, v19;
	[tilespmem:s24+$0x5150] =	vst v40;
	v0 =	vmul.f32 v2, v0;
	v3 =	vsub.s32 $0x5F3759DF, v42  }
0x18f: {  	v43 =	vmul.f32 v1, v7;
	[tilespmem:s24+$0x5120] =	vst v41;
	v44 =	vmul.f32 v3, v6  }
0x190: {  	v1 =	vmul.f32 v1, v13;
	[tilespmem:s24+$0x5140] =	vst v9;
	v45 =	vmul.f32 v0, v25  }
0x191: {  	[tilespmem:s24+$0x5100] =	vst v43;
	v46 =	vmul.f32 v3, v44  }
0x192: {  	[tilespmem:s24+$0x5130] =	vst v1;
	v47 =	vmul.f32 v45, v0  }
0x193: {  	[tilespmem:s25+$0x5160] =	vst v17;
	v2 =	vsub.f32 $1.500000000e+00, v46  }
0x194: {  	[tilespmem:s25+$0x5110] =	vst v27;
	v1 =	vsub.f32 $1.500000000e+00, v47  }
0x195: {  	[tilespmem:s25+$0x5150] =	vst v21;
	v2 =	vmul.f32 v3, v2  }
0x196: {  	[tilespmem:s25+$0x5130] =	vst v26;
	v0 =	vmul.f32 v1, v0  }
0x197: {  	[tilespmem:s25+$0x5120] =	vst v14;
	v48 =	vmul.f32 v2, v6  }
0x198: {  	[tilespmem:s25+$0x5140] =	vst v29;
	v49 =	vmul.f32 v0, v17  }
0x199: {  	[tilespmem:s25+$0x5100] =	vst v20;
	v50 =	vmul.f32 v0, v27;
	v1 =	vmul.f32 v48, v2  }
0x19a: {  	v51 =	vmul.f32 v0, v23;
	[tilespmem:s25+$0x5160] =	vst v49  }
0x19b: {  	v52 =	vmul.f32 v0, v21;
	[tilespmem:s25+$0x5110] =	vst v50;
	v1 =	vsub.f32 $1.500000000e+00, v1  }
0x19c: {  	v53 =	vmul.f32 v0, v14;
	[tilespmem:s25+$0x5170] =	vst v51  }
0x19d: {  	v54 =	vmul.f32 v0, v29;
	[tilespmem:s25+$0x5150] =	vst v52;
	v1 =	vmul.f32 v1, v2  }
0x19e: {  	v55 =	vmul.f32 v0, v20;
	[tilespmem:s25+$0x5120] =	vst v53  }
0x19f: {  	v0 =	vmul.f32 v0, v26;
	[tilespmem:s25+$0x5140] =	vst v54;
	v56 =	vmul.f32 v1, v6  }
0x1a0: {  	[tilespmem:s25+$0x5100] =	vst v55  }
0x1a1: {  	[tilespmem:s25+$0x5130] =	vst v0;
	v57 =	vmul.f32 v56, v1  }
0x1a2: {  	[tilespmem:s28+$0x5160] =	vst v38  }
0x1a3: {  	[tilespmem:s28+$0x5110] =	vst v12;
	v0 =	vsub.f32 $1.500000000e+00, v57  }
0x1a4: {  	[tilespmem:s28+$0x5150] =	vst v36  }
0x1a5: {  	[tilespmem:s28+$0x5130] =	vst v15;
	v0 =	vmul.f32 v0, v1  }
0x1a6: {  	[tilespmem:s28+$0x5120] =	vst v22  }
0x1a7: {  	[tilespmem:s28+$0x5140] =	vst v18;
	v1 =	vmul.f32 v0, v38  }
0x1a8: {  	[tilespmem:s28+$0x5100] =	vst v8;
	v58 =	vmul.f32 v0, v12  }
0x1a9: {  	v59 =	vmul.f32 v0, v31;
	[tilespmem:s28+$0x5160] =	vst v1  }
0x1aa: {  	v60 =	vmul.f32 v0, v36;
	[tilespmem:s28+$0x5110] =	vst v58  }
0x1ab: {  	v61 =	vmul.f32 v0, v22;
	[tilespmem:s28+$0x5170] =	vst v59  }
0x1ac: {  	v62 =	vmul.f32 v0, v18;
	[tilespmem:s28+$0x5150] =	vst v60  }
0x1ad: {  	v63 =	vmul.f32 v0, v8;
	[tilespmem:s28+$0x5120] =	vst v61  }
0x1ae: {  	v0 =	vmul.f32 v0, v15;
	[tilespmem:s28+$0x5140] =	vst v62  }
0x1af: {  	[tilespmem:s28+$0x5100] =	vst v63  }
0x1b0: {  	[tilespmem:s28+$0x5130] =	vst v0  }
0x1b1: {  	[hbm4b:s6+s14] =	stream.indirect.scatter [tilespmem:s20], [sflag:$0x1], $0x80, s8, s14, $0xb8;
	[tilespmem:$0x6100] =	vst v63  }
0x1b2: {  	s22 =	sadd.s32 $0x1, s22  }
0x1b3: {  	[hbm4b:s7+s14] =	stream.indirect.scatter [tilespmem:s21], [sflag:$0x1], $0x80, s8, s14, $0xb8;
	[tilespmem:$0x6100] =	vst v63  }
0x1b4: {  	p0 =	sne.s32 s22, s11;
	_ =	swait.ge [sflag:s19], $0x1000  }
.Ltmp2:
0x1b5: {  	[sflag:s19] =	ssyncset.done $0x0;
	(pc) =	sbr.rel @p0 .LBB2_1-.Ltmp2, $4  }
0x1b6: {  	[sflag:s19] =	ssyncadd.s32 $0xFFFFF000  }
0x1b7: {  	_ =	swait.ge [sflag:s19], $0x1000  }
0x1b8: {  	[sflag:s19] =	ssyncset.done $0x0  }
0x1b9: {  	[sflag:s19] =	ssyncadd.s32 $0xFFFFF000  }
0x1ba: {  	_ =	sfence.sel $0x180000  }
0x1bb: {  	[bflag:$0x0] =	sbarrier.arrive $0xFFFF  }
0x1bc: {  	p0 =	sne.s32 s5, $0x0;
	_ =	strace $0x9000004A  }
0x1bd: {  	s0 =	sadd.s32 @!p0 $0x100000, s3;
	[bflag:$0x2] =	sbarrier.arrive $0xFFFF  }
0x1be: {  	[sflag:s0] =	ssyncadd.tile.s32 @!p0 $0x1;
	_ =	shalt  }
.Lfunc_end2:
_tile_overlayer_lowered:
.L_overlay_start_2:
0x1bf: {  	(tag) =	ssettag $0x2  }
0x1c0: {  	s0 =	rddreg [dreg:$0x0];
	s2 =	stileid.u32  }
0x1c1: {  	s1 =	rddreg [dreg:$0x1];
	p0 =	sne.s32 s2, $0x0  }
0x1c2: {  	s3 =	rddreg [dreg:$0x2];
	[bflag:$0x3] =	sbarrier.arrive $0xFFFF;
	s2 =	simm.s32 @!p0 $0x1C02  }
0x1c3: {  	[timem:s3], [sflag:s2] =	dma.local @!p0 [hbm:s0], s1  }
0x1c4: {  	s0 =	simm.s32 @!p0 $0x2  }
0x1c5: {  	_ =	swait.ge @!p0 [sflag:s0], s1  }
0x1c6: {  	s1 =	ssub.s32 @!p0 $0x0, s1;
	[sflag:s0] =	ssyncset.done @!p0 $0x0  }
0x1c7: {  	[sflag:s0] =	ssyncadd.s32 @!p0 s1  }
0x1c8: {  	[bflag:$0x3] =	sbarrier.arrive $0xFFFF  }
0x1c9: {  	_ =	shalt  }

</sc_bundles>
